<compile_context>
chip_gen: v7x
topology: tpu7x:2x2x1
jax: 0.10.2.dev20260603
libtpu: 0.0.44.dev20260713+nightly
codegen_flags: <defaults>
</compile_context>

<pallas_src>
import functools

import jax
import jax.numpy as jnp
from jax import lax
from jax.experimental import pallas as pl
from jax.experimental.pallas import tpu as pltpu
from jax.experimental.pallas import tpu_sc as plsc

_N = 10000
_E = 320000
_D = 128
_H = 128
_C = 16

_NC = 2
_NS = 16
_NW = _NC * _NS
_CH = 80
_EPT = _E // _NW
_NCHUNK = _EPT // _CH
_RPS = 624
_RLAST = _N - (_NS - 1) * _RPS

_mesh = plsc.VectorSubcoreMesh(core_axis_name="c", subcore_axis_name="s")



def _sliced_copy(s, src, src_base, dst, dst_base):
    @pl.when(s < _NS - 1)
    def _():
        o = pl.multiple_of(s * _RPS, 16)
        pltpu.sync_copy(src.at[pl.ds(src_base + o, _RPS)],
                        dst.at[pl.ds(dst_base + o, _RPS)])

    @pl.when(s == _NS - 1)
    def _():
        o = (_NS - 1) * _RPS
        pltpu.sync_copy(src.at[pl.ds(src_base + o, _RLAST)],
                        dst.at[pl.ds(dst_base + o, _RLAST)])


_DEGK = 8


def _deg_body(dst_hbm, zeros_hbm, ones_hbm, out_hbm, idx_all, ones_v, acc,
              sems):
    c = lax.axis_index("c")
    s = lax.axis_index("s")
    wid = c * _NS + s
    pltpu.sync_copy(ones_hbm, ones_v)
    _sliced_copy(s, zeros_hbm, 0, acc, 0)
    pltpu.sync_copy(dst_hbm.at[wid], idx_all)
    plsc.subcore_barrier()

    for i in range(_DEGK):
        pltpu.async_copy(ones_v, acc.at[idx_all.at[i]], sems, add=True)

    def body(i, carry):
        pltpu.make_async_copy(ones_v, acc.at[idx_all.at[0]], sems).wait()
        pltpu.async_copy(ones_v, acc.at[idx_all.at[i + _DEGK]], sems,
                         add=True)
        return carry

    lax.fori_loop(0, _NCHUNK - _DEGK, body, 0)
    for i in range(_DEGK):
        pltpu.make_async_copy(ones_v, acc.at[idx_all.at[0]], sems).wait()
    plsc.subcore_barrier()
    _sliced_copy(s, acc, 0, out_hbm, c * _N)


_deg_call = functools.partial(
    pl.kernel,
    out_type=jax.ShapeDtypeStruct((2 * _N, _D), jnp.float32),
    mesh=_mesh,
    scratch_types=[
        pltpu.VMEM((_NCHUNK, _CH), jnp.int32),
        pltpu.VMEM((_CH, _D), jnp.float32),
        pltpu.VMEM_SHARED((_N, _D), jnp.float32),
        pltpu.SemaphoreType.DMA,
    ],
)(_deg_body)


def _agg_body(feat_hbm, src_hbm, dst_hbm, out_hbm, s0, s1, s2, s3, s4, s5,
              d0, d1, d2, d3, d4, d5, r0, r1, r2, acc, semg, sems, semi):
    c = lax.axis_index("c")
    s = lax.axis_index("s")
    wid = c * _NS + s
    sb = [s0, s1, s2, s3, s4, s5]
    db = [d0, d1, d2, d3, d4, d5]
    rb = [r0, r1, r2]
    base = wid * _EPT
    _sliced_copy(s, feat_hbm, 0, acc, 0)
    for m in range(3):
        pltpu.sync_copy(src_hbm.at[pl.ds(base + m * _CH, _CH)], sb[m])
        pltpu.sync_copy(dst_hbm.at[pl.ds(base + m * _CH, _CH)], db[m])
    plsc.subcore_barrier()

    def li(m, b):
        o = pl.multiple_of(base + m * _CH, 8)
        pltpu.async_copy(src_hbm.at[pl.ds(o, _CH)], sb[b], semi)
        pltpu.async_copy(dst_hbm.at[pl.ds(o, _CH)], db[b], semi)

    def g(b6, b3):
        pltpu.async_copy(feat_hbm.at[sb[b6]], rb[b3], semg)

    def sc(b6, b3):
        pltpu.async_copy(rb[b3], acc.at[db[b6]], sems, add=True)

    def wait_g():
        pltpu.make_async_copy(feat_hbm.at[s0], r0, semg).wait()

    def wait_s():
        pltpu.make_async_copy(r0, acc.at[d0], sems).wait()

    def wait_i():
        pltpu.make_async_copy(src_hbm.at[pl.ds(0, _CH)], s0, semi).wait()

    for b in range(3):
        g(b, b)

    def step(i, b):
        wait_g()
        sc(b, b % 3)

        @pl.when(i >= 1)
        def _():
            wait_s()

        @pl.when(i + 3 < _NCHUNK)
        def _():
            li(i + 3, (b + 3) % 6)

        @pl.when(jnp.logical_and(i >= 1, i + 2 < _NCHUNK))
        def _():
            wait_i()
            wait_i()
            g((b + 2) % 6, (b + 2) % 3)

    def body(j, carry):
        a = 6 * j
        for b in range(6):
            step(a + b, b)
        return carry

    lax.fori_loop(0, _NCHUNK // 6, body, 0)
    for b in range(_NCHUNK - 6 * (_NCHUNK // 6)):
        step(jnp.int32(6 * (_NCHUNK // 6) + b), b)
    wait_s()
    plsc.subcore_barrier()
    _sliced_copy(s, acc, 0, out_hbm, c * _N)


_agg_call = functools.partial(
    pl.kernel,
    out_type=jax.ShapeDtypeStruct((2 * _N, _D), jnp.float32),
    mesh=_mesh,
    scratch_types=(
        [pltpu.VMEM((_CH,), jnp.int32)] * 12
        + [pltpu.VMEM((_CH, _D), jnp.float32)] * 3
        + [pltpu.VMEM_SHARED((_N, _D), jnp.float32)]
        + [pltpu.SemaphoreType.DMA] * 3
    ),
)(_agg_body)



def _tc1_body(x_ref, w1_ref, degp_ref, hs_ref, dinv_ref):
    deg = degp_ref[: _N, 0:1] + degp_ref[_N:, 0:1] + 1.0
    dinv = lax.rsqrt(deg)
    h1 = jnp.dot(x_ref[...], w1_ref[...], preferred_element_type=jnp.float32)
    hs_ref[...] = h1 * dinv
    dinv_ref[...] = dinv


_tc1 = pl.pallas_call(
    _tc1_body,
    out_shape=(jax.ShapeDtypeStruct((_N, _D), jnp.float32),
               jax.ShapeDtypeStruct((_N, 1), jnp.float32)),
)


def _tc2_body(p_ref, hs_ref, dinv_ref, b1_ref, f2_ref):
    agg = p_ref[: _N] + p_ref[_N:] - hs_ref[...]
    f2_ref[...] = jnp.maximum(agg * dinv_ref[...] + b1_ref[...],
                              0.0) * dinv_ref[...]


_tc2 = pl.pallas_call(
    _tc2_body,
    out_shape=jax.ShapeDtypeStruct((_N, _H), jnp.float32),
)


def _tc3_body(q_ref, f2_ref, dinv_ref, w2_ref, b2_ref, out_ref):
    agg = (q_ref[: _N] + q_ref[_N:] - f2_ref[...]) * dinv_ref[...]
    out_ref[...] = jnp.dot(agg, w2_ref[...],
                           preferred_element_type=jnp.float32) + b2_ref[...]


_tc3 = pl.pallas_call(
    _tc3_body,
    out_shape=jax.ShapeDtypeStruct((_N, _C), jnp.float32),
)



def kernel(x, edge_index, W1, b1, W2, b2):
    src_f = edge_index[0].astype(jnp.int32)
    dst_f = edge_index[1].astype(jnp.int32)
    dst = dst_f.reshape(_NW, _NCHUNK, _CH)
    zeros128 = jnp.zeros((_N, _D), jnp.float32)
    ones128 = jnp.ones((_CH, _D), jnp.float32)

    degp = _deg_call(dst, zeros128, ones128)
    hs, dinv = _tc1(x, W1, degp)
    p = _agg_call(hs, src_f, dst_f)
    f2 = _tc2(p, hs, dinv, b1.reshape(1, _H))
    q = _agg_call(f2, src_f, dst_f)
    return _tc3(q, f2, dinv, W2, b2.reshape(1, _C))

# --- scband reference (transcript-rebuilt; emitter-appended) ---
"""Pipeline reference for scband-gcn-30751965839417 (READ-ONLY COPY).

The authoritative reference and input builder live on the scoring server;
editing this copy changes nothing except your own understanding.
"""

import jax, jax.numpy as jnp
import numpy as np

N = 10000
E = 320000
D = 128
H = 128
C = 16


def setup_inputs(seed: int = 0) -> dict:
    key = jax.random.key(seed)
    k1, k2, k3, k4, k5, k6 = jax.random.split(key, 6)
    x = jax.random.normal(k1, (N, D), dtype=jnp.float32)
    edge_index = jax.random.randint(k2, (2, E), 0, N)
    W1 = jax.random.normal(k3, (D, H), dtype=jnp.float32) * 0.05
    b1 = jnp.zeros((H,), dtype=jnp.float32)
    W2 = jax.random.normal(k4, (H, C), dtype=jnp.float32) * 0.05
    b2 = jnp.zeros((C,), dtype=jnp.float32)
    return {"x": x, "edge_index": edge_index, "W1": W1, "b1": b1, "W2": W2, "b2": b2}


def _gcn_conv(h, src, dst, W, b, n):
    # PyG GCNConv: h @ W, add self-loops (already in src/dst), symmetric normalization, scatter-add, + bias
    h = h @ W
    deg = jnp.zeros((n,), dtype=h.dtype).at[dst].add(1.0)
    dinv = jnp.where(deg > 0, jax.lax.rsqrt(deg), 0.0)
    norm = dinv[src] * dinv[dst]
    msg = h[src] * norm[:, None]
    out = jnp.zeros_like(h).at[dst].add(msg)
    return out + b


def reference(x, edge_index, W1, b1, W2, b2):
    n = x.shape[0]
    loop = jnp.arange(n)
    src = jnp.concatenate([edge_index[0], loop])
    dst = jnp.concatenate([edge_index[1], loop])
    h = _gcn_conv(x, src, dst, W1, b1, n)
    h = jax.nn.relu(h)
    # dropout p=0.1 is identity in eval mode (training=False)
    out = _gcn_conv(h, src, dst, W2, b2, n)
    return out

if __name__ == "__main__":
    import jax
    _d = setup_inputs()
    print(jax.jit(kernel)(*tuple(_d.values())))

</pallas_src>

<mosaic_0001>
#map = affine_map<(d0, d1) -> (0, 0)>
#map1 = affine_map<(d0, d1) -> (0)>
module attributes {stable_mosaic.version = 14 : i64} {
  func.func @_agg_body(%arg0: i32, %arg1: i32, %arg2: memref<10000x128xf32, #tpu.memory_space<hbm>>, %arg3: memref<320000xi32, #tpu.memory_space<hbm>>, %arg4: memref<320000xi32, #tpu.memory_space<hbm>>, %arg5: memref<20000x128xf32, #tpu.memory_space<hbm>>, %arg6: memref<80xi32, #tpu.memory_space<vmem>>, %arg7: memref<80xi32, #tpu.memory_space<vmem>>, %arg8: memref<80xi32, #tpu.memory_space<vmem>>, %arg9: memref<80xi32, #tpu.memory_space<vmem>>, %arg10: memref<80xi32, #tpu.memory_space<vmem>>, %arg11: memref<80xi32, #tpu.memory_space<vmem>>, %arg12: memref<80xi32, #tpu.memory_space<vmem>>, %arg13: memref<80xi32, #tpu.memory_space<vmem>>, %arg14: memref<80xi32, #tpu.memory_space<vmem>>, %arg15: memref<80xi32, #tpu.memory_space<vmem>>, %arg16: memref<80xi32, #tpu.memory_space<vmem>>, %arg17: memref<80xi32, #tpu.memory_space<vmem>>, %arg18: memref<80x128xf32, #tpu.memory_space<vmem>>, %arg19: memref<80x128xf32, #tpu.memory_space<vmem>>, %arg20: memref<80x128xf32, #tpu.memory_space<vmem>>, %arg21: memref<10000x128xf32, #tpu.memory_space<vmem_shared>>, %arg22: memref<!tpu.dma_semaphore, #tpu.memory_space<semaphore_mem>>, %arg23: memref<!tpu.dma_semaphore, #tpu.memory_space<semaphore_mem>>, %arg24: memref<!tpu.dma_semaphore, #tpu.memory_space<semaphore_mem>>) attributes {dimension_semantics = [#tpu.dimension_semantics<core_parallel>, #tpu.dimension_semantics<subcore_parallel>], iteration_bounds = array<i64: 2, 16>, scalar_prefetch = 0 : i64, scratch_operands = 19 : i64, tpu.core_type = #tpu.core_type<sc_vector_subcore>, window_params = [{transform_indices = #map}, {transform_indices = #map1}, {transform_indices = #map1}, {transform_indices = #map}]} {
    %mul3A = arith.constant 16 : i32
    %mul3A_0 = arith.muli %arg0, %mul3A : i32
    %add3A = arith.addi %mul3A_0, %arg1 : i32
    %mul3A_1 = arith.constant 10000 : i32
    %mul3A_2 = arith.muli %add3A, %mul3A_1 : i32
    %lt3A = arith.constant 15 : i32
    %lt3A_3 = arith.cmpi slt, %arg1, %lt3A : i32
    %convert_element_type3A = arith.extui %lt3A_3 : i1 to i32
    %cond3A = arith.constant 0 : i32
    %cond3A_4 = arith.cmpi ne, %convert_element_type3A, %cond3A : i32
    scf.if %cond3A_4 {
      %mul3A_212 = arith.constant 624 : i32
      %mul3A_213 = arith.muli %arg1, %mul3A_212 : i32
      %multiple_of3A = tpu.assume_multiple %mul3A_213, 16 : i32
      %add3A_214 = arith.constant 0 : i32
      %add3A_215 = arith.addi %add3A_214, %multiple_of3A : i32
      %add3A_216 = arith.constant 0 : i32
      %add3A_217 = arith.addi %add3A_216, %multiple_of3A : i32
      "tpu.region"() ({
        %run_scoped3A = tpu.sem_alloc : memref<!tpu.dma_semaphore, #tpu.memory_space<semaphore_mem>>
        %dma_start3A_218 = arith.constant 0 : i32
        %dma_start3A_219 = tpu.memref_slice %arg21[%add3A_217, %dma_start3A_218] : memref<10000x128xf32, #tpu.memory_space<vmem_shared>> -> memref<624x128xf32, #tpu.memory_space<vmem_shared>>
        %dma_start3A_220 = arith.constant 0 : i32
        %dma_start3A_221 = tpu.memref_slice %arg2[%add3A_215, %dma_start3A_220] : memref<10000x128xf32, #tpu.memory_space<hbm>> -> memref<624x128xf32, #tpu.memory_space<hbm>>
        tpu.enqueue_dma source(%dma_start3A_221 : memref<624x128xf32, #tpu.memory_space<hbm>>) target(%dma_start3A_219 : memref<624x128xf32, #tpu.memory_space<vmem_shared>>) target_semaphore(%run_scoped3A : memref<!tpu.dma_semaphore, #tpu.memory_space<semaphore_mem>>)
        %dma_wait3A_222 = arith.constant 0 : i32
        %dma_wait3A_223 = tpu.memref_slice %arg21[%add3A_217, %dma_wait3A_222] : memref<10000x128xf32, #tpu.memory_space<vmem_shared>> -> memref<624x128xf32, #tpu.memory_space<vmem_shared>>
        %dma_wait3A_224 = arith.constant 0 : i32
        %dma_wait3A_225 = tpu.memref_slice %arg2[%add3A_215, %dma_wait3A_224] : memref<10000x128xf32, #tpu.memory_space<hbm>> -> memref<624x128xf32, #tpu.memory_space<hbm>>
        tpu.wait_dma2 semaphore(%run_scoped3A : memref<!tpu.dma_semaphore, #tpu.memory_space<semaphore_mem>>) src(%dma_wait3A_225 : memref<624x128xf32, #tpu.memory_space<hbm>>) dst(%dma_wait3A_223 : memref<624x128xf32, #tpu.memory_space<vmem_shared>>)
        tpu.yield
      }) : () -> ()
    } else {
    }
    %eq3A = arith.constant 15 : i32
    %eq3A_5 = arith.cmpi eq, %arg1, %eq3A : i32
    %convert_element_type3A_6 = arith.extui %eq3A_5 : i1 to i32
    %cond3A_7 = arith.constant 0 : i32
    %cond3A_8 = arith.cmpi ne, %convert_element_type3A_6, %cond3A_7 : i32
    scf.if %cond3A_8 {
      "tpu.region"() ({
        %run_scoped3A = tpu.sem_alloc : memref<!tpu.dma_semaphore, #tpu.memory_space<semaphore_mem>>
        %dma_start3A_212 = arith.constant 9360 : i32
        %dma_start3A_213 = arith.constant 0 : i32
        %dma_start3A_214 = tpu.memref_slice %arg21[%dma_start3A_212, %dma_start3A_213] : memref<10000x128xf32, #tpu.memory_space<vmem_shared>> -> memref<640x128xf32, #tpu.memory_space<vmem_shared>>
        %dma_start3A_215 = arith.constant 9360 : i32
        %dma_start3A_216 = arith.constant 0 : i32
        %dma_start3A_217 = tpu.memref_slice %arg2[%dma_start3A_215, %dma_start3A_216] : memref<10000x128xf32, #tpu.memory_space<hbm>> -> memref<640x128xf32, #tpu.memory_space<hbm>>
        tpu.enqueue_dma source(%dma_start3A_217 : memref<640x128xf32, #tpu.memory_space<hbm>>) target(%dma_start3A_214 : memref<640x128xf32, #tpu.memory_space<vmem_shared>>) target_semaphore(%run_scoped3A : memref<!tpu.dma_semaphore, #tpu.memory_space<semaphore_mem>>)
        %dma_wait3A_218 = arith.constant 9360 : i32
        %dma_wait3A_219 = arith.constant 0 : i32
        %dma_wait3A_220 = tpu.memref_slice %arg21[%dma_wait3A_218, %dma_wait3A_219] : memref<10000x128xf32, #tpu.memory_space<vmem_shared>> -> memref<640x128xf32, #tpu.memory_space<vmem_shared>>
        %dma_wait3A_221 = arith.constant 9360 : i32
        %dma_wait3A_222 = arith.constant 0 : i32
        %dma_wait3A_223 = tpu.memref_slice %arg2[%dma_wait3A_221, %dma_wait3A_222] : memref<10000x128xf32, #tpu.memory_space<hbm>> -> memref<640x128xf32, #tpu.memory_space<hbm>>
        tpu.wait_dma2 semaphore(%run_scoped3A : memref<!tpu.dma_semaphore, #tpu.memory_space<semaphore_mem>>) src(%dma_wait3A_223 : memref<640x128xf32, #tpu.memory_space<hbm>>) dst(%dma_wait3A_220 : memref<640x128xf32, #tpu.memory_space<vmem_shared>>)
        tpu.yield
      }) : () -> ()
    } else {
    }
    %add3A_9 = arith.constant 0 : i32
    %add3A_10 = arith.addi %mul3A_2, %add3A_9 : i32
    "tpu.region"() ({
      %run_scoped3A = tpu.sem_alloc : memref<!tpu.dma_semaphore, #tpu.memory_space<semaphore_mem>>
      %dma_start3A_212 = tpu.memref_slice %arg3[%add3A_10] : memref<320000xi32, #tpu.memory_space<hbm>> -> memref<80xi32, #tpu.memory_space<hbm>>
      %dma_start3A_213 = tpu.memref_slice %arg3[%add3A_10] : memref<320000xi32, #tpu.memory_space<hbm>> -> memref<80xi32, #tpu.memory_space<hbm>>
      tpu.enqueue_dma source(%dma_start3A_213 : memref<80xi32, #tpu.memory_space<hbm>>) target(%arg6 : memref<80xi32, #tpu.memory_space<vmem>>) target_semaphore(%run_scoped3A : memref<!tpu.dma_semaphore, #tpu.memory_space<semaphore_mem>>)
      %dma_wait3A_214 = tpu.memref_slice %arg3[%add3A_10] : memref<320000xi32, #tpu.memory_space<hbm>> -> memref<80xi32, #tpu.memory_space<hbm>>
      %dma_wait3A_215 = tpu.memref_slice %arg3[%add3A_10] : memref<320000xi32, #tpu.memory_space<hbm>> -> memref<80xi32, #tpu.memory_space<hbm>>
      tpu.wait_dma2 semaphore(%run_scoped3A : memref<!tpu.dma_semaphore, #tpu.memory_space<semaphore_mem>>) src(%dma_wait3A_215 : memref<80xi32, #tpu.memory_space<hbm>>) dst(%arg6 : memref<80xi32, #tpu.memory_space<vmem>>)
      tpu.yield
    }) : () -> ()
    %add3A_11 = arith.constant 0 : i32
    %add3A_12 = arith.addi %mul3A_2, %add3A_11 : i32
    "tpu.region"() ({
      %run_scoped3A = tpu.sem_alloc : memref<!tpu.dma_semaphore, #tpu.memory_space<semaphore_mem>>
      %dma_start3A_212 = tpu.memref_slice %arg4[%add3A_12] : memref<320000xi32, #tpu.memory_space<hbm>> -> memref<80xi32, #tpu.memory_space<hbm>>
      %dma_start3A_213 = tpu.memref_slice %arg4[%add3A_12] : memref<320000xi32, #tpu.memory_space<hbm>> -> memref<80xi32, #tpu.memory_space<hbm>>
      tpu.enqueue_dma source(%dma_start3A_213 : memref<80xi32, #tpu.memory_space<hbm>>) target(%arg12 : memref<80xi32, #tpu.memory_space<vmem>>) target_semaphore(%run_scoped3A : memref<!tpu.dma_semaphore, #tpu.memory_space<semaphore_mem>>)
      %dma_wait3A_214 = tpu.memref_slice %arg4[%add3A_12] : memref<320000xi32, #tpu.memory_space<hbm>> -> memref<80xi32, #tpu.memory_space<hbm>>
      %dma_wait3A_215 = tpu.memref_slice %arg4[%add3A_12] : memref<320000xi32, #tpu.memory_space<hbm>> -> memref<80xi32, #tpu.memory_space<hbm>>
      tpu.wait_dma2 semaphore(%run_scoped3A : memref<!tpu.dma_semaphore, #tpu.memory_space<semaphore_mem>>) src(%dma_wait3A_215 : memref<80xi32, #tpu.memory_space<hbm>>) dst(%arg12 : memref<80xi32, #tpu.memory_space<vmem>>)
      tpu.yield
    }) : () -> ()
    %add3A_13 = arith.constant 80 : i32
    %add3A_14 = arith.addi %mul3A_2, %add3A_13 : i32
    "tpu.region"() ({
      %run_scoped3A = tpu.sem_alloc : memref<!tpu.dma_semaphore, #tpu.memory_space<semaphore_mem>>
      %dma_start3A_212 = tpu.memref_slice %arg3[%add3A_14] : memref<320000xi32, #tpu.memory_space<hbm>> -> memref<80xi32, #tpu.memory_space<hbm>>
      %dma_start3A_213 = tpu.memref_slice %arg3[%add3A_14] : memref<320000xi32, #tpu.memory_space<hbm>> -> memref<80xi32, #tpu.memory_space<hbm>>
      tpu.enqueue_dma source(%dma_start3A_213 : memref<80xi32, #tpu.memory_space<hbm>>) target(%arg7 : memref<80xi32, #tpu.memory_space<vmem>>) target_semaphore(%run_scoped3A : memref<!tpu.dma_semaphore, #tpu.memory_space<semaphore_mem>>)
      %dma_wait3A_214 = tpu.memref_slice %arg3[%add3A_14] : memref<320000xi32, #tpu.memory_space<hbm>> -> memref<80xi32, #tpu.memory_space<hbm>>
      %dma_wait3A_215 = tpu.memref_slice %arg3[%add3A_14] : memref<320000xi32, #tpu.memory_space<hbm>> -> memref<80xi32, #tpu.memory_space<hbm>>
      tpu.wait_dma2 semaphore(%run_scoped3A : memref<!tpu.dma_semaphore, #tpu.memory_space<semaphore_mem>>) src(%dma_wait3A_215 : memref<80xi32, #tpu.memory_space<hbm>>) dst(%arg7 : memref<80xi32, #tpu.memory_space<vmem>>)
      tpu.yield
    }) : () -> ()
    %add3A_15 = arith.constant 80 : i32
    %add3A_16 = arith.addi %mul3A_2, %add3A_15 : i32
    "tpu.region"() ({
      %run_scoped3A = tpu.sem_alloc : memref<!tpu.dma_semaphore, #tpu.memory_space<semaphore_mem>>
      %dma_start3A_212 = tpu.memref_slice %arg4[%add3A_16] : memref<320000xi32, #tpu.memory_space<hbm>> -> memref<80xi32, #tpu.memory_space<hbm>>
      %dma_start3A_213 = tpu.memref_slice %arg4[%add3A_16] : memref<320000xi32, #tpu.memory_space<hbm>> -> memref<80xi32, #tpu.memory_space<hbm>>
      tpu.enqueue_dma source(%dma_start3A_213 : memref<80xi32, #tpu.memory_space<hbm>>) target(%arg13 : memref<80xi32, #tpu.memory_space<vmem>>) target_semaphore(%run_scoped3A : memref<!tpu.dma_semaphore, #tpu.memory_space<semaphore_mem>>)
      %dma_wait3A_214 = tpu.memref_slice %arg4[%add3A_16] : memref<320000xi32, #tpu.memory_space<hbm>> -> memref<80xi32, #tpu.memory_space<hbm>>
      %dma_wait3A_215 = tpu.memref_slice %arg4[%add3A_16] : memref<320000xi32, #tpu.memory_space<hbm>> -> memref<80xi32, #tpu.memory_space<hbm>>
      tpu.wait_dma2 semaphore(%run_scoped3A : memref<!tpu.dma_semaphore, #tpu.memory_space<semaphore_mem>>) src(%dma_wait3A_215 : memref<80xi32, #tpu.memory_space<hbm>>) dst(%arg13 : memref<80xi32, #tpu.memory_space<vmem>>)
      tpu.yield
    }) : () -> ()
    %add3A_17 = arith.constant 160 : i32
    %add3A_18 = arith.addi %mul3A_2, %add3A_17 : i32
    "tpu.region"() ({
      %run_scoped3A = tpu.sem_alloc : memref<!tpu.dma_semaphore, #tpu.memory_space<semaphore_mem>>
      %dma_start3A_212 = tpu.memref_slice %arg3[%add3A_18] : memref<320000xi32, #tpu.memory_space<hbm>> -> memref<80xi32, #tpu.memory_space<hbm>>
      %dma_start3A_213 = tpu.memref_slice %arg3[%add3A_18] : memref<320000xi32, #tpu.memory_space<hbm>> -> memref<80xi32, #tpu.memory_space<hbm>>
      tpu.enqueue_dma source(%dma_start3A_213 : memref<80xi32, #tpu.memory_space<hbm>>) target(%arg8 : memref<80xi32, #tpu.memory_space<vmem>>) target_semaphore(%run_scoped3A : memref<!tpu.dma_semaphore, #tpu.memory_space<semaphore_mem>>)
      %dma_wait3A_214 = tpu.memref_slice %arg3[%add3A_18] : memref<320000xi32, #tpu.memory_space<hbm>> -> memref<80xi32, #tpu.memory_space<hbm>>
      %dma_wait3A_215 = tpu.memref_slice %arg3[%add3A_18] : memref<320000xi32, #tpu.memory_space<hbm>> -> memref<80xi32, #tpu.memory_space<hbm>>
      tpu.wait_dma2 semaphore(%run_scoped3A : memref<!tpu.dma_semaphore, #tpu.memory_space<semaphore_mem>>) src(%dma_wait3A_215 : memref<80xi32, #tpu.memory_space<hbm>>) dst(%arg8 : memref<80xi32, #tpu.memory_space<vmem>>)
      tpu.yield
    }) : () -> ()
    %add3A_19 = arith.constant 160 : i32
    %add3A_20 = arith.addi %mul3A_2, %add3A_19 : i32
    "tpu.region"() ({
      %run_scoped3A = tpu.sem_alloc : memref<!tpu.dma_semaphore, #tpu.memory_space<semaphore_mem>>
      %dma_start3A_212 = tpu.memref_slice %arg4[%add3A_20] : memref<320000xi32, #tpu.memory_space<hbm>> -> memref<80xi32, #tpu.memory_space<hbm>>
      %dma_start3A_213 = tpu.memref_slice %arg4[%add3A_20] : memref<320000xi32, #tpu.memory_space<hbm>> -> memref<80xi32, #tpu.memory_space<hbm>>
      tpu.enqueue_dma source(%dma_start3A_213 : memref<80xi32, #tpu.memory_space<hbm>>) target(%arg14 : memref<80xi32, #tpu.memory_space<vmem>>) target_semaphore(%run_scoped3A : memref<!tpu.dma_semaphore, #tpu.memory_space<semaphore_mem>>)
      %dma_wait3A_214 = tpu.memref_slice %arg4[%add3A_20] : memref<320000xi32, #tpu.memory_space<hbm>> -> memref<80xi32, #tpu.memory_space<hbm>>
      %dma_wait3A_215 = tpu.memref_slice %arg4[%add3A_20] : memref<320000xi32, #tpu.memory_space<hbm>> -> memref<80xi32, #tpu.memory_space<hbm>>
      tpu.wait_dma2 semaphore(%run_scoped3A : memref<!tpu.dma_semaphore, #tpu.memory_space<semaphore_mem>>) src(%dma_wait3A_215 : memref<80xi32, #tpu.memory_space<hbm>>) dst(%arg14 : memref<80xi32, #tpu.memory_space<vmem>>)
      tpu.yield
    }) : () -> ()
    %barrier3A = arith.constant 0 : index
    tpu.barrier barrier_id(%barrier3A)
    %dma_start3A = arith.constant 0 : i32
    %dma_start3A_21 = arith.constant 0 : i32
    %dma_start3A_22 = tpu.memref_slice %arg2[%dma_start3A, %dma_start3A_21] : memref<10000x128xf32, #tpu.memory_space<hbm>> -> memref<10000x128xf32, #tpu.memory_space<hbm>>
    tpu.enqueue_indirect_dma source(%dma_start3A_22 : memref<10000x128xf32, #tpu.memory_space<hbm>>) target(%arg18 : memref<80x128xf32, #tpu.memory_space<vmem>>) offsets(%arg6 : memref<80xi32, #tpu.memory_space<vmem>>) semaphore(%arg22 : memref<!tpu.dma_semaphore, #tpu.memory_space<semaphore_mem>>)
    %dma_start3A_23 = arith.constant 0 : i32
    %dma_start3A_24 = arith.constant 0 : i32
    %dma_start3A_25 = tpu.memref_slice %arg2[%dma_start3A_23, %dma_start3A_24] : memref<10000x128xf32, #tpu.memory_space<hbm>> -> memref<10000x128xf32, #tpu.memory_space<hbm>>
    tpu.enqueue_indirect_dma source(%dma_start3A_25 : memref<10000x128xf32, #tpu.memory_space<hbm>>) target(%arg19 : memref<80x128xf32, #tpu.memory_space<vmem>>) offsets(%arg7 : memref<80xi32, #tpu.memory_space<vmem>>) semaphore(%arg22 : memref<!tpu.dma_semaphore, #tpu.memory_space<semaphore_mem>>)
    %dma_start3A_26 = arith.constant 0 : i32
    %dma_start3A_27 = arith.constant 0 : i32
    %dma_start3A_28 = tpu.memref_slice %arg2[%dma_start3A_26, %dma_start3A_27] : memref<10000x128xf32, #tpu.memory_space<hbm>> -> memref<10000x128xf32, #tpu.memory_space<hbm>>
    tpu.enqueue_indirect_dma source(%dma_start3A_28 : memref<10000x128xf32, #tpu.memory_space<hbm>>) target(%arg20 : memref<80x128xf32, #tpu.memory_space<vmem>>) offsets(%arg8 : memref<80xi32, #tpu.memory_space<vmem>>) semaphore(%arg22 : memref<!tpu.dma_semaphore, #tpu.memory_space<semaphore_mem>>)
    %scan3A = arith.constant 0 : i32
    %scan3A_29 = arith.constant 0 : i32
    %scan3A_30 = arith.constant 20 : i32
    %scan3A_31 = arith.addi %scan3A_29, %scan3A_30 : i32
    %scan3A_32 = arith.constant 1 : i32
    scf.for %scan3A_212 = %scan3A_29 to %scan3A_31 step %scan3A_32  : i32 {
      %mul3A_213 = arith.constant 6 : i32
      %mul3A_214 = arith.muli %mul3A_213, %scan3A_212 : i32
      %add3A_215 = arith.constant 0 : i32
      %add3A_216 = arith.addi %mul3A_214, %add3A_215 : i32
      %dma_wait3A_217 = arith.constant 0 : i32
      %dma_wait3A_218 = arith.constant 0 : i32
      %dma_wait3A_219 = tpu.memref_slice %arg2[%dma_wait3A_217, %dma_wait3A_218] : memref<10000x128xf32, #tpu.memory_space<hbm>> -> memref<10000x128xf32, #tpu.memory_space<hbm>>
      tpu.wait_indirect_dma semaphore(%arg22 : memref<!tpu.dma_semaphore, #tpu.memory_space<semaphore_mem>>) src(%dma_wait3A_219 : memref<10000x128xf32, #tpu.memory_space<hbm>>) dst(%arg18 : memref<80x128xf32, #tpu.memory_space<vmem>>)
      %dma_start3A_220 = arith.constant 0 : i32
      %dma_start3A_221 = arith.constant 0 : i32
      %dma_start3A_222 = tpu.memref_slice %arg21[%dma_start3A_220, %dma_start3A_221] : memref<10000x128xf32, #tpu.memory_space<vmem_shared>> -> memref<10000x128xf32, #tpu.memory_space<vmem_shared>>
      tpu.enqueue_indirect_dma source(%arg18 : memref<80x128xf32, #tpu.memory_space<vmem>>) target(%dma_start3A_222 : memref<10000x128xf32, #tpu.memory_space<vmem_shared>>) offsets(%arg12 : memref<80xi32, #tpu.memory_space<vmem>>) semaphore(%arg23 : memref<!tpu.dma_semaphore, #tpu.memory_space<semaphore_mem>>) {add = true}
      %ge3A_223 = arith.constant 1 : i32
      %ge3A_224 = arith.cmpi sge, %add3A_216, %ge3A_223 : i32
      %convert_element_type3A_225 = arith.extui %ge3A_224 : i1 to i32
      %cond3A_226 = arith.constant 0 : i32
      %cond3A_227 = arith.cmpi ne, %convert_element_type3A_225, %cond3A_226 : i32
      scf.if %cond3A_227 {
        %dma_wait3A_395 = arith.constant 0 : i32
        %dma_wait3A_396 = arith.constant 0 : i32
        %dma_wait3A_397 = tpu.memref_slice %arg21[%dma_wait3A_395, %dma_wait3A_396] : memref<10000x128xf32, #tpu.memory_space<vmem_shared>> -> memref<10000x128xf32, #tpu.memory_space<vmem_shared>>
        tpu.wait_indirect_dma semaphore(%arg23 : memref<!tpu.dma_semaphore, #tpu.memory_space<semaphore_mem>>) src(%arg18 : memref<80x128xf32, #tpu.memory_space<vmem>>) dst(%dma_wait3A_397 : memref<10000x128xf32, #tpu.memory_space<vmem_shared>>)
      } else {
      }
      %add3A_228 = arith.constant 3 : i32
      %add3A_229 = arith.addi %add3A_216, %add3A_228 : i32
      %lt3A_230 = arith.constant 125 : i32
      %lt3A_231 = arith.cmpi slt, %add3A_229, %lt3A_230 : i32
      %convert_element_type3A_232 = arith.extui %lt3A_231 : i1 to i32
      %cond3A_233 = arith.constant 0 : i32
      %cond3A_234 = arith.cmpi ne, %convert_element_type3A_232, %cond3A_233 : i32
      scf.if %cond3A_234 {
        %add3A_395 = arith.constant 3 : i32
        %add3A_396 = arith.addi %add3A_216, %add3A_395 : i32
        %mul3A_397 = arith.constant 80 : i32
        %mul3A_398 = arith.muli %add3A_396, %mul3A_397 : i32
        %add3A_399 = arith.addi %mul3A_2, %mul3A_398 : i32
        %multiple_of3A = tpu.assume_multiple %add3A_399, 8 : i32
        %dma_start3A_400 = tpu.memref_slice %arg3[%multiple_of3A] : memref<320000xi32, #tpu.memory_space<hbm>> -> memref<80xi32, #tpu.memory_space<hbm>>
        %dma_start3A_401 = tpu.memref_slice %arg3[%multiple_of3A] : memref<320000xi32, #tpu.memory_space<hbm>> -> memref<80xi32, #tpu.memory_space<hbm>>
        tpu.enqueue_dma source(%dma_start3A_401 : memref<80xi32, #tpu.memory_space<hbm>>) target(%arg9 : memref<80xi32, #tpu.memory_space<vmem>>) target_semaphore(%arg24 : memref<!tpu.dma_semaphore, #tpu.memory_space<semaphore_mem>>)
        %dma_start3A_402 = tpu.memref_slice %arg4[%multiple_of3A] : memref<320000xi32, #tpu.memory_space<hbm>> -> memref<80xi32, #tpu.memory_space<hbm>>
        %dma_start3A_403 = tpu.memref_slice %arg4[%multiple_of3A] : memref<320000xi32, #tpu.memory_space<hbm>> -> memref<80xi32, #tpu.memory_space<hbm>>
        tpu.enqueue_dma source(%dma_start3A_403 : memref<80xi32, #tpu.memory_space<hbm>>) target(%arg15 : memref<80xi32, #tpu.memory_space<vmem>>) target_semaphore(%arg24 : memref<!tpu.dma_semaphore, #tpu.memory_space<semaphore_mem>>)
      } else {
      }
      %ge3A_235 = arith.constant 1 : i32
      %ge3A_236 = arith.cmpi sge, %add3A_216, %ge3A_235 : i32
      %add3A_237 = arith.constant 2 : i32
      %add3A_238 = arith.addi %add3A_216, %add3A_237 : i32
      %lt3A_239 = arith.constant 125 : i32
      %lt3A_240 = arith.cmpi slt, %add3A_238, %lt3A_239 : i32
      %and3A_241 = arith.andi %ge3A_236, %lt3A_240 : i1
      %convert_element_type3A_242 = arith.extui %and3A_241 : i1 to i32
      %cond3A_243 = arith.constant 0 : i32
      %cond3A_244 = arith.cmpi ne, %convert_element_type3A_242, %cond3A_243 : i32
      scf.if %cond3A_244 {
        %dma_wait3A_395 = arith.constant 0 : i32
        %dma_wait3A_396 = tpu.memref_slice %arg3[%dma_wait3A_395] : memref<320000xi32, #tpu.memory_space<hbm>> -> memref<80xi32, #tpu.memory_space<hbm>>
        %dma_wait3A_397 = arith.constant 0 : i32
        %dma_wait3A_398 = tpu.memref_slice %arg3[%dma_wait3A_397] : memref<320000xi32, #tpu.memory_space<hbm>> -> memref<80xi32, #tpu.memory_space<hbm>>
        tpu.wait_dma2 semaphore(%arg24 : memref<!tpu.dma_semaphore, #tpu.memory_space<semaphore_mem>>) src(%dma_wait3A_398 : memref<80xi32, #tpu.memory_space<hbm>>) dst(%arg6 : memref<80xi32, #tpu.memory_space<vmem>>)
        %dma_wait3A_399 = arith.constant 0 : i32
        %dma_wait3A_400 = tpu.memref_slice %arg3[%dma_wait3A_399] : memref<320000xi32, #tpu.memory_space<hbm>> -> memref<80xi32, #tpu.memory_space<hbm>>
        %dma_wait3A_401 = arith.constant 0 : i32
        %dma_wait3A_402 = tpu.memref_slice %arg3[%dma_wait3A_401] : memref<320000xi32, #tpu.memory_space<hbm>> -> memref<80xi32, #tpu.memory_space<hbm>>
        tpu.wait_dma2 semaphore(%arg24 : memref<!tpu.dma_semaphore, #tpu.memory_space<semaphore_mem>>) src(%dma_wait3A_402 : memref<80xi32, #tpu.memory_space<hbm>>) dst(%arg6 : memref<80xi32, #tpu.memory_space<vmem>>)
        %dma_start3A_403 = arith.constant 0 : i32
        %dma_start3A_404 = arith.constant 0 : i32
        %dma_start3A_405 = tpu.memref_slice %arg2[%dma_start3A_403, %dma_start3A_404] : memref<10000x128xf32, #tpu.memory_space<hbm>> -> memref<10000x128xf32, #tpu.memory_space<hbm>>
        tpu.enqueue_indirect_dma source(%dma_start3A_405 : memref<10000x128xf32, #tpu.memory_space<hbm>>) target(%arg20 : memref<80x128xf32, #tpu.memory_space<vmem>>) offsets(%arg8 : memref<80xi32, #tpu.memory_space<vmem>>) semaphore(%arg22 : memref<!tpu.dma_semaphore, #tpu.memory_space<semaphore_mem>>)
      } else {
      }
      %add3A_245 = arith.constant 1 : i32
      %add3A_246 = arith.addi %mul3A_214, %add3A_245 : i32
      %dma_wait3A_247 = arith.constant 0 : i32
      %dma_wait3A_248 = arith.constant 0 : i32
      %dma_wait3A_249 = tpu.memref_slice %arg2[%dma_wait3A_247, %dma_wait3A_248] : memref<10000x128xf32, #tpu.memory_space<hbm>> -> memref<10000x128xf32, #tpu.memory_space<hbm>>
      tpu.wait_indirect_dma semaphore(%arg22 : memref<!tpu.dma_semaphore, #tpu.memory_space<semaphore_mem>>) src(%dma_wait3A_249 : memref<10000x128xf32, #tpu.memory_space<hbm>>) dst(%arg18 : memref<80x128xf32, #tpu.memory_space<vmem>>)
      %dma_start3A_250 = arith.constant 0 : i32
      %dma_start3A_251 = arith.constant 0 : i32
      %dma_start3A_252 = tpu.memref_slice %arg21[%dma_start3A_250, %dma_start3A_251] : memref<10000x128xf32, #tpu.memory_space<vmem_shared>> -> memref<10000x128xf32, #tpu.memory_space<vmem_shared>>
      tpu.enqueue_indirect_dma source(%arg19 : memref<80x128xf32, #tpu.memory_space<vmem>>) target(%dma_start3A_252 : memref<10000x128xf32, #tpu.memory_space<vmem_shared>>) offsets(%arg13 : memref<80xi32, #tpu.memory_space<vmem>>) semaphore(%arg23 : memref<!tpu.dma_semaphore, #tpu.memory_space<semaphore_mem>>) {add = true}
      %ge3A_253 = arith.constant 1 : i32
      %ge3A_254 = arith.cmpi sge, %add3A_246, %ge3A_253 : i32
      %convert_element_type3A_255 = arith.extui %ge3A_254 : i1 to i32
      %cond3A_256 = arith.constant 0 : i32
      %cond3A_257 = arith.cmpi ne, %convert_element_type3A_255, %cond3A_256 : i32
      scf.if %cond3A_257 {
        %dma_wait3A_395 = arith.constant 0 : i32
        %dma_wait3A_396 = arith.constant 0 : i32
        %dma_wait3A_397 = tpu.memref_slice %arg21[%dma_wait3A_395, %dma_wait3A_396] : memref<10000x128xf32, #tpu.memory_space<vmem_shared>> -> memref<10000x128xf32, #tpu.memory_space<vmem_shared>>
        tpu.wait_indirect_dma semaphore(%arg23 : memref<!tpu.dma_semaphore, #tpu.memory_space<semaphore_mem>>) src(%arg18 : memref<80x128xf32, #tpu.memory_space<vmem>>) dst(%dma_wait3A_397 : memref<10000x128xf32, #tpu.memory_space<vmem_shared>>)
      } else {
      }
      %add3A_258 = arith.constant 3 : i32
      %add3A_259 = arith.addi %add3A_246, %add3A_258 : i32
      %lt3A_260 = arith.constant 125 : i32
      %lt3A_261 = arith.cmpi slt, %add3A_259, %lt3A_260 : i32
      %convert_element_type3A_262 = arith.extui %lt3A_261 : i1 to i32
      %cond3A_263 = arith.constant 0 : i32
      %cond3A_264 = arith.cmpi ne, %convert_element_type3A_262, %cond3A_263 : i32
      scf.if %cond3A_264 {
        %add3A_395 = arith.constant 3 : i32
        %add3A_396 = arith.addi %add3A_246, %add3A_395 : i32
        %mul3A_397 = arith.constant 80 : i32
        %mul3A_398 = arith.muli %add3A_396, %mul3A_397 : i32
        %add3A_399 = arith.addi %mul3A_2, %mul3A_398 : i32
        %multiple_of3A = tpu.assume_multiple %add3A_399, 8 : i32
        %dma_start3A_400 = tpu.memref_slice %arg3[%multiple_of3A] : memref<320000xi32, #tpu.memory_space<hbm>> -> memref<80xi32, #tpu.memory_space<hbm>>
        %dma_start3A_401 = tpu.memref_slice %arg3[%multiple_of3A] : memref<320000xi32, #tpu.memory_space<hbm>> -> memref<80xi32, #tpu.memory_space<hbm>>
        tpu.enqueue_dma source(%dma_start3A_401 : memref<80xi32, #tpu.memory_space<hbm>>) target(%arg10 : memref<80xi32, #tpu.memory_space<vmem>>) target_semaphore(%arg24 : memref<!tpu.dma_semaphore, #tpu.memory_space<semaphore_mem>>)
        %dma_start3A_402 = tpu.memref_slice %arg4[%multiple_of3A] : memref<320000xi32, #tpu.memory_space<hbm>> -> memref<80xi32, #tpu.memory_space<hbm>>
        %dma_start3A_403 = tpu.memref_slice %arg4[%multiple_of3A] : memref<320000xi32, #tpu.memory_space<hbm>> -> memref<80xi32, #tpu.memory_space<hbm>>
        tpu.enqueue_dma source(%dma_start3A_403 : memref<80xi32, #tpu.memory_space<hbm>>) target(%arg16 : memref<80xi32, #tpu.memory_space<vmem>>) target_semaphore(%arg24 : memref<!tpu.dma_semaphore, #tpu.memory_space<semaphore_mem>>)
      } else {
      }
      %ge3A_265 = arith.constant 1 : i32
      %ge3A_266 = arith.cmpi sge, %add3A_246, %ge3A_265 : i32
      %add3A_267 = arith.constant 2 : i32
      %add3A_268 = arith.addi %add3A_246, %add3A_267 : i32
      %lt3A_269 = arith.constant 125 : i32
      %lt3A_270 = arith.cmpi slt, %add3A_268, %lt3A_269 : i32
      %and3A_271 = arith.andi %ge3A_266, %lt3A_270 : i1
      %convert_element_type3A_272 = arith.extui %and3A_271 : i1 to i32
      %cond3A_273 = arith.constant 0 : i32
      %cond3A_274 = arith.cmpi ne, %convert_element_type3A_272, %cond3A_273 : i32
      scf.if %cond3A_274 {
        %dma_wait3A_395 = arith.constant 0 : i32
        %dma_wait3A_396 = tpu.memref_slice %arg3[%dma_wait3A_395] : memref<320000xi32, #tpu.memory_space<hbm>> -> memref<80xi32, #tpu.memory_space<hbm>>
        %dma_wait3A_397 = arith.constant 0 : i32
        %dma_wait3A_398 = tpu.memref_slice %arg3[%dma_wait3A_397] : memref<320000xi32, #tpu.memory_space<hbm>> -> memref<80xi32, #tpu.memory_space<hbm>>
        tpu.wait_dma2 semaphore(%arg24 : memref<!tpu.dma_semaphore, #tpu.memory_space<semaphore_mem>>) src(%dma_wait3A_398 : memref<80xi32, #tpu.memory_space<hbm>>) dst(%arg6 : memref<80xi32, #tpu.memory_space<vmem>>)
        %dma_wait3A_399 = arith.constant 0 : i32
        %dma_wait3A_400 = tpu.memref_slice %arg3[%dma_wait3A_399] : memref<320000xi32, #tpu.memory_space<hbm>> -> memref<80xi32, #tpu.memory_space<hbm>>
        %dma_wait3A_401 = arith.constant 0 : i32
        %dma_wait3A_402 = tpu.memref_slice %arg3[%dma_wait3A_401] : memref<320000xi32, #tpu.memory_space<hbm>> -> memref<80xi32, #tpu.memory_space<hbm>>
        tpu.wait_dma2 semaphore(%arg24 : memref<!tpu.dma_semaphore, #tpu.memory_space<semaphore_mem>>) src(%dma_wait3A_402 : memref<80xi32, #tpu.memory_space<hbm>>) dst(%arg6 : memref<80xi32, #tpu.memory_space<vmem>>)
        %dma_start3A_403 = arith.constant 0 : i32
        %dma_start3A_404 = arith.constant 0 : i32
        %dma_start3A_405 = tpu.memref_slice %arg2[%dma_start3A_403, %dma_start3A_404] : memref<10000x128xf32, #tpu.memory_space<hbm>> -> memref<10000x128xf32, #tpu.memory_space<hbm>>
        tpu.enqueue_indirect_dma source(%dma_start3A_405 : memref<10000x128xf32, #tpu.memory_space<hbm>>) target(%arg18 : memref<80x128xf32, #tpu.memory_space<vmem>>) offsets(%arg9 : memref<80xi32, #tpu.memory_space<vmem>>) semaphore(%arg22 : memref<!tpu.dma_semaphore, #tpu.memory_space<semaphore_mem>>)
      } else {
      }
      %add3A_275 = arith.constant 2 : i32
      %add3A_276 = arith.addi %mul3A_214, %add3A_275 : i32
      %dma_wait3A_277 = arith.constant 0 : i32
      %dma_wait3A_278 = arith.constant 0 : i32
      %dma_wait3A_279 = tpu.memref_slice %arg2[%dma_wait3A_277, %dma_wait3A_278] : memref<10000x128xf32, #tpu.memory_space<hbm>> -> memref<10000x128xf32, #tpu.memory_space<hbm>>
      tpu.wait_indirect_dma semaphore(%arg22 : memref<!tpu.dma_semaphore, #tpu.memory_space<semaphore_mem>>) src(%dma_wait3A_279 : memref<10000x128xf32, #tpu.memory_space<hbm>>) dst(%arg18 : memref<80x128xf32, #tpu.memory_space<vmem>>)
      %dma_start3A_280 = arith.constant 0 : i32
      %dma_start3A_281 = arith.constant 0 : i32
      %dma_start3A_282 = tpu.memref_slice %arg21[%dma_start3A_280, %dma_start3A_281] : memref<10000x128xf32, #tpu.memory_space<vmem_shared>> -> memref<10000x128xf32, #tpu.memory_space<vmem_shared>>
      tpu.enqueue_indirect_dma source(%arg20 : memref<80x128xf32, #tpu.memory_space<vmem>>) target(%dma_start3A_282 : memref<10000x128xf32, #tpu.memory_space<vmem_shared>>) offsets(%arg14 : memref<80xi32, #tpu.memory_space<vmem>>) semaphore(%arg23 : memref<!tpu.dma_semaphore, #tpu.memory_space<semaphore_mem>>) {add = true}
      %ge3A_283 = arith.constant 1 : i32
      %ge3A_284 = arith.cmpi sge, %add3A_276, %ge3A_283 : i32
      %convert_element_type3A_285 = arith.extui %ge3A_284 : i1 to i32
      %cond3A_286 = arith.constant 0 : i32
      %cond3A_287 = arith.cmpi ne, %convert_element_type3A_285, %cond3A_286 : i32
      scf.if %cond3A_287 {
        %dma_wait3A_395 = arith.constant 0 : i32
        %dma_wait3A_396 = arith.constant 0 : i32
        %dma_wait3A_397 = tpu.memref_slice %arg21[%dma_wait3A_395, %dma_wait3A_396] : memref<10000x128xf32, #tpu.memory_space<vmem_shared>> -> memref<10000x128xf32, #tpu.memory_space<vmem_shared>>
        tpu.wait_indirect_dma semaphore(%arg23 : memref<!tpu.dma_semaphore, #tpu.memory_space<semaphore_mem>>) src(%arg18 : memref<80x128xf32, #tpu.memory_space<vmem>>) dst(%dma_wait3A_397 : memref<10000x128xf32, #tpu.memory_space<vmem_shared>>)
      } else {
      }
      %add3A_288 = arith.constant 3 : i32
      %add3A_289 = arith.addi %add3A_276, %add3A_288 : i32
      %lt3A_290 = arith.constant 125 : i32
      %lt3A_291 = arith.cmpi slt, %add3A_289, %lt3A_290 : i32
      %convert_element_type3A_292 = arith.extui %lt3A_291 : i1 to i32
      %cond3A_293 = arith.constant 0 : i32
      %cond3A_294 = arith.cmpi ne, %convert_element_type3A_292, %cond3A_293 : i32
      scf.if %cond3A_294 {
        %add3A_395 = arith.constant 3 : i32
        %add3A_396 = arith.addi %add3A_276, %add3A_395 : i32
        %mul3A_397 = arith.constant 80 : i32
        %mul3A_398 = arith.muli %add3A_396, %mul3A_397 : i32
        %add3A_399 = arith.addi %mul3A_2, %mul3A_398 : i32
        %multiple_of3A = tpu.assume_multiple %add3A_399, 8 : i32
        %dma_start3A_400 = tpu.memref_slice %arg3[%multiple_of3A] : memref<320000xi32, #tpu.memory_space<hbm>> -> memref<80xi32, #tpu.memory_space<hbm>>
        %dma_start3A_401 = tpu.memref_slice %arg3[%multiple_of3A] : memref<320000xi32, #tpu.memory_space<hbm>> -> memref<80xi32, #tpu.memory_space<hbm>>
        tpu.enqueue_dma source(%dma_start3A_401 : memref<80xi32, #tpu.memory_space<hbm>>) target(%arg11 : memref<80xi32, #tpu.memory_space<vmem>>) target_semaphore(%arg24 : memref<!tpu.dma_semaphore, #tpu.memory_space<semaphore_mem>>)
        %dma_start3A_402 = tpu.memref_slice %arg4[%multiple_of3A] : memref<320000xi32, #tpu.memory_space<hbm>> -> memref<80xi32, #tpu.memory_space<hbm>>
        %dma_start3A_403 = tpu.memref_slice %arg4[%multiple_of3A] : memref<320000xi32, #tpu.memory_space<hbm>> -> memref<80xi32, #tpu.memory_space<hbm>>
        tpu.enqueue_dma source(%dma_start3A_403 : memref<80xi32, #tpu.memory_space<hbm>>) target(%arg17 : memref<80xi32, #tpu.memory_space<vmem>>) target_semaphore(%arg24 : memref<!tpu.dma_semaphore, #tpu.memory_space<semaphore_mem>>)
      } else {
      }
      %ge3A_295 = arith.constant 1 : i32
      %ge3A_296 = arith.cmpi sge, %add3A_276, %ge3A_295 : i32
      %add3A_297 = arith.constant 2 : i32
      %add3A_298 = arith.addi %add3A_276, %add3A_297 : i32
      %lt3A_299 = arith.constant 125 : i32
      %lt3A_300 = arith.cmpi slt, %add3A_298, %lt3A_299 : i32
      %and3A_301 = arith.andi %ge3A_296, %lt3A_300 : i1
      %convert_element_type3A_302 = arith.extui %and3A_301 : i1 to i32
      %cond3A_303 = arith.constant 0 : i32
      %cond3A_304 = arith.cmpi ne, %convert_element_type3A_302, %cond3A_303 : i32
      scf.if %cond3A_304 {
        %dma_wait3A_395 = arith.constant 0 : i32
        %dma_wait3A_396 = tpu.memref_slice %arg3[%dma_wait3A_395] : memref<320000xi32, #tpu.memory_space<hbm>> -> memref<80xi32, #tpu.memory_space<hbm>>
        %dma_wait3A_397 = arith.constant 0 : i32
        %dma_wait3A_398 = tpu.memref_slice %arg3[%dma_wait3A_397] : memref<320000xi32, #tpu.memory_space<hbm>> -> memref<80xi32, #tpu.memory_space<hbm>>
        tpu.wait_dma2 semaphore(%arg24 : memref<!tpu.dma_semaphore, #tpu.memory_space<semaphore_mem>>) src(%dma_wait3A_398 : memref<80xi32, #tpu.memory_space<hbm>>) dst(%arg6 : memref<80xi32, #tpu.memory_space<vmem>>)
        %dma_wait3A_399 = arith.constant 0 : i32
        %dma_wait3A_400 = tpu.memref_slice %arg3[%dma_wait3A_399] : memref<320000xi32, #tpu.memory_space<hbm>> -> memref<80xi32, #tpu.memory_space<hbm>>
        %dma_wait3A_401 = arith.constant 0 : i32
        %dma_wait3A_402 = tpu.memref_slice %arg3[%dma_wait3A_401] : memref<320000xi32, #tpu.memory_space<hbm>> -> memref<80xi32, #tpu.memory_space<hbm>>
        tpu.wait_dma2 semaphore(%arg24 : memref<!tpu.dma_semaphore, #tpu.memory_space<semaphore_mem>>) src(%dma_wait3A_402 : memref<80xi32, #tpu.memory_space<hbm>>) dst(%arg6 : memref<80xi32, #tpu.memory_space<vmem>>)
        %dma_start3A_403 = arith.constant 0 : i32
        %dma_start3A_404 = arith.constant 0 : i32
        %dma_start3A_405 = tpu.memref_slice %arg2[%dma_start3A_403, %dma_start3A_404] : memref<10000x128xf32, #tpu.memory_space<hbm>> -> memref<10000x128xf32, #tpu.memory_space<hbm>>
        tpu.enqueue_indirect_dma source(%dma_start3A_405 : memref<10000x128xf32, #tpu.memory_space<hbm>>) target(%arg19 : memref<80x128xf32, #tpu.memory_space<vmem>>) offsets(%arg10 : memref<80xi32, #tpu.memory_space<vmem>>) semaphore(%arg22 : memref<!tpu.dma_semaphore, #tpu.memory_space<semaphore_mem>>)
      } else {
      }
      %add3A_305 = arith.constant 3 : i32
      %add3A_306 = arith.addi %mul3A_214, %add3A_305 : i32
      %dma_wait3A_307 = arith.constant 0 : i32
      %dma_wait3A_308 = arith.constant 0 : i32
      %dma_wait3A_309 = tpu.memref_slice %arg2[%dma_wait3A_307, %dma_wait3A_308] : memref<10000x128xf32, #tpu.memory_space<hbm>> -> memref<10000x128xf32, #tpu.memory_space<hbm>>
      tpu.wait_indirect_dma semaphore(%arg22 : memref<!tpu.dma_semaphore, #tpu.memory_space<semaphore_mem>>) src(%dma_wait3A_309 : memref<10000x128xf32, #tpu.memory_space<hbm>>) dst(%arg18 : memref<80x128xf32, #tpu.memory_space<vmem>>)
      %dma_start3A_310 = arith.constant 0 : i32
      %dma_start3A_311 = arith.constant 0 : i32
      %dma_start3A_312 = tpu.memref_slice %arg21[%dma_start3A_310, %dma_start3A_311] : memref<10000x128xf32, #tpu.memory_space<vmem_shared>> -> memref<10000x128xf32, #tpu.memory_space<vmem_shared>>
      tpu.enqueue_indirect_dma source(%arg18 : memref<80x128xf32, #tpu.memory_space<vmem>>) target(%dma_start3A_312 : memref<10000x128xf32, #tpu.memory_space<vmem_shared>>) offsets(%arg15 : memref<80xi32, #tpu.memory_space<vmem>>) semaphore(%arg23 : memref<!tpu.dma_semaphore, #tpu.memory_space<semaphore_mem>>) {add = true}
      %ge3A_313 = arith.constant 1 : i32
      %ge3A_314 = arith.cmpi sge, %add3A_306, %ge3A_313 : i32
      %convert_element_type3A_315 = arith.extui %ge3A_314 : i1 to i32
      %cond3A_316 = arith.constant 0 : i32
      %cond3A_317 = arith.cmpi ne, %convert_element_type3A_315, %cond3A_316 : i32
      scf.if %cond3A_317 {
        %dma_wait3A_395 = arith.constant 0 : i32
        %dma_wait3A_396 = arith.constant 0 : i32
        %dma_wait3A_397 = tpu.memref_slice %arg21[%dma_wait3A_395, %dma_wait3A_396] : memref<10000x128xf32, #tpu.memory_space<vmem_shared>> -> memref<10000x128xf32, #tpu.memory_space<vmem_shared>>
        tpu.wait_indirect_dma semaphore(%arg23 : memref<!tpu.dma_semaphore, #tpu.memory_space<semaphore_mem>>) src(%arg18 : memref<80x128xf32, #tpu.memory_space<vmem>>) dst(%dma_wait3A_397 : memref<10000x128xf32, #tpu.memory_space<vmem_shared>>)
      } else {
      }
      %add3A_318 = arith.constant 3 : i32
      %add3A_319 = arith.addi %add3A_306, %add3A_318 : i32
      %lt3A_320 = arith.constant 125 : i32
      %lt3A_321 = arith.cmpi slt, %add3A_319, %lt3A_320 : i32
      %convert_element_type3A_322 = arith.extui %lt3A_321 : i1 to i32
      %cond3A_323 = arith.constant 0 : i32
      %cond3A_324 = arith.cmpi ne, %convert_element_type3A_322, %cond3A_323 : i32
      scf.if %cond3A_324 {
        %add3A_395 = arith.constant 3 : i32
        %add3A_396 = arith.addi %add3A_306, %add3A_395 : i32
        %mul3A_397 = arith.constant 80 : i32
        %mul3A_398 = arith.muli %add3A_396, %mul3A_397 : i32
        %add3A_399 = arith.addi %mul3A_2, %mul3A_398 : i32
        %multiple_of3A = tpu.assume_multiple %add3A_399, 8 : i32
        %dma_start3A_400 = tpu.memref_slice %arg3[%multiple_of3A] : memref<320000xi32, #tpu.memory_space<hbm>> -> memref<80xi32, #tpu.memory_space<hbm>>
        %dma_start3A_401 = tpu.memref_slice %arg3[%multiple_of3A] : memref<320000xi32, #tpu.memory_space<hbm>> -> memref<80xi32, #tpu.memory_space<hbm>>
        tpu.enqueue_dma source(%dma_start3A_401 : memref<80xi32, #tpu.memory_space<hbm>>) target(%arg6 : memref<80xi32, #tpu.memory_space<vmem>>) target_semaphore(%arg24 : memref<!tpu.dma_semaphore, #tpu.memory_space<semaphore_mem>>)
        %dma_start3A_402 = tpu.memref_slice %arg4[%multiple_of3A] : memref<320000xi32, #tpu.memory_space<hbm>> -> memref<80xi32, #tpu.memory_space<hbm>>
        %dma_start3A_403 = tpu.memref_slice %arg4[%multiple_of3A] : memref<320000xi32, #tpu.memory_space<hbm>> -> memref<80xi32, #tpu.memory_space<hbm>>
        tpu.enqueue_dma source(%dma_start3A_403 : memref<80xi32, #tpu.memory_space<hbm>>) target(%arg12 : memref<80xi32, #tpu.memory_space<vmem>>) target_semaphore(%arg24 : memref<!tpu.dma_semaphore, #tpu.memory_space<semaphore_mem>>)
      } else {
      }
      %ge3A_325 = arith.constant 1 : i32
      %ge3A_326 = arith.cmpi sge, %add3A_306, %ge3A_325 : i32
      %add3A_327 = arith.constant 2 : i32
      %add3A_328 = arith.addi %add3A_306, %add3A_327 : i32
      %lt3A_329 = arith.constant 125 : i32
      %lt3A_330 = arith.cmpi slt, %add3A_328, %lt3A_329 : i32
      %and3A_331 = arith.andi %ge3A_326, %lt3A_330 : i1
      %convert_element_type3A_332 = arith.extui %and3A_331 : i1 to i32
      %cond3A_333 = arith.constant 0 : i32
      %cond3A_334 = arith.cmpi ne, %convert_element_type3A_332, %cond3A_333 : i32
      scf.if %cond3A_334 {
        %dma_wait3A_395 = arith.constant 0 : i32
        %dma_wait3A_396 = tpu.memref_slice %arg3[%dma_wait3A_395] : memref<320000xi32, #tpu.memory_space<hbm>> -> memref<80xi32, #tpu.memory_space<hbm>>
        %dma_wait3A_397 = arith.constant 0 : i32
        %dma_wait3A_398 = tpu.memref_slice %arg3[%dma_wait3A_397] : memref<320000xi32, #tpu.memory_space<hbm>> -> memref<80xi32, #tpu.memory_space<hbm>>
        tpu.wait_dma2 semaphore(%arg24 : memref<!tpu.dma_semaphore, #tpu.memory_space<semaphore_mem>>) src(%dma_wait3A_398 : memref<80xi32, #tpu.memory_space<hbm>>) dst(%arg6 : memref<80xi32, #tpu.memory_space<vmem>>)
        %dma_wait3A_399 = arith.constant 0 : i32
        %dma_wait3A_400 = tpu.memref_slice %arg3[%dma_wait3A_399] : memref<320000xi32, #tpu.memory_space<hbm>> -> memref<80xi32, #tpu.memory_space<hbm>>
        %dma_wait3A_401 = arith.constant 0 : i32
        %dma_wait3A_402 = tpu.memref_slice %arg3[%dma_wait3A_401] : memref<320000xi32, #tpu.memory_space<hbm>> -> memref<80xi32, #tpu.memory_space<hbm>>
        tpu.wait_dma2 semaphore(%arg24 : memref<!tpu.dma_semaphore, #tpu.memory_space<semaphore_mem>>) src(%dma_wait3A_402 : memref<80xi32, #tpu.memory_space<hbm>>) dst(%arg6 : memref<80xi32, #tpu.memory_space<vmem>>)
        %dma_start3A_403 = arith.constant 0 : i32
        %dma_start3A_404 = arith.constant 0 : i32
        %dma_start3A_405 = tpu.memref_slice %arg2[%dma_start3A_403, %dma_start3A_404] : memref<10000x128xf32, #tpu.memory_space<hbm>> -> memref<10000x128xf32, #tpu.memory_space<hbm>>
        tpu.enqueue_indirect_dma source(%dma_start3A_405 : memref<10000x128xf32, #tpu.memory_space<hbm>>) target(%arg20 : memref<80x128xf32, #tpu.memory_space<vmem>>) offsets(%arg11 : memref<80xi32, #tpu.memory_space<vmem>>) semaphore(%arg22 : memref<!tpu.dma_semaphore, #tpu.memory_space<semaphore_mem>>)
      } else {
      }
      %add3A_335 = arith.constant 4 : i32
      %add3A_336 = arith.addi %mul3A_214, %add3A_335 : i32
      %dma_wait3A_337 = arith.constant 0 : i32
      %dma_wait3A_338 = arith.constant 0 : i32
      %dma_wait3A_339 = tpu.memref_slice %arg2[%dma_wait3A_337, %dma_wait3A_338] : memref<10000x128xf32, #tpu.memory_space<hbm>> -> memref<10000x128xf32, #tpu.memory_space<hbm>>
      tpu.wait_indirect_dma semaphore(%arg22 : memref<!tpu.dma_semaphore, #tpu.memory_space<semaphore_mem>>) src(%dma_wait3A_339 : memref<10000x128xf32, #tpu.memory_space<hbm>>) dst(%arg18 : memref<80x128xf32, #tpu.memory_space<vmem>>)
      %dma_start3A_340 = arith.constant 0 : i32
      %dma_start3A_341 = arith.constant 0 : i32
      %dma_start3A_342 = tpu.memref_slice %arg21[%dma_start3A_340, %dma_start3A_341] : memref<10000x128xf32, #tpu.memory_space<vmem_shared>> -> memref<10000x128xf32, #tpu.memory_space<vmem_shared>>
      tpu.enqueue_indirect_dma source(%arg19 : memref<80x128xf32, #tpu.memory_space<vmem>>) target(%dma_start3A_342 : memref<10000x128xf32, #tpu.memory_space<vmem_shared>>) offsets(%arg16 : memref<80xi32, #tpu.memory_space<vmem>>) semaphore(%arg23 : memref<!tpu.dma_semaphore, #tpu.memory_space<semaphore_mem>>) {add = true}
      %ge3A_343 = arith.constant 1 : i32
      %ge3A_344 = arith.cmpi sge, %add3A_336, %ge3A_343 : i32
      %convert_element_type3A_345 = arith.extui %ge3A_344 : i1 to i32
      %cond3A_346 = arith.constant 0 : i32
      %cond3A_347 = arith.cmpi ne, %convert_element_type3A_345, %cond3A_346 : i32
      scf.if %cond3A_347 {
        %dma_wait3A_395 = arith.constant 0 : i32
        %dma_wait3A_396 = arith.constant 0 : i32
        %dma_wait3A_397 = tpu.memref_slice %arg21[%dma_wait3A_395, %dma_wait3A_396] : memref<10000x128xf32, #tpu.memory_space<vmem_shared>> -> memref<10000x128xf32, #tpu.memory_space<vmem_shared>>
        tpu.wait_indirect_dma semaphore(%arg23 : memref<!tpu.dma_semaphore, #tpu.memory_space<semaphore_mem>>) src(%arg18 : memref<80x128xf32, #tpu.memory_space<vmem>>) dst(%dma_wait3A_397 : memref<10000x128xf32, #tpu.memory_space<vmem_shared>>)
      } else {
      }
      %add3A_348 = arith.constant 3 : i32
      %add3A_349 = arith.addi %add3A_336, %add3A_348 : i32
      %lt3A_350 = arith.constant 125 : i32
      %lt3A_351 = arith.cmpi slt, %add3A_349, %lt3A_350 : i32
      %convert_element_type3A_352 = arith.extui %lt3A_351 : i1 to i32
      %cond3A_353 = arith.constant 0 : i32
      %cond3A_354 = arith.cmpi ne, %convert_element_type3A_352, %cond3A_353 : i32
      scf.if %cond3A_354 {
        %add3A_395 = arith.constant 3 : i32
        %add3A_396 = arith.addi %add3A_336, %add3A_395 : i32
        %mul3A_397 = arith.constant 80 : i32
        %mul3A_398 = arith.muli %add3A_396, %mul3A_397 : i32
        %add3A_399 = arith.addi %mul3A_2, %mul3A_398 : i32
        %multiple_of3A = tpu.assume_multiple %add3A_399, 8 : i32
        %dma_start3A_400 = tpu.memref_slice %arg3[%multiple_of3A] : memref<320000xi32, #tpu.memory_space<hbm>> -> memref<80xi32, #tpu.memory_space<hbm>>
        %dma_start3A_401 = tpu.memref_slice %arg3[%multiple_of3A] : memref<320000xi32, #tpu.memory_space<hbm>> -> memref<80xi32, #tpu.memory_space<hbm>>
        tpu.enqueue_dma source(%dma_start3A_401 : memref<80xi32, #tpu.memory_space<hbm>>) target(%arg7 : memref<80xi32, #tpu.memory_space<vmem>>) target_semaphore(%arg24 : memref<!tpu.dma_semaphore, #tpu.memory_space<semaphore_mem>>)
        %dma_start3A_402 = tpu.memref_slice %arg4[%multiple_of3A] : memref<320000xi32, #tpu.memory_space<hbm>> -> memref<80xi32, #tpu.memory_space<hbm>>
        %dma_start3A_403 = tpu.memref_slice %arg4[%multiple_of3A] : memref<320000xi32, #tpu.memory_space<hbm>> -> memref<80xi32, #tpu.memory_space<hbm>>
        tpu.enqueue_dma source(%dma_start3A_403 : memref<80xi32, #tpu.memory_space<hbm>>) target(%arg13 : memref<80xi32, #tpu.memory_space<vmem>>) target_semaphore(%arg24 : memref<!tpu.dma_semaphore, #tpu.memory_space<semaphore_mem>>)
      } else {
      }
      %ge3A_355 = arith.constant 1 : i32
      %ge3A_356 = arith.cmpi sge, %add3A_336, %ge3A_355 : i32
      %add3A_357 = arith.constant 2 : i32
      %add3A_358 = arith.addi %add3A_336, %add3A_357 : i32
      %lt3A_359 = arith.constant 125 : i32
      %lt3A_360 = arith.cmpi slt, %add3A_358, %lt3A_359 : i32
      %and3A_361 = arith.andi %ge3A_356, %lt3A_360 : i1
      %convert_element_type3A_362 = arith.extui %and3A_361 : i1 to i32
      %cond3A_363 = arith.constant 0 : i32
      %cond3A_364 = arith.cmpi ne, %convert_element_type3A_362, %cond3A_363 : i32
      scf.if %cond3A_364 {
        %dma_wait3A_395 = arith.constant 0 : i32
        %dma_wait3A_396 = tpu.memref_slice %arg3[%dma_wait3A_395] : memref<320000xi32, #tpu.memory_space<hbm>> -> memref<80xi32, #tpu.memory_space<hbm>>
        %dma_wait3A_397 = arith.constant 0 : i32
        %dma_wait3A_398 = tpu.memref_slice %arg3[%dma_wait3A_397] : memref<320000xi32, #tpu.memory_space<hbm>> -> memref<80xi32, #tpu.memory_space<hbm>>
        tpu.wait_dma2 semaphore(%arg24 : memref<!tpu.dma_semaphore, #tpu.memory_space<semaphore_mem>>) src(%dma_wait3A_398 : memref<80xi32, #tpu.memory_space<hbm>>) dst(%arg6 : memref<80xi32, #tpu.memory_space<vmem>>)
        %dma_wait3A_399 = arith.constant 0 : i32
        %dma_wait3A_400 = tpu.memref_slice %arg3[%dma_wait3A_399] : memref<320000xi32, #tpu.memory_space<hbm>> -> memref<80xi32, #tpu.memory_space<hbm>>
        %dma_wait3A_401 = arith.constant 0 : i32
        %dma_wait3A_402 = tpu.memref_slice %arg3[%dma_wait3A_401] : memref<320000xi32, #tpu.memory_space<hbm>> -> memref<80xi32, #tpu.memory_space<hbm>>
        tpu.wait_dma2 semaphore(%arg24 : memref<!tpu.dma_semaphore, #tpu.memory_space<semaphore_mem>>) src(%dma_wait3A_402 : memref<80xi32, #tpu.memory_space<hbm>>) dst(%arg6 : memref<80xi32, #tpu.memory_space<vmem>>)
        %dma_start3A_403 = arith.constant 0 : i32
        %dma_start3A_404 = arith.constant 0 : i32
        %dma_start3A_405 = tpu.memref_slice %arg2[%dma_start3A_403, %dma_start3A_404] : memref<10000x128xf32, #tpu.memory_space<hbm>> -> memref<10000x128xf32, #tpu.memory_space<hbm>>
        tpu.enqueue_indirect_dma source(%dma_start3A_405 : memref<10000x128xf32, #tpu.memory_space<hbm>>) target(%arg18 : memref<80x128xf32, #tpu.memory_space<vmem>>) offsets(%arg6 : memref<80xi32, #tpu.memory_space<vmem>>) semaphore(%arg22 : memref<!tpu.dma_semaphore, #tpu.memory_space<semaphore_mem>>)
      } else {
      }
      %add3A_365 = arith.constant 5 : i32
      %add3A_366 = arith.addi %mul3A_214, %add3A_365 : i32
      %dma_wait3A_367 = arith.constant 0 : i32
      %dma_wait3A_368 = arith.constant 0 : i32
      %dma_wait3A_369 = tpu.memref_slice %arg2[%dma_wait3A_367, %dma_wait3A_368] : memref<10000x128xf32, #tpu.memory_space<hbm>> -> memref<10000x128xf32, #tpu.memory_space<hbm>>
      tpu.wait_indirect_dma semaphore(%arg22 : memref<!tpu.dma_semaphore, #tpu.memory_space<semaphore_mem>>) src(%dma_wait3A_369 : memref<10000x128xf32, #tpu.memory_space<hbm>>) dst(%arg18 : memref<80x128xf32, #tpu.memory_space<vmem>>)
      %dma_start3A_370 = arith.constant 0 : i32
      %dma_start3A_371 = arith.constant 0 : i32
      %dma_start3A_372 = tpu.memref_slice %arg21[%dma_start3A_370, %dma_start3A_371] : memref<10000x128xf32, #tpu.memory_space<vmem_shared>> -> memref<10000x128xf32, #tpu.memory_space<vmem_shared>>
      tpu.enqueue_indirect_dma source(%arg20 : memref<80x128xf32, #tpu.memory_space<vmem>>) target(%dma_start3A_372 : memref<10000x128xf32, #tpu.memory_space<vmem_shared>>) offsets(%arg17 : memref<80xi32, #tpu.memory_space<vmem>>) semaphore(%arg23 : memref<!tpu.dma_semaphore, #tpu.memory_space<semaphore_mem>>) {add = true}
      %ge3A_373 = arith.constant 1 : i32
      %ge3A_374 = arith.cmpi sge, %add3A_366, %ge3A_373 : i32
      %convert_element_type3A_375 = arith.extui %ge3A_374 : i1 to i32
      %cond3A_376 = arith.constant 0 : i32
      %cond3A_377 = arith.cmpi ne, %convert_element_type3A_375, %cond3A_376 : i32
      scf.if %cond3A_377 {
        %dma_wait3A_395 = arith.constant 0 : i32
        %dma_wait3A_396 = arith.constant 0 : i32
        %dma_wait3A_397 = tpu.memref_slice %arg21[%dma_wait3A_395, %dma_wait3A_396] : memref<10000x128xf32, #tpu.memory_space<vmem_shared>> -> memref<10000x128xf32, #tpu.memory_space<vmem_shared>>
        tpu.wait_indirect_dma semaphore(%arg23 : memref<!tpu.dma_semaphore, #tpu.memory_space<semaphore_mem>>) src(%arg18 : memref<80x128xf32, #tpu.memory_space<vmem>>) dst(%dma_wait3A_397 : memref<10000x128xf32, #tpu.memory_space<vmem_shared>>)
      } else {
      }
      %add3A_378 = arith.constant 3 : i32
      %add3A_379 = arith.addi %add3A_366, %add3A_378 : i32
      %lt3A_380 = arith.constant 125 : i32
      %lt3A_381 = arith.cmpi slt, %add3A_379, %lt3A_380 : i32
      %convert_element_type3A_382 = arith.extui %lt3A_381 : i1 to i32
      %cond3A_383 = arith.constant 0 : i32
      %cond3A_384 = arith.cmpi ne, %convert_element_type3A_382, %cond3A_383 : i32
      scf.if %cond3A_384 {
        %add3A_395 = arith.constant 3 : i32
        %add3A_396 = arith.addi %add3A_366, %add3A_395 : i32
        %mul3A_397 = arith.constant 80 : i32
        %mul3A_398 = arith.muli %add3A_396, %mul3A_397 : i32
        %add3A_399 = arith.addi %mul3A_2, %mul3A_398 : i32
        %multiple_of3A = tpu.assume_multiple %add3A_399, 8 : i32
        %dma_start3A_400 = tpu.memref_slice %arg3[%multiple_of3A] : memref<320000xi32, #tpu.memory_space<hbm>> -> memref<80xi32, #tpu.memory_space<hbm>>
        %dma_start3A_401 = tpu.memref_slice %arg3[%multiple_of3A] : memref<320000xi32, #tpu.memory_space<hbm>> -> memref<80xi32, #tpu.memory_space<hbm>>
        tpu.enqueue_dma source(%dma_start3A_401 : memref<80xi32, #tpu.memory_space<hbm>>) target(%arg8 : memref<80xi32, #tpu.memory_space<vmem>>) target_semaphore(%arg24 : memref<!tpu.dma_semaphore, #tpu.memory_space<semaphore_mem>>)
        %dma_start3A_402 = tpu.memref_slice %arg4[%multiple_of3A] : memref<320000xi32, #tpu.memory_space<hbm>> -> memref<80xi32, #tpu.memory_space<hbm>>
        %dma_start3A_403 = tpu.memref_slice %arg4[%multiple_of3A] : memref<320000xi32, #tpu.memory_space<hbm>> -> memref<80xi32, #tpu.memory_space<hbm>>
        tpu.enqueue_dma source(%dma_start3A_403 : memref<80xi32, #tpu.memory_space<hbm>>) target(%arg14 : memref<80xi32, #tpu.memory_space<vmem>>) target_semaphore(%arg24 : memref<!tpu.dma_semaphore, #tpu.memory_space<semaphore_mem>>)
      } else {
      }
      %ge3A_385 = arith.constant 1 : i32
      %ge3A_386 = arith.cmpi sge, %add3A_366, %ge3A_385 : i32
      %add3A_387 = arith.constant 2 : i32
      %add3A_388 = arith.addi %add3A_366, %add3A_387 : i32
      %lt3A_389 = arith.constant 125 : i32
      %lt3A_390 = arith.cmpi slt, %add3A_388, %lt3A_389 : i32
      %and3A_391 = arith.andi %ge3A_386, %lt3A_390 : i1
      %convert_element_type3A_392 = arith.extui %and3A_391 : i1 to i32
      %cond3A_393 = arith.constant 0 : i32
      %cond3A_394 = arith.cmpi ne, %convert_element_type3A_392, %cond3A_393 : i32
      scf.if %cond3A_394 {
        %dma_wait3A_395 = arith.constant 0 : i32
        %dma_wait3A_396 = tpu.memref_slice %arg3[%dma_wait3A_395] : memref<320000xi32, #tpu.memory_space<hbm>> -> memref<80xi32, #tpu.memory_space<hbm>>
        %dma_wait3A_397 = arith.constant 0 : i32
        %dma_wait3A_398 = tpu.memref_slice %arg3[%dma_wait3A_397] : memref<320000xi32, #tpu.memory_space<hbm>> -> memref<80xi32, #tpu.memory_space<hbm>>
        tpu.wait_dma2 semaphore(%arg24 : memref<!tpu.dma_semaphore, #tpu.memory_space<semaphore_mem>>) src(%dma_wait3A_398 : memref<80xi32, #tpu.memory_space<hbm>>) dst(%arg6 : memref<80xi32, #tpu.memory_space<vmem>>)
        %dma_wait3A_399 = arith.constant 0 : i32
        %dma_wait3A_400 = tpu.memref_slice %arg3[%dma_wait3A_399] : memref<320000xi32, #tpu.memory_space<hbm>> -> memref<80xi32, #tpu.memory_space<hbm>>
        %dma_wait3A_401 = arith.constant 0 : i32
        %dma_wait3A_402 = tpu.memref_slice %arg3[%dma_wait3A_401] : memref<320000xi32, #tpu.memory_space<hbm>> -> memref<80xi32, #tpu.memory_space<hbm>>
        tpu.wait_dma2 semaphore(%arg24 : memref<!tpu.dma_semaphore, #tpu.memory_space<semaphore_mem>>) src(%dma_wait3A_402 : memref<80xi32, #tpu.memory_space<hbm>>) dst(%arg6 : memref<80xi32, #tpu.memory_space<vmem>>)
        %dma_start3A_403 = arith.constant 0 : i32
        %dma_start3A_404 = arith.constant 0 : i32
        %dma_start3A_405 = tpu.memref_slice %arg2[%dma_start3A_403, %dma_start3A_404] : memref<10000x128xf32, #tpu.memory_space<hbm>> -> memref<10000x128xf32, #tpu.memory_space<hbm>>
        tpu.enqueue_indirect_dma source(%dma_start3A_405 : memref<10000x128xf32, #tpu.memory_space<hbm>>) target(%arg19 : memref<80x128xf32, #tpu.memory_space<vmem>>) offsets(%arg7 : memref<80xi32, #tpu.memory_space<vmem>>) semaphore(%arg22 : memref<!tpu.dma_semaphore, #tpu.memory_space<semaphore_mem>>)
      } else {
      }
    }
    %scan3A_33 = arith.constant 20 : i32
    %dma_wait3A = arith.constant 0 : i32
    %dma_wait3A_34 = arith.constant 0 : i32
    %dma_wait3A_35 = tpu.memref_slice %arg2[%dma_wait3A, %dma_wait3A_34] : memref<10000x128xf32, #tpu.memory_space<hbm>> -> memref<10000x128xf32, #tpu.memory_space<hbm>>
    tpu.wait_indirect_dma semaphore(%arg22 : memref<!tpu.dma_semaphore, #tpu.memory_space<semaphore_mem>>) src(%dma_wait3A_35 : memref<10000x128xf32, #tpu.memory_space<hbm>>) dst(%arg18 : memref<80x128xf32, #tpu.memory_space<vmem>>)
    %dma_start3A_36 = arith.constant 0 : i32
    %dma_start3A_37 = arith.constant 0 : i32
    %dma_start3A_38 = tpu.memref_slice %arg21[%dma_start3A_36, %dma_start3A_37] : memref<10000x128xf32, #tpu.memory_space<vmem_shared>> -> memref<10000x128xf32, #tpu.memory_space<vmem_shared>>
    tpu.enqueue_indirect_dma source(%arg18 : memref<80x128xf32, #tpu.memory_space<vmem>>) target(%dma_start3A_38 : memref<10000x128xf32, #tpu.memory_space<vmem_shared>>) offsets(%arg12 : memref<80xi32, #tpu.memory_space<vmem>>) semaphore(%arg23 : memref<!tpu.dma_semaphore, #tpu.memory_space<semaphore_mem>>) {add = true}
    %ge3A = arith.constant 120 : i32
    %ge3A_39 = arith.constant 1 : i32
    %ge3A_40 = arith.cmpi sge, %ge3A, %ge3A_39 : i32
    %convert_element_type3A_41 = arith.extui %ge3A_40 : i1 to i32
    %cond3A_42 = arith.constant 0 : i32
    %cond3A_43 = arith.cmpi ne, %convert_element_type3A_41, %cond3A_42 : i32
    scf.if %cond3A_43 {
      %dma_wait3A_212 = arith.constant 0 : i32
      %dma_wait3A_213 = arith.constant 0 : i32
      %dma_wait3A_214 = tpu.memref_slice %arg21[%dma_wait3A_212, %dma_wait3A_213] : memref<10000x128xf32, #tpu.memory_space<vmem_shared>> -> memref<10000x128xf32, #tpu.memory_space<vmem_shared>>
      tpu.wait_indirect_dma semaphore(%arg23 : memref<!tpu.dma_semaphore, #tpu.memory_space<semaphore_mem>>) src(%arg18 : memref<80x128xf32, #tpu.memory_space<vmem>>) dst(%dma_wait3A_214 : memref<10000x128xf32, #tpu.memory_space<vmem_shared>>)
    } else {
    }
    %add3A_44 = arith.constant 120 : i32
    %add3A_45 = arith.constant 3 : i32
    %add3A_46 = arith.addi %add3A_44, %add3A_45 : i32
    %lt3A_47 = arith.constant 125 : i32
    %lt3A_48 = arith.cmpi slt, %add3A_46, %lt3A_47 : i32
    %convert_element_type3A_49 = arith.extui %lt3A_48 : i1 to i32
    %cond3A_50 = arith.constant 120 : i32
    %cond3A_51 = arith.constant 0 : i32
    %cond3A_52 = arith.cmpi ne, %convert_element_type3A_49, %cond3A_51 : i32
    scf.if %cond3A_52 {
      %add3A_212 = arith.constant 3 : i32
      %add3A_213 = arith.addi %cond3A_50, %add3A_212 : i32
      %mul3A_214 = arith.constant 80 : i32
      %mul3A_215 = arith.muli %add3A_213, %mul3A_214 : i32
      %add3A_216 = arith.addi %mul3A_2, %mul3A_215 : i32
      %multiple_of3A = tpu.assume_multiple %add3A_216, 8 : i32
      %dma_start3A_217 = tpu.memref_slice %arg3[%multiple_of3A] : memref<320000xi32, #tpu.memory_space<hbm>> -> memref<80xi32, #tpu.memory_space<hbm>>
      %dma_start3A_218 = tpu.memref_slice %arg3[%multiple_of3A] : memref<320000xi32, #tpu.memory_space<hbm>> -> memref<80xi32, #tpu.memory_space<hbm>>
      tpu.enqueue_dma source(%dma_start3A_218 : memref<80xi32, #tpu.memory_space<hbm>>) target(%arg9 : memref<80xi32, #tpu.memory_space<vmem>>) target_semaphore(%arg24 : memref<!tpu.dma_semaphore, #tpu.memory_space<semaphore_mem>>)
      %dma_start3A_219 = tpu.memref_slice %arg4[%multiple_of3A] : memref<320000xi32, #tpu.memory_space<hbm>> -> memref<80xi32, #tpu.memory_space<hbm>>
      %dma_start3A_220 = tpu.memref_slice %arg4[%multiple_of3A] : memref<320000xi32, #tpu.memory_space<hbm>> -> memref<80xi32, #tpu.memory_space<hbm>>
      tpu.enqueue_dma source(%dma_start3A_220 : memref<80xi32, #tpu.memory_space<hbm>>) target(%arg15 : memref<80xi32, #tpu.memory_space<vmem>>) target_semaphore(%arg24 : memref<!tpu.dma_semaphore, #tpu.memory_space<semaphore_mem>>)
    } else {
    }
    %ge3A_53 = arith.constant 120 : i32
    %ge3A_54 = arith.constant 1 : i32
    %ge3A_55 = arith.cmpi sge, %ge3A_53, %ge3A_54 : i32
    %add3A_56 = arith.constant 120 : i32
    %add3A_57 = arith.constant 2 : i32
    %add3A_58 = arith.addi %add3A_56, %add3A_57 : i32
    %lt3A_59 = arith.constant 125 : i32
    %lt3A_60 = arith.cmpi slt, %add3A_58, %lt3A_59 : i32
    %and3A = arith.andi %ge3A_55, %lt3A_60 : i1
    %convert_element_type3A_61 = arith.extui %and3A : i1 to i32
    %cond3A_62 = arith.constant 0 : i32
    %cond3A_63 = arith.cmpi ne, %convert_element_type3A_61, %cond3A_62 : i32
    scf.if %cond3A_63 {
      %dma_wait3A_212 = arith.constant 0 : i32
      %dma_wait3A_213 = tpu.memref_slice %arg3[%dma_wait3A_212] : memref<320000xi32, #tpu.memory_space<hbm>> -> memref<80xi32, #tpu.memory_space<hbm>>
      %dma_wait3A_214 = arith.constant 0 : i32
      %dma_wait3A_215 = tpu.memref_slice %arg3[%dma_wait3A_214] : memref<320000xi32, #tpu.memory_space<hbm>> -> memref<80xi32, #tpu.memory_space<hbm>>
      tpu.wait_dma2 semaphore(%arg24 : memref<!tpu.dma_semaphore, #tpu.memory_space<semaphore_mem>>) src(%dma_wait3A_215 : memref<80xi32, #tpu.memory_space<hbm>>) dst(%arg6 : memref<80xi32, #tpu.memory_space<vmem>>)
      %dma_wait3A_216 = arith.constant 0 : i32
      %dma_wait3A_217 = tpu.memref_slice %arg3[%dma_wait3A_216] : memref<320000xi32, #tpu.memory_space<hbm>> -> memref<80xi32, #tpu.memory_space<hbm>>
      %dma_wait3A_218 = arith.constant 0 : i32
      %dma_wait3A_219 = tpu.memref_slice %arg3[%dma_wait3A_218] : memref<320000xi32, #tpu.memory_space<hbm>> -> memref<80xi32, #tpu.memory_space<hbm>>
      tpu.wait_dma2 semaphore(%arg24 : memref<!tpu.dma_semaphore, #tpu.memory_space<semaphore_mem>>) src(%dma_wait3A_219 : memref<80xi32, #tpu.memory_space<hbm>>) dst(%arg6 : memref<80xi32, #tpu.memory_space<vmem>>)
      %dma_start3A_220 = arith.constant 0 : i32
      %dma_start3A_221 = arith.constant 0 : i32
      %dma_start3A_222 = tpu.memref_slice %arg2[%dma_start3A_220, %dma_start3A_221] : memref<10000x128xf32, #tpu.memory_space<hbm>> -> memref<10000x128xf32, #tpu.memory_space<hbm>>
      tpu.enqueue_indirect_dma source(%dma_start3A_222 : memref<10000x128xf32, #tpu.memory_space<hbm>>) target(%arg20 : memref<80x128xf32, #tpu.memory_space<vmem>>) offsets(%arg8 : memref<80xi32, #tpu.memory_space<vmem>>) semaphore(%arg22 : memref<!tpu.dma_semaphore, #tpu.memory_space<semaphore_mem>>)
    } else {
    }
    %dma_wait3A_64 = arith.constant 0 : i32
    %dma_wait3A_65 = arith.constant 0 : i32
    %dma_wait3A_66 = tpu.memref_slice %arg2[%dma_wait3A_64, %dma_wait3A_65] : memref<10000x128xf32, #tpu.memory_space<hbm>> -> memref<10000x128xf32, #tpu.memory_space<hbm>>
    tpu.wait_indirect_dma semaphore(%arg22 : memref<!tpu.dma_semaphore, #tpu.memory_space<semaphore_mem>>) src(%dma_wait3A_66 : memref<10000x128xf32, #tpu.memory_space<hbm>>) dst(%arg18 : memref<80x128xf32, #tpu.memory_space<vmem>>)
    %dma_start3A_67 = arith.constant 0 : i32
    %dma_start3A_68 = arith.constant 0 : i32
    %dma_start3A_69 = tpu.memref_slice %arg21[%dma_start3A_67, %dma_start3A_68] : memref<10000x128xf32, #tpu.memory_space<vmem_shared>> -> memref<10000x128xf32, #tpu.memory_space<vmem_shared>>
    tpu.enqueue_indirect_dma source(%arg19 : memref<80x128xf32, #tpu.memory_space<vmem>>) target(%dma_start3A_69 : memref<10000x128xf32, #tpu.memory_space<vmem_shared>>) offsets(%arg13 : memref<80xi32, #tpu.memory_space<vmem>>) semaphore(%arg23 : memref<!tpu.dma_semaphore, #tpu.memory_space<semaphore_mem>>) {add = true}
    %ge3A_70 = arith.constant 121 : i32
    %ge3A_71 = arith.constant 1 : i32
    %ge3A_72 = arith.cmpi sge, %ge3A_70, %ge3A_71 : i32
    %convert_element_type3A_73 = arith.extui %ge3A_72 : i1 to i32
    %cond3A_74 = arith.constant 0 : i32
    %cond3A_75 = arith.cmpi ne, %convert_element_type3A_73, %cond3A_74 : i32
    scf.if %cond3A_75 {
      %dma_wait3A_212 = arith.constant 0 : i32
      %dma_wait3A_213 = arith.constant 0 : i32
      %dma_wait3A_214 = tpu.memref_slice %arg21[%dma_wait3A_212, %dma_wait3A_213] : memref<10000x128xf32, #tpu.memory_space<vmem_shared>> -> memref<10000x128xf32, #tpu.memory_space<vmem_shared>>
      tpu.wait_indirect_dma semaphore(%arg23 : memref<!tpu.dma_semaphore, #tpu.memory_space<semaphore_mem>>) src(%arg18 : memref<80x128xf32, #tpu.memory_space<vmem>>) dst(%dma_wait3A_214 : memref<10000x128xf32, #tpu.memory_space<vmem_shared>>)
    } else {
    }
    %add3A_76 = arith.constant 121 : i32
    %add3A_77 = arith.constant 3 : i32
    %add3A_78 = arith.addi %add3A_76, %add3A_77 : i32
    %lt3A_79 = arith.constant 125 : i32
    %lt3A_80 = arith.cmpi slt, %add3A_78, %lt3A_79 : i32
    %convert_element_type3A_81 = arith.extui %lt3A_80 : i1 to i32
    %cond3A_82 = arith.constant 121 : i32
    %cond3A_83 = arith.constant 0 : i32
    %cond3A_84 = arith.cmpi ne, %convert_element_type3A_81, %cond3A_83 : i32
    scf.if %cond3A_84 {
      %add3A_212 = arith.constant 3 : i32
      %add3A_213 = arith.addi %cond3A_82, %add3A_212 : i32
      %mul3A_214 = arith.constant 80 : i32
      %mul3A_215 = arith.muli %add3A_213, %mul3A_214 : i32
      %add3A_216 = arith.addi %mul3A_2, %mul3A_215 : i32
      %multiple_of3A = tpu.assume_multiple %add3A_216, 8 : i32
      %dma_start3A_217 = tpu.memref_slice %arg3[%multiple_of3A] : memref<320000xi32, #tpu.memory_space<hbm>> -> memref<80xi32, #tpu.memory_space<hbm>>
      %dma_start3A_218 = tpu.memref_slice %arg3[%multiple_of3A] : memref<320000xi32, #tpu.memory_space<hbm>> -> memref<80xi32, #tpu.memory_space<hbm>>
      tpu.enqueue_dma source(%dma_start3A_218 : memref<80xi32, #tpu.memory_space<hbm>>) target(%arg10 : memref<80xi32, #tpu.memory_space<vmem>>) target_semaphore(%arg24 : memref<!tpu.dma_semaphore, #tpu.memory_space<semaphore_mem>>)
      %dma_start3A_219 = tpu.memref_slice %arg4[%multiple_of3A] : memref<320000xi32, #tpu.memory_space<hbm>> -> memref<80xi32, #tpu.memory_space<hbm>>
      %dma_start3A_220 = tpu.memref_slice %arg4[%multiple_of3A] : memref<320000xi32, #tpu.memory_space<hbm>> -> memref<80xi32, #tpu.memory_space<hbm>>
      tpu.enqueue_dma source(%dma_start3A_220 : memref<80xi32, #tpu.memory_space<hbm>>) target(%arg16 : memref<80xi32, #tpu.memory_space<vmem>>) target_semaphore(%arg24 : memref<!tpu.dma_semaphore, #tpu.memory_space<semaphore_mem>>)
    } else {
    }
    %ge3A_85 = arith.constant 121 : i32
    %ge3A_86 = arith.constant 1 : i32
    %ge3A_87 = arith.cmpi sge, %ge3A_85, %ge3A_86 : i32
    %add3A_88 = arith.constant 121 : i32
    %add3A_89 = arith.constant 2 : i32
    %add3A_90 = arith.addi %add3A_88, %add3A_89 : i32
    %lt3A_91 = arith.constant 125 : i32
    %lt3A_92 = arith.cmpi slt, %add3A_90, %lt3A_91 : i32
    %and3A_93 = arith.andi %ge3A_87, %lt3A_92 : i1
    %convert_element_type3A_94 = arith.extui %and3A_93 : i1 to i32
    %cond3A_95 = arith.constant 0 : i32
    %cond3A_96 = arith.cmpi ne, %convert_element_type3A_94, %cond3A_95 : i32
    scf.if %cond3A_96 {
      %dma_wait3A_212 = arith.constant 0 : i32
      %dma_wait3A_213 = tpu.memref_slice %arg3[%dma_wait3A_212] : memref<320000xi32, #tpu.memory_space<hbm>> -> memref<80xi32, #tpu.memory_space<hbm>>
      %dma_wait3A_214 = arith.constant 0 : i32
      %dma_wait3A_215 = tpu.memref_slice %arg3[%dma_wait3A_214] : memref<320000xi32, #tpu.memory_space<hbm>> -> memref<80xi32, #tpu.memory_space<hbm>>
      tpu.wait_dma2 semaphore(%arg24 : memref<!tpu.dma_semaphore, #tpu.memory_space<semaphore_mem>>) src(%dma_wait3A_215 : memref<80xi32, #tpu.memory_space<hbm>>) dst(%arg6 : memref<80xi32, #tpu.memory_space<vmem>>)
      %dma_wait3A_216 = arith.constant 0 : i32
      %dma_wait3A_217 = tpu.memref_slice %arg3[%dma_wait3A_216] : memref<320000xi32, #tpu.memory_space<hbm>> -> memref<80xi32, #tpu.memory_space<hbm>>
      %dma_wait3A_218 = arith.constant 0 : i32
      %dma_wait3A_219 = tpu.memref_slice %arg3[%dma_wait3A_218] : memref<320000xi32, #tpu.memory_space<hbm>> -> memref<80xi32, #tpu.memory_space<hbm>>
      tpu.wait_dma2 semaphore(%arg24 : memref<!tpu.dma_semaphore, #tpu.memory_space<semaphore_mem>>) src(%dma_wait3A_219 : memref<80xi32, #tpu.memory_space<hbm>>) dst(%arg6 : memref<80xi32, #tpu.memory_space<vmem>>)
      %dma_start3A_220 = arith.constant 0 : i32
      %dma_start3A_221 = arith.constant 0 : i32
      %dma_start3A_222 = tpu.memref_slice %arg2[%dma_start3A_220, %dma_start3A_221] : memref<10000x128xf32, #tpu.memory_space<hbm>> -> memref<10000x128xf32, #tpu.memory_space<hbm>>
      tpu.enqueue_indirect_dma source(%dma_start3A_222 : memref<10000x128xf32, #tpu.memory_space<hbm>>) target(%arg18 : memref<80x128xf32, #tpu.memory_space<vmem>>) offsets(%arg9 : memref<80xi32, #tpu.memory_space<vmem>>) semaphore(%arg22 : memref<!tpu.dma_semaphore, #tpu.memory_space<semaphore_mem>>)
    } else {
    }
    %dma_wait3A_97 = arith.constant 0 : i32
    %dma_wait3A_98 = arith.constant 0 : i32
    %dma_wait3A_99 = tpu.memref_slice %arg2[%dma_wait3A_97, %dma_wait3A_98] : memref<10000x128xf32, #tpu.memory_space<hbm>> -> memref<10000x128xf32, #tpu.memory_space<hbm>>
    tpu.wait_indirect_dma semaphore(%arg22 : memref<!tpu.dma_semaphore, #tpu.memory_space<semaphore_mem>>) src(%dma_wait3A_99 : memref<10000x128xf32, #tpu.memory_space<hbm>>) dst(%arg18 : memref<80x128xf32, #tpu.memory_space<vmem>>)
    %dma_start3A_100 = arith.constant 0 : i32
    %dma_start3A_101 = arith.constant 0 : i32
    %dma_start3A_102 = tpu.memref_slice %arg21[%dma_start3A_100, %dma_start3A_101] : memref<10000x128xf32, #tpu.memory_space<vmem_shared>> -> memref<10000x128xf32, #tpu.memory_space<vmem_shared>>
    tpu.enqueue_indirect_dma source(%arg20 : memref<80x128xf32, #tpu.memory_space<vmem>>) target(%dma_start3A_102 : memref<10000x128xf32, #tpu.memory_space<vmem_shared>>) offsets(%arg14 : memref<80xi32, #tpu.memory_space<vmem>>) semaphore(%arg23 : memref<!tpu.dma_semaphore, #tpu.memory_space<semaphore_mem>>) {add = true}
    %ge3A_103 = arith.constant 122 : i32
    %ge3A_104 = arith.constant 1 : i32
    %ge3A_105 = arith.cmpi sge, %ge3A_103, %ge3A_104 : i32
    %convert_element_type3A_106 = arith.extui %ge3A_105 : i1 to i32
    %cond3A_107 = arith.constant 0 : i32
    %cond3A_108 = arith.cmpi ne, %convert_element_type3A_106, %cond3A_107 : i32
    scf.if %cond3A_108 {
      %dma_wait3A_212 = arith.constant 0 : i32
      %dma_wait3A_213 = arith.constant 0 : i32
      %dma_wait3A_214 = tpu.memref_slice %arg21[%dma_wait3A_212, %dma_wait3A_213] : memref<10000x128xf32, #tpu.memory_space<vmem_shared>> -> memref<10000x128xf32, #tpu.memory_space<vmem_shared>>
      tpu.wait_indirect_dma semaphore(%arg23 : memref<!tpu.dma_semaphore, #tpu.memory_space<semaphore_mem>>) src(%arg18 : memref<80x128xf32, #tpu.memory_space<vmem>>) dst(%dma_wait3A_214 : memref<10000x128xf32, #tpu.memory_space<vmem_shared>>)
    } else {
    }
    %add3A_109 = arith.constant 122 : i32
    %add3A_110 = arith.constant 3 : i32
    %add3A_111 = arith.addi %add3A_109, %add3A_110 : i32
    %lt3A_112 = arith.constant 125 : i32
    %lt3A_113 = arith.cmpi slt, %add3A_111, %lt3A_112 : i32
    %convert_element_type3A_114 = arith.extui %lt3A_113 : i1 to i32
    %cond3A_115 = arith.constant 122 : i32
    %cond3A_116 = arith.constant 0 : i32
    %cond3A_117 = arith.cmpi ne, %convert_element_type3A_114, %cond3A_116 : i32
    scf.if %cond3A_117 {
      %add3A_212 = arith.constant 3 : i32
      %add3A_213 = arith.addi %cond3A_115, %add3A_212 : i32
      %mul3A_214 = arith.constant 80 : i32
      %mul3A_215 = arith.muli %add3A_213, %mul3A_214 : i32
      %add3A_216 = arith.addi %mul3A_2, %mul3A_215 : i32
      %multiple_of3A = tpu.assume_multiple %add3A_216, 8 : i32
      %dma_start3A_217 = tpu.memref_slice %arg3[%multiple_of3A] : memref<320000xi32, #tpu.memory_space<hbm>> -> memref<80xi32, #tpu.memory_space<hbm>>
      %dma_start3A_218 = tpu.memref_slice %arg3[%multiple_of3A] : memref<320000xi32, #tpu.memory_space<hbm>> -> memref<80xi32, #tpu.memory_space<hbm>>
      tpu.enqueue_dma source(%dma_start3A_218 : memref<80xi32, #tpu.memory_space<hbm>>) target(%arg11 : memref<80xi32, #tpu.memory_space<vmem>>) target_semaphore(%arg24 : memref<!tpu.dma_semaphore, #tpu.memory_space<semaphore_mem>>)
      %dma_start3A_219 = tpu.memref_slice %arg4[%multiple_of3A] : memref<320000xi32, #tpu.memory_space<hbm>> -> memref<80xi32, #tpu.memory_space<hbm>>
      %dma_start3A_220 = tpu.memref_slice %arg4[%multiple_of3A] : memref<320000xi32, #tpu.memory_space<hbm>> -> memref<80xi32, #tpu.memory_space<hbm>>
      tpu.enqueue_dma source(%dma_start3A_220 : memref<80xi32, #tpu.memory_space<hbm>>) target(%arg17 : memref<80xi32, #tpu.memory_space<vmem>>) target_semaphore(%arg24 : memref<!tpu.dma_semaphore, #tpu.memory_space<semaphore_mem>>)
    } else {
    }
    %ge3A_118 = arith.constant 122 : i32
    %ge3A_119 = arith.constant 1 : i32
    %ge3A_120 = arith.cmpi sge, %ge3A_118, %ge3A_119 : i32
    %add3A_121 = arith.constant 122 : i32
    %add3A_122 = arith.constant 2 : i32
    %add3A_123 = arith.addi %add3A_121, %add3A_122 : i32
    %lt3A_124 = arith.constant 125 : i32
    %lt3A_125 = arith.cmpi slt, %add3A_123, %lt3A_124 : i32
    %and3A_126 = arith.andi %ge3A_120, %lt3A_125 : i1
    %convert_element_type3A_127 = arith.extui %and3A_126 : i1 to i32
    %cond3A_128 = arith.constant 0 : i32
    %cond3A_129 = arith.cmpi ne, %convert_element_type3A_127, %cond3A_128 : i32
    scf.if %cond3A_129 {
      %dma_wait3A_212 = arith.constant 0 : i32
      %dma_wait3A_213 = tpu.memref_slice %arg3[%dma_wait3A_212] : memref<320000xi32, #tpu.memory_space<hbm>> -> memref<80xi32, #tpu.memory_space<hbm>>
      %dma_wait3A_214 = arith.constant 0 : i32
      %dma_wait3A_215 = tpu.memref_slice %arg3[%dma_wait3A_214] : memref<320000xi32, #tpu.memory_space<hbm>> -> memref<80xi32, #tpu.memory_space<hbm>>
      tpu.wait_dma2 semaphore(%arg24 : memref<!tpu.dma_semaphore, #tpu.memory_space<semaphore_mem>>) src(%dma_wait3A_215 : memref<80xi32, #tpu.memory_space<hbm>>) dst(%arg6 : memref<80xi32, #tpu.memory_space<vmem>>)
      %dma_wait3A_216 = arith.constant 0 : i32
      %dma_wait3A_217 = tpu.memref_slice %arg3[%dma_wait3A_216] : memref<320000xi32, #tpu.memory_space<hbm>> -> memref<80xi32, #tpu.memory_space<hbm>>
      %dma_wait3A_218 = arith.constant 0 : i32
      %dma_wait3A_219 = tpu.memref_slice %arg3[%dma_wait3A_218] : memref<320000xi32, #tpu.memory_space<hbm>> -> memref<80xi32, #tpu.memory_space<hbm>>
      tpu.wait_dma2 semaphore(%arg24 : memref<!tpu.dma_semaphore, #tpu.memory_space<semaphore_mem>>) src(%dma_wait3A_219 : memref<80xi32, #tpu.memory_space<hbm>>) dst(%arg6 : memref<80xi32, #tpu.memory_space<vmem>>)
      %dma_start3A_220 = arith.constant 0 : i32
      %dma_start3A_221 = arith.constant 0 : i32
      %dma_start3A_222 = tpu.memref_slice %arg2[%dma_start3A_220, %dma_start3A_221] : memref<10000x128xf32, #tpu.memory_space<hbm>> -> memref<10000x128xf32, #tpu.memory_space<hbm>>
      tpu.enqueue_indirect_dma source(%dma_start3A_222 : memref<10000x128xf32, #tpu.memory_space<hbm>>) target(%arg19 : memref<80x128xf32, #tpu.memory_space<vmem>>) offsets(%arg10 : memref<80xi32, #tpu.memory_space<vmem>>) semaphore(%arg22 : memref<!tpu.dma_semaphore, #tpu.memory_space<semaphore_mem>>)
    } else {
    }
    %dma_wait3A_130 = arith.constant 0 : i32
    %dma_wait3A_131 = arith.constant 0 : i32
    %dma_wait3A_132 = tpu.memref_slice %arg2[%dma_wait3A_130, %dma_wait3A_131] : memref<10000x128xf32, #tpu.memory_space<hbm>> -> memref<10000x128xf32, #tpu.memory_space<hbm>>
    tpu.wait_indirect_dma semaphore(%arg22 : memref<!tpu.dma_semaphore, #tpu.memory_space<semaphore_mem>>) src(%dma_wait3A_132 : memref<10000x128xf32, #tpu.memory_space<hbm>>) dst(%arg18 : memref<80x128xf32, #tpu.memory_space<vmem>>)
    %dma_start3A_133 = arith.constant 0 : i32
    %dma_start3A_134 = arith.constant 0 : i32
    %dma_start3A_135 = tpu.memref_slice %arg21[%dma_start3A_133, %dma_start3A_134] : memref<10000x128xf32, #tpu.memory_space<vmem_shared>> -> memref<10000x128xf32, #tpu.memory_space<vmem_shared>>
    tpu.enqueue_indirect_dma source(%arg18 : memref<80x128xf32, #tpu.memory_space<vmem>>) target(%dma_start3A_135 : memref<10000x128xf32, #tpu.memory_space<vmem_shared>>) offsets(%arg15 : memref<80xi32, #tpu.memory_space<vmem>>) semaphore(%arg23 : memref<!tpu.dma_semaphore, #tpu.memory_space<semaphore_mem>>) {add = true}
    %ge3A_136 = arith.constant 123 : i32
    %ge3A_137 = arith.constant 1 : i32
    %ge3A_138 = arith.cmpi sge, %ge3A_136, %ge3A_137 : i32
    %convert_element_type3A_139 = arith.extui %ge3A_138 : i1 to i32
    %cond3A_140 = arith.constant 0 : i32
    %cond3A_141 = arith.cmpi ne, %convert_element_type3A_139, %cond3A_140 : i32
    scf.if %cond3A_141 {
      %dma_wait3A_212 = arith.constant 0 : i32
      %dma_wait3A_213 = arith.constant 0 : i32
      %dma_wait3A_214 = tpu.memref_slice %arg21[%dma_wait3A_212, %dma_wait3A_213] : memref<10000x128xf32, #tpu.memory_space<vmem_shared>> -> memref<10000x128xf32, #tpu.memory_space<vmem_shared>>
      tpu.wait_indirect_dma semaphore(%arg23 : memref<!tpu.dma_semaphore, #tpu.memory_space<semaphore_mem>>) src(%arg18 : memref<80x128xf32, #tpu.memory_space<vmem>>) dst(%dma_wait3A_214 : memref<10000x128xf32, #tpu.memory_space<vmem_shared>>)
    } else {
    }
    %add3A_142 = arith.constant 123 : i32
    %add3A_143 = arith.constant 3 : i32
    %add3A_144 = arith.addi %add3A_142, %add3A_143 : i32
    %lt3A_145 = arith.constant 125 : i32
    %lt3A_146 = arith.cmpi slt, %add3A_144, %lt3A_145 : i32
    %convert_element_type3A_147 = arith.extui %lt3A_146 : i1 to i32
    %cond3A_148 = arith.constant 123 : i32
    %cond3A_149 = arith.constant 0 : i32
    %cond3A_150 = arith.cmpi ne, %convert_element_type3A_147, %cond3A_149 : i32
    scf.if %cond3A_150 {
      %add3A_212 = arith.constant 3 : i32
      %add3A_213 = arith.addi %cond3A_148, %add3A_212 : i32
      %mul3A_214 = arith.constant 80 : i32
      %mul3A_215 = arith.muli %add3A_213, %mul3A_214 : i32
      %add3A_216 = arith.addi %mul3A_2, %mul3A_215 : i32
      %multiple_of3A = tpu.assume_multiple %add3A_216, 8 : i32
      %dma_start3A_217 = tpu.memref_slice %arg3[%multiple_of3A] : memref<320000xi32, #tpu.memory_space<hbm>> -> memref<80xi32, #tpu.memory_space<hbm>>
      %dma_start3A_218 = tpu.memref_slice %arg3[%multiple_of3A] : memref<320000xi32, #tpu.memory_space<hbm>> -> memref<80xi32, #tpu.memory_space<hbm>>
      tpu.enqueue_dma source(%dma_start3A_218 : memref<80xi32, #tpu.memory_space<hbm>>) target(%arg6 : memref<80xi32, #tpu.memory_space<vmem>>) target_semaphore(%arg24 : memref<!tpu.dma_semaphore, #tpu.memory_space<semaphore_mem>>)
      %dma_start3A_219 = tpu.memref_slice %arg4[%multiple_of3A] : memref<320000xi32, #tpu.memory_space<hbm>> -> memref<80xi32, #tpu.memory_space<hbm>>
      %dma_start3A_220 = tpu.memref_slice %arg4[%multiple_of3A] : memref<320000xi32, #tpu.memory_space<hbm>> -> memref<80xi32, #tpu.memory_space<hbm>>
      tpu.enqueue_dma source(%dma_start3A_220 : memref<80xi32, #tpu.memory_space<hbm>>) target(%arg12 : memref<80xi32, #tpu.memory_space<vmem>>) target_semaphore(%arg24 : memref<!tpu.dma_semaphore, #tpu.memory_space<semaphore_mem>>)
    } else {
    }
    %ge3A_151 = arith.constant 123 : i32
    %ge3A_152 = arith.constant 1 : i32
    %ge3A_153 = arith.cmpi sge, %ge3A_151, %ge3A_152 : i32
    %add3A_154 = arith.constant 123 : i32
    %add3A_155 = arith.constant 2 : i32
    %add3A_156 = arith.addi %add3A_154, %add3A_155 : i32
    %lt3A_157 = arith.constant 125 : i32
    %lt3A_158 = arith.cmpi slt, %add3A_156, %lt3A_157 : i32
    %and3A_159 = arith.andi %ge3A_153, %lt3A_158 : i1
    %convert_element_type3A_160 = arith.extui %and3A_159 : i1 to i32
    %cond3A_161 = arith.constant 0 : i32
    %cond3A_162 = arith.cmpi ne, %convert_element_type3A_160, %cond3A_161 : i32
    scf.if %cond3A_162 {
      %dma_wait3A_212 = arith.constant 0 : i32
      %dma_wait3A_213 = tpu.memref_slice %arg3[%dma_wait3A_212] : memref<320000xi32, #tpu.memory_space<hbm>> -> memref<80xi32, #tpu.memory_space<hbm>>
      %dma_wait3A_214 = arith.constant 0 : i32
      %dma_wait3A_215 = tpu.memref_slice %arg3[%dma_wait3A_214] : memref<320000xi32, #tpu.memory_space<hbm>> -> memref<80xi32, #tpu.memory_space<hbm>>
      tpu.wait_dma2 semaphore(%arg24 : memref<!tpu.dma_semaphore, #tpu.memory_space<semaphore_mem>>) src(%dma_wait3A_215 : memref<80xi32, #tpu.memory_space<hbm>>) dst(%arg6 : memref<80xi32, #tpu.memory_space<vmem>>)
      %dma_wait3A_216 = arith.constant 0 : i32
      %dma_wait3A_217 = tpu.memref_slice %arg3[%dma_wait3A_216] : memref<320000xi32, #tpu.memory_space<hbm>> -> memref<80xi32, #tpu.memory_space<hbm>>
      %dma_wait3A_218 = arith.constant 0 : i32
      %dma_wait3A_219 = tpu.memref_slice %arg3[%dma_wait3A_218] : memref<320000xi32, #tpu.memory_space<hbm>> -> memref<80xi32, #tpu.memory_space<hbm>>
      tpu.wait_dma2 semaphore(%arg24 : memref<!tpu.dma_semaphore, #tpu.memory_space<semaphore_mem>>) src(%dma_wait3A_219 : memref<80xi32, #tpu.memory_space<hbm>>) dst(%arg6 : memref<80xi32, #tpu.memory_space<vmem>>)
      %dma_start3A_220 = arith.constant 0 : i32
      %dma_start3A_221 = arith.constant 0 : i32
      %dma_start3A_222 = tpu.memref_slice %arg2[%dma_start3A_220, %dma_start3A_221] : memref<10000x128xf32, #tpu.memory_space<hbm>> -> memref<10000x128xf32, #tpu.memory_space<hbm>>
      tpu.enqueue_indirect_dma source(%dma_start3A_222 : memref<10000x128xf32, #tpu.memory_space<hbm>>) target(%arg20 : memref<80x128xf32, #tpu.memory_space<vmem>>) offsets(%arg11 : memref<80xi32, #tpu.memory_space<vmem>>) semaphore(%arg22 : memref<!tpu.dma_semaphore, #tpu.memory_space<semaphore_mem>>)
    } else {
    }
    %dma_wait3A_163 = arith.constant 0 : i32
    %dma_wait3A_164 = arith.constant 0 : i32
    %dma_wait3A_165 = tpu.memref_slice %arg2[%dma_wait3A_163, %dma_wait3A_164] : memref<10000x128xf32, #tpu.memory_space<hbm>> -> memref<10000x128xf32, #tpu.memory_space<hbm>>
    tpu.wait_indirect_dma semaphore(%arg22 : memref<!tpu.dma_semaphore, #tpu.memory_space<semaphore_mem>>) src(%dma_wait3A_165 : memref<10000x128xf32, #tpu.memory_space<hbm>>) dst(%arg18 : memref<80x128xf32, #tpu.memory_space<vmem>>)
    %dma_start3A_166 = arith.constant 0 : i32
    %dma_start3A_167 = arith.constant 0 : i32
    %dma_start3A_168 = tpu.memref_slice %arg21[%dma_start3A_166, %dma_start3A_167] : memref<10000x128xf32, #tpu.memory_space<vmem_shared>> -> memref<10000x128xf32, #tpu.memory_space<vmem_shared>>
    tpu.enqueue_indirect_dma source(%arg19 : memref<80x128xf32, #tpu.memory_space<vmem>>) target(%dma_start3A_168 : memref<10000x128xf32, #tpu.memory_space<vmem_shared>>) offsets(%arg16 : memref<80xi32, #tpu.memory_space<vmem>>) semaphore(%arg23 : memref<!tpu.dma_semaphore, #tpu.memory_space<semaphore_mem>>) {add = true}
    %ge3A_169 = arith.constant 124 : i32
    %ge3A_170 = arith.constant 1 : i32
    %ge3A_171 = arith.cmpi sge, %ge3A_169, %ge3A_170 : i32
    %convert_element_type3A_172 = arith.extui %ge3A_171 : i1 to i32
    %cond3A_173 = arith.constant 0 : i32
    %cond3A_174 = arith.cmpi ne, %convert_element_type3A_172, %cond3A_173 : i32
    scf.if %cond3A_174 {
      %dma_wait3A_212 = arith.constant 0 : i32
      %dma_wait3A_213 = arith.constant 0 : i32
      %dma_wait3A_214 = tpu.memref_slice %arg21[%dma_wait3A_212, %dma_wait3A_213] : memref<10000x128xf32, #tpu.memory_space<vmem_shared>> -> memref<10000x128xf32, #tpu.memory_space<vmem_shared>>
      tpu.wait_indirect_dma semaphore(%arg23 : memref<!tpu.dma_semaphore, #tpu.memory_space<semaphore_mem>>) src(%arg18 : memref<80x128xf32, #tpu.memory_space<vmem>>) dst(%dma_wait3A_214 : memref<10000x128xf32, #tpu.memory_space<vmem_shared>>)
    } else {
    }
    %add3A_175 = arith.constant 124 : i32
    %add3A_176 = arith.constant 3 : i32
    %add3A_177 = arith.addi %add3A_175, %add3A_176 : i32
    %lt3A_178 = arith.constant 125 : i32
    %lt3A_179 = arith.cmpi slt, %add3A_177, %lt3A_178 : i32
    %convert_element_type3A_180 = arith.extui %lt3A_179 : i1 to i32
    %cond3A_181 = arith.constant 124 : i32
    %cond3A_182 = arith.constant 0 : i32
    %cond3A_183 = arith.cmpi ne, %convert_element_type3A_180, %cond3A_182 : i32
    scf.if %cond3A_183 {
      %add3A_212 = arith.constant 3 : i32
      %add3A_213 = arith.addi %cond3A_181, %add3A_212 : i32
      %mul3A_214 = arith.constant 80 : i32
      %mul3A_215 = arith.muli %add3A_213, %mul3A_214 : i32
      %add3A_216 = arith.addi %mul3A_2, %mul3A_215 : i32
      %multiple_of3A = tpu.assume_multiple %add3A_216, 8 : i32
      %dma_start3A_217 = tpu.memref_slice %arg3[%multiple_of3A] : memref<320000xi32, #tpu.memory_space<hbm>> -> memref<80xi32, #tpu.memory_space<hbm>>
      %dma_start3A_218 = tpu.memref_slice %arg3[%multiple_of3A] : memref<320000xi32, #tpu.memory_space<hbm>> -> memref<80xi32, #tpu.memory_space<hbm>>
      tpu.enqueue_dma source(%dma_start3A_218 : memref<80xi32, #tpu.memory_space<hbm>>) target(%arg7 : memref<80xi32, #tpu.memory_space<vmem>>) target_semaphore(%arg24 : memref<!tpu.dma_semaphore, #tpu.memory_space<semaphore_mem>>)
      %dma_start3A_219 = tpu.memref_slice %arg4[%multiple_of3A] : memref<320000xi32, #tpu.memory_space<hbm>> -> memref<80xi32, #tpu.memory_space<hbm>>
      %dma_start3A_220 = tpu.memref_slice %arg4[%multiple_of3A] : memref<320000xi32, #tpu.memory_space<hbm>> -> memref<80xi32, #tpu.memory_space<hbm>>
      tpu.enqueue_dma source(%dma_start3A_220 : memref<80xi32, #tpu.memory_space<hbm>>) target(%arg13 : memref<80xi32, #tpu.memory_space<vmem>>) target_semaphore(%arg24 : memref<!tpu.dma_semaphore, #tpu.memory_space<semaphore_mem>>)
    } else {
    }
    %ge3A_184 = arith.constant 124 : i32
    %ge3A_185 = arith.constant 1 : i32
    %ge3A_186 = arith.cmpi sge, %ge3A_184, %ge3A_185 : i32
    %add3A_187 = arith.constant 124 : i32
    %add3A_188 = arith.constant 2 : i32
    %add3A_189 = arith.addi %add3A_187, %add3A_188 : i32
    %lt3A_190 = arith.constant 125 : i32
    %lt3A_191 = arith.cmpi slt, %add3A_189, %lt3A_190 : i32
    %and3A_192 = arith.andi %ge3A_186, %lt3A_191 : i1
    %convert_element_type3A_193 = arith.extui %and3A_192 : i1 to i32
    %cond3A_194 = arith.constant 0 : i32
    %cond3A_195 = arith.cmpi ne, %convert_element_type3A_193, %cond3A_194 : i32
    scf.if %cond3A_195 {
      %dma_wait3A_212 = arith.constant 0 : i32
      %dma_wait3A_213 = tpu.memref_slice %arg3[%dma_wait3A_212] : memref<320000xi32, #tpu.memory_space<hbm>> -> memref<80xi32, #tpu.memory_space<hbm>>
      %dma_wait3A_214 = arith.constant 0 : i32
      %dma_wait3A_215 = tpu.memref_slice %arg3[%dma_wait3A_214] : memref<320000xi32, #tpu.memory_space<hbm>> -> memref<80xi32, #tpu.memory_space<hbm>>
      tpu.wait_dma2 semaphore(%arg24 : memref<!tpu.dma_semaphore, #tpu.memory_space<semaphore_mem>>) src(%dma_wait3A_215 : memref<80xi32, #tpu.memory_space<hbm>>) dst(%arg6 : memref<80xi32, #tpu.memory_space<vmem>>)
      %dma_wait3A_216 = arith.constant 0 : i32
      %dma_wait3A_217 = tpu.memref_slice %arg3[%dma_wait3A_216] : memref<320000xi32, #tpu.memory_space<hbm>> -> memref<80xi32, #tpu.memory_space<hbm>>
      %dma_wait3A_218 = arith.constant 0 : i32
      %dma_wait3A_219 = tpu.memref_slice %arg3[%dma_wait3A_218] : memref<320000xi32, #tpu.memory_space<hbm>> -> memref<80xi32, #tpu.memory_space<hbm>>
      tpu.wait_dma2 semaphore(%arg24 : memref<!tpu.dma_semaphore, #tpu.memory_space<semaphore_mem>>) src(%dma_wait3A_219 : memref<80xi32, #tpu.memory_space<hbm>>) dst(%arg6 : memref<80xi32, #tpu.memory_space<vmem>>)
      %dma_start3A_220 = arith.constant 0 : i32
      %dma_start3A_221 = arith.constant 0 : i32
      %dma_start3A_222 = tpu.memref_slice %arg2[%dma_start3A_220, %dma_start3A_221] : memref<10000x128xf32, #tpu.memory_space<hbm>> -> memref<10000x128xf32, #tpu.memory_space<hbm>>
      tpu.enqueue_indirect_dma source(%dma_start3A_222 : memref<10000x128xf32, #tpu.memory_space<hbm>>) target(%arg18 : memref<80x128xf32, #tpu.memory_space<vmem>>) offsets(%arg6 : memref<80xi32, #tpu.memory_space<vmem>>) semaphore(%arg22 : memref<!tpu.dma_semaphore, #tpu.memory_space<semaphore_mem>>)
    } else {
    }
    %dma_wait3A_196 = arith.constant 0 : i32
    %dma_wait3A_197 = arith.constant 0 : i32
    %dma_wait3A_198 = tpu.memref_slice %arg21[%dma_wait3A_196, %dma_wait3A_197] : memref<10000x128xf32, #tpu.memory_space<vmem_shared>> -> memref<10000x128xf32, #tpu.memory_space<vmem_shared>>
    tpu.wait_indirect_dma semaphore(%arg23 : memref<!tpu.dma_semaphore, #tpu.memory_space<semaphore_mem>>) src(%arg18 : memref<80x128xf32, #tpu.memory_space<vmem>>) dst(%dma_wait3A_198 : memref<10000x128xf32, #tpu.memory_space<vmem_shared>>)
    %barrier3A_199 = arith.constant 0 : index
    tpu.barrier barrier_id(%barrier3A_199)
    %mul3A_200 = arith.constant 10000 : i32
    %mul3A_201 = arith.muli %arg0, %mul3A_200 : i32
    %lt3A_202 = arith.constant 15 : i32
    %lt3A_203 = arith.cmpi slt, %arg1, %lt3A_202 : i32
    %convert_element_type3A_204 = arith.extui %lt3A_203 : i1 to i32
    %cond3A_205 = arith.constant 0 : i32
    %cond3A_206 = arith.cmpi ne, %convert_element_type3A_204, %cond3A_205 : i32
    scf.if %cond3A_206 {
      %mul3A_212 = arith.constant 624 : i32
      %mul3A_213 = arith.muli %arg1, %mul3A_212 : i32
      %multiple_of3A = tpu.assume_multiple %mul3A_213, 16 : i32
      %add3A_214 = arith.constant 0 : i32
      %add3A_215 = arith.addi %add3A_214, %multiple_of3A : i32
      %add3A_216 = arith.addi %mul3A_201, %multiple_of3A : i32
      "tpu.region"() ({
        %run_scoped3A = tpu.sem_alloc : memref<!tpu.dma_semaphore, #tpu.memory_space<semaphore_mem>>
        %dma_start3A_217 = arith.constant 0 : i32
        %dma_start3A_218 = tpu.memref_slice %arg5[%add3A_216, %dma_start3A_217] : memref<20000x128xf32, #tpu.memory_space<hbm>> -> memref<624x128xf32, #tpu.memory_space<hbm>>
        %dma_start3A_219 = arith.constant 0 : i32
        %dma_start3A_220 = tpu.memref_slice %arg21[%add3A_215, %dma_start3A_219] : memref<10000x128xf32, #tpu.memory_space<vmem_shared>> -> memref<624x128xf32, #tpu.memory_space<vmem_shared>>
        tpu.enqueue_dma source(%dma_start3A_220 : memref<624x128xf32, #tpu.memory_space<vmem_shared>>) target(%dma_start3A_218 : memref<624x128xf32, #tpu.memory_space<hbm>>) target_semaphore(%run_scoped3A : memref<!tpu.dma_semaphore, #tpu.memory_space<semaphore_mem>>)
        %dma_wait3A_221 = arith.constant 0 : i32
        %dma_wait3A_222 = tpu.memref_slice %arg5[%add3A_216, %dma_wait3A_221] : memref<20000x128xf32, #tpu.memory_space<hbm>> -> memref<624x128xf32, #tpu.memory_space<hbm>>
        %dma_wait3A_223 = arith.constant 0 : i32
        %dma_wait3A_224 = tpu.memref_slice %arg21[%add3A_215, %dma_wait3A_223] : memref<10000x128xf32, #tpu.memory_space<vmem_shared>> -> memref<624x128xf32, #tpu.memory_space<vmem_shared>>
        tpu.wait_dma2 semaphore(%run_scoped3A : memref<!tpu.dma_semaphore, #tpu.memory_space<semaphore_mem>>) src(%dma_wait3A_224 : memref<624x128xf32, #tpu.memory_space<vmem_shared>>) dst(%dma_wait3A_222 : memref<624x128xf32, #tpu.memory_space<hbm>>)
        tpu.yield
      }) : () -> ()
    } else {
    }
    %eq3A_207 = arith.constant 15 : i32
    %eq3A_208 = arith.cmpi eq, %arg1, %eq3A_207 : i32
    %convert_element_type3A_209 = arith.extui %eq3A_208 : i1 to i32
    %cond3A_210 = arith.constant 0 : i32
    %cond3A_211 = arith.cmpi ne, %convert_element_type3A_209, %cond3A_210 : i32
    scf.if %cond3A_211 {
      %add3A_212 = arith.constant 9360 : i32
      %add3A_213 = arith.addi %mul3A_201, %add3A_212 : i32
      "tpu.region"() ({
        %run_scoped3A = tpu.sem_alloc : memref<!tpu.dma_semaphore, #tpu.memory_space<semaphore_mem>>
        %dma_start3A_214 = arith.constant 0 : i32
        %dma_start3A_215 = tpu.memref_slice %arg5[%add3A_213, %dma_start3A_214] : memref<20000x128xf32, #tpu.memory_space<hbm>> -> memref<640x128xf32, #tpu.memory_space<hbm>>
        %dma_start3A_216 = arith.constant 9360 : i32
        %dma_start3A_217 = arith.constant 0 : i32
        %dma_start3A_218 = tpu.memref_slice %arg21[%dma_start3A_216, %dma_start3A_217] : memref<10000x128xf32, #tpu.memory_space<vmem_shared>> -> memref<640x128xf32, #tpu.memory_space<vmem_shared>>
        tpu.enqueue_dma source(%dma_start3A_218 : memref<640x128xf32, #tpu.memory_space<vmem_shared>>) target(%dma_start3A_215 : memref<640x128xf32, #tpu.memory_space<hbm>>) target_semaphore(%run_scoped3A : memref<!tpu.dma_semaphore, #tpu.memory_space<semaphore_mem>>)
        %dma_wait3A_219 = arith.constant 0 : i32
        %dma_wait3A_220 = tpu.memref_slice %arg5[%add3A_213, %dma_wait3A_219] : memref<20000x128xf32, #tpu.memory_space<hbm>> -> memref<640x128xf32, #tpu.memory_space<hbm>>
        %dma_wait3A_221 = arith.constant 9360 : i32
        %dma_wait3A_222 = arith.constant 0 : i32
        %dma_wait3A_223 = tpu.memref_slice %arg21[%dma_wait3A_221, %dma_wait3A_222] : memref<10000x128xf32, #tpu.memory_space<vmem_shared>> -> memref<640x128xf32, #tpu.memory_space<vmem_shared>>
        tpu.wait_dma2 semaphore(%run_scoped3A : memref<!tpu.dma_semaphore, #tpu.memory_space<semaphore_mem>>) src(%dma_wait3A_223 : memref<640x128xf32, #tpu.memory_space<vmem_shared>>) dst(%dma_wait3A_220 : memref<640x128xf32, #tpu.memory_space<hbm>>)
        tpu.yield
      }) : () -> ()
    } else {
    }
    return
  }
}

#map = affine_map<(d0, d1) -> (0, 0)>
#map1 = affine_map<(d0, d1) -> (0)>
module attributes {stable_mosaic.version = 14 : i64} {
  func.func @_agg_body(%arg0: i32, %arg1: i32, %arg2: memref<10000x128xf32, #tpu.memory_space<hbm>>, %arg3: memref<320000xi32, #tpu.memory_space<hbm>>, %arg4: memref<320000xi32, #tpu.memory_space<hbm>>, %arg5: memref<20000x128xf32, #tpu.memory_space<hbm>>, %arg6: memref<80xi32, #tpu.memory_space<vmem>>, %arg7: memref<80xi32, #tpu.memory_space<vmem>>, %arg8: memref<80xi32, #tpu.memory_space<vmem>>, %arg9: memref<80xi32, #tpu.memory_space<vmem>>, %arg10: memref<80xi32, #tpu.memory_space<vmem>>, %arg11: memref<80xi32, #tpu.memory_space<vmem>>, %arg12: memref<80xi32, #tpu.memory_space<vmem>>, %arg13: memref<80xi32, #tpu.memory_space<vmem>>, %arg14: memref<80xi32, #tpu.memory_space<vmem>>, %arg15: memref<80xi32, #tpu.memory_space<vmem>>, %arg16: memref<80xi32, #tpu.memory_space<vmem>>, %arg17: memref<80xi32, #tpu.memory_space<vmem>>, %arg18: memref<80x128xf32, #tpu.memory_space<vmem>>, %arg19: memref<80x128xf32, #tpu.memory_space<vmem>>, %arg20: memref<80x128xf32, #tpu.memory_space<vmem>>, %arg21: memref<10000x128xf32, #tpu.memory_space<vmem_shared>>, %arg22: memref<!tpu.dma_semaphore, #tpu.memory_space<semaphore_mem>>, %arg23: memref<!tpu.dma_semaphore, #tpu.memory_space<semaphore_mem>>, %arg24: memref<!tpu.dma_semaphore, #tpu.memory_space<semaphore_mem>>) attributes {dimension_semantics = [#tpu.dimension_semantics<core_parallel>, #tpu.dimension_semantics<subcore_parallel>], iteration_bounds = array<i64: 2, 16>, scalar_prefetch = 0 : i64, scratch_operands = 19 : i64, tpu.core_type = #tpu.core_type<sc_vector_subcore>, window_params = [{transform_indices = #map}, {transform_indices = #map1}, {transform_indices = #map1}, {transform_indices = #map}]} {
    %mul3A = arith.constant 16 : i32
    %mul3A_0 = arith.muli %arg0, %mul3A : i32
    %add3A = arith.addi %mul3A_0, %arg1 : i32
    %mul3A_1 = arith.constant 10000 : i32
    %mul3A_2 = arith.muli %add3A, %mul3A_1 : i32
    %lt3A = arith.constant 15 : i32
    %lt3A_3 = arith.cmpi slt, %arg1, %lt3A : i32
    %convert_element_type3A = arith.extui %lt3A_3 : i1 to i32
    %cond3A = arith.constant 0 : i32
    %cond3A_4 = arith.cmpi ne, %convert_element_type3A, %cond3A : i32
    scf.if %cond3A_4 {
      %mul3A_212 = arith.constant 624 : i32
      %mul3A_213 = arith.muli %arg1, %mul3A_212 : i32
      %multiple_of3A = tpu.assume_multiple %mul3A_213, 16 : i32
      %add3A_214 = arith.constant 0 : i32
      %add3A_215 = arith.addi %add3A_214, %multiple_of3A : i32
      %add3A_216 = arith.constant 0 : i32
      %add3A_217 = arith.addi %add3A_216, %multiple_of3A : i32
      "tpu.region"() ({
        %run_scoped3A = tpu.sem_alloc : memref<!tpu.dma_semaphore, #tpu.memory_space<semaphore_mem>>
        %dma_start3A_218 = arith.constant 0 : i32
        %dma_start3A_219 = tpu.memref_slice %arg21[%add3A_217, %dma_start3A_218] : memref<10000x128xf32, #tpu.memory_space<vmem_shared>> -> memref<624x128xf32, #tpu.memory_space<vmem_shared>>
        %dma_start3A_220 = arith.constant 0 : i32
        %dma_start3A_221 = tpu.memref_slice %arg2[%add3A_215, %dma_start3A_220] : memref<10000x128xf32, #tpu.memory_space<hbm>> -> memref<624x128xf32, #tpu.memory_space<hbm>>
        tpu.enqueue_dma source(%dma_start3A_221 : memref<624x128xf32, #tpu.memory_space<hbm>>) target(%dma_start3A_219 : memref<624x128xf32, #tpu.memory_space<vmem_shared>>) target_semaphore(%run_scoped3A : memref<!tpu.dma_semaphore, #tpu.memory_space<semaphore_mem>>)
        %dma_wait3A_222 = arith.constant 0 : i32
        %dma_wait3A_223 = tpu.memref_slice %arg21[%add3A_217, %dma_wait3A_222] : memref<10000x128xf32, #tpu.memory_space<vmem_shared>> -> memref<624x128xf32, #tpu.memory_space<vmem_shared>>
        %dma_wait3A_224 = arith.constant 0 : i32
        %dma_wait3A_225 = tpu.memref_slice %arg2[%add3A_215, %dma_wait3A_224] : memref<10000x128xf32, #tpu.memory_space<hbm>> -> memref<624x128xf32, #tpu.memory_space<hbm>>
        tpu.wait_dma2 semaphore(%run_scoped3A : memref<!tpu.dma_semaphore, #tpu.memory_space<semaphore_mem>>) src(%dma_wait3A_225 : memref<624x128xf32, #tpu.memory_space<hbm>>) dst(%dma_wait3A_223 : memref<624x128xf32, #tpu.memory_space<vmem_shared>>)
        tpu.yield
      }) : () -> ()
    } else {
    }
    %eq3A = arith.constant 15 : i32
    %eq3A_5 = arith.cmpi eq, %arg1, %eq3A : i32
    %convert_element_type3A_6 = arith.extui %eq3A_5 : i1 to i32
    %cond3A_7 = arith.constant 0 : i32
    %cond3A_8 = arith.cmpi ne, %convert_element_type3A_6, %cond3A_7 : i32
    scf.if %cond3A_8 {
      "tpu.region"() ({
        %run_scoped3A = tpu.sem_alloc : memref<!tpu.dma_semaphore, #tpu.memory_space<semaphore_mem>>
        %dma_start3A_212 = arith.constant 9360 : i32
        %dma_start3A_213 = arith.constant 0 : i32
        %dma_start3A_214 = tpu.memref_slice %arg21[%dma_start3A_212, %dma_start3A_213] : memref<10000x128xf32, #tpu.memory_space<vmem_shared>> -> memref<640x128xf32, #tpu.memory_space<vmem_shared>>
        %dma_start3A_215 = arith.constant 9360 : i32
        %dma_start3A_216 = arith.constant 0 : i32
        %dma_start3A_217 = tpu.memref_slice %arg2[%dma_start3A_215, %dma_start3A_216] : memref<10000x128xf32, #tpu.memory_space<hbm>> -> memref<640x128xf32, #tpu.memory_space<hbm>>
        tpu.enqueue_dma source(%dma_start3A_217 : memref<640x128xf32, #tpu.memory_space<hbm>>) target(%dma_start3A_214 : memref<640x128xf32, #tpu.memory_space<vmem_shared>>) target_semaphore(%run_scoped3A : memref<!tpu.dma_semaphore, #tpu.memory_space<semaphore_mem>>)
        %dma_wait3A_218 = arith.constant 9360 : i32
        %dma_wait3A_219 = arith.constant 0 : i32
        %dma_wait3A_220 = tpu.memref_slice %arg21[%dma_wait3A_218, %dma_wait3A_219] : memref<10000x128xf32, #tpu.memory_space<vmem_shared>> -> memref<640x128xf32, #tpu.memory_space<vmem_shared>>
        %dma_wait3A_221 = arith.constant 9360 : i32
        %dma_wait3A_222 = arith.constant 0 : i32
        %dma_wait3A_223 = tpu.memref_slice %arg2[%dma_wait3A_221, %dma_wait3A_222] : memref<10000x128xf32, #tpu.memory_space<hbm>> -> memref<640x128xf32, #tpu.memory_space<hbm>>
        tpu.wait_dma2 semaphore(%run_scoped3A : memref<!tpu.dma_semaphore, #tpu.memory_space<semaphore_mem>>) src(%dma_wait3A_223 : memref<640x128xf32, #tpu.memory_space<hbm>>) dst(%dma_wait3A_220 : memref<640x128xf32, #tpu.memory_space<vmem_shared>>)
        tpu.yield
      }) : () -> ()
    } else {
    }
    %add3A_9 = arith.constant 0 : i32
    %add3A_10 = arith.addi %mul3A_2, %add3A_9 : i32
    "tpu.region"() ({
      %run_scoped3A = tpu.sem_alloc : memref<!tpu.dma_semaphore, #tpu.memory_space<semaphore_mem>>
      %dma_start3A_212 = tpu.memref_slice %arg3[%add3A_10] : memref<320000xi32, #tpu.memory_space<hbm>> -> memref<80xi32, #tpu.memory_space<hbm>>
      %dma_start3A_213 = tpu.memref_slice %arg3[%add3A_10] : memref<320000xi32, #tpu.memory_space<hbm>> -> memref<80xi32, #tpu.memory_space<hbm>>
      tpu.enqueue_dma source(%dma_start3A_213 : memref<80xi32, #tpu.memory_space<hbm>>) target(%arg6 : memref<80xi32, #tpu.memory_space<vmem>>) target_semaphore(%run_scoped3A : memref<!tpu.dma_semaphore, #tpu.memory_space<semaphore_mem>>)
      %dma_wait3A_214 = tpu.memref_slice %arg3[%add3A_10] : memref<320000xi32, #tpu.memory_space<hbm>> -> memref<80xi32, #tpu.memory_space<hbm>>
      %dma_wait3A_215 = tpu.memref_slice %arg3[%add3A_10] : memref<320000xi32, #tpu.memory_space<hbm>> -> memref<80xi32, #tpu.memory_space<hbm>>
      tpu.wait_dma2 semaphore(%run_scoped3A : memref<!tpu.dma_semaphore, #tpu.memory_space<semaphore_mem>>) src(%dma_wait3A_215 : memref<80xi32, #tpu.memory_space<hbm>>) dst(%arg6 : memref<80xi32, #tpu.memory_space<vmem>>)
      tpu.yield
    }) : () -> ()
    %add3A_11 = arith.constant 0 : i32
    %add3A_12 = arith.addi %mul3A_2, %add3A_11 : i32
    "tpu.region"() ({
      %run_scoped3A = tpu.sem_alloc : memref<!tpu.dma_semaphore, #tpu.memory_space<semaphore_mem>>
      %dma_start3A_212 = tpu.memref_slice %arg4[%add3A_12] : memref<320000xi32, #tpu.memory_space<hbm>> -> memref<80xi32, #tpu.memory_space<hbm>>
      %dma_start3A_213 = tpu.memref_slice %arg4[%add3A_12] : memref<320000xi32, #tpu.memory_space<hbm>> -> memref<80xi32, #tpu.memory_space<hbm>>
      tpu.enqueue_dma source(%dma_start3A_213 : memref<80xi32, #tpu.memory_space<hbm>>) target(%arg12 : memref<80xi32, #tpu.memory_space<vmem>>) target_semaphore(%run_scoped3A : memref<!tpu.dma_semaphore, #tpu.memory_space<semaphore_mem>>)
      %dma_wait3A_214 = tpu.memref_slice %arg4[%add3A_12] : memref<320000xi32, #tpu.memory_space<hbm>> -> memref<80xi32, #tpu.memory_space<hbm>>
      %dma_wait3A_215 = tpu.memref_slice %arg4[%add3A_12] : memref<320000xi32, #tpu.memory_space<hbm>> -> memref<80xi32, #tpu.memory_space<hbm>>
      tpu.wait_dma2 semaphore(%run_scoped3A : memref<!tpu.dma_semaphore, #tpu.memory_space<semaphore_mem>>) src(%dma_wait3A_215 : memref<80xi32, #tpu.memory_space<hbm>>) dst(%arg12 : memref<80xi32, #tpu.memory_space<vmem>>)
      tpu.yield
    }) : () -> ()
    %add3A_13 = arith.constant 80 : i32
    %add3A_14 = arith.addi %mul3A_2, %add3A_13 : i32
    "tpu.region"() ({
      %run_scoped3A = tpu.sem_alloc : memref<!tpu.dma_semaphore, #tpu.memory_space<semaphore_mem>>
      %dma_start3A_212 = tpu.memref_slice %arg3[%add3A_14] : memref<320000xi32, #tpu.memory_space<hbm>> -> memref<80xi32, #tpu.memory_space<hbm>>
      %dma_start3A_213 = tpu.memref_slice %arg3[%add3A_14] : memref<320000xi32, #tpu.memory_space<hbm>> -> memref<80xi32, #tpu.memory_space<hbm>>
      tpu.enqueue_dma source(%dma_start3A_213 : memref<80xi32, #tpu.memory_space<hbm>>) target(%arg7 : memref<80xi32, #tpu.memory_space<vmem>>) target_semaphore(%run_scoped3A : memref<!tpu.dma_semaphore, #tpu.memory_space<semaphore_mem>>)
      %dma_wait3A_214 = tpu.memref_slice %arg3[%add3A_14] : memref<320000xi32, #tpu.memory_space<hbm>> -> memref<80xi32, #tpu.memory_space<hbm>>
      %dma_wait3A_215 = tpu.memref_slice %arg3[%add3A_14] : memref<320000xi32, #tpu.memory_space<hbm>> -> memref<80xi32, #tpu.memory_space<hbm>>
      tpu.wait_dma2 semaphore(%run_scoped3A : memref<!tpu.dma_semaphore, #tpu.memory_space<semaphore_mem>>) src(%dma_wait3A_215 : memref<80xi32, #tpu.memory_space<hbm>>) dst(%arg7 : memref<80xi32, #tpu.memory_space<vmem>>)
      tpu.yield
    }) : () -> ()
    %add3A_15 = arith.constant 80 : i32
    %add3A_16 = arith.addi %mul3A_2, %add3A_15 : i32
    "tpu.region"() ({
      %run_scoped3A = tpu.sem_alloc : memref<!tpu.dma_semaphore, #tpu.memory_space<semaphore_mem>>
      %dma_start3A_212 = tpu.memref_slice %arg4[%add3A_16] : memref<320000xi32, #tpu.memory_space<hbm>> -> memref<80xi32, #tpu.memory_space<hbm>>
      %dma_start3A_213 = tpu.memref_slice %arg4[%add3A_16] : memref<320000xi32, #tpu.memory_space<hbm>> -> memref<80xi32, #tpu.memory_space<hbm>>
      tpu.enqueue_dma source(%dma_start3A_213 : memref<80xi32, #tpu.memory_space<hbm>>) target(%arg13 : memref<80xi32, #tpu.memory_space<vmem>>) target_semaphore(%run_scoped3A : memref<!tpu.dma_semaphore, #tpu.memory_space<semaphore_mem>>)
      %dma_wait3A_214 = tpu.memref_slice %arg4[%add3A_16] : memref<320000xi32, #tpu.memory_space<hbm>> -> memref<80xi32, #tpu.memory_space<hbm>>
      %dma_wait3A_215 = tpu.memref_slice %arg4[%add3A_16] : memref<320000xi32, #tpu.memory_space<hbm>> -> memref<80xi32, #tpu.memory_space<hbm>>
      tpu.wait_dma2 semaphore(%run_scoped3A : memref<!tpu.dma_semaphore, #tpu.memory_space<semaphore_mem>>) src(%dma_wait3A_215 : memref<80xi32, #tpu.memory_space<hbm>>) dst(%arg13 : memref<80xi32, #tpu.memory_space<vmem>>)
      tpu.yield
    }) : () -> ()
    %add3A_17 = arith.constant 160 : i32
    %add3A_18 = arith.addi %mul3A_2, %add3A_17 : i32
    "tpu.region"() ({
      %run_scoped3A = tpu.sem_alloc : memref<!tpu.dma_semaphore, #tpu.memory_space<semaphore_mem>>
      %dma_start3A_212 = tpu.memref_slice %arg3[%add3A_18] : memref<320000xi32, #tpu.memory_space<hbm>> -> memref<80xi32, #tpu.memory_space<hbm>>
      %dma_start3A_213 = tpu.memref_slice %arg3[%add3A_18] : memref<320000xi32, #tpu.memory_space<hbm>> -> memref<80xi32, #tpu.memory_space<hbm>>
      tpu.enqueue_dma source(%dma_start3A_213 : memref<80xi32, #tpu.memory_space<hbm>>) target(%arg8 : memref<80xi32, #tpu.memory_space<vmem>>) target_semaphore(%run_scoped3A : memref<!tpu.dma_semaphore, #tpu.memory_space<semaphore_mem>>)
      %dma_wait3A_214 = tpu.memref_slice %arg3[%add3A_18] : memref<320000xi32, #tpu.memory_space<hbm>> -> memref<80xi32, #tpu.memory_space<hbm>>
      %dma_wait3A_215 = tpu.memref_slice %arg3[%add3A_18] : memref<320000xi32, #tpu.memory_space<hbm>> -> memref<80xi32, #tpu.memory_space<hbm>>
      tpu.wait_dma2 semaphore(%run_scoped3A : memref<!tpu.dma_semaphore, #tpu.memory_space<semaphore_mem>>) src(%dma_wait3A_215 : memref<80xi32, #tpu.memory_space<hbm>>) dst(%arg8 : memref<80xi32, #tpu.memory_space<vmem>>)
      tpu.yield
    }) : () -> ()
    %add3A_19 = arith.constant 160 : i32
    %add3A_20 = arith.addi %mul3A_2, %add3A_19 : i32
    "tpu.region"() ({
      %run_scoped3A = tpu.sem_alloc : memref<!tpu.dma_semaphore, #tpu.memory_space<semaphore_mem>>
      %dma_start3A_212 = tpu.memref_slice %arg4[%add3A_20] : memref<320000xi32, #tpu.memory_space<hbm>> -> memref<80xi32, #tpu.memory_space<hbm>>
      %dma_start3A_213 = tpu.memref_slice %arg4[%add3A_20] : memref<320000xi32, #tpu.memory_space<hbm>> -> memref<80xi32, #tpu.memory_space<hbm>>
      tpu.enqueue_dma source(%dma_start3A_213 : memref<80xi32, #tpu.memory_space<hbm>>) target(%arg14 : memref<80xi32, #tpu.memory_space<vmem>>) target_semaphore(%run_scoped3A : memref<!tpu.dma_semaphore, #tpu.memory_space<semaphore_mem>>)
      %dma_wait3A_214 = tpu.memref_slice %arg4[%add3A_20] : memref<320000xi32, #tpu.memory_space<hbm>> -> memref<80xi32, #tpu.memory_space<hbm>>
      %dma_wait3A_215 = tpu.memref_slice %arg4[%add3A_20] : memref<320000xi32, #tpu.memory_space<hbm>> -> memref<80xi32, #tpu.memory_space<hbm>>
      tpu.wait_dma2 semaphore(%run_scoped3A : memref<!tpu.dma_semaphore, #tpu.memory_space<semaphore_mem>>) src(%dma_wait3A_215 : memref<80xi32, #tpu.memory_space<hbm>>) dst(%arg14 : memref<80xi32, #tpu.memory_space<vmem>>)
      tpu.yield
    }) : () -> ()
    %barrier3A = arith.constant 0 : index
    tpu.barrier barrier_id(%barrier3A)
    %dma_start3A = arith.constant 0 : i32
    %dma_start3A_21 = arith.constant 0 : i32
    %dma_start3A_22 = tpu.memref_slice %arg2[%dma_start3A, %dma_start3A_21] : memref<10000x128xf32, #tpu.memory_space<hbm>> -> memref<10000x128xf32, #tpu.memory_space<hbm>>
    tpu.enqueue_indirect_dma source(%dma_start3A_22 : memref<10000x128xf32, #tpu.memory_space<hbm>>) target(%arg18 : memref<80x128xf32, #tpu.memory_space<vmem>>) offsets(%arg6 : memref<80xi32, #tpu.memory_space<vmem>>) semaphore(%arg22 : memref<!tpu.dma_semaphore, #tpu.memory_space<semaphore_mem>>)
    %dma_start3A_23 = arith.constant 0 : i32
    %dma_start3A_24 = arith.constant 0 : i32
    %dma_start3A_25 = tpu.memref_slice %arg2[%dma_start3A_23, %dma_start3A_24] : memref<10000x128xf32, #tpu.memory_space<hbm>> -> memref<10000x128xf32, #tpu.memory_space<hbm>>
    tpu.enqueue_indirect_dma source(%dma_start3A_25 : memref<10000x128xf32, #tpu.memory_space<hbm>>) target(%arg19 : memref<80x128xf32, #tpu.memory_space<vmem>>) offsets(%arg7 : memref<80xi32, #tpu.memory_space<vmem>>) semaphore(%arg22 : memref<!tpu.dma_semaphore, #tpu.memory_space<semaphore_mem>>)
    %dma_start3A_26 = arith.constant 0 : i32
    %dma_start3A_27 = arith.constant 0 : i32
    %dma_start3A_28 = tpu.memref_slice %arg2[%dma_start3A_26, %dma_start3A_27] : memref<10000x128xf32, #tpu.memory_space<hbm>> -> memref<10000x128xf32, #tpu.memory_space<hbm>>
    tpu.enqueue_indirect_dma source(%dma_start3A_28 : memref<10000x128xf32, #tpu.memory_space<hbm>>) target(%arg20 : memref<80x128xf32, #tpu.memory_space<vmem>>) offsets(%arg8 : memref<80xi32, #tpu.memory_space<vmem>>) semaphore(%arg22 : memref<!tpu.dma_semaphore, #tpu.memory_space<semaphore_mem>>)
    %scan3A = arith.constant 0 : i32
    %scan3A_29 = arith.constant 0 : i32
    %scan3A_30 = arith.constant 20 : i32
    %scan3A_31 = arith.addi %scan3A_29, %scan3A_30 : i32
    %scan3A_32 = arith.constant 1 : i32
    scf.for %scan3A_212 = %scan3A_29 to %scan3A_31 step %scan3A_32  : i32 {
      %mul3A_213 = arith.constant 6 : i32
      %mul3A_214 = arith.muli %mul3A_213, %scan3A_212 : i32
      %add3A_215 = arith.constant 0 : i32
      %add3A_216 = arith.addi %mul3A_214, %add3A_215 : i32
      %dma_wait3A_217 = arith.constant 0 : i32
      %dma_wait3A_218 = arith.constant 0 : i32
      %dma_wait3A_219 = tpu.memref_slice %arg2[%dma_wait3A_217, %dma_wait3A_218] : memref<10000x128xf32, #tpu.memory_space<hbm>> -> memref<10000x128xf32, #tpu.memory_space<hbm>>
      tpu.wait_indirect_dma semaphore(%arg22 : memref<!tpu.dma_semaphore, #tpu.memory_space<semaphore_mem>>) src(%dma_wait3A_219 : memref<10000x128xf32, #tpu.memory_space<hbm>>) dst(%arg18 : memref<80x128xf32, #tpu.memory_space<vmem>>)
      %dma_start3A_220 = arith.constant 0 : i32
      %dma_start3A_221 = arith.constant 0 : i32
      %dma_start3A_222 = tpu.memref_slice %arg21[%dma_start3A_220, %dma_start3A_221] : memref<10000x128xf32, #tpu.memory_space<vmem_shared>> -> memref<10000x128xf32, #tpu.memory_space<vmem_shared>>
      tpu.enqueue_indirect_dma source(%arg18 : memref<80x128xf32, #tpu.memory_space<vmem>>) target(%dma_start3A_222 : memref<10000x128xf32, #tpu.memory_space<vmem_shared>>) offsets(%arg12 : memref<80xi32, #tpu.memory_space<vmem>>) semaphore(%arg23 : memref<!tpu.dma_semaphore, #tpu.memory_space<semaphore_mem>>) {add = true}
      %ge3A_223 = arith.constant 1 : i32
      %ge3A_224 = arith.cmpi sge, %add3A_216, %ge3A_223 : i32
      %convert_element_type3A_225 = arith.extui %ge3A_224 : i1 to i32
      %cond3A_226 = arith.constant 0 : i32
      %cond3A_227 = arith.cmpi ne, %convert_element_type3A_225, %cond3A_226 : i32
      scf.if %cond3A_227 {
        %dma_wait3A_395 = arith.constant 0 : i32
        %dma_wait3A_396 = arith.constant 0 : i32
        %dma_wait3A_397 = tpu.memref_slice %arg21[%dma_wait3A_395, %dma_wait3A_396] : memref<10000x128xf32, #tpu.memory_space<vmem_shared>> -> memref<10000x128xf32, #tpu.memory_space<vmem_shared>>
        tpu.wait_indirect_dma semaphore(%arg23 : memref<!tpu.dma_semaphore, #tpu.memory_space<semaphore_mem>>) src(%arg18 : memref<80x128xf32, #tpu.memory_space<vmem>>) dst(%dma_wait3A_397 : memref<10000x128xf32, #tpu.memory_space<vmem_shared>>)
      } else {
      }
      %add3A_228 = arith.constant 3 : i32
      %add3A_229 = arith.addi %add3A_216, %add3A_228 : i32
      %lt3A_230 = arith.constant 125 : i32
      %lt3A_231 = arith.cmpi slt, %add3A_229, %lt3A_230 : i32
      %convert_element_type3A_232 = arith.extui %lt3A_231 : i1 to i32
      %cond3A_233 = arith.constant 0 : i32
      %cond3A_234 = arith.cmpi ne, %convert_element_type3A_232, %cond3A_233 : i32
      scf.if %cond3A_234 {
        %add3A_395 = arith.constant 3 : i32
        %add3A_396 = arith.addi %add3A_216, %add3A_395 : i32
        %mul3A_397 = arith.constant 80 : i32
        %mul3A_398 = arith.muli %add3A_396, %mul3A_397 : i32
        %add3A_399 = arith.addi %mul3A_2, %mul3A_398 : i32
        %multiple_of3A = tpu.assume_multiple %add3A_399, 8 : i32
        %dma_start3A_400 = tpu.memref_slice %arg3[%multiple_of3A] : memref<320000xi32, #tpu.memory_space<hbm>> -> memref<80xi32, #tpu.memory_space<hbm>>
        %dma_start3A_401 = tpu.memref_slice %arg3[%multiple_of3A] : memref<320000xi32, #tpu.memory_space<hbm>> -> memref<80xi32, #tpu.memory_space<hbm>>
        tpu.enqueue_dma source(%dma_start3A_401 : memref<80xi32, #tpu.memory_space<hbm>>) target(%arg9 : memref<80xi32, #tpu.memory_space<vmem>>) target_semaphore(%arg24 : memref<!tpu.dma_semaphore, #tpu.memory_space<semaphore_mem>>)
        %dma_start3A_402 = tpu.memref_slice %arg4[%multiple_of3A] : memref<320000xi32, #tpu.memory_space<hbm>> -> memref<80xi32, #tpu.memory_space<hbm>>
        %dma_start3A_403 = tpu.memref_slice %arg4[%multiple_of3A] : memref<320000xi32, #tpu.memory_space<hbm>> -> memref<80xi32, #tpu.memory_space<hbm>>
        tpu.enqueue_dma source(%dma_start3A_403 : memref<80xi32, #tpu.memory_space<hbm>>) target(%arg15 : memref<80xi32, #tpu.memory_space<vmem>>) target_semaphore(%arg24 : memref<!tpu.dma_semaphore, #tpu.memory_space<semaphore_mem>>)
      } else {
      }
      %ge3A_235 = arith.constant 1 : i32
      %ge3A_236 = arith.cmpi sge, %add3A_216, %ge3A_235 : i32
      %add3A_237 = arith.constant 2 : i32
      %add3A_238 = arith.addi %add3A_216, %add3A_237 : i32
      %lt3A_239 = arith.constant 125 : i32
      %lt3A_240 = arith.cmpi slt, %add3A_238, %lt3A_239 : i32
      %and3A_241 = arith.andi %ge3A_236, %lt3A_240 : i1
      %convert_element_type3A_242 = arith.extui %and3A_241 : i1 to i32
      %cond3A_243 = arith.constant 0 : i32
      %cond3A_244 = arith.cmpi ne, %convert_element_type3A_242, %cond3A_243 : i32
      scf.if %cond3A_244 {
        %dma_wait3A_395 = arith.constant 0 : i32
        %dma_wait3A_396 = tpu.memref_slice %arg3[%dma_wait3A_395] : memref<320000xi32, #tpu.memory_space<hbm>> -> memref<80xi32, #tpu.memory_space<hbm>>
        %dma_wait3A_397 = arith.constant 0 : i32
        %dma_wait3A_398 = tpu.memref_slice %arg3[%dma_wait3A_397] : memref<320000xi32, #tpu.memory_space<hbm>> -> memref<80xi32, #tpu.memory_space<hbm>>
        tpu.wait_dma2 semaphore(%arg24 : memref<!tpu.dma_semaphore, #tpu.memory_space<semaphore_mem>>) src(%dma_wait3A_398 : memref<80xi32, #tpu.memory_space<hbm>>) dst(%arg6 : memref<80xi32, #tpu.memory_space<vmem>>)
        %dma_wait3A_399 = arith.constant 0 : i32
        %dma_wait3A_400 = tpu.memref_slice %arg3[%dma_wait3A_399] : memref<320000xi32, #tpu.memory_space<hbm>> -> memref<80xi32, #tpu.memory_space<hbm>>
        %dma_wait3A_401 = arith.constant 0 : i32
        %dma_wait3A_402 = tpu.memref_slice %arg3[%dma_wait3A_401] : memref<320000xi32, #tpu.memory_space<hbm>> -> memref<80xi32, #tpu.memory_space<hbm>>
        tpu.wait_dma2 semaphore(%arg24 : memref<!tpu.dma_semaphore, #tpu.memory_space<semaphore_mem>>) src(%dma_wait3A_402 : memref<80xi32, #tpu.memory_space<hbm>>) dst(%arg6 : memref<80xi32, #tpu.memory_space<vmem>>)
        %dma_start3A_403 = arith.constant 0 : i32
        %dma_start3A_404 = arith.constant 0 : i32
        %dma_start3A_405 = tpu.memref_slice %arg2[%dma_start3A_403, %dma_start3A_404] : memref<10000x128xf32, #tpu.memory_space<hbm>> -> memref<10000x128xf32, #tpu.memory_space<hbm>>
        tpu.enqueue_indirect_dma source(%dma_start3A_405 : memref<10000x128xf32, #tpu.memory_space<hbm>>) target(%arg20 : memref<80x128xf32, #tpu.memory_space<vmem>>) offsets(%arg8 : memref<80xi32, #tpu.memory_space<vmem>>) semaphore(%arg22 : memref<!tpu.dma_semaphore, #tpu.memory_space<semaphore_mem>>)
      } else {
      }
      %add3A_245 = arith.constant 1 : i32
      %add3A_246 = arith.addi %mul3A_214, %add3A_245 : i32
      %dma_wait3A_247 = arith.constant 0 : i32
      %dma_wait3A_248 = arith.constant 0 : i32
      %dma_wait3A_249 = tpu.memref_slice %arg2[%dma_wait3A_247, %dma_wait3A_248] : memref<10000x128xf32, #tpu.memory_space<hbm>> -> memref<10000x128xf32, #tpu.memory_space<hbm>>
      tpu.wait_indirect_dma semaphore(%arg22 : memref<!tpu.dma_semaphore, #tpu.memory_space<semaphore_mem>>) src(%dma_wait3A_249 : memref<10000x128xf32, #tpu.memory_space<hbm>>) dst(%arg18 : memref<80x128xf32, #tpu.memory_space<vmem>>)
      %dma_start3A_250 = arith.constant 0 : i32
      %dma_start3A_251 = arith.constant 0 : i32
      %dma_start3A_252 = tpu.memref_slice %arg21[%dma_start3A_250, %dma_start3A_251] : memref<10000x128xf32, #tpu.memory_space<vmem_shared>> -> memref<10000x128xf32, #tpu.memory_space<vmem_shared>>
      tpu.enqueue_indirect_dma source(%arg19 : memref<80x128xf32, #tpu.memory_space<vmem>>) target(%dma_start3A_252 : memref<10000x128xf32, #tpu.memory_space<vmem_shared>>) offsets(%arg13 : memref<80xi32, #tpu.memory_space<vmem>>) semaphore(%arg23 : memref<!tpu.dma_semaphore, #tpu.memory_space<semaphore_mem>>) {add = true}
      %ge3A_253 = arith.constant 1 : i32
      %ge3A_254 = arith.cmpi sge, %add3A_246, %ge3A_253 : i32
      %convert_element_type3A_255 = arith.extui %ge3A_254 : i1 to i32
      %cond3A_256 = arith.constant 0 : i32
      %cond3A_257 = arith.cmpi ne, %convert_element_type3A_255, %cond3A_256 : i32
      scf.if %cond3A_257 {
        %dma_wait3A_395 = arith.constant 0 : i32
        %dma_wait3A_396 = arith.constant 0 : i32
        %dma_wait3A_397 = tpu.memref_slice %arg21[%dma_wait3A_395, %dma_wait3A_396] : memref<10000x128xf32, #tpu.memory_space<vmem_shared>> -> memref<10000x128xf32, #tpu.memory_space<vmem_shared>>
        tpu.wait_indirect_dma semaphore(%arg23 : memref<!tpu.dma_semaphore, #tpu.memory_space<semaphore_mem>>) src(%arg18 : memref<80x128xf32, #tpu.memory_space<vmem>>) dst(%dma_wait3A_397 : memref<10000x128xf32, #tpu.memory_space<vmem_shared>>)
      } else {
      }
      %add3A_258 = arith.constant 3 : i32
      %add3A_259 = arith.addi %add3A_246, %add3A_258 : i32
      %lt3A_260 = arith.constant 125 : i32
      %lt3A_261 = arith.cmpi slt, %add3A_259, %lt3A_260 : i32
      %convert_element_type3A_262 = arith.extui %lt3A_261 : i1 to i32
      %cond3A_263 = arith.constant 0 : i32
      %cond3A_264 = arith.cmpi ne, %convert_element_type3A_262, %cond3A_263 : i32
      scf.if %cond3A_264 {
        %add3A_395 = arith.constant 3 : i32
        %add3A_396 = arith.addi %add3A_246, %add3A_395 : i32
        %mul3A_397 = arith.constant 80 : i32
        %mul3A_398 = arith.muli %add3A_396, %mul3A_397 : i32
        %add3A_399 = arith.addi %mul3A_2, %mul3A_398 : i32
        %multiple_of3A = tpu.assume_multiple %add3A_399, 8 : i32
        %dma_start3A_400 = tpu.memref_slice %arg3[%multiple_of3A] : memref<320000xi32, #tpu.memory_space<hbm>> -> memref<80xi32, #tpu.memory_space<hbm>>
        %dma_start3A_401 = tpu.memref_slice %arg3[%multiple_of3A] : memref<320000xi32, #tpu.memory_space<hbm>> -> memref<80xi32, #tpu.memory_space<hbm>>
        tpu.enqueue_dma source(%dma_start3A_401 : memref<80xi32, #tpu.memory_space<hbm>>) target(%arg10 : memref<80xi32, #tpu.memory_space<vmem>>) target_semaphore(%arg24 : memref<!tpu.dma_semaphore, #tpu.memory_space<semaphore_mem>>)
        %dma_start3A_402 = tpu.memref_slice %arg4[%multiple_of3A] : memref<320000xi32, #tpu.memory_space<hbm>> -> memref<80xi32, #tpu.memory_space<hbm>>
        %dma_start3A_403 = tpu.memref_slice %arg4[%multiple_of3A] : memref<320000xi32, #tpu.memory_space<hbm>> -> memref<80xi32, #tpu.memory_space<hbm>>
        tpu.enqueue_dma source(%dma_start3A_403 : memref<80xi32, #tpu.memory_space<hbm>>) target(%arg16 : memref<80xi32, #tpu.memory_space<vmem>>) target_semaphore(%arg24 : memref<!tpu.dma_semaphore, #tpu.memory_space<semaphore_mem>>)
      } else {
      }
      %ge3A_265 = arith.constant 1 : i32
      %ge3A_266 = arith.cmpi sge, %add3A_246, %ge3A_265 : i32
      %add3A_267 = arith.constant 2 : i32
      %add3A_268 = arith.addi %add3A_246, %add3A_267 : i32
      %lt3A_269 = arith.constant 125 : i32
      %lt3A_270 = arith.cmpi slt, %add3A_268, %lt3A_269 : i32
      %and3A_271 = arith.andi %ge3A_266, %lt3A_270 : i1
      %convert_element_type3A_272 = arith.extui %and3A_271 : i1 to i32
      %cond3A_273 = arith.constant 0 : i32
      %cond3A_274 = arith.cmpi ne, %convert_element_type3A_272, %cond3A_273 : i32
      scf.if %cond3A_274 {
        %dma_wait3A_395 = arith.constant 0 : i32
        %dma_wait3A_396 = tpu.memref_slice %arg3[%dma_wait3A_395] : memref<320000xi32, #tpu.memory_space<hbm>> -> memref<80xi32, #tpu.memory_space<hbm>>
        %dma_wait3A_397 = arith.constant 0 : i32
        %dma_wait3A_398 = tpu.memref_slice %arg3[%dma_wait3A_397] : memref<320000xi32, #tpu.memory_space<hbm>> -> memref<80xi32, #tpu.memory_space<hbm>>
        tpu.wait_dma2 semaphore(%arg24 : memref<!tpu.dma_semaphore, #tpu.memory_space<semaphore_mem>>) src(%dma_wait3A_398 : memref<80xi32, #tpu.memory_space<hbm>>) dst(%arg6 : memref<80xi32, #tpu.memory_space<vmem>>)
        %dma_wait3A_399 = arith.constant 0 : i32
        %dma_wait3A_400 = tpu.memref_slice %arg3[%dma_wait3A_399] : memref<320000xi32, #tpu.memory_space<hbm>> -> memref<80xi32, #tpu.memory_space<hbm>>
        %dma_wait3A_401 = arith.constant 0 : i32
        %dma_wait3A_402 = tpu.memref_slice %arg3[%dma_wait3A_401] : memref<320000xi32, #tpu.memory_space<hbm>> -> memref<80xi32, #tpu.memory_space<hbm>>
        tpu.wait_dma2 semaphore(%arg24 : memref<!tpu.dma_semaphore, #tpu.memory_space<semaphore_mem>>) src(%dma_wait3A_402 : memref<80xi32, #tpu.memory_space<hbm>>) dst(%arg6 : memref<80xi32, #tpu.memory_space<vmem>>)
        %dma_start3A_403 = arith.constant 0 : i32
        %dma_start3A_404 = arith.constant 0 : i32
        %dma_start3A_405 = tpu.memref_slice %arg2[%dma_start3A_403, %dma_start3A_404] : memref<10000x128xf32, #tpu.memory_space<hbm>> -> memref<10000x128xf32, #tpu.memory_space<hbm>>
        tpu.enqueue_indirect_dma source(%dma_start3A_405 : memref<10000x128xf32, #tpu.memory_space<hbm>>) target(%arg18 : memref<80x128xf32, #tpu.memory_space<vmem>>) offsets(%arg9 : memref<80xi32, #tpu.memory_space<vmem>>) semaphore(%arg22 : memref<!tpu.dma_semaphore, #tpu.memory_space<semaphore_mem>>)
      } else {
      }
      %add3A_275 = arith.constant 2 : i32
      %add3A_276 = arith.addi %mul3A_214, %add3A_275 : i32
      %dma_wait3A_277 = arith.constant 0 : i32
      %dma_wait3A_278 = arith.constant 0 : i32
      %dma_wait3A_279 = tpu.memref_slice %arg2[%dma_wait3A_277, %dma_wait3A_278] : memref<10000x128xf32, #tpu.memory_space<hbm>> -> memref<10000x128xf32, #tpu.memory_space<hbm>>
      tpu.wait_indirect_dma semaphore(%arg22 : memref<!tpu.dma_semaphore, #tpu.memory_space<semaphore_mem>>) src(%dma_wait3A_279 : memref<10000x128xf32, #tpu.memory_space<hbm>>) dst(%arg18 : memref<80x128xf32, #tpu.memory_space<vmem>>)
      %dma_start3A_280 = arith.constant 0 : i32
      %dma_start3A_281 = arith.constant 0 : i32
      %dma_start3A_282 = tpu.memref_slice %arg21[%dma_start3A_280, %dma_start3A_281] : memref<10000x128xf32, #tpu.memory_space<vmem_shared>> -> memref<10000x128xf32, #tpu.memory_space<vmem_shared>>
      tpu.enqueue_indirect_dma source(%arg20 : memref<80x128xf32, #tpu.memory_space<vmem>>) target(%dma_start3A_282 : memref<10000x128xf32, #tpu.memory_space<vmem_shared>>) offsets(%arg14 : memref<80xi32, #tpu.memory_space<vmem>>) semaphore(%arg23 : memref<!tpu.dma_semaphore, #tpu.memory_space<semaphore_mem>>) {add = true}
      %ge3A_283 = arith.constant 1 : i32
      %ge3A_284 = arith.cmpi sge, %add3A_276, %ge3A_283 : i32
      %convert_element_type3A_285 = arith.extui %ge3A_284 : i1 to i32
      %cond3A_286 = arith.constant 0 : i32
      %cond3A_287 = arith.cmpi ne, %convert_element_type3A_285, %cond3A_286 : i32
      scf.if %cond3A_287 {
        %dma_wait3A_395 = arith.constant 0 : i32
        %dma_wait3A_396 = arith.constant 0 : i32
        %dma_wait3A_397 = tpu.memref_slice %arg21[%dma_wait3A_395, %dma_wait3A_396] : memref<10000x128xf32, #tpu.memory_space<vmem_shared>> -> memref<10000x128xf32, #tpu.memory_space<vmem_shared>>
        tpu.wait_indirect_dma semaphore(%arg23 : memref<!tpu.dma_semaphore, #tpu.memory_space<semaphore_mem>>) src(%arg18 : memref<80x128xf32, #tpu.memory_space<vmem>>) dst(%dma_wait3A_397 : memref<10000x128xf32, #tpu.memory_space<vmem_shared>>)
      } else {
      }
      %add3A_288 = arith.constant 3 : i32
      %add3A_289 = arith.addi %add3A_276, %add3A_288 : i32
      %lt3A_290 = arith.constant 125 : i32
      %lt3A_291 = arith.cmpi slt, %add3A_289, %lt3A_290 : i32
      %convert_element_type3A_292 = arith.extui %lt3A_291 : i1 to i32
      %cond3A_293 = arith.constant 0 : i32
      %cond3A_294 = arith.cmpi ne, %convert_element_type3A_292, %cond3A_293 : i32
      scf.if %cond3A_294 {
        %add3A_395 = arith.constant 3 : i32
        %add3A_396 = arith.addi %add3A_276, %add3A_395 : i32
        %mul3A_397 = arith.constant 80 : i32
        %mul3A_398 = arith.muli %add3A_396, %mul3A_397 : i32
        %add3A_399 = arith.addi %mul3A_2, %mul3A_398 : i32
        %multiple_of3A = tpu.assume_multiple %add3A_399, 8 : i32
        %dma_start3A_400 = tpu.memref_slice %arg3[%multiple_of3A] : memref<320000xi32, #tpu.memory_space<hbm>> -> memref<80xi32, #tpu.memory_space<hbm>>
        %dma_start3A_401 = tpu.memref_slice %arg3[%multiple_of3A] : memref<320000xi32, #tpu.memory_space<hbm>> -> memref<80xi32, #tpu.memory_space<hbm>>
        tpu.enqueue_dma source(%dma_start3A_401 : memref<80xi32, #tpu.memory_space<hbm>>) target(%arg11 : memref<80xi32, #tpu.memory_space<vmem>>) target_semaphore(%arg24 : memref<!tpu.dma_semaphore, #tpu.memory_space<semaphore_mem>>)
        %dma_start3A_402 = tpu.memref_slice %arg4[%multiple_of3A] : memref<320000xi32, #tpu.memory_space<hbm>> -> memref<80xi32, #tpu.memory_space<hbm>>
        %dma_start3A_403 = tpu.memref_slice %arg4[%multiple_of3A] : memref<320000xi32, #tpu.memory_space<hbm>> -> memref<80xi32, #tpu.memory_space<hbm>>
        tpu.enqueue_dma source(%dma_start3A_403 : memref<80xi32, #tpu.memory_space<hbm>>) target(%arg17 : memref<80xi32, #tpu.memory_space<vmem>>) target_semaphore(%arg24 : memref<!tpu.dma_semaphore, #tpu.memory_space<semaphore_mem>>)
      } else {
      }
      %ge3A_295 = arith.constant 1 : i32
      %ge3A_296 = arith.cmpi sge, %add3A_276, %ge3A_295 : i32
      %add3A_297 = arith.constant 2 : i32
      %add3A_298 = arith.addi %add3A_276, %add3A_297 : i32
      %lt3A_299 = arith.constant 125 : i32
      %lt3A_300 = arith.cmpi slt, %add3A_298, %lt3A_299 : i32
      %and3A_301 = arith.andi %ge3A_296, %lt3A_300 : i1
      %convert_element_type3A_302 = arith.extui %and3A_301 : i1 to i32
      %cond3A_303 = arith.constant 0 : i32
      %cond3A_304 = arith.cmpi ne, %convert_element_type3A_302, %cond3A_303 : i32
      scf.if %cond3A_304 {
        %dma_wait3A_395 = arith.constant 0 : i32
        %dma_wait3A_396 = tpu.memref_slice %arg3[%dma_wait3A_395] : memref<320000xi32, #tpu.memory_space<hbm>> -> memref<80xi32, #tpu.memory_space<hbm>>
        %dma_wait3A_397 = arith.constant 0 : i32
        %dma_wait3A_398 = tpu.memref_slice %arg3[%dma_wait3A_397] : memref<320000xi32, #tpu.memory_space<hbm>> -> memref<80xi32, #tpu.memory_space<hbm>>
        tpu.wait_dma2 semaphore(%arg24 : memref<!tpu.dma_semaphore, #tpu.memory_space<semaphore_mem>>) src(%dma_wait3A_398 : memref<80xi32, #tpu.memory_space<hbm>>) dst(%arg6 : memref<80xi32, #tpu.memory_space<vmem>>)
        %dma_wait3A_399 = arith.constant 0 : i32
        %dma_wait3A_400 = tpu.memref_slice %arg3[%dma_wait3A_399] : memref<320000xi32, #tpu.memory_space<hbm>> -> memref<80xi32, #tpu.memory_space<hbm>>
        %dma_wait3A_401 = arith.constant 0 : i32
        %dma_wait3A_402 = tpu.memref_slice %arg3[%dma_wait3A_401] : memref<320000xi32, #tpu.memory_space<hbm>> -> memref<80xi32, #tpu.memory_space<hbm>>
        tpu.wait_dma2 semaphore(%arg24 : memref<!tpu.dma_semaphore, #tpu.memory_space<semaphore_mem>>) src(%dma_wait3A_402 : memref<80xi32, #tpu.memory_space<hbm>>) dst(%arg6 : memref<80xi32, #tpu.memory_space<vmem>>)
        %dma_start3A_403 = arith.constant 0 : i32
        %dma_start3A_404 = arith.constant 0 : i32
        %dma_start3A_405 = tpu.memref_slice %arg2[%dma_start3A_403, %dma_start3A_404] : memref<10000x128xf32, #tpu.memory_space<hbm>> -> memref<10000x128xf32, #tpu.memory_space<hbm>>
        tpu.enqueue_indirect_dma source(%dma_start3A_405 : memref<10000x128xf32, #tpu.memory_space<hbm>>) target(%arg19 : memref<80x128xf32, #tpu.memory_space<vmem>>) offsets(%arg10 : memref<80xi32, #tpu.memory_space<vmem>>) semaphore(%arg22 : memref<!tpu.dma_semaphore, #tpu.memory_space<semaphore_mem>>)
      } else {
      }
      %add3A_305 = arith.constant 3 : i32
      %add3A_306 = arith.addi %mul3A_214, %add3A_305 : i32
      %dma_wait3A_307 = arith.constant 0 : i32
      %dma_wait3A_308 = arith.constant 0 : i32
      %dma_wait3A_309 = tpu.memref_slice %arg2[%dma_wait3A_307, %dma_wait3A_308] : memref<10000x128xf32, #tpu.memory_space<hbm>> -> memref<10000x128xf32, #tpu.memory_space<hbm>>
      tpu.wait_indirect_dma semaphore(%arg22 : memref<!tpu.dma_semaphore, #tpu.memory_space<semaphore_mem>>) src(%dma_wait3A_309 : memref<10000x128xf32, #tpu.memory_space<hbm>>) dst(%arg18 : memref<80x128xf32, #tpu.memory_space<vmem>>)
      %dma_start3A_310 = arith.constant 0 : i32
      %dma_start3A_311 = arith.constant 0 : i32
      %dma_start3A_312 = tpu.memref_slice %arg21[%dma_start3A_310, %dma_start3A_311] : memref<10000x128xf32, #tpu.memory_space<vmem_shared>> -> memref<10000x128xf32, #tpu.memory_space<vmem_shared>>
      tpu.enqueue_indirect_dma source(%arg18 : memref<80x128xf32, #tpu.memory_space<vmem>>) target(%dma_start3A_312 : memref<10000x128xf32, #tpu.memory_space<vmem_shared>>) offsets(%arg15 : memref<80xi32, #tpu.memory_space<vmem>>) semaphore(%arg23 : memref<!tpu.dma_semaphore, #tpu.memory_space<semaphore_mem>>) {add = true}
      %ge3A_313 = arith.constant 1 : i32
      %ge3A_314 = arith.cmpi sge, %add3A_306, %ge3A_313 : i32
      %convert_element_type3A_315 = arith.extui %ge3A_314 : i1 to i32
      %cond3A_316 = arith.constant 0 : i32
      %cond3A_317 = arith.cmpi ne, %convert_element_type3A_315, %cond3A_316 : i32
      scf.if %cond3A_317 {
        %dma_wait3A_395 = arith.constant 0 : i32
        %dma_wait3A_396 = arith.constant 0 : i32
        %dma_wait3A_397 = tpu.memref_slice %arg21[%dma_wait3A_395, %dma_wait3A_396] : memref<10000x128xf32, #tpu.memory_space<vmem_shared>> -> memref<10000x128xf32, #tpu.memory_space<vmem_shared>>
        tpu.wait_indirect_dma semaphore(%arg23 : memref<!tpu.dma_semaphore, #tpu.memory_space<semaphore_mem>>) src(%arg18 : memref<80x128xf32, #tpu.memory_space<vmem>>) dst(%dma_wait3A_397 : memref<10000x128xf32, #tpu.memory_space<vmem_shared>>)
      } else {
      }
      %add3A_318 = arith.constant 3 : i32
      %add3A_319 = arith.addi %add3A_306, %add3A_318 : i32
      %lt3A_320 = arith.constant 125 : i32
      %lt3A_321 = arith.cmpi slt, %add3A_319, %lt3A_320 : i32
      %convert_element_type3A_322 = arith.extui %lt3A_321 : i1 to i32
      %cond3A_323 = arith.constant 0 : i32
      %cond3A_324 = arith.cmpi ne, %convert_element_type3A_322, %cond3A_323 : i32
      scf.if %cond3A_324 {
        %add3A_395 = arith.constant 3 : i32
        %add3A_396 = arith.addi %add3A_306, %add3A_395 : i32
        %mul3A_397 = arith.constant 80 : i32
        %mul3A_398 = arith.muli %add3A_396, %mul3A_397 : i32
        %add3A_399 = arith.addi %mul3A_2, %mul3A_398 : i32
        %multiple_of3A = tpu.assume_multiple %add3A_399, 8 : i32
        %dma_start3A_400 = tpu.memref_slice %arg3[%multiple_of3A] : memref<320000xi32, #tpu.memory_space<hbm>> -> memref<80xi32, #tpu.memory_space<hbm>>
        %dma_start3A_401 = tpu.memref_slice %arg3[%multiple_of3A] : memref<320000xi32, #tpu.memory_space<hbm>> -> memref<80xi32, #tpu.memory_space<hbm>>
        tpu.enqueue_dma source(%dma_start3A_401 : memref<80xi32, #tpu.memory_space<hbm>>) target(%arg6 : memref<80xi32, #tpu.memory_space<vmem>>) target_semaphore(%arg24 : memref<!tpu.dma_semaphore, #tpu.memory_space<semaphore_mem>>)
        %dma_start3A_402 = tpu.memref_slice %arg4[%multiple_of3A] : memref<320000xi32, #tpu.memory_space<hbm>> -> memref<80xi32, #tpu.memory_space<hbm>>
        %dma_start3A_403 = tpu.memref_slice %arg4[%multiple_of3A] : memref<320000xi32, #tpu.memory_space<hbm>> -> memref<80xi32, #tpu.memory_space<hbm>>
        tpu.enqueue_dma source(%dma_start3A_403 : memref<80xi32, #tpu.memory_space<hbm>>) target(%arg12 : memref<80xi32, #tpu.memory_space<vmem>>) target_semaphore(%arg24 : memref<!tpu.dma_semaphore, #tpu.memory_space<semaphore_mem>>)
      } else {
      }
      %ge3A_325 = arith.constant 1 : i32
      %ge3A_326 = arith.cmpi sge, %add3A_306, %ge3A_325 : i32
      %add3A_327 = arith.constant 2 : i32
      %add3A_328 = arith.addi %add3A_306, %add3A_327 : i32
      %lt3A_329 = arith.constant 125 : i32
      %lt3A_330 = arith.cmpi slt, %add3A_328, %lt3A_329 : i32
      %and3A_331 = arith.andi %ge3A_326, %lt3A_330 : i1
      %convert_element_type3A_332 = arith.extui %and3A_331 : i1 to i32
      %cond3A_333 = arith.constant 0 : i32
      %cond3A_334 = arith.cmpi ne, %convert_element_type3A_332, %cond3A_333 : i32
      scf.if %cond3A_334 {
        %dma_wait3A_395 = arith.constant 0 : i32
        %dma_wait3A_396 = tpu.memref_slice %arg3[%dma_wait3A_395] : memref<320000xi32, #tpu.memory_space<hbm>> -> memref<80xi32, #tpu.memory_space<hbm>>
        %dma_wait3A_397 = arith.constant 0 : i32
        %dma_wait3A_398 = tpu.memref_slice %arg3[%dma_wait3A_397] : memref<320000xi32, #tpu.memory_space<hbm>> -> memref<80xi32, #tpu.memory_space<hbm>>
        tpu.wait_dma2 semaphore(%arg24 : memref<!tpu.dma_semaphore, #tpu.memory_space<semaphore_mem>>) src(%dma_wait3A_398 : memref<80xi32, #tpu.memory_space<hbm>>) dst(%arg6 : memref<80xi32, #tpu.memory_space<vmem>>)
        %dma_wait3A_399 = arith.constant 0 : i32
        %dma_wait3A_400 = tpu.memref_slice %arg3[%dma_wait3A_399] : memref<320000xi32, #tpu.memory_space<hbm>> -> memref<80xi32, #tpu.memory_space<hbm>>
        %dma_wait3A_401 = arith.constant 0 : i32
        %dma_wait3A_402 = tpu.memref_slice %arg3[%dma_wait3A_401] : memref<320000xi32, #tpu.memory_space<hbm>> -> memref<80xi32, #tpu.memory_space<hbm>>
        tpu.wait_dma2 semaphore(%arg24 : memref<!tpu.dma_semaphore, #tpu.memory_space<semaphore_mem>>) src(%dma_wait3A_402 : memref<80xi32, #tpu.memory_space<hbm>>) dst(%arg6 : memref<80xi32, #tpu.memory_space<vmem>>)
        %dma_start3A_403 = arith.constant 0 : i32
        %dma_start3A_404 = arith.constant 0 : i32
        %dma_start3A_405 = tpu.memref_slice %arg2[%dma_start3A_403, %dma_start3A_404] : memref<10000x128xf32, #tpu.memory_space<hbm>> -> memref<10000x128xf32, #tpu.memory_space<hbm>>
        tpu.enqueue_indirect_dma source(%dma_start3A_405 : memref<10000x128xf32, #tpu.memory_space<hbm>>) target(%arg20 : memref<80x128xf32, #tpu.memory_space<vmem>>) offsets(%arg11 : memref<80xi32, #tpu.memory_space<vmem>>) semaphore(%arg22 : memref<!tpu.dma_semaphore, #tpu.memory_space<semaphore_mem>>)
      } else {
      }
      %add3A_335 = arith.constant 4 : i32
      %add3A_336 = arith.addi %mul3A_214, %add3A_335 : i32
      %dma_wait3A_337 = arith.constant 0 : i32
      %dma_wait3A_338 = arith.constant 0 : i32
      %dma_wait3A_339 = tpu.memref_slice %arg2[%dma_wait3A_337, %dma_wait3A_338] : memref<10000x128xf32, #tpu.memory_space<hbm>> -> memref<10000x128xf32, #tpu.memory_space<hbm>>
      tpu.wait_indirect_dma semaphore(%arg22 : memref<!tpu.dma_semaphore, #tpu.memory_space<semaphore_mem>>) src(%dma_wait3A_339 : memref<10000x128xf32, #tpu.memory_space<hbm>>) dst(%arg18 : memref<80x128xf32, #tpu.memory_space<vmem>>)
      %dma_start3A_340 = arith.constant 0 : i32
      %dma_start3A_341 = arith.constant 0 : i32
      %dma_start3A_342 = tpu.memref_slice %arg21[%dma_start3A_340, %dma_start3A_341] : memref<10000x128xf32, #tpu.memory_space<vmem_shared>> -> memref<10000x128xf32, #tpu.memory_space<vmem_shared>>
      tpu.enqueue_indirect_dma source(%arg19 : memref<80x128xf32, #tpu.memory_space<vmem>>) target(%dma_start3A_342 : memref<10000x128xf32, #tpu.memory_space<vmem_shared>>) offsets(%arg16 : memref<80xi32, #tpu.memory_space<vmem>>) semaphore(%arg23 : memref<!tpu.dma_semaphore, #tpu.memory_space<semaphore_mem>>) {add = true}
      %ge3A_343 = arith.constant 1 : i32
      %ge3A_344 = arith.cmpi sge, %add3A_336, %ge3A_343 : i32
      %convert_element_type3A_345 = arith.extui %ge3A_344 : i1 to i32
      %cond3A_346 = arith.constant 0 : i32
      %cond3A_347 = arith.cmpi ne, %convert_element_type3A_345, %cond3A_346 : i32
      scf.if %cond3A_347 {
        %dma_wait3A_395 = arith.constant 0 : i32
        %dma_wait3A_396 = arith.constant 0 : i32
        %dma_wait3A_397 = tpu.memref_slice %arg21[%dma_wait3A_395, %dma_wait3A_396] : memref<10000x128xf32, #tpu.memory_space<vmem_shared>> -> memref<10000x128xf32, #tpu.memory_space<vmem_shared>>
        tpu.wait_indirect_dma semaphore(%arg23 : memref<!tpu.dma_semaphore, #tpu.memory_space<semaphore_mem>>) src(%arg18 : memref<80x128xf32, #tpu.memory_space<vmem>>) dst(%dma_wait3A_397 : memref<10000x128xf32, #tpu.memory_space<vmem_shared>>)
      } else {
      }
      %add3A_348 = arith.constant 3 : i32
      %add3A_349 = arith.addi %add3A_336, %add3A_348 : i32
      %lt3A_350 = arith.constant 125 : i32
      %lt3A_351 = arith.cmpi slt, %add3A_349, %lt3A_350 : i32
      %convert_element_type3A_352 = arith.extui %lt3A_351 : i1 to i32
      %cond3A_353 = arith.constant 0 : i32
      %cond3A_354 = arith.cmpi ne, %convert_element_type3A_352, %cond3A_353 : i32
      scf.if %cond3A_354 {
        %add3A_395 = arith.constant 3 : i32
        %add3A_396 = arith.addi %add3A_336, %add3A_395 : i32
        %mul3A_397 = arith.constant 80 : i32
        %mul3A_398 = arith.muli %add3A_396, %mul3A_397 : i32
        %add3A_399 = arith.addi %mul3A_2, %mul3A_398 : i32
        %multiple_of3A = tpu.assume_multiple %add3A_399, 8 : i32
        %dma_start3A_400 = tpu.memref_slice %arg3[%multiple_of3A] : memref<320000xi32, #tpu.memory_space<hbm>> -> memref<80xi32, #tpu.memory_space<hbm>>
        %dma_start3A_401 = tpu.memref_slice %arg3[%multiple_of3A] : memref<320000xi32, #tpu.memory_space<hbm>> -> memref<80xi32, #tpu.memory_space<hbm>>
        tpu.enqueue_dma source(%dma_start3A_401 : memref<80xi32, #tpu.memory_space<hbm>>) target(%arg7 : memref<80xi32, #tpu.memory_space<vmem>>) target_semaphore(%arg24 : memref<!tpu.dma_semaphore, #tpu.memory_space<semaphore_mem>>)
        %dma_start3A_402 = tpu.memref_slice %arg4[%multiple_of3A] : memref<320000xi32, #tpu.memory_space<hbm>> -> memref<80xi32, #tpu.memory_space<hbm>>
        %dma_start3A_403 = tpu.memref_slice %arg4[%multiple_of3A] : memref<320000xi32, #tpu.memory_space<hbm>> -> memref<80xi32, #tpu.memory_space<hbm>>
        tpu.enqueue_dma source(%dma_start3A_403 : memref<80xi32, #tpu.memory_space<hbm>>) target(%arg13 : memref<80xi32, #tpu.memory_space<vmem>>) target_semaphore(%arg24 : memref<!tpu.dma_semaphore, #tpu.memory_space<semaphore_mem>>)
      } else {
      }
      %ge3A_355 = arith.constant 1 : i32
      %ge3A_356 = arith.cmpi sge, %add3A_336, %ge3A_355 : i32
      %add3A_357 = arith.constant 2 : i32
      %add3A_358 = arith.addi %add3A_336, %add3A_357 : i32
      %lt3A_359 = arith.constant 125 : i32
      %lt3A_360 = arith.cmpi slt, %add3A_358, %lt3A_359 : i32
      %and3A_361 = arith.andi %ge3A_356, %lt3A_360 : i1
      %convert_element_type3A_362 = arith.extui %and3A_361 : i1 to i32
      %cond3A_363 = arith.constant 0 : i32
      %cond3A_364 = arith.cmpi ne, %convert_element_type3A_362, %cond3A_363 : i32
      scf.if %cond3A_364 {
        %dma_wait3A_395 = arith.constant 0 : i32
        %dma_wait3A_396 = tpu.memref_slice %arg3[%dma_wait3A_395] : memref<320000xi32, #tpu.memory_space<hbm>> -> memref<80xi32, #tpu.memory_space<hbm>>
        %dma_wait3A_397 = arith.constant 0 : i32
        %dma_wait3A_398 = tpu.memref_slice %arg3[%dma_wait3A_397] : memref<320000xi32, #tpu.memory_space<hbm>> -> memref<80xi32, #tpu.memory_space<hbm>>
        tpu.wait_dma2 semaphore(%arg24 : memref<!tpu.dma_semaphore, #tpu.memory_space<semaphore_mem>>) src(%dma_wait3A_398 : memref<80xi32, #tpu.memory_space<hbm>>) dst(%arg6 : memref<80xi32, #tpu.memory_space<vmem>>)
        %dma_wait3A_399 = arith.constant 0 : i32
        %dma_wait3A_400 = tpu.memref_slice %arg3[%dma_wait3A_399] : memref<320000xi32, #tpu.memory_space<hbm>> -> memref<80xi32, #tpu.memory_space<hbm>>
        %dma_wait3A_401 = arith.constant 0 : i32
        %dma_wait3A_402 = tpu.memref_slice %arg3[%dma_wait3A_401] : memref<320000xi32, #tpu.memory_space<hbm>> -> memref<80xi32, #tpu.memory_space<hbm>>
        tpu.wait_dma2 semaphore(%arg24 : memref<!tpu.dma_semaphore, #tpu.memory_space<semaphore_mem>>) src(%dma_wait3A_402 : memref<80xi32, #tpu.memory_space<hbm>>) dst(%arg6 : memref<80xi32, #tpu.memory_space<vmem>>)
        %dma_start3A_403 = arith.constant 0 : i32
        %dma_start3A_404 = arith.constant 0 : i32
        %dma_start3A_405 = tpu.memref_slice %arg2[%dma_start3A_403, %dma_start3A_404] : memref<10000x128xf32, #tpu.memory_space<hbm>> -> memref<10000x128xf32, #tpu.memory_space<hbm>>
        tpu.enqueue_indirect_dma source(%dma_start3A_405 : memref<10000x128xf32, #tpu.memory_space<hbm>>) target(%arg18 : memref<80x128xf32, #tpu.memory_space<vmem>>) offsets(%arg6 : memref<80xi32, #tpu.memory_space<vmem>>) semaphore(%arg22 : memref<!tpu.dma_semaphore, #tpu.memory_space<semaphore_mem>>)
      } else {
      }
      %add3A_365 = arith.constant 5 : i32
      %add3A_366 = arith.addi %mul3A_214, %add3A_365 : i32
      %dma_wait3A_367 = arith.constant 0 : i32
      %dma_wait3A_368 = arith.constant 0 : i32
      %dma_wait3A_369 = tpu.memref_slice %arg2[%dma_wait3A_367, %dma_wait3A_368] : memref<10000x128xf32, #tpu.memory_space<hbm>> -> memref<10000x128xf32, #tpu.memory_space<hbm>>
      tpu.wait_indirect_dma semaphore(%arg22 : memref<!tpu.dma_semaphore, #tpu.memory_space<semaphore_mem>>) src(%dma_wait3A_369 : memref<10000x128xf32, #tpu.memory_space<hbm>>) dst(%arg18 : memref<80x128xf32, #tpu.memory_space<vmem>>)
      %dma_start3A_370 = arith.constant 0 : i32
      %dma_start3A_371 = arith.constant 0 : i32
      %dma_start3A_372 = tpu.memref_slice %arg21[%dma_start3A_370, %dma_start3A_371] : memref<10000x128xf32, #tpu.memory_space<vmem_shared>> -> memref<10000x128xf32, #tpu.memory_space<vmem_shared>>
      tpu.enqueue_indirect_dma source(%arg20 : memref<80x128xf32, #tpu.memory_space<vmem>>) target(%dma_start3A_372 : memref<10000x128xf32, #tpu.memory_space<vmem_shared>>) offsets(%arg17 : memref<80xi32, #tpu.memory_space<vmem>>) semaphore(%arg23 : memref<!tpu.dma_semaphore, #tpu.memory_space<semaphore_mem>>) {add = true}
      %ge3A_373 = arith.constant 1 : i32
      %ge3A_374 = arith.cmpi sge, %add3A_366, %ge3A_373 : i32
      %convert_element_type3A_375 = arith.extui %ge3A_374 : i1 to i32
      %cond3A_376 = arith.constant 0 : i32
      %cond3A_377 = arith.cmpi ne, %convert_element_type3A_375, %cond3A_376 : i32
      scf.if %cond3A_377 {
        %dma_wait3A_395 = arith.constant 0 : i32
        %dma_wait3A_396 = arith.constant 0 : i32
        %dma_wait3A_397 = tpu.memref_slice %arg21[%dma_wait3A_395, %dma_wait3A_396] : memref<10000x128xf32, #tpu.memory_space<vmem_shared>> -> memref<10000x128xf32, #tpu.memory_space<vmem_shared>>
        tpu.wait_indirect_dma semaphore(%arg23 : memref<!tpu.dma_semaphore, #tpu.memory_space<semaphore_mem>>) src(%arg18 : memref<80x128xf32, #tpu.memory_space<vmem>>) dst(%dma_wait3A_397 : memref<10000x128xf32, #tpu.memory_space<vmem_shared>>)
      } else {
      }
      %add3A_378 = arith.constant 3 : i32
      %add3A_379 = arith.addi %add3A_366, %add3A_378 : i32
      %lt3A_380 = arith.constant 125 : i32
      %lt3A_381 = arith.cmpi slt, %add3A_379, %lt3A_380 : i32
      %convert_element_type3A_382 = arith.extui %lt3A_381 : i1 to i32
      %cond3A_383 = arith.constant 0 : i32
      %cond3A_384 = arith.cmpi ne, %convert_element_type3A_382, %cond3A_383 : i32
      scf.if %cond3A_384 {
        %add3A_395 = arith.constant 3 : i32
        %add3A_396 = arith.addi %add3A_366, %add3A_395 : i32
        %mul3A_397 = arith.constant 80 : i32
        %mul3A_398 = arith.muli %add3A_396, %mul3A_397 : i32
        %add3A_399 = arith.addi %mul3A_2, %mul3A_398 : i32
        %multiple_of3A = tpu.assume_multiple %add3A_399, 8 : i32
        %dma_start3A_400 = tpu.memref_slice %arg3[%multiple_of3A] : memref<320000xi32, #tpu.memory_space<hbm>> -> memref<80xi32, #tpu.memory_space<hbm>>
        %dma_start3A_401 = tpu.memref_slice %arg3[%multiple_of3A] : memref<320000xi32, #tpu.memory_space<hbm>> -> memref<80xi32, #tpu.memory_space<hbm>>
        tpu.enqueue_dma source(%dma_start3A_401 : memref<80xi32, #tpu.memory_space<hbm>>) target(%arg8 : memref<80xi32, #tpu.memory_space<vmem>>) target_semaphore(%arg24 : memref<!tpu.dma_semaphore, #tpu.memory_space<semaphore_mem>>)
        %dma_start3A_402 = tpu.memref_slice %arg4[%multiple_of3A] : memref<320000xi32, #tpu.memory_space<hbm>> -> memref<80xi32, #tpu.memory_space<hbm>>
        %dma_start3A_403 = tpu.memref_slice %arg4[%multiple_of3A] : memref<320000xi32, #tpu.memory_space<hbm>> -> memref<80xi32, #tpu.memory_space<hbm>>
        tpu.enqueue_dma source(%dma_start3A_403 : memref<80xi32, #tpu.memory_space<hbm>>) target(%arg14 : memref<80xi32, #tpu.memory_space<vmem>>) target_semaphore(%arg24 : memref<!tpu.dma_semaphore, #tpu.memory_space<semaphore_mem>>)
      } else {
      }
      %ge3A_385 = arith.constant 1 : i32
      %ge3A_386 = arith.cmpi sge, %add3A_366, %ge3A_385 : i32
      %add3A_387 = arith.constant 2 : i32
      %add3A_388 = arith.addi %add3A_366, %add3A_387 : i32
      %lt3A_389 = arith.constant 125 : i32
      %lt3A_390 = arith.cmpi slt, %add3A_388, %lt3A_389 : i32
      %and3A_391 = arith.andi %ge3A_386, %lt3A_390 : i1
      %convert_element_type3A_392 = arith.extui %and3A_391 : i1 to i32
      %cond3A_393 = arith.constant 0 : i32
      %cond3A_394 = arith.cmpi ne, %convert_element_type3A_392, %cond3A_393 : i32
      scf.if %cond3A_394 {
        %dma_wait3A_395 = arith.constant 0 : i32
        %dma_wait3A_396 = tpu.memref_slice %arg3[%dma_wait3A_395] : memref<320000xi32, #tpu.memory_space<hbm>> -> memref<80xi32, #tpu.memory_space<hbm>>
        %dma_wait3A_397 = arith.constant 0 : i32
        %dma_wait3A_398 = tpu.memref_slice %arg3[%dma_wait3A_397] : memref<320000xi32, #tpu.memory_space<hbm>> -> memref<80xi32, #tpu.memory_space<hbm>>
        tpu.wait_dma2 semaphore(%arg24 : memref<!tpu.dma_semaphore, #tpu.memory_space<semaphore_mem>>) src(%dma_wait3A_398 : memref<80xi32, #tpu.memory_space<hbm>>) dst(%arg6 : memref<80xi32, #tpu.memory_space<vmem>>)
        %dma_wait3A_399 = arith.constant 0 : i32
        %dma_wait3A_400 = tpu.memref_slice %arg3[%dma_wait3A_399] : memref<320000xi32, #tpu.memory_space<hbm>> -> memref<80xi32, #tpu.memory_space<hbm>>
        %dma_wait3A_401 = arith.constant 0 : i32
        %dma_wait3A_402 = tpu.memref_slice %arg3[%dma_wait3A_401] : memref<320000xi32, #tpu.memory_space<hbm>> -> memref<80xi32, #tpu.memory_space<hbm>>
        tpu.wait_dma2 semaphore(%arg24 : memref<!tpu.dma_semaphore, #tpu.memory_space<semaphore_mem>>) src(%dma_wait3A_402 : memref<80xi32, #tpu.memory_space<hbm>>) dst(%arg6 : memref<80xi32, #tpu.memory_space<vmem>>)
        %dma_start3A_403 = arith.constant 0 : i32
        %dma_start3A_404 = arith.constant 0 : i32
        %dma_start3A_405 = tpu.memref_slice %arg2[%dma_start3A_403, %dma_start3A_404] : memref<10000x128xf32, #tpu.memory_space<hbm>> -> memref<10000x128xf32, #tpu.memory_space<hbm>>
        tpu.enqueue_indirect_dma source(%dma_start3A_405 : memref<10000x128xf32, #tpu.memory_space<hbm>>) target(%arg19 : memref<80x128xf32, #tpu.memory_space<vmem>>) offsets(%arg7 : memref<80xi32, #tpu.memory_space<vmem>>) semaphore(%arg22 : memref<!tpu.dma_semaphore, #tpu.memory_space<semaphore_mem>>)
      } else {
      }
    }
    %scan3A_33 = arith.constant 20 : i32
    %dma_wait3A = arith.constant 0 : i32
    %dma_wait3A_34 = arith.constant 0 : i32
    %dma_wait3A_35 = tpu.memref_slice %arg2[%dma_wait3A, %dma_wait3A_34] : memref<10000x128xf32, #tpu.memory_space<hbm>> -> memref<10000x128xf32, #tpu.memory_space<hbm>>
    tpu.wait_indirect_dma semaphore(%arg22 : memref<!tpu.dma_semaphore, #tpu.memory_space<semaphore_mem>>) src(%dma_wait3A_35 : memref<10000x128xf32, #tpu.memory_space<hbm>>) dst(%arg18 : memref<80x128xf32, #tpu.memory_space<vmem>>)
    %dma_start3A_36 = arith.constant 0 : i32
    %dma_start3A_37 = arith.constant 0 : i32
    %dma_start3A_38 = tpu.memref_slice %arg21[%dma_start3A_36, %dma_start3A_37] : memref<10000x128xf32, #tpu.memory_space<vmem_shared>> -> memref<10000x128xf32, #tpu.memory_space<vmem_shared>>
    tpu.enqueue_indirect_dma source(%arg18 : memref<80x128xf32, #tpu.memory_space<vmem>>) target(%dma_start3A_38 : memref<10000x128xf32, #tpu.memory_space<vmem_shared>>) offsets(%arg12 : memref<80xi32, #tpu.memory_space<vmem>>) semaphore(%arg23 : memref<!tpu.dma_semaphore, #tpu.memory_space<semaphore_mem>>) {add = true}
    %ge3A = arith.constant 120 : i32
    %ge3A_39 = arith.constant 1 : i32
    %ge3A_40 = arith.cmpi sge, %ge3A, %ge3A_39 : i32
    %convert_element_type3A_41 = arith.extui %ge3A_40 : i1 to i32
    %cond3A_42 = arith.constant 0 : i32
    %cond3A_43 = arith.cmpi ne, %convert_element_type3A_41, %cond3A_42 : i32
    scf.if %cond3A_43 {
      %dma_wait3A_212 = arith.constant 0 : i32
      %dma_wait3A_213 = arith.constant 0 : i32
      %dma_wait3A_214 = tpu.memref_slice %arg21[%dma_wait3A_212, %dma_wait3A_213] : memref<10000x128xf32, #tpu.memory_space<vmem_shared>> -> memref<10000x128xf32, #tpu.memory_space<vmem_shared>>
      tpu.wait_indirect_dma semaphore(%arg23 : memref<!tpu.dma_semaphore, #tpu.memory_space<semaphore_mem>>) src(%arg18 : memref<80x128xf32, #tpu.memory_space<vmem>>) dst(%dma_wait3A_214 : memref<10000x128xf32, #tpu.memory_space<vmem_shared>>)
    } else {
    }
    %add3A_44 = arith.constant 120 : i32
    %add3A_45 = arith.constant 3 : i32
    %add3A_46 = arith.addi %add3A_44, %add3A_45 : i32
    %lt3A_47 = arith.constant 125 : i32
    %lt3A_48 = arith.cmpi slt, %add3A_46, %lt3A_47 : i32
    %convert_element_type3A_49 = arith.extui %lt3A_48 : i1 to i32
    %cond3A_50 = arith.constant 120 : i32
    %cond3A_51 = arith.constant 0 : i32
    %cond3A_52 = arith.cmpi ne, %convert_element_type3A_49, %cond3A_51 : i32
    scf.if %cond3A_52 {
      %add3A_212 = arith.constant 3 : i32
      %add3A_213 = arith.addi %cond3A_50, %add3A_212 : i32
      %mul3A_214 = arith.constant 80 : i32
      %mul3A_215 = arith.muli %add3A_213, %mul3A_214 : i32
      %add3A_216 = arith.addi %mul3A_2, %mul3A_215 : i32
      %multiple_of3A = tpu.assume_multiple %add3A_216, 8 : i32
      %dma_start3A_217 = tpu.memref_slice %arg3[%multiple_of3A] : memref<320000xi32, #tpu.memory_space<hbm>> -> memref<80xi32, #tpu.memory_space<hbm>>
      %dma_start3A_218 = tpu.memref_slice %arg3[%multiple_of3A] : memref<320000xi32, #tpu.memory_space<hbm>> -> memref<80xi32, #tpu.memory_space<hbm>>
      tpu.enqueue_dma source(%dma_start3A_218 : memref<80xi32, #tpu.memory_space<hbm>>) target(%arg9 : memref<80xi32, #tpu.memory_space<vmem>>) target_semaphore(%arg24 : memref<!tpu.dma_semaphore, #tpu.memory_space<semaphore_mem>>)
      %dma_start3A_219 = tpu.memref_slice %arg4[%multiple_of3A] : memref<320000xi32, #tpu.memory_space<hbm>> -> memref<80xi32, #tpu.memory_space<hbm>>
      %dma_start3A_220 = tpu.memref_slice %arg4[%multiple_of3A] : memref<320000xi32, #tpu.memory_space<hbm>> -> memref<80xi32, #tpu.memory_space<hbm>>
      tpu.enqueue_dma source(%dma_start3A_220 : memref<80xi32, #tpu.memory_space<hbm>>) target(%arg15 : memref<80xi32, #tpu.memory_space<vmem>>) target_semaphore(%arg24 : memref<!tpu.dma_semaphore, #tpu.memory_space<semaphore_mem>>)
    } else {
    }
    %ge3A_53 = arith.constant 120 : i32
    %ge3A_54 = arith.constant 1 : i32
    %ge3A_55 = arith.cmpi sge, %ge3A_53, %ge3A_54 : i32
    %add3A_56 = arith.constant 120 : i32
    %add3A_57 = arith.constant 2 : i32
    %add3A_58 = arith.addi %add3A_56, %add3A_57 : i32
    %lt3A_59 = arith.constant 125 : i32
    %lt3A_60 = arith.cmpi slt, %add3A_58, %lt3A_59 : i32
    %and3A = arith.andi %ge3A_55, %lt3A_60 : i1
    %convert_element_type3A_61 = arith.extui %and3A : i1 to i32
    %cond3A_62 = arith.constant 0 : i32
    %cond3A_63 = arith.cmpi ne, %convert_element_type3A_61, %cond3A_62 : i32
    scf.if %cond3A_63 {
      %dma_wait3A_212 = arith.constant 0 : i32
      %dma_wait3A_213 = tpu.memref_slice %arg3[%dma_wait3A_212] : memref<320000xi32, #tpu.memory_space<hbm>> -> memref<80xi32, #tpu.memory_space<hbm>>
      %dma_wait3A_214 = arith.constant 0 : i32
      %dma_wait3A_215 = tpu.memref_slice %arg3[%dma_wait3A_214] : memref<320000xi32, #tpu.memory_space<hbm>> -> memref<80xi32, #tpu.memory_space<hbm>>
      tpu.wait_dma2 semaphore(%arg24 : memref<!tpu.dma_semaphore, #tpu.memory_space<semaphore_mem>>) src(%dma_wait3A_215 : memref<80xi32, #tpu.memory_space<hbm>>) dst(%arg6 : memref<80xi32, #tpu.memory_space<vmem>>)
      %dma_wait3A_216 = arith.constant 0 : i32
      %dma_wait3A_217 = tpu.memref_slice %arg3[%dma_wait3A_216] : memref<320000xi32, #tpu.memory_space<hbm>> -> memref<80xi32, #tpu.memory_space<hbm>>
      %dma_wait3A_218 = arith.constant 0 : i32
      %dma_wait3A_219 = tpu.memref_slice %arg3[%dma_wait3A_218] : memref<320000xi32, #tpu.memory_space<hbm>> -> memref<80xi32, #tpu.memory_space<hbm>>
      tpu.wait_dma2 semaphore(%arg24 : memref<!tpu.dma_semaphore, #tpu.memory_space<semaphore_mem>>) src(%dma_wait3A_219 : memref<80xi32, #tpu.memory_space<hbm>>) dst(%arg6 : memref<80xi32, #tpu.memory_space<vmem>>)
      %dma_start3A_220 = arith.constant 0 : i32
      %dma_start3A_221 = arith.constant 0 : i32
      %dma_start3A_222 = tpu.memref_slice %arg2[%dma_start3A_220, %dma_start3A_221] : memref<10000x128xf32, #tpu.memory_space<hbm>> -> memref<10000x128xf32, #tpu.memory_space<hbm>>
      tpu.enqueue_indirect_dma source(%dma_start3A_222 : memref<10000x128xf32, #tpu.memory_space<hbm>>) target(%arg20 : memref<80x128xf32, #tpu.memory_space<vmem>>) offsets(%arg8 : memref<80xi32, #tpu.memory_space<vmem>>) semaphore(%arg22 : memref<!tpu.dma_semaphore, #tpu.memory_space<semaphore_mem>>)
    } else {
    }
    %dma_wait3A_64 = arith.constant 0 : i32
    %dma_wait3A_65 = arith.constant 0 : i32
    %dma_wait3A_66 = tpu.memref_slice %arg2[%dma_wait3A_64, %dma_wait3A_65] : memref<10000x128xf32, #tpu.memory_space<hbm>> -> memref<10000x128xf32, #tpu.memory_space<hbm>>
    tpu.wait_indirect_dma semaphore(%arg22 : memref<!tpu.dma_semaphore, #tpu.memory_space<semaphore_mem>>) src(%dma_wait3A_66 : memref<10000x128xf32, #tpu.memory_space<hbm>>) dst(%arg18 : memref<80x128xf32, #tpu.memory_space<vmem>>)
    %dma_start3A_67 = arith.constant 0 : i32
    %dma_start3A_68 = arith.constant 0 : i32
    %dma_start3A_69 = tpu.memref_slice %arg21[%dma_start3A_67, %dma_start3A_68] : memref<10000x128xf32, #tpu.memory_space<vmem_shared>> -> memref<10000x128xf32, #tpu.memory_space<vmem_shared>>
    tpu.enqueue_indirect_dma source(%arg19 : memref<80x128xf32, #tpu.memory_space<vmem>>) target(%dma_start3A_69 : memref<10000x128xf32, #tpu.memory_space<vmem_shared>>) offsets(%arg13 : memref<80xi32, #tpu.memory_space<vmem>>) semaphore(%arg23 : memref<!tpu.dma_semaphore, #tpu.memory_space<semaphore_mem>>) {add = true}
    %ge3A_70 = arith.constant 121 : i32
    %ge3A_71 = arith.constant 1 : i32
    %ge3A_72 = arith.cmpi sge, %ge3A_70, %ge3A_71 : i32
    %convert_element_type3A_73 = arith.extui %ge3A_72 : i1 to i32
    %cond3A_74 = arith.constant 0 : i32
    %cond3A_75 = arith.cmpi ne, %convert_element_type3A_73, %cond3A_74 : i32
    scf.if %cond3A_75 {
      %dma_wait3A_212 = arith.constant 0 : i32
      %dma_wait3A_213 = arith.constant 0 : i32
      %dma_wait3A_214 = tpu.memref_slice %arg21[%dma_wait3A_212, %dma_wait3A_213] : memref<10000x128xf32, #tpu.memory_space<vmem_shared>> -> memref<10000x128xf32, #tpu.memory_space<vmem_shared>>
      tpu.wait_indirect_dma semaphore(%arg23 : memref<!tpu.dma_semaphore, #tpu.memory_space<semaphore_mem>>) src(%arg18 : memref<80x128xf32, #tpu.memory_space<vmem>>) dst(%dma_wait3A_214 : memref<10000x128xf32, #tpu.memory_space<vmem_shared>>)
    } else {
    }
    %add3A_76 = arith.constant 121 : i32
    %add3A_77 = arith.constant 3 : i32
    %add3A_78 = arith.addi %add3A_76, %add3A_77 : i32
    %lt3A_79 = arith.constant 125 : i32
    %lt3A_80 = arith.cmpi slt, %add3A_78, %lt3A_79 : i32
    %convert_element_type3A_81 = arith.extui %lt3A_80 : i1 to i32
    %cond3A_82 = arith.constant 121 : i32
    %cond3A_83 = arith.constant 0 : i32
    %cond3A_84 = arith.cmpi ne, %convert_element_type3A_81, %cond3A_83 : i32
    scf.if %cond3A_84 {
      %add3A_212 = arith.constant 3 : i32
      %add3A_213 = arith.addi %cond3A_82, %add3A_212 : i32
      %mul3A_214 = arith.constant 80 : i32
      %mul3A_215 = arith.muli %add3A_213, %mul3A_214 : i32
      %add3A_216 = arith.addi %mul3A_2, %mul3A_215 : i32
      %multiple_of3A = tpu.assume_multiple %add3A_216, 8 : i32
      %dma_start3A_217 = tpu.memref_slice %arg3[%multiple_of3A] : memref<320000xi32, #tpu.memory_space<hbm>> -> memref<80xi32, #tpu.memory_space<hbm>>
      %dma_start3A_218 = tpu.memref_slice %arg3[%multiple_of3A] : memref<320000xi32, #tpu.memory_space<hbm>> -> memref<80xi32, #tpu.memory_space<hbm>>
      tpu.enqueue_dma source(%dma_start3A_218 : memref<80xi32, #tpu.memory_space<hbm>>) target(%arg10 : memref<80xi32, #tpu.memory_space<vmem>>) target_semaphore(%arg24 : memref<!tpu.dma_semaphore, #tpu.memory_space<semaphore_mem>>)
      %dma_start3A_219 = tpu.memref_slice %arg4[%multiple_of3A] : memref<320000xi32, #tpu.memory_space<hbm>> -> memref<80xi32, #tpu.memory_space<hbm>>
      %dma_start3A_220 = tpu.memref_slice %arg4[%multiple_of3A] : memref<320000xi32, #tpu.memory_space<hbm>> -> memref<80xi32, #tpu.memory_space<hbm>>
      tpu.enqueue_dma source(%dma_start3A_220 : memref<80xi32, #tpu.memory_space<hbm>>) target(%arg16 : memref<80xi32, #tpu.memory_space<vmem>>) target_semaphore(%arg24 : memref<!tpu.dma_semaphore, #tpu.memory_space<semaphore_mem>>)
    } else {
    }
    %ge3A_85 = arith.constant 121 : i32
    %ge3A_86 = arith.constant 1 : i32
    %ge3A_87 = arith.cmpi sge, %ge3A_85, %ge3A_86 : i32
    %add3A_88 = arith.constant 121 : i32
    %add3A_89 = arith.constant 2 : i32
    %add3A_90 = arith.addi %add3A_88, %add3A_89 : i32
    %lt3A_91 = arith.constant 125 : i32
    %lt3A_92 = arith.cmpi slt, %add3A_90, %lt3A_91 : i32
    %and3A_93 = arith.andi %ge3A_87, %lt3A_92 : i1
    %convert_element_type3A_94 = arith.extui %and3A_93 : i1 to i32
    %cond3A_95 = arith.constant 0 : i32
    %cond3A_96 = arith.cmpi ne, %convert_element_type3A_94, %cond3A_95 : i32
    scf.if %cond3A_96 {
      %dma_wait3A_212 = arith.constant 0 : i32
      %dma_wait3A_213 = tpu.memref_slice %arg3[%dma_wait3A_212] : memref<320000xi32, #tpu.memory_space<hbm>> -> memref<80xi32, #tpu.memory_space<hbm>>
      %dma_wait3A_214 = arith.constant 0 : i32
      %dma_wait3A_215 = tpu.memref_slice %arg3[%dma_wait3A_214] : memref<320000xi32, #tpu.memory_space<hbm>> -> memref<80xi32, #tpu.memory_space<hbm>>
      tpu.wait_dma2 semaphore(%arg24 : memref<!tpu.dma_semaphore, #tpu.memory_space<semaphore_mem>>) src(%dma_wait3A_215 : memref<80xi32, #tpu.memory_space<hbm>>) dst(%arg6 : memref<80xi32, #tpu.memory_space<vmem>>)
      %dma_wait3A_216 = arith.constant 0 : i32
      %dma_wait3A_217 = tpu.memref_slice %arg3[%dma_wait3A_216] : memref<320000xi32, #tpu.memory_space<hbm>> -> memref<80xi32, #tpu.memory_space<hbm>>
      %dma_wait3A_218 = arith.constant 0 : i32
      %dma_wait3A_219 = tpu.memref_slice %arg3[%dma_wait3A_218] : memref<320000xi32, #tpu.memory_space<hbm>> -> memref<80xi32, #tpu.memory_space<hbm>>
      tpu.wait_dma2 semaphore(%arg24 : memref<!tpu.dma_semaphore, #tpu.memory_space<semaphore_mem>>) src(%dma_wait3A_219 : memref<80xi32, #tpu.memory_space<hbm>>) dst(%arg6 : memref<80xi32, #tpu.memory_space<vmem>>)
      %dma_start3A_220 = arith.constant 0 : i32
      %dma_start3A_221 = arith.constant 0 : i32
      %dma_start3A_222 = tpu.memref_slice %arg2[%dma_start3A_220, %dma_start3A_221] : memref<10000x128xf32, #tpu.memory_space<hbm>> -> memref<10000x128xf32, #tpu.memory_space<hbm>>
      tpu.enqueue_indirect_dma source(%dma_start3A_222 : memref<10000x128xf32, #tpu.memory_space<hbm>>) target(%arg18 : memref<80x128xf32, #tpu.memory_space<vmem>>) offsets(%arg9 : memref<80xi32, #tpu.memory_space<vmem>>) semaphore(%arg22 : memref<!tpu.dma_semaphore, #tpu.memory_space<semaphore_mem>>)
    } else {
    }
    %dma_wait3A_97 = arith.constant 0 : i32
    %dma_wait3A_98 = arith.constant 0 : i32
    %dma_wait3A_99 = tpu.memref_slice %arg2[%dma_wait3A_97, %dma_wait3A_98] : memref<10000x128xf32, #tpu.memory_space<hbm>> -> memref<10000x128xf32, #tpu.memory_space<hbm>>
    tpu.wait_indirect_dma semaphore(%arg22 : memref<!tpu.dma_semaphore, #tpu.memory_space<semaphore_mem>>) src(%dma_wait3A_99 : memref<10000x128xf32, #tpu.memory_space<hbm>>) dst(%arg18 : memref<80x128xf32, #tpu.memory_space<vmem>>)
    %dma_start3A_100 = arith.constant 0 : i32
    %dma_start3A_101 = arith.constant 0 : i32
    %dma_start3A_102 = tpu.memref_slice %arg21[%dma_start3A_100, %dma_start3A_101] : memref<10000x128xf32, #tpu.memory_space<vmem_shared>> -> memref<10000x128xf32, #tpu.memory_space<vmem_shared>>
    tpu.enqueue_indirect_dma source(%arg20 : memref<80x128xf32, #tpu.memory_space<vmem>>) target(%dma_start3A_102 : memref<10000x128xf32, #tpu.memory_space<vmem_shared>>) offsets(%arg14 : memref<80xi32, #tpu.memory_space<vmem>>) semaphore(%arg23 : memref<!tpu.dma_semaphore, #tpu.memory_space<semaphore_mem>>) {add = true}
    %ge3A_103 = arith.constant 122 : i32
    %ge3A_104 = arith.constant 1 : i32
    %ge3A_105 = arith.cmpi sge, %ge3A_103, %ge3A_104 : i32
    %convert_element_type3A_106 = arith.extui %ge3A_105 : i1 to i32
    %cond3A_107 = arith.constant 0 : i32
    %cond3A_108 = arith.cmpi ne, %convert_element_type3A_106, %cond3A_107 : i32
    scf.if %cond3A_108 {
      %dma_wait3A_212 = arith.constant 0 : i32
      %dma_wait3A_213 = arith.constant 0 : i32
      %dma_wait3A_214 = tpu.memref_slice %arg21[%dma_wait3A_212, %dma_wait3A_213] : memref<10000x128xf32, #tpu.memory_space<vmem_shared>> -> memref<10000x128xf32, #tpu.memory_space<vmem_shared>>
      tpu.wait_indirect_dma semaphore(%arg23 : memref<!tpu.dma_semaphore, #tpu.memory_space<semaphore_mem>>) src(%arg18 : memref<80x128xf32, #tpu.memory_space<vmem>>) dst(%dma_wait3A_214 : memref<10000x128xf32, #tpu.memory_space<vmem_shared>>)
    } else {
    }
    %add3A_109 = arith.constant 122 : i32
    %add3A_110 = arith.constant 3 : i32
    %add3A_111 = arith.addi %add3A_109, %add3A_110 : i32
    %lt3A_112 = arith.constant 125 : i32
    %lt3A_113 = arith.cmpi slt, %add3A_111, %lt3A_112 : i32
    %convert_element_type3A_114 = arith.extui %lt3A_113 : i1 to i32
    %cond3A_115 = arith.constant 122 : i32
    %cond3A_116 = arith.constant 0 : i32
    %cond3A_117 = arith.cmpi ne, %convert_element_type3A_114, %cond3A_116 : i32
    scf.if %cond3A_117 {
      %add3A_212 = arith.constant 3 : i32
      %add3A_213 = arith.addi %cond3A_115, %add3A_212 : i32
      %mul3A_214 = arith.constant 80 : i32
      %mul3A_215 = arith.muli %add3A_213, %mul3A_214 : i32
      %add3A_216 = arith.addi %mul3A_2, %mul3A_215 : i32
      %multiple_of3A = tpu.assume_multiple %add3A_216, 8 : i32
      %dma_start3A_217 = tpu.memref_slice %arg3[%multiple_of3A] : memref<320000xi32, #tpu.memory_space<hbm>> -> memref<80xi32, #tpu.memory_space<hbm>>
      %dma_start3A_218 = tpu.memref_slice %arg3[%multiple_of3A] : memref<320000xi32, #tpu.memory_space<hbm>> -> memref<80xi32, #tpu.memory_space<hbm>>
      tpu.enqueue_dma source(%dma_start3A_218 : memref<80xi32, #tpu.memory_space<hbm>>) target(%arg11 : memref<80xi32, #tpu.memory_space<vmem>>) target_semaphore(%arg24 : memref<!tpu.dma_semaphore, #tpu.memory_space<semaphore_mem>>)
      %dma_start3A_219 = tpu.memref_slice %arg4[%multiple_of3A] : memref<320000xi32, #tpu.memory_space<hbm>> -> memref<80xi32, #tpu.memory_space<hbm>>
      %dma_start3A_220 = tpu.memref_slice %arg4[%multiple_of3A] : memref<320000xi32, #tpu.memory_space<hbm>> -> memref<80xi32, #tpu.memory_space<hbm>>
      tpu.enqueue_dma source(%dma_start3A_220 : memref<80xi32, #tpu.memory_space<hbm>>) target(%arg17 : memref<80xi32, #tpu.memory_space<vmem>>) target_semaphore(%arg24 : memref<!tpu.dma_semaphore, #tpu.memory_space<semaphore_mem>>)
    } else {
    }
    %ge3A_118 = arith.constant 122 : i32
    %ge3A_119 = arith.constant 1 : i32
    %ge3A_120 = arith.cmpi sge, %ge3A_118, %ge3A_119 : i32
    %add3A_121 = arith.constant 122 : i32
    %add3A_122 = arith.constant 2 : i32
    %add3A_123 = arith.addi %add3A_121, %add3A_122 : i32
    %lt3A_124 = arith.constant 125 : i32
    %lt3A_125 = arith.cmpi slt, %add3A_123, %lt3A_124 : i32
    %and3A_126 = arith.andi %ge3A_120, %lt3A_125 : i1
    %convert_element_type3A_127 = arith.extui %and3A_126 : i1 to i32
    %cond3A_128 = arith.constant 0 : i32
    %cond3A_129 = arith.cmpi ne, %convert_element_type3A_127, %cond3A_128 : i32
    scf.if %cond3A_129 {
      %dma_wait3A_212 = arith.constant 0 : i32
      %dma_wait3A_213 = tpu.memref_slice %arg3[%dma_wait3A_212] : memref<320000xi32, #tpu.memory_space<hbm>> -> memref<80xi32, #tpu.memory_space<hbm>>
      %dma_wait3A_214 = arith.constant 0 : i32
      %dma_wait3A_215 = tpu.memref_slice %arg3[%dma_wait3A_214] : memref<320000xi32, #tpu.memory_space<hbm>> -> memref<80xi32, #tpu.memory_space<hbm>>
      tpu.wait_dma2 semaphore(%arg24 : memref<!tpu.dma_semaphore, #tpu.memory_space<semaphore_mem>>) src(%dma_wait3A_215 : memref<80xi32, #tpu.memory_space<hbm>>) dst(%arg6 : memref<80xi32, #tpu.memory_space<vmem>>)
      %dma_wait3A_216 = arith.constant 0 : i32
      %dma_wait3A_217 = tpu.memref_slice %arg3[%dma_wait3A_216] : memref<320000xi32, #tpu.memory_space<hbm>> -> memref<80xi32, #tpu.memory_space<hbm>>
      %dma_wait3A_218 = arith.constant 0 : i32
      %dma_wait3A_219 = tpu.memref_slice %arg3[%dma_wait3A_218] : memref<320000xi32, #tpu.memory_space<hbm>> -> memref<80xi32, #tpu.memory_space<hbm>>
      tpu.wait_dma2 semaphore(%arg24 : memref<!tpu.dma_semaphore, #tpu.memory_space<semaphore_mem>>) src(%dma_wait3A_219 : memref<80xi32, #tpu.memory_space<hbm>>) dst(%arg6 : memref<80xi32, #tpu.memory_space<vmem>>)
      %dma_start3A_220 = arith.constant 0 : i32
      %dma_start3A_221 = arith.constant 0 : i32
      %dma_start3A_222 = tpu.memref_slice %arg2[%dma_start3A_220, %dma_start3A_221] : memref<10000x128xf32, #tpu.memory_space<hbm>> -> memref<10000x128xf32, #tpu.memory_space<hbm>>
      tpu.enqueue_indirect_dma source(%dma_start3A_222 : memref<10000x128xf32, #tpu.memory_space<hbm>>) target(%arg19 : memref<80x128xf32, #tpu.memory_space<vmem>>) offsets(%arg10 : memref<80xi32, #tpu.memory_space<vmem>>) semaphore(%arg22 : memref<!tpu.dma_semaphore, #tpu.memory_space<semaphore_mem>>)
    } else {
    }
    %dma_wait3A_130 = arith.constant 0 : i32
    %dma_wait3A_131 = arith.constant 0 : i32
    %dma_wait3A_132 = tpu.memref_slice %arg2[%dma_wait3A_130, %dma_wait3A_131] : memref<10000x128xf32, #tpu.memory_space<hbm>> -> memref<10000x128xf32, #tpu.memory_space<hbm>>
    tpu.wait_indirect_dma semaphore(%arg22 : memref<!tpu.dma_semaphore, #tpu.memory_space<semaphore_mem>>) src(%dma_wait3A_132 : memref<10000x128xf32, #tpu.memory_space<hbm>>) dst(%arg18 : memref<80x128xf32, #tpu.memory_space<vmem>>)
    %dma_start3A_133 = arith.constant 0 : i32
    %dma_start3A_134 = arith.constant 0 : i32
    %dma_start3A_135 = tpu.memref_slice %arg21[%dma_start3A_133, %dma_start3A_134] : memref<10000x128xf32, #tpu.memory_space<vmem_shared>> -> memref<10000x128xf32, #tpu.memory_space<vmem_shared>>
    tpu.enqueue_indirect_dma source(%arg18 : memref<80x128xf32, #tpu.memory_space<vmem>>) target(%dma_start3A_135 : memref<10000x128xf32, #tpu.memory_space<vmem_shared>>) offsets(%arg15 : memref<80xi32, #tpu.memory_space<vmem>>) semaphore(%arg23 : memref<!tpu.dma_semaphore, #tpu.memory_space<semaphore_mem>>) {add = true}
    %ge3A_136 = arith.constant 123 : i32
    %ge3A_137 = arith.constant 1 : i32
    %ge3A_138 = arith.cmpi sge, %ge3A_136, %ge3A_137 : i32
    %convert_element_type3A_139 = arith.extui %ge3A_138 : i1 to i32
    %cond3A_140 = arith.constant 0 : i32
    %cond3A_141 = arith.cmpi ne, %convert_element_type3A_139, %cond3A_140 : i32
    scf.if %cond3A_141 {
      %dma_wait3A_212 = arith.constant 0 : i32
      %dma_wait3A_213 = arith.constant 0 : i32
      %dma_wait3A_214 = tpu.memref_slice %arg21[%dma_wait3A_212, %dma_wait3A_213] : memref<10000x128xf32, #tpu.memory_space<vmem_shared>> -> memref<10000x128xf32, #tpu.memory_space<vmem_shared>>
      tpu.wait_indirect_dma semaphore(%arg23 : memref<!tpu.dma_semaphore, #tpu.memory_space<semaphore_mem>>) src(%arg18 : memref<80x128xf32, #tpu.memory_space<vmem>>) dst(%dma_wait3A_214 : memref<10000x128xf32, #tpu.memory_space<vmem_shared>>)
    } else {
    }
    %add3A_142 = arith.constant 123 : i32
    %add3A_143 = arith.constant 3 : i32
    %add3A_144 = arith.addi %add3A_142, %add3A_143 : i32
    %lt3A_145 = arith.constant 125 : i32
    %lt3A_146 = arith.cmpi slt, %add3A_144, %lt3A_145 : i32
    %convert_element_type3A_147 = arith.extui %lt3A_146 : i1 to i32
    %cond3A_148 = arith.constant 123 : i32
    %cond3A_149 = arith.constant 0 : i32
    %cond3A_150 = arith.cmpi ne, %convert_element_type3A_147, %cond3A_149 : i32
    scf.if %cond3A_150 {
      %add3A_212 = arith.constant 3 : i32
      %add3A_213 = arith.addi %cond3A_148, %add3A_212 : i32
      %mul3A_214 = arith.constant 80 : i32
      %mul3A_215 = arith.muli %add3A_213, %mul3A_214 : i32
      %add3A_216 = arith.addi %mul3A_2, %mul3A_215 : i32
      %multiple_of3A = tpu.assume_multiple %add3A_216, 8 : i32
      %dma_start3A_217 = tpu.memref_slice %arg3[%multiple_of3A] : memref<320000xi32, #tpu.memory_space<hbm>> -> memref<80xi32, #tpu.memory_space<hbm>>
      %dma_start3A_218 = tpu.memref_slice %arg3[%multiple_of3A] : memref<320000xi32, #tpu.memory_space<hbm>> -> memref<80xi32, #tpu.memory_space<hbm>>
      tpu.enqueue_dma source(%dma_start3A_218 : memref<80xi32, #tpu.memory_space<hbm>>) target(%arg6 : memref<80xi32, #tpu.memory_space<vmem>>) target_semaphore(%arg24 : memref<!tpu.dma_semaphore, #tpu.memory_space<semaphore_mem>>)
      %dma_start3A_219 = tpu.memref_slice %arg4[%multiple_of3A] : memref<320000xi32, #tpu.memory_space<hbm>> -> memref<80xi32, #tpu.memory_space<hbm>>
      %dma_start3A_220 = tpu.memref_slice %arg4[%multiple_of3A] : memref<320000xi32, #tpu.memory_space<hbm>> -> memref<80xi32, #tpu.memory_space<hbm>>
      tpu.enqueue_dma source(%dma_start3A_220 : memref<80xi32, #tpu.memory_space<hbm>>) target(%arg12 : memref<80xi32, #tpu.memory_space<vmem>>) target_semaphore(%arg24 : memref<!tpu.dma_semaphore, #tpu.memory_space<semaphore_mem>>)
    } else {
    }
    %ge3A_151 = arith.constant 123 : i32
    %ge3A_152 = arith.constant 1 : i32
    %ge3A_153 = arith.cmpi sge, %ge3A_151, %ge3A_152 : i32
    %add3A_154 = arith.constant 123 : i32
    %add3A_155 = arith.constant 2 : i32
    %add3A_156 = arith.addi %add3A_154, %add3A_155 : i32
    %lt3A_157 = arith.constant 125 : i32
    %lt3A_158 = arith.cmpi slt, %add3A_156, %lt3A_157 : i32
    %and3A_159 = arith.andi %ge3A_153, %lt3A_158 : i1
    %convert_element_type3A_160 = arith.extui %and3A_159 : i1 to i32
    %cond3A_161 = arith.constant 0 : i32
    %cond3A_162 = arith.cmpi ne, %convert_element_type3A_160, %cond3A_161 : i32
    scf.if %cond3A_162 {
      %dma_wait3A_212 = arith.constant 0 : i32
      %dma_wait3A_213 = tpu.memref_slice %arg3[%dma_wait3A_212] : memref<320000xi32, #tpu.memory_space<hbm>> -> memref<80xi32, #tpu.memory_space<hbm>>
      %dma_wait3A_214 = arith.constant 0 : i32
      %dma_wait3A_215 = tpu.memref_slice %arg3[%dma_wait3A_214] : memref<320000xi32, #tpu.memory_space<hbm>> -> memref<80xi32, #tpu.memory_space<hbm>>
      tpu.wait_dma2 semaphore(%arg24 : memref<!tpu.dma_semaphore, #tpu.memory_space<semaphore_mem>>) src(%dma_wait3A_215 : memref<80xi32, #tpu.memory_space<hbm>>) dst(%arg6 : memref<80xi32, #tpu.memory_space<vmem>>)
      %dma_wait3A_216 = arith.constant 0 : i32
      %dma_wait3A_217 = tpu.memref_slice %arg3[%dma_wait3A_216] : memref<320000xi32, #tpu.memory_space<hbm>> -> memref<80xi32, #tpu.memory_space<hbm>>
      %dma_wait3A_218 = arith.constant 0 : i32
      %dma_wait3A_219 = tpu.memref_slice %arg3[%dma_wait3A_218] : memref<320000xi32, #tpu.memory_space<hbm>> -> memref<80xi32, #tpu.memory_space<hbm>>
      tpu.wait_dma2 semaphore(%arg24 : memref<!tpu.dma_semaphore, #tpu.memory_space<semaphore_mem>>) src(%dma_wait3A_219 : memref<80xi32, #tpu.memory_space<hbm>>) dst(%arg6 : memref<80xi32, #tpu.memory_space<vmem>>)
      %dma_start3A_220 = arith.constant 0 : i32
      %dma_start3A_221 = arith.constant 0 : i32
      %dma_start3A_222 = tpu.memref_slice %arg2[%dma_start3A_220, %dma_start3A_221] : memref<10000x128xf32, #tpu.memory_space<hbm>> -> memref<10000x128xf32, #tpu.memory_space<hbm>>
      tpu.enqueue_indirect_dma source(%dma_start3A_222 : memref<10000x128xf32, #tpu.memory_space<hbm>>) target(%arg20 : memref<80x128xf32, #tpu.memory_space<vmem>>) offsets(%arg11 : memref<80xi32, #tpu.memory_space<vmem>>) semaphore(%arg22 : memref<!tpu.dma_semaphore, #tpu.memory_space<semaphore_mem>>)
    } else {
    }
    %dma_wait3A_163 = arith.constant 0 : i32
    %dma_wait3A_164 = arith.constant 0 : i32
    %dma_wait3A_165 = tpu.memref_slice %arg2[%dma_wait3A_163, %dma_wait3A_164] : memref<10000x128xf32, #tpu.memory_space<hbm>> -> memref<10000x128xf32, #tpu.memory_space<hbm>>
    tpu.wait_indirect_dma semaphore(%arg22 : memref<!tpu.dma_semaphore, #tpu.memory_space<semaphore_mem>>) src(%dma_wait3A_165 : memref<10000x128xf32, #tpu.memory_space<hbm>>) dst(%arg18 : memref<80x128xf32, #tpu.memory_space<vmem>>)
    %dma_start3A_166 = arith.constant 0 : i32
    %dma_start3A_167 = arith.constant 0 : i32
    %dma_start3A_168 = tpu.memref_slice %arg21[%dma_start3A_166, %dma_start3A_167] : memref<10000x128xf32, #tpu.memory_space<vmem_shared>> -> memref<10000x128xf32, #tpu.memory_space<vmem_shared>>
    tpu.enqueue_indirect_dma source(%arg19 : memref<80x128xf32, #tpu.memory_space<vmem>>) target(%dma_start3A_168 : memref<10000x128xf32, #tpu.memory_space<vmem_shared>>) offsets(%arg16 : memref<80xi32, #tpu.memory_space<vmem>>) semaphore(%arg23 : memref<!tpu.dma_semaphore, #tpu.memory_space<semaphore_mem>>) {add = true}
    %ge3A_169 = arith.constant 124 : i32
    %ge3A_170 = arith.constant 1 : i32
    %ge3A_171 = arith.cmpi sge, %ge3A_169, %ge3A_170 : i32
    %convert_element_type3A_172 = arith.extui %ge3A_171 : i1 to i32
    %cond3A_173 = arith.constant 0 : i32
    %cond3A_174 = arith.cmpi ne, %convert_element_type3A_172, %cond3A_173 : i32
    scf.if %cond3A_174 {
      %dma_wait3A_212 = arith.constant 0 : i32
      %dma_wait3A_213 = arith.constant 0 : i32
      %dma_wait3A_214 = tpu.memref_slice %arg21[%dma_wait3A_212, %dma_wait3A_213] : memref<10000x128xf32, #tpu.memory_space<vmem_shared>> -> memref<10000x128xf32, #tpu.memory_space<vmem_shared>>
      tpu.wait_indirect_dma semaphore(%arg23 : memref<!tpu.dma_semaphore, #tpu.memory_space<semaphore_mem>>) src(%arg18 : memref<80x128xf32, #tpu.memory_space<vmem>>) dst(%dma_wait3A_214 : memref<10000x128xf32, #tpu.memory_space<vmem_shared>>)
    } else {
    }
    %add3A_175 = arith.constant 124 : i32
    %add3A_176 = arith.constant 3 : i32
    %add3A_177 = arith.addi %add3A_175, %add3A_176 : i32
    %lt3A_178 = arith.constant 125 : i32
    %lt3A_179 = arith.cmpi slt, %add3A_177, %lt3A_178 : i32
    %convert_element_type3A_180 = arith.extui %lt3A_179 : i1 to i32
    %cond3A_181 = arith.constant 124 : i32
    %cond3A_182 = arith.constant 0 : i32
    %cond3A_183 = arith.cmpi ne, %convert_element_type3A_180, %cond3A_182 : i32
    scf.if %cond3A_183 {
      %add3A_212 = arith.constant 3 : i32
      %add3A_213 = arith.addi %cond3A_181, %add3A_212 : i32
      %mul3A_214 = arith.constant 80 : i32
      %mul3A_215 = arith.muli %add3A_213, %mul3A_214 : i32
      %add3A_216 = arith.addi %mul3A_2, %mul3A_215 : i32
      %multiple_of3A = tpu.assume_multiple %add3A_216, 8 : i32
      %dma_start3A_217 = tpu.memref_slice %arg3[%multiple_of3A] : memref<320000xi32, #tpu.memory_space<hbm>> -> memref<80xi32, #tpu.memory_space<hbm>>
      %dma_start3A_218 = tpu.memref_slice %arg3[%multiple_of3A] : memref<320000xi32, #tpu.memory_space<hbm>> -> memref<80xi32, #tpu.memory_space<hbm>>
      tpu.enqueue_dma source(%dma_start3A_218 : memref<80xi32, #tpu.memory_space<hbm>>) target(%arg7 : memref<80xi32, #tpu.memory_space<vmem>>) target_semaphore(%arg24 : memref<!tpu.dma_semaphore, #tpu.memory_space<semaphore_mem>>)
      %dma_start3A_219 = tpu.memref_slice %arg4[%multiple_of3A] : memref<320000xi32, #tpu.memory_space<hbm>> -> memref<80xi32, #tpu.memory_space<hbm>>
      %dma_start3A_220 = tpu.memref_slice %arg4[%multiple_of3A] : memref<320000xi32, #tpu.memory_space<hbm>> -> memref<80xi32, #tpu.memory_space<hbm>>
      tpu.enqueue_dma source(%dma_start3A_220 : memref<80xi32, #tpu.memory_space<hbm>>) target(%arg13 : memref<80xi32, #tpu.memory_space<vmem>>) target_semaphore(%arg24 : memref<!tpu.dma_semaphore, #tpu.memory_space<semaphore_mem>>)
    } else {
    }
    %ge3A_184 = arith.constant 124 : i32
    %ge3A_185 = arith.constant 1 : i32
    %ge3A_186 = arith.cmpi sge, %ge3A_184, %ge3A_185 : i32
    %add3A_187 = arith.constant 124 : i32
    %add3A_188 = arith.constant 2 : i32
    %add3A_189 = arith.addi %add3A_187, %add3A_188 : i32
    %lt3A_190 = arith.constant 125 : i32
    %lt3A_191 = arith.cmpi slt, %add3A_189, %lt3A_190 : i32
    %and3A_192 = arith.andi %ge3A_186, %lt3A_191 : i1
    %convert_element_type3A_193 = arith.extui %and3A_192 : i1 to i32
    %cond3A_194 = arith.constant 0 : i32
    %cond3A_195 = arith.cmpi ne, %convert_element_type3A_193, %cond3A_194 : i32
    scf.if %cond3A_195 {
      %dma_wait3A_212 = arith.constant 0 : i32
      %dma_wait3A_213 = tpu.memref_slice %arg3[%dma_wait3A_212] : memref<320000xi32, #tpu.memory_space<hbm>> -> memref<80xi32, #tpu.memory_space<hbm>>
      %dma_wait3A_214 = arith.constant 0 : i32
      %dma_wait3A_215 = tpu.memref_slice %arg3[%dma_wait3A_214] : memref<320000xi32, #tpu.memory_space<hbm>> -> memref<80xi32, #tpu.memory_space<hbm>>
      tpu.wait_dma2 semaphore(%arg24 : memref<!tpu.dma_semaphore, #tpu.memory_space<semaphore_mem>>) src(%dma_wait3A_215 : memref<80xi32, #tpu.memory_space<hbm>>) dst(%arg6 : memref<80xi32, #tpu.memory_space<vmem>>)
      %dma_wait3A_216 = arith.constant 0 : i32
      %dma_wait3A_217 = tpu.memref_slice %arg3[%dma_wait3A_216] : memref<320000xi32, #tpu.memory_space<hbm>> -> memref<80xi32, #tpu.memory_space<hbm>>
      %dma_wait3A_218 = arith.constant 0 : i32
      %dma_wait3A_219 = tpu.memref_slice %arg3[%dma_wait3A_218] : memref<320000xi32, #tpu.memory_space<hbm>> -> memref<80xi32, #tpu.memory_space<hbm>>
      tpu.wait_dma2 semaphore(%arg24 : memref<!tpu.dma_semaphore, #tpu.memory_space<semaphore_mem>>) src(%dma_wait3A_219 : memref<80xi32, #tpu.memory_space<hbm>>) dst(%arg6 : memref<80xi32, #tpu.memory_space<vmem>>)
      %dma_start3A_220 = arith.constant 0 : i32
      %dma_start3A_221 = arith.constant 0 : i32
      %dma_start3A_222 = tpu.memref_slice %arg2[%dma_start3A_220, %dma_start3A_221] : memref<10000x128xf32, #tpu.memory_space<hbm>> -> memref<10000x128xf32, #tpu.memory_space<hbm>>
      tpu.enqueue_indirect_dma source(%dma_start3A_222 : memref<10000x128xf32, #tpu.memory_space<hbm>>) target(%arg18 : memref<80x128xf32, #tpu.memory_space<vmem>>) offsets(%arg6 : memref<80xi32, #tpu.memory_space<vmem>>) semaphore(%arg22 : memref<!tpu.dma_semaphore, #tpu.memory_space<semaphore_mem>>)
    } else {
    }
    %dma_wait3A_196 = arith.constant 0 : i32
    %dma_wait3A_197 = arith.constant 0 : i32
    %dma_wait3A_198 = tpu.memref_slice %arg21[%dma_wait3A_196, %dma_wait3A_197] : memref<10000x128xf32, #tpu.memory_space<vmem_shared>> -> memref<10000x128xf32, #tpu.memory_space<vmem_shared>>
    tpu.wait_indirect_dma semaphore(%arg23 : memref<!tpu.dma_semaphore, #tpu.memory_space<semaphore_mem>>) src(%arg18 : memref<80x128xf32, #tpu.memory_space<vmem>>) dst(%dma_wait3A_198 : memref<10000x128xf32, #tpu.memory_space<vmem_shared>>)
    %barrier3A_199 = arith.constant 0 : index
    tpu.barrier barrier_id(%barrier3A_199)
    %mul3A_200 = arith.constant 10000 : i32
    %mul3A_201 = arith.muli %arg0, %mul3A_200 : i32
    %lt3A_202 = arith.constant 15 : i32
    %lt3A_203 = arith.cmpi slt, %arg1, %lt3A_202 : i32
    %convert_element_type3A_204 = arith.extui %lt3A_203 : i1 to i32
    %cond3A_205 = arith.constant 0 : i32
    %cond3A_206 = arith.cmpi ne, %convert_element_type3A_204, %cond3A_205 : i32
    scf.if %cond3A_206 {
      %mul3A_212 = arith.constant 624 : i32
      %mul3A_213 = arith.muli %arg1, %mul3A_212 : i32
      %multiple_of3A = tpu.assume_multiple %mul3A_213, 16 : i32
      %add3A_214 = arith.constant 0 : i32
      %add3A_215 = arith.addi %add3A_214, %multiple_of3A : i32
      %add3A_216 = arith.addi %mul3A_201, %multiple_of3A : i32
      "tpu.region"() ({
        %run_scoped3A = tpu.sem_alloc : memref<!tpu.dma_semaphore, #tpu.memory_space<semaphore_mem>>
        %dma_start3A_217 = arith.constant 0 : i32
        %dma_start3A_218 = tpu.memref_slice %arg5[%add3A_216, %dma_start3A_217] : memref<20000x128xf32, #tpu.memory_space<hbm>> -> memref<624x128xf32, #tpu.memory_space<hbm>>
        %dma_start3A_219 = arith.constant 0 : i32
        %dma_start3A_220 = tpu.memref_slice %arg21[%add3A_215, %dma_start3A_219] : memref<10000x128xf32, #tpu.memory_space<vmem_shared>> -> memref<624x128xf32, #tpu.memory_space<vmem_shared>>
        tpu.enqueue_dma source(%dma_start3A_220 : memref<624x128xf32, #tpu.memory_space<vmem_shared>>) target(%dma_start3A_218 : memref<624x128xf32, #tpu.memory_space<hbm>>) target_semaphore(%run_scoped3A : memref<!tpu.dma_semaphore, #tpu.memory_space<semaphore_mem>>)
        %dma_wait3A_221 = arith.constant 0 : i32
        %dma_wait3A_222 = tpu.memref_slice %arg5[%add3A_216, %dma_wait3A_221] : memref<20000x128xf32, #tpu.memory_space<hbm>> -> memref<624x128xf32, #tpu.memory_space<hbm>>
        %dma_wait3A_223 = arith.constant 0 : i32
        %dma_wait3A_224 = tpu.memref_slice %arg21[%add3A_215, %dma_wait3A_223] : memref<10000x128xf32, #tpu.memory_space<vmem_shared>> -> memref<624x128xf32, #tpu.memory_space<vmem_shared>>
        tpu.wait_dma2 semaphore(%run_scoped3A : memref<!tpu.dma_semaphore, #tpu.memory_space<semaphore_mem>>) src(%dma_wait3A_224 : memref<624x128xf32, #tpu.memory_space<vmem_shared>>) dst(%dma_wait3A_222 : memref<624x128xf32, #tpu.memory_space<hbm>>)
        tpu.yield
      }) : () -> ()
    } else {
    }
    %eq3A_207 = arith.constant 15 : i32
    %eq3A_208 = arith.cmpi eq, %arg1, %eq3A_207 : i32
    %convert_element_type3A_209 = arith.extui %eq3A_208 : i1 to i32
    %cond3A_210 = arith.constant 0 : i32
    %cond3A_211 = arith.cmpi ne, %convert_element_type3A_209, %cond3A_210 : i32
    scf.if %cond3A_211 {
      %add3A_212 = arith.constant 9360 : i32
      %add3A_213 = arith.addi %mul3A_201, %add3A_212 : i32
      "tpu.region"() ({
        %run_scoped3A = tpu.sem_alloc : memref<!tpu.dma_semaphore, #tpu.memory_space<semaphore_mem>>
        %dma_start3A_214 = arith.constant 0 : i32
        %dma_start3A_215 = tpu.memref_slice %arg5[%add3A_213, %dma_start3A_214] : memref<20000x128xf32, #tpu.memory_space<hbm>> -> memref<640x128xf32, #tpu.memory_space<hbm>>
        %dma_start3A_216 = arith.constant 9360 : i32
        %dma_start3A_217 = arith.constant 0 : i32
        %dma_start3A_218 = tpu.memref_slice %arg21[%dma_start3A_216, %dma_start3A_217] : memref<10000x128xf32, #tpu.memory_space<vmem_shared>> -> memref<640x128xf32, #tpu.memory_space<vmem_shared>>
        tpu.enqueue_dma source(%dma_start3A_218 : memref<640x128xf32, #tpu.memory_space<vmem_shared>>) target(%dma_start3A_215 : memref<640x128xf32, #tpu.memory_space<hbm>>) target_semaphore(%run_scoped3A : memref<!tpu.dma_semaphore, #tpu.memory_space<semaphore_mem>>)
        %dma_wait3A_219 = arith.constant 0 : i32
        %dma_wait3A_220 = tpu.memref_slice %arg5[%add3A_213, %dma_wait3A_219] : memref<20000x128xf32, #tpu.memory_space<hbm>> -> memref<640x128xf32, #tpu.memory_space<hbm>>
        %dma_wait3A_221 = arith.constant 9360 : i32
        %dma_wait3A_222 = arith.constant 0 : i32
        %dma_wait3A_223 = tpu.memref_slice %arg21[%dma_wait3A_221, %dma_wait3A_222] : memref<10000x128xf32, #tpu.memory_space<vmem_shared>> -> memref<640x128xf32, #tpu.memory_space<vmem_shared>>
        tpu.wait_dma2 semaphore(%run_scoped3A : memref<!tpu.dma_semaphore, #tpu.memory_space<semaphore_mem>>) src(%dma_wait3A_223 : memref<640x128xf32, #tpu.memory_space<vmem_shared>>) dst(%dma_wait3A_220 : memref<640x128xf32, #tpu.memory_space<hbm>>)
        tpu.yield
      }) : () -> ()
    } else {
    }
    return
  }
}

#map = affine_map<(d0, d1) -> (0, 0, 0)>
#map1 = affine_map<(d0, d1) -> (0, 0)>
module attributes {stable_mosaic.version = 14 : i64} {
  func.func @_deg_body(%arg0: i32, %arg1: i32, %arg2: memref<32x125x80xi32, #tpu.memory_space<hbm>>, %arg3: memref<10000x128xf32, #tpu.memory_space<hbm>>, %arg4: memref<80x128xf32, #tpu.memory_space<hbm>>, %arg5: memref<20000x128xf32, #tpu.memory_space<hbm>>, %arg6: memref<125x80xi32, #tpu.memory_space<vmem>>, %arg7: memref<80x128xf32, #tpu.memory_space<vmem>>, %arg8: memref<10000x128xf32, #tpu.memory_space<vmem_shared>>, %arg9: memref<!tpu.dma_semaphore, #tpu.memory_space<semaphore_mem>>) attributes {dimension_semantics = [#tpu.dimension_semantics<core_parallel>, #tpu.dimension_semantics<subcore_parallel>], iteration_bounds = array<i64: 2, 16>, scalar_prefetch = 0 : i64, scratch_operands = 4 : i64, tpu.core_type = #tpu.core_type<sc_vector_subcore>, window_params = [{transform_indices = #map}, {transform_indices = #map1}, {transform_indices = #map1}, {transform_indices = #map1}]} {
    %mul3A = arith.constant 16 : i32
    %mul3A_0 = arith.muli %arg0, %mul3A : i32
    %add3A = arith.addi %mul3A_0, %arg1 : i32
    "tpu.region"() ({
      %run_scoped3A = tpu.sem_alloc : memref<!tpu.dma_semaphore, #tpu.memory_space<semaphore_mem>>
      tpu.enqueue_dma source(%arg4 : memref<80x128xf32, #tpu.memory_space<hbm>>) target(%arg7 : memref<80x128xf32, #tpu.memory_space<vmem>>) target_semaphore(%run_scoped3A : memref<!tpu.dma_semaphore, #tpu.memory_space<semaphore_mem>>)
      tpu.wait_dma2 semaphore(%run_scoped3A : memref<!tpu.dma_semaphore, #tpu.memory_space<semaphore_mem>>) src(%arg4 : memref<80x128xf32, #tpu.memory_space<hbm>>) dst(%arg7 : memref<80x128xf32, #tpu.memory_space<vmem>>)
      tpu.yield
    }) : () -> ()
    %lt3A = arith.constant 15 : i32
    %lt3A_1 = arith.cmpi slt, %arg1, %lt3A : i32
    %convert_element_type3A = arith.extui %lt3A_1 : i1 to i32
    %cond3A = arith.constant 0 : i32
    %cond3A_2 = arith.cmpi ne, %convert_element_type3A, %cond3A : i32
    scf.if %cond3A_2 {
      %mul3A_135 = arith.constant 624 : i32
      %mul3A_136 = arith.muli %arg1, %mul3A_135 : i32
      %multiple_of3A = tpu.assume_multiple %mul3A_136, 16 : i32
      %add3A_137 = arith.constant 0 : i32
      %add3A_138 = arith.addi %add3A_137, %multiple_of3A : i32
      %add3A_139 = arith.constant 0 : i32
      %add3A_140 = arith.addi %add3A_139, %multiple_of3A : i32
      "tpu.region"() ({
        %run_scoped3A = tpu.sem_alloc : memref<!tpu.dma_semaphore, #tpu.memory_space<semaphore_mem>>
        %dma_start3A_141 = arith.constant 0 : i32
        %dma_start3A_142 = tpu.memref_slice %arg8[%add3A_140, %dma_start3A_141] : memref<10000x128xf32, #tpu.memory_space<vmem_shared>> -> memref<624x128xf32, #tpu.memory_space<vmem_shared>>
        %dma_start3A_143 = arith.constant 0 : i32
        %dma_start3A_144 = tpu.memref_slice %arg3[%add3A_138, %dma_start3A_143] : memref<10000x128xf32, #tpu.memory_space<hbm>> -> memref<624x128xf32, #tpu.memory_space<hbm>>
        tpu.enqueue_dma source(%dma_start3A_144 : memref<624x128xf32, #tpu.memory_space<hbm>>) target(%dma_start3A_142 : memref<624x128xf32, #tpu.memory_space<vmem_shared>>) target_semaphore(%run_scoped3A : memref<!tpu.dma_semaphore, #tpu.memory_space<semaphore_mem>>)
        %dma_wait3A_145 = arith.constant 0 : i32
        %dma_wait3A_146 = tpu.memref_slice %arg8[%add3A_140, %dma_wait3A_145] : memref<10000x128xf32, #tpu.memory_space<vmem_shared>> -> memref<624x128xf32, #tpu.memory_space<vmem_shared>>
        %dma_wait3A_147 = arith.constant 0 : i32
        %dma_wait3A_148 = tpu.memref_slice %arg3[%add3A_138, %dma_wait3A_147] : memref<10000x128xf32, #tpu.memory_space<hbm>> -> memref<624x128xf32, #tpu.memory_space<hbm>>
        tpu.wait_dma2 semaphore(%run_scoped3A : memref<!tpu.dma_semaphore, #tpu.memory_space<semaphore_mem>>) src(%dma_wait3A_148 : memref<624x128xf32, #tpu.memory_space<hbm>>) dst(%dma_wait3A_146 : memref<624x128xf32, #tpu.memory_space<vmem_shared>>)
        tpu.yield
      }) : () -> ()
    } else {
    }
    %eq3A = arith.constant 15 : i32
    %eq3A_3 = arith.cmpi eq, %arg1, %eq3A : i32
    %convert_element_type3A_4 = arith.extui %eq3A_3 : i1 to i32
    %cond3A_5 = arith.constant 0 : i32
    %cond3A_6 = arith.cmpi ne, %convert_element_type3A_4, %cond3A_5 : i32
    scf.if %cond3A_6 {
      "tpu.region"() ({
        %run_scoped3A = tpu.sem_alloc : memref<!tpu.dma_semaphore, #tpu.memory_space<semaphore_mem>>
        %dma_start3A_135 = arith.constant 9360 : i32
        %dma_start3A_136 = arith.constant 0 : i32
        %dma_start3A_137 = tpu.memref_slice %arg8[%dma_start3A_135, %dma_start3A_136] : memref<10000x128xf32, #tpu.memory_space<vmem_shared>> -> memref<640x128xf32, #tpu.memory_space<vmem_shared>>
        %dma_start3A_138 = arith.constant 9360 : i32
        %dma_start3A_139 = arith.constant 0 : i32
        %dma_start3A_140 = tpu.memref_slice %arg3[%dma_start3A_138, %dma_start3A_139] : memref<10000x128xf32, #tpu.memory_space<hbm>> -> memref<640x128xf32, #tpu.memory_space<hbm>>
        tpu.enqueue_dma source(%dma_start3A_140 : memref<640x128xf32, #tpu.memory_space<hbm>>) target(%dma_start3A_137 : memref<640x128xf32, #tpu.memory_space<vmem_shared>>) target_semaphore(%run_scoped3A : memref<!tpu.dma_semaphore, #tpu.memory_space<semaphore_mem>>)
        %dma_wait3A_141 = arith.constant 9360 : i32
        %dma_wait3A_142 = arith.constant 0 : i32
        %dma_wait3A_143 = tpu.memref_slice %arg8[%dma_wait3A_141, %dma_wait3A_142] : memref<10000x128xf32, #tpu.memory_space<vmem_shared>> -> memref<640x128xf32, #tpu.memory_space<vmem_shared>>
        %dma_wait3A_144 = arith.constant 9360 : i32
        %dma_wait3A_145 = arith.constant 0 : i32
        %dma_wait3A_146 = tpu.memref_slice %arg3[%dma_wait3A_144, %dma_wait3A_145] : memref<10000x128xf32, #tpu.memory_space<hbm>> -> memref<640x128xf32, #tpu.memory_space<hbm>>
        tpu.wait_dma2 semaphore(%run_scoped3A : memref<!tpu.dma_semaphore, #tpu.memory_space<semaphore_mem>>) src(%dma_wait3A_146 : memref<640x128xf32, #tpu.memory_space<hbm>>) dst(%dma_wait3A_143 : memref<640x128xf32, #tpu.memory_space<vmem_shared>>)
        tpu.yield
      }) : () -> ()
    } else {
    }
    "tpu.region"() ({
      %run_scoped3A = tpu.sem_alloc : memref<!tpu.dma_semaphore, #tpu.memory_space<semaphore_mem>>
      %dma_start3A_135 = arith.constant 0 : i32
      %dma_start3A_136 = arith.constant 0 : i32
      %dma_start3A_137 = tpu.memref_slice %arg2[%add3A, %dma_start3A_135, %dma_start3A_136] : memref<32x125x80xi32, #tpu.memory_space<hbm>> -> memref<1x125x80xi32, #tpu.memory_space<hbm>>
      %dma_start3A_138 = tpu.memref_squeeze %dma_start3A_137 : memref<1x125x80xi32, #tpu.memory_space<hbm>> -> memref<125x80xi32, #tpu.memory_space<hbm>>
      %dma_start3A_139 = arith.constant 0 : i32
      %dma_start3A_140 = arith.constant 0 : i32
      %dma_start3A_141 = tpu.memref_slice %arg2[%add3A, %dma_start3A_139, %dma_start3A_140] : memref<32x125x80xi32, #tpu.memory_space<hbm>> -> memref<1x125x80xi32, #tpu.memory_space<hbm>>
      %dma_start3A_142 = tpu.memref_squeeze %dma_start3A_141 : memref<1x125x80xi32, #tpu.memory_space<hbm>> -> memref<125x80xi32, #tpu.memory_space<hbm>>
      tpu.enqueue_dma source(%dma_start3A_142 : memref<125x80xi32, #tpu.memory_space<hbm>>) target(%arg6 : memref<125x80xi32, #tpu.memory_space<vmem>>) target_semaphore(%run_scoped3A : memref<!tpu.dma_semaphore, #tpu.memory_space<semaphore_mem>>)
      %dma_wait3A_143 = arith.constant 0 : i32
      %dma_wait3A_144 = arith.constant 0 : i32
      %dma_wait3A_145 = tpu.memref_slice %arg2[%add3A, %dma_wait3A_143, %dma_wait3A_144] : memref<32x125x80xi32, #tpu.memory_space<hbm>> -> memref<1x125x80xi32, #tpu.memory_space<hbm>>
      %dma_wait3A_146 = tpu.memref_squeeze %dma_wait3A_145 : memref<1x125x80xi32, #tpu.memory_space<hbm>> -> memref<125x80xi32, #tpu.memory_space<hbm>>
      %dma_wait3A_147 = arith.constant 0 : i32
      %dma_wait3A_148 = arith.constant 0 : i32
      %dma_wait3A_149 = tpu.memref_slice %arg2[%add3A, %dma_wait3A_147, %dma_wait3A_148] : memref<32x125x80xi32, #tpu.memory_space<hbm>> -> memref<1x125x80xi32, #tpu.memory_space<hbm>>
      %dma_wait3A_150 = tpu.memref_squeeze %dma_wait3A_149 : memref<1x125x80xi32, #tpu.memory_space<hbm>> -> memref<125x80xi32, #tpu.memory_space<hbm>>
      tpu.wait_dma2 semaphore(%run_scoped3A : memref<!tpu.dma_semaphore, #tpu.memory_space<semaphore_mem>>) src(%dma_wait3A_150 : memref<125x80xi32, #tpu.memory_space<hbm>>) dst(%arg6 : memref<125x80xi32, #tpu.memory_space<vmem>>)
      tpu.yield
    }) : () -> ()
    %barrier3A = arith.constant 0 : index
    tpu.barrier barrier_id(%barrier3A)
    %dma_start3A = arith.constant 0 : i32
    %dma_start3A_7 = arith.constant 0 : i32
    %dma_start3A_8 = tpu.memref_slice %arg6[%dma_start3A, %dma_start3A_7] : memref<125x80xi32, #tpu.memory_space<vmem>> -> memref<1x80xi32, #tpu.memory_space<vmem>>
    %dma_start3A_9 = tpu.memref_squeeze %dma_start3A_8 : memref<1x80xi32, #tpu.memory_space<vmem>> -> memref<80xi32, #tpu.memory_space<vmem>>
    %dma_start3A_10 = arith.constant 0 : i32
    %dma_start3A_11 = arith.constant 0 : i32
    %dma_start3A_12 = tpu.memref_slice %arg8[%dma_start3A_10, %dma_start3A_11] : memref<10000x128xf32, #tpu.memory_space<vmem_shared>> -> memref<10000x128xf32, #tpu.memory_space<vmem_shared>>
    tpu.enqueue_indirect_dma source(%arg7 : memref<80x128xf32, #tpu.memory_space<vmem>>) target(%dma_start3A_12 : memref<10000x128xf32, #tpu.memory_space<vmem_shared>>) offsets(%dma_start3A_9 : memref<80xi32, #tpu.memory_space<vmem>>) semaphore(%arg9 : memref<!tpu.dma_semaphore, #tpu.memory_space<semaphore_mem>>) {add = true}
    %dma_start3A_13 = arith.constant 1 : i32
    %dma_start3A_14 = arith.constant 0 : i32
    %dma_start3A_15 = tpu.memref_slice %arg6[%dma_start3A_13, %dma_start3A_14] : memref<125x80xi32, #tpu.memory_space<vmem>> -> memref<1x80xi32, #tpu.memory_space<vmem>>
    %dma_start3A_16 = tpu.memref_squeeze %dma_start3A_15 : memref<1x80xi32, #tpu.memory_space<vmem>> -> memref<80xi32, #tpu.memory_space<vmem>>
    %dma_start3A_17 = arith.constant 0 : i32
    %dma_start3A_18 = arith.constant 0 : i32
    %dma_start3A_19 = tpu.memref_slice %arg8[%dma_start3A_17, %dma_start3A_18] : memref<10000x128xf32, #tpu.memory_space<vmem_shared>> -> memref<10000x128xf32, #tpu.memory_space<vmem_shared>>
    tpu.enqueue_indirect_dma source(%arg7 : memref<80x128xf32, #tpu.memory_space<vmem>>) target(%dma_start3A_19 : memref<10000x128xf32, #tpu.memory_space<vmem_shared>>) offsets(%dma_start3A_16 : memref<80xi32, #tpu.memory_space<vmem>>) semaphore(%arg9 : memref<!tpu.dma_semaphore, #tpu.memory_space<semaphore_mem>>) {add = true}
    %dma_start3A_20 = arith.constant 2 : i32
    %dma_start3A_21 = arith.constant 0 : i32
    %dma_start3A_22 = tpu.memref_slice %arg6[%dma_start3A_20, %dma_start3A_21] : memref<125x80xi32, #tpu.memory_space<vmem>> -> memref<1x80xi32, #tpu.memory_space<vmem>>
    %dma_start3A_23 = tpu.memref_squeeze %dma_start3A_22 : memref<1x80xi32, #tpu.memory_space<vmem>> -> memref<80xi32, #tpu.memory_space<vmem>>
    %dma_start3A_24 = arith.constant 0 : i32
    %dma_start3A_25 = arith.constant 0 : i32
    %dma_start3A_26 = tpu.memref_slice %arg8[%dma_start3A_24, %dma_start3A_25] : memref<10000x128xf32, #tpu.memory_space<vmem_shared>> -> memref<10000x128xf32, #tpu.memory_space<vmem_shared>>
    tpu.enqueue_indirect_dma source(%arg7 : memref<80x128xf32, #tpu.memory_space<vmem>>) target(%dma_start3A_26 : memref<10000x128xf32, #tpu.memory_space<vmem_shared>>) offsets(%dma_start3A_23 : memref<80xi32, #tpu.memory_space<vmem>>) semaphore(%arg9 : memref<!tpu.dma_semaphore, #tpu.memory_space<semaphore_mem>>) {add = true}
    %dma_start3A_27 = arith.constant 3 : i32
    %dma_start3A_28 = arith.constant 0 : i32
    %dma_start3A_29 = tpu.memref_slice %arg6[%dma_start3A_27, %dma_start3A_28] : memref<125x80xi32, #tpu.memory_space<vmem>> -> memref<1x80xi32, #tpu.memory_space<vmem>>
    %dma_start3A_30 = tpu.memref_squeeze %dma_start3A_29 : memref<1x80xi32, #tpu.memory_space<vmem>> -> memref<80xi32, #tpu.memory_space<vmem>>
    %dma_start3A_31 = arith.constant 0 : i32
    %dma_start3A_32 = arith.constant 0 : i32
    %dma_start3A_33 = tpu.memref_slice %arg8[%dma_start3A_31, %dma_start3A_32] : memref<10000x128xf32, #tpu.memory_space<vmem_shared>> -> memref<10000x128xf32, #tpu.memory_space<vmem_shared>>
    tpu.enqueue_indirect_dma source(%arg7 : memref<80x128xf32, #tpu.memory_space<vmem>>) target(%dma_start3A_33 : memref<10000x128xf32, #tpu.memory_space<vmem_shared>>) offsets(%dma_start3A_30 : memref<80xi32, #tpu.memory_space<vmem>>) semaphore(%arg9 : memref<!tpu.dma_semaphore, #tpu.memory_space<semaphore_mem>>) {add = true}
    %dma_start3A_34 = arith.constant 4 : i32
    %dma_start3A_35 = arith.constant 0 : i32
    %dma_start3A_36 = tpu.memref_slice %arg6[%dma_start3A_34, %dma_start3A_35] : memref<125x80xi32, #tpu.memory_space<vmem>> -> memref<1x80xi32, #tpu.memory_space<vmem>>
    %dma_start3A_37 = tpu.memref_squeeze %dma_start3A_36 : memref<1x80xi32, #tpu.memory_space<vmem>> -> memref<80xi32, #tpu.memory_space<vmem>>
    %dma_start3A_38 = arith.constant 0 : i32
    %dma_start3A_39 = arith.constant 0 : i32
    %dma_start3A_40 = tpu.memref_slice %arg8[%dma_start3A_38, %dma_start3A_39] : memref<10000x128xf32, #tpu.memory_space<vmem_shared>> -> memref<10000x128xf32, #tpu.memory_space<vmem_shared>>
    tpu.enqueue_indirect_dma source(%arg7 : memref<80x128xf32, #tpu.memory_space<vmem>>) target(%dma_start3A_40 : memref<10000x128xf32, #tpu.memory_space<vmem_shared>>) offsets(%dma_start3A_37 : memref<80xi32, #tpu.memory_space<vmem>>) semaphore(%arg9 : memref<!tpu.dma_semaphore, #tpu.memory_space<semaphore_mem>>) {add = true}
    %dma_start3A_41 = arith.constant 5 : i32
    %dma_start3A_42 = arith.constant 0 : i32
    %dma_start3A_43 = tpu.memref_slice %arg6[%dma_start3A_41, %dma_start3A_42] : memref<125x80xi32, #tpu.memory_space<vmem>> -> memref<1x80xi32, #tpu.memory_space<vmem>>
    %dma_start3A_44 = tpu.memref_squeeze %dma_start3A_43 : memref<1x80xi32, #tpu.memory_space<vmem>> -> memref<80xi32, #tpu.memory_space<vmem>>
    %dma_start3A_45 = arith.constant 0 : i32
    %dma_start3A_46 = arith.constant 0 : i32
    %dma_start3A_47 = tpu.memref_slice %arg8[%dma_start3A_45, %dma_start3A_46] : memref<10000x128xf32, #tpu.memory_space<vmem_shared>> -> memref<10000x128xf32, #tpu.memory_space<vmem_shared>>
    tpu.enqueue_indirect_dma source(%arg7 : memref<80x128xf32, #tpu.memory_space<vmem>>) target(%dma_start3A_47 : memref<10000x128xf32, #tpu.memory_space<vmem_shared>>) offsets(%dma_start3A_44 : memref<80xi32, #tpu.memory_space<vmem>>) semaphore(%arg9 : memref<!tpu.dma_semaphore, #tpu.memory_space<semaphore_mem>>) {add = true}
    %dma_start3A_48 = arith.constant 6 : i32
    %dma_start3A_49 = arith.constant 0 : i32
    %dma_start3A_50 = tpu.memref_slice %arg6[%dma_start3A_48, %dma_start3A_49] : memref<125x80xi32, #tpu.memory_space<vmem>> -> memref<1x80xi32, #tpu.memory_space<vmem>>
    %dma_start3A_51 = tpu.memref_squeeze %dma_start3A_50 : memref<1x80xi32, #tpu.memory_space<vmem>> -> memref<80xi32, #tpu.memory_space<vmem>>
    %dma_start3A_52 = arith.constant 0 : i32
    %dma_start3A_53 = arith.constant 0 : i32
    %dma_start3A_54 = tpu.memref_slice %arg8[%dma_start3A_52, %dma_start3A_53] : memref<10000x128xf32, #tpu.memory_space<vmem_shared>> -> memref<10000x128xf32, #tpu.memory_space<vmem_shared>>
    tpu.enqueue_indirect_dma source(%arg7 : memref<80x128xf32, #tpu.memory_space<vmem>>) target(%dma_start3A_54 : memref<10000x128xf32, #tpu.memory_space<vmem_shared>>) offsets(%dma_start3A_51 : memref<80xi32, #tpu.memory_space<vmem>>) semaphore(%arg9 : memref<!tpu.dma_semaphore, #tpu.memory_space<semaphore_mem>>) {add = true}
    %dma_start3A_55 = arith.constant 7 : i32
    %dma_start3A_56 = arith.constant 0 : i32
    %dma_start3A_57 = tpu.memref_slice %arg6[%dma_start3A_55, %dma_start3A_56] : memref<125x80xi32, #tpu.memory_space<vmem>> -> memref<1x80xi32, #tpu.memory_space<vmem>>
    %dma_start3A_58 = tpu.memref_squeeze %dma_start3A_57 : memref<1x80xi32, #tpu.memory_space<vmem>> -> memref<80xi32, #tpu.memory_space<vmem>>
    %dma_start3A_59 = arith.constant 0 : i32
    %dma_start3A_60 = arith.constant 0 : i32
    %dma_start3A_61 = tpu.memref_slice %arg8[%dma_start3A_59, %dma_start3A_60] : memref<10000x128xf32, #tpu.memory_space<vmem_shared>> -> memref<10000x128xf32, #tpu.memory_space<vmem_shared>>
    tpu.enqueue_indirect_dma source(%arg7 : memref<80x128xf32, #tpu.memory_space<vmem>>) target(%dma_start3A_61 : memref<10000x128xf32, #tpu.memory_space<vmem_shared>>) offsets(%dma_start3A_58 : memref<80xi32, #tpu.memory_space<vmem>>) semaphore(%arg9 : memref<!tpu.dma_semaphore, #tpu.memory_space<semaphore_mem>>) {add = true}
    %scan3A = arith.constant 0 : i32
    %scan3A_62 = arith.constant 0 : i32
    %scan3A_63 = arith.constant 117 : i32
    %scan3A_64 = arith.addi %scan3A_62, %scan3A_63 : i32
    %scan3A_65 = arith.constant 1 : i32
    scf.for %scan3A_135 = %scan3A_62 to %scan3A_64 step %scan3A_65  : i32 {
      %dma_wait3A_136 = arith.constant 0 : i32
      %dma_wait3A_137 = arith.constant 0 : i32
      %dma_wait3A_138 = tpu.memref_slice %arg6[%dma_wait3A_136, %dma_wait3A_137] : memref<125x80xi32, #tpu.memory_space<vmem>> -> memref<1x80xi32, #tpu.memory_space<vmem>>
      %dma_wait3A_139 = tpu.memref_squeeze %dma_wait3A_138 : memref<1x80xi32, #tpu.memory_space<vmem>> -> memref<80xi32, #tpu.memory_space<vmem>>
      %dma_wait3A_140 = arith.constant 0 : i32
      %dma_wait3A_141 = arith.constant 0 : i32
      %dma_wait3A_142 = tpu.memref_slice %arg8[%dma_wait3A_140, %dma_wait3A_141] : memref<10000x128xf32, #tpu.memory_space<vmem_shared>> -> memref<10000x128xf32, #tpu.memory_space<vmem_shared>>
      tpu.wait_indirect_dma semaphore(%arg9 : memref<!tpu.dma_semaphore, #tpu.memory_space<semaphore_mem>>) src(%arg7 : memref<80x128xf32, #tpu.memory_space<vmem>>) dst(%dma_wait3A_142 : memref<10000x128xf32, #tpu.memory_space<vmem_shared>>)
      %add3A_143 = arith.constant 8 : i32
      %add3A_144 = arith.addi %scan3A_135, %add3A_143 : i32
      %dma_start3A_145 = arith.constant 0 : i32
      %dma_start3A_146 = tpu.memref_slice %arg6[%add3A_144, %dma_start3A_145] : memref<125x80xi32, #tpu.memory_space<vmem>> -> memref<1x80xi32, #tpu.memory_space<vmem>>
      %dma_start3A_147 = tpu.memref_squeeze %dma_start3A_146 : memref<1x80xi32, #tpu.memory_space<vmem>> -> memref<80xi32, #tpu.memory_space<vmem>>
      %dma_start3A_148 = arith.constant 0 : i32
      %dma_start3A_149 = arith.constant 0 : i32
      %dma_start3A_150 = tpu.memref_slice %arg8[%dma_start3A_148, %dma_start3A_149] : memref<10000x128xf32, #tpu.memory_space<vmem_shared>> -> memref<10000x128xf32, #tpu.memory_space<vmem_shared>>
      tpu.enqueue_indirect_dma source(%arg7 : memref<80x128xf32, #tpu.memory_space<vmem>>) target(%dma_start3A_150 : memref<10000x128xf32, #tpu.memory_space<vmem_shared>>) offsets(%dma_start3A_147 : memref<80xi32, #tpu.memory_space<vmem>>) semaphore(%arg9 : memref<!tpu.dma_semaphore, #tpu.memory_space<semaphore_mem>>) {add = true}
    }
    %scan3A_66 = arith.constant 117 : i32
    %dma_wait3A = arith.constant 0 : i32
    %dma_wait3A_67 = arith.constant 0 : i32
    %dma_wait3A_68 = tpu.memref_slice %arg6[%dma_wait3A, %dma_wait3A_67] : memref<125x80xi32, #tpu.memory_space<vmem>> -> memref<1x80xi32, #tpu.memory_space<vmem>>
    %dma_wait3A_69 = tpu.memref_squeeze %dma_wait3A_68 : memref<1x80xi32, #tpu.memory_space<vmem>> -> memref<80xi32, #tpu.memory_space<vmem>>
    %dma_wait3A_70 = arith.constant 0 : i32
    %dma_wait3A_71 = arith.constant 0 : i32
    %dma_wait3A_72 = tpu.memref_slice %arg8[%dma_wait3A_70, %dma_wait3A_71] : memref<10000x128xf32, #tpu.memory_space<vmem_shared>> -> memref<10000x128xf32, #tpu.memory_space<vmem_shared>>
    tpu.wait_indirect_dma semaphore(%arg9 : memref<!tpu.dma_semaphore, #tpu.memory_space<semaphore_mem>>) src(%arg7 : memref<80x128xf32, #tpu.memory_space<vmem>>) dst(%dma_wait3A_72 : memref<10000x128xf32, #tpu.memory_space<vmem_shared>>)
    %dma_wait3A_73 = arith.constant 0 : i32
    %dma_wait3A_74 = arith.constant 0 : i32
    %dma_wait3A_75 = tpu.memref_slice %arg6[%dma_wait3A_73, %dma_wait3A_74] : memref<125x80xi32, #tpu.memory_space<vmem>> -> memref<1x80xi32, #tpu.memory_space<vmem>>
    %dma_wait3A_76 = tpu.memref_squeeze %dma_wait3A_75 : memref<1x80xi32, #tpu.memory_space<vmem>> -> memref<80xi32, #tpu.memory_space<vmem>>
    %dma_wait3A_77 = arith.constant 0 : i32
    %dma_wait3A_78 = arith.constant 0 : i32
    %dma_wait3A_79 = tpu.memref_slice %arg8[%dma_wait3A_77, %dma_wait3A_78] : memref<10000x128xf32, #tpu.memory_space<vmem_shared>> -> memref<10000x128xf32, #tpu.memory_space<vmem_shared>>
    tpu.wait_indirect_dma semaphore(%arg9 : memref<!tpu.dma_semaphore, #tpu.memory_space<semaphore_mem>>) src(%arg7 : memref<80x128xf32, #tpu.memory_space<vmem>>) dst(%dma_wait3A_79 : memref<10000x128xf32, #tpu.memory_space<vmem_shared>>)
    %dma_wait3A_80 = arith.constant 0 : i32
    %dma_wait3A_81 = arith.constant 0 : i32
    %dma_wait3A_82 = tpu.memref_slice %arg6[%dma_wait3A_80, %dma_wait3A_81] : memref<125x80xi32, #tpu.memory_space<vmem>> -> memref<1x80xi32, #tpu.memory_space<vmem>>
    %dma_wait3A_83 = tpu.memref_squeeze %dma_wait3A_82 : memref<1x80xi32, #tpu.memory_space<vmem>> -> memref<80xi32, #tpu.memory_space<vmem>>
    %dma_wait3A_84 = arith.constant 0 : i32
    %dma_wait3A_85 = arith.constant 0 : i32
    %dma_wait3A_86 = tpu.memref_slice %arg8[%dma_wait3A_84, %dma_wait3A_85] : memref<10000x128xf32, #tpu.memory_space<vmem_shared>> -> memref<10000x128xf32, #tpu.memory_space<vmem_shared>>
    tpu.wait_indirect_dma semaphore(%arg9 : memref<!tpu.dma_semaphore, #tpu.memory_space<semaphore_mem>>) src(%arg7 : memref<80x128xf32, #tpu.memory_space<vmem>>) dst(%dma_wait3A_86 : memref<10000x128xf32, #tpu.memory_space<vmem_shared>>)
    %dma_wait3A_87 = arith.constant 0 : i32
    %dma_wait3A_88 = arith.constant 0 : i32
    %dma_wait3A_89 = tpu.memref_slice %arg6[%dma_wait3A_87, %dma_wait3A_88] : memref<125x80xi32, #tpu.memory_space<vmem>> -> memref<1x80xi32, #tpu.memory_space<vmem>>
    %dma_wait3A_90 = tpu.memref_squeeze %dma_wait3A_89 : memref<1x80xi32, #tpu.memory_space<vmem>> -> memref<80xi32, #tpu.memory_space<vmem>>
    %dma_wait3A_91 = arith.constant 0 : i32
    %dma_wait3A_92 = arith.constant 0 : i32
    %dma_wait3A_93 = tpu.memref_slice %arg8[%dma_wait3A_91, %dma_wait3A_92] : memref<10000x128xf32, #tpu.memory_space<vmem_shared>> -> memref<10000x128xf32, #tpu.memory_space<vmem_shared>>
    tpu.wait_indirect_dma semaphore(%arg9 : memref<!tpu.dma_semaphore, #tpu.memory_space<semaphore_mem>>) src(%arg7 : memref<80x128xf32, #tpu.memory_space<vmem>>) dst(%dma_wait3A_93 : memref<10000x128xf32, #tpu.memory_space<vmem_shared>>)
    %dma_wait3A_94 = arith.constant 0 : i32
    %dma_wait3A_95 = arith.constant 0 : i32
    %dma_wait3A_96 = tpu.memref_slice %arg6[%dma_wait3A_94, %dma_wait3A_95] : memref<125x80xi32, #tpu.memory_space<vmem>> -> memref<1x80xi32, #tpu.memory_space<vmem>>
    %dma_wait3A_97 = tpu.memref_squeeze %dma_wait3A_96 : memref<1x80xi32, #tpu.memory_space<vmem>> -> memref<80xi32, #tpu.memory_space<vmem>>
    %dma_wait3A_98 = arith.constant 0 : i32
    %dma_wait3A_99 = arith.constant 0 : i32
    %dma_wait3A_100 = tpu.memref_slice %arg8[%dma_wait3A_98, %dma_wait3A_99] : memref<10000x128xf32, #tpu.memory_space<vmem_shared>> -> memref<10000x128xf32, #tpu.memory_space<vmem_shared>>
    tpu.wait_indirect_dma semaphore(%arg9 : memref<!tpu.dma_semaphore, #tpu.memory_space<semaphore_mem>>) src(%arg7 : memref<80x128xf32, #tpu.memory_space<vmem>>) dst(%dma_wait3A_100 : memref<10000x128xf32, #tpu.memory_space<vmem_shared>>)
    %dma_wait3A_101 = arith.constant 0 : i32
    %dma_wait3A_102 = arith.constant 0 : i32
    %dma_wait3A_103 = tpu.memref_slice %arg6[%dma_wait3A_101, %dma_wait3A_102] : memref<125x80xi32, #tpu.memory_space<vmem>> -> memref<1x80xi32, #tpu.memory_space<vmem>>
    %dma_wait3A_104 = tpu.memref_squeeze %dma_wait3A_103 : memref<1x80xi32, #tpu.memory_space<vmem>> -> memref<80xi32, #tpu.memory_space<vmem>>
    %dma_wait3A_105 = arith.constant 0 : i32
    %dma_wait3A_106 = arith.constant 0 : i32
    %dma_wait3A_107 = tpu.memref_slice %arg8[%dma_wait3A_105, %dma_wait3A_106] : memref<10000x128xf32, #tpu.memory_space<vmem_shared>> -> memref<10000x128xf32, #tpu.memory_space<vmem_shared>>
    tpu.wait_indirect_dma semaphore(%arg9 : memref<!tpu.dma_semaphore, #tpu.memory_space<semaphore_mem>>) src(%arg7 : memref<80x128xf32, #tpu.memory_space<vmem>>) dst(%dma_wait3A_107 : memref<10000x128xf32, #tpu.memory_space<vmem_shared>>)
    %dma_wait3A_108 = arith.constant 0 : i32
    %dma_wait3A_109 = arith.constant 0 : i32
    %dma_wait3A_110 = tpu.memref_slice %arg6[%dma_wait3A_108, %dma_wait3A_109] : memref<125x80xi32, #tpu.memory_space<vmem>> -> memref<1x80xi32, #tpu.memory_space<vmem>>
    %dma_wait3A_111 = tpu.memref_squeeze %dma_wait3A_110 : memref<1x80xi32, #tpu.memory_space<vmem>> -> memref<80xi32, #tpu.memory_space<vmem>>
    %dma_wait3A_112 = arith.constant 0 : i32
    %dma_wait3A_113 = arith.constant 0 : i32
    %dma_wait3A_114 = tpu.memref_slice %arg8[%dma_wait3A_112, %dma_wait3A_113] : memref<10000x128xf32, #tpu.memory_space<vmem_shared>> -> memref<10000x128xf32, #tpu.memory_space<vmem_shared>>
    tpu.wait_indirect_dma semaphore(%arg9 : memref<!tpu.dma_semaphore, #tpu.memory_space<semaphore_mem>>) src(%arg7 : memref<80x128xf32, #tpu.memory_space<vmem>>) dst(%dma_wait3A_114 : memref<10000x128xf32, #tpu.memory_space<vmem_shared>>)
    %dma_wait3A_115 = arith.constant 0 : i32
    %dma_wait3A_116 = arith.constant 0 : i32
    %dma_wait3A_117 = tpu.memref_slice %arg6[%dma_wait3A_115, %dma_wait3A_116] : memref<125x80xi32, #tpu.memory_space<vmem>> -> memref<1x80xi32, #tpu.memory_space<vmem>>
    %dma_wait3A_118 = tpu.memref_squeeze %dma_wait3A_117 : memref<1x80xi32, #tpu.memory_space<vmem>> -> memref<80xi32, #tpu.memory_space<vmem>>
    %dma_wait3A_119 = arith.constant 0 : i32
    %dma_wait3A_120 = arith.constant 0 : i32
    %dma_wait3A_121 = tpu.memref_slice %arg8[%dma_wait3A_119, %dma_wait3A_120] : memref<10000x128xf32, #tpu.memory_space<vmem_shared>> -> memref<10000x128xf32, #tpu.memory_space<vmem_shared>>
    tpu.wait_indirect_dma semaphore(%arg9 : memref<!tpu.dma_semaphore, #tpu.memory_space<semaphore_mem>>) src(%arg7 : memref<80x128xf32, #tpu.memory_space<vmem>>) dst(%dma_wait3A_121 : memref<10000x128xf32, #tpu.memory_space<vmem_shared>>)
    %barrier3A_122 = arith.constant 0 : index
    tpu.barrier barrier_id(%barrier3A_122)
    %mul3A_123 = arith.constant 10000 : i32
    %mul3A_124 = arith.muli %arg0, %mul3A_123 : i32
    %lt3A_125 = arith.constant 15 : i32
    %lt3A_126 = arith.cmpi slt, %arg1, %lt3A_125 : i32
    %convert_element_type3A_127 = arith.extui %lt3A_126 : i1 to i32
    %cond3A_128 = arith.constant 0 : i32
    %cond3A_129 = arith.cmpi ne, %convert_element_type3A_127, %cond3A_128 : i32
    scf.if %cond3A_129 {
      %mul3A_135 = arith.constant 624 : i32
      %mul3A_136 = arith.muli %arg1, %mul3A_135 : i32
      %multiple_of3A = tpu.assume_multiple %mul3A_136, 16 : i32
      %add3A_137 = arith.constant 0 : i32
      %add3A_138 = arith.addi %add3A_137, %multiple_of3A : i32
      %add3A_139 = arith.addi %mul3A_124, %multiple_of3A : i32
      "tpu.region"() ({
        %run_scoped3A = tpu.sem_alloc : memref<!tpu.dma_semaphore, #tpu.memory_space<semaphore_mem>>
        %dma_start3A_140 = arith.constant 0 : i32
        %dma_start3A_141 = tpu.memref_slice %arg5[%add3A_139, %dma_start3A_140] : memref<20000x128xf32, #tpu.memory_space<hbm>> -> memref<624x128xf32, #tpu.memory_space<hbm>>
        %dma_start3A_142 = arith.constant 0 : i32
        %dma_start3A_143 = tpu.memref_slice %arg8[%add3A_138, %dma_start3A_142] : memref<10000x128xf32, #tpu.memory_space<vmem_shared>> -> memref<624x128xf32, #tpu.memory_space<vmem_shared>>
        tpu.enqueue_dma source(%dma_start3A_143 : memref<624x128xf32, #tpu.memory_space<vmem_shared>>) target(%dma_start3A_141 : memref<624x128xf32, #tpu.memory_space<hbm>>) target_semaphore(%run_scoped3A : memref<!tpu.dma_semaphore, #tpu.memory_space<semaphore_mem>>)
        %dma_wait3A_144 = arith.constant 0 : i32
        %dma_wait3A_145 = tpu.memref_slice %arg5[%add3A_139, %dma_wait3A_144] : memref<20000x128xf32, #tpu.memory_space<hbm>> -> memref<624x128xf32, #tpu.memory_space<hbm>>
        %dma_wait3A_146 = arith.constant 0 : i32
        %dma_wait3A_147 = tpu.memref_slice %arg8[%add3A_138, %dma_wait3A_146] : memref<10000x128xf32, #tpu.memory_space<vmem_shared>> -> memref<624x128xf32, #tpu.memory_space<vmem_shared>>
        tpu.wait_dma2 semaphore(%run_scoped3A : memref<!tpu.dma_semaphore, #tpu.memory_space<semaphore_mem>>) src(%dma_wait3A_147 : memref<624x128xf32, #tpu.memory_space<vmem_shared>>) dst(%dma_wait3A_145 : memref<624x128xf32, #tpu.memory_space<hbm>>)
        tpu.yield
      }) : () -> ()
    } else {
    }
    %eq3A_130 = arith.constant 15 : i32
    %eq3A_131 = arith.cmpi eq, %arg1, %eq3A_130 : i32
    %convert_element_type3A_132 = arith.extui %eq3A_131 : i1 to i32
    %cond3A_133 = arith.constant 0 : i32
    %cond3A_134 = arith.cmpi ne, %convert_element_type3A_132, %cond3A_133 : i32
    scf.if %cond3A_134 {
      %add3A_135 = arith.constant 9360 : i32
      %add3A_136 = arith.addi %mul3A_124, %add3A_135 : i32
      "tpu.region"() ({
        %run_scoped3A = tpu.sem_alloc : memref<!tpu.dma_semaphore, #tpu.memory_space<semaphore_mem>>
        %dma_start3A_137 = arith.constant 0 : i32
        %dma_start3A_138 = tpu.memref_slice %arg5[%add3A_136, %dma_start3A_137] : memref<20000x128xf32, #tpu.memory_space<hbm>> -> memref<640x128xf32, #tpu.memory_space<hbm>>
        %dma_start3A_139 = arith.constant 9360 : i32
        %dma_start3A_140 = arith.constant 0 : i32
        %dma_start3A_141 = tpu.memref_slice %arg8[%dma_start3A_139, %dma_start3A_140] : memref<10000x128xf32, #tpu.memory_space<vmem_shared>> -> memref<640x128xf32, #tpu.memory_space<vmem_shared>>
        tpu.enqueue_dma source(%dma_start3A_141 : memref<640x128xf32, #tpu.memory_space<vmem_shared>>) target(%dma_start3A_138 : memref<640x128xf32, #tpu.memory_space<hbm>>) target_semaphore(%run_scoped3A : memref<!tpu.dma_semaphore, #tpu.memory_space<semaphore_mem>>)
        %dma_wait3A_142 = arith.constant 0 : i32
        %dma_wait3A_143 = tpu.memref_slice %arg5[%add3A_136, %dma_wait3A_142] : memref<20000x128xf32, #tpu.memory_space<hbm>> -> memref<640x128xf32, #tpu.memory_space<hbm>>
        %dma_wait3A_144 = arith.constant 9360 : i32
        %dma_wait3A_145 = arith.constant 0 : i32
        %dma_wait3A_146 = tpu.memref_slice %arg8[%dma_wait3A_144, %dma_wait3A_145] : memref<10000x128xf32, #tpu.memory_space<vmem_shared>> -> memref<640x128xf32, #tpu.memory_space<vmem_shared>>
        tpu.wait_dma2 semaphore(%run_scoped3A : memref<!tpu.dma_semaphore, #tpu.memory_space<semaphore_mem>>) src(%dma_wait3A_146 : memref<640x128xf32, #tpu.memory_space<vmem_shared>>) dst(%dma_wait3A_143 : memref<640x128xf32, #tpu.memory_space<hbm>>)
        tpu.yield
      }) : () -> ()
    } else {
    }
    return
  }
}

module attributes {stable_mosaic.version = 14 : i64} {
  func.func @_tc1_body(%arg0: memref<10000x128xf32, #tpu.memory_space<vmem>>, %arg1: memref<128x128xf32, #tpu.memory_space<vmem>>, %arg2: memref<20000x128xf32, #tpu.memory_space<vmem>>, %arg3: memref<10000x128xf32, #tpu.memory_space<vmem>>, %arg4: memref<10000x1xf32, #tpu.memory_space<vmem>>) attributes {dimension_semantics = [], scalar_prefetch = 0 : i64, scratch_operands = 0 : i64, tpu.core_type = #tpu.core_type<tc>} {
    %get3A = arith.constant 0 : index
    %get3A_0 = arith.constant 0 : index
    %get3A_1 = vector.load %arg2[%get3A, %get3A_0] : memref<20000x128xf32, #tpu.memory_space<vmem>>, vector<10000x1xf32>
    %get3A_2 = arith.constant 10000 : index
    %get3A_3 = arith.constant 0 : index
    %get3A_4 = vector.load %arg2[%get3A_2, %get3A_3] : memref<20000x128xf32, #tpu.memory_space<vmem>>, vector<10000x1xf32>
    %add3A = arith.addf %get3A_1, %get3A_4 : vector<10000x1xf32>
    %add3A_5 = arith.constant 1.000000e+00 : f32
    %add3A_6 = vector.broadcast %add3A_5 : f32 to vector<10000x1xf32>
    %add3A_7 = arith.addf %add3A, %add3A_6 : vector<10000x1xf32>
    %rsqrt3A = math.rsqrt %add3A_7 : vector<10000x1xf32>
    %get3A_8 = arith.constant 0 : index
    %get3A_9 = arith.constant 0 : index
    %get3A_10 = vector.load %arg0[%get3A_8, %get3A_9] : memref<10000x128xf32, #tpu.memory_space<vmem>>, vector<10000x128xf32>
    %get3A_11 = arith.constant 0 : index
    %get3A_12 = arith.constant 0 : index
    %get3A_13 = vector.load %arg1[%get3A_11, %get3A_12] : memref<128x128xf32, #tpu.memory_space<vmem>>, vector<128x128xf32>
    %dot_general3A = arith.constant dense<0.000000e+00> : vector<10000x128xf32>
    %dot_general3A_14 = tpu.matmul %get3A_10, %get3A_13, %dot_general3A {dimension_numbers = #tpu.dot_dimension_numbers<[1], [0], [0], [1], [0, 0, 1, 1], [], []>, transpose_lhs_hint = false} : vector<10000x128xf32>, vector<128x128xf32>, vector<10000x128xf32> -> vector<10000x128xf32>
    %mul3A = vector.broadcast %rsqrt3A : vector<10000x1xf32> to vector<10000x128xf32>
    %mul3A_15 = arith.mulf %dot_general3A_14, %mul3A : vector<10000x128xf32>
    %swap3A = arith.constant 0 : index
    %swap3A_16 = arith.constant 0 : index
    %swap3A_17 = vector.load %arg3[%swap3A, %swap3A_16] : memref<10000x128xf32, #tpu.memory_space<vmem>>, vector<10000x128xf32>
    tpu.vector_store %arg3[%swap3A, %swap3A_16], %mul3A_15 {strides = array<i32>} : memref<10000x128xf32, #tpu.memory_space<vmem>>, vector<10000x128xf32>,
    %swap3A_18 = arith.constant 0 : index
    %swap3A_19 = arith.constant 0 : index
    %swap3A_20 = vector.load %arg4[%swap3A_18, %swap3A_19] : memref<10000x1xf32, #tpu.memory_space<vmem>>, vector<10000x1xf32>
    tpu.vector_store %arg4[%swap3A_18, %swap3A_19], %rsqrt3A {strides = array<i32>} : memref<10000x1xf32, #tpu.memory_space<vmem>>, vector<10000x1xf32>,
    return
  }
}

module attributes {stable_mosaic.version = 14 : i64} {
  func.func @_tc2_body(%arg0: memref<20000x128xf32, #tpu.memory_space<vmem>>, %arg1: memref<10000x128xf32, #tpu.memory_space<vmem>>, %arg2: memref<10000x1xf32, #tpu.memory_space<vmem>>, %arg3: memref<1x128xf32, #tpu.memory_space<vmem>>, %arg4: memref<10000x128xf32, #tpu.memory_space<vmem>>) attributes {dimension_semantics = [], scalar_prefetch = 0 : i64, scratch_operands = 0 : i64, tpu.core_type = #tpu.core_type<tc>} {
    %get3A = arith.constant 0 : index
    %get3A_0 = arith.constant 0 : index
    %get3A_1 = vector.load %arg0[%get3A, %get3A_0] : memref<20000x128xf32, #tpu.memory_space<vmem>>, vector<10000x128xf32>
    %get3A_2 = arith.constant 10000 : index
    %get3A_3 = arith.constant 0 : index
    %get3A_4 = vector.load %arg0[%get3A_2, %get3A_3] : memref<20000x128xf32, #tpu.memory_space<vmem>>, vector<10000x128xf32>
    %add3A = arith.addf %get3A_1, %get3A_4 : vector<10000x128xf32>
    %get3A_5 = arith.constant 0 : index
    %get3A_6 = arith.constant 0 : index
    %get3A_7 = vector.load %arg1[%get3A_5, %get3A_6] : memref<10000x128xf32, #tpu.memory_space<vmem>>, vector<10000x128xf32>
    %sub3A = arith.subf %add3A, %get3A_7 : vector<10000x128xf32>
    %get3A_8 = arith.constant 0 : index
    %get3A_9 = arith.constant 0 : index
    %get3A_10 = vector.load %arg2[%get3A_8, %get3A_9] : memref<10000x1xf32, #tpu.memory_space<vmem>>, vector<10000x1xf32>
    %mul3A = vector.broadcast %get3A_10 : vector<10000x1xf32> to vector<10000x128xf32>
    %mul3A_11 = arith.mulf %sub3A, %mul3A : vector<10000x128xf32>
    %get3A_12 = arith.constant 0 : index
    %get3A_13 = arith.constant 0 : index
    %get3A_14 = vector.load %arg3[%get3A_12, %get3A_13] : memref<1x128xf32, #tpu.memory_space<vmem>>, vector<1x128xf32>
    %add3A_15 = vector.broadcast %get3A_14 : vector<1x128xf32> to vector<10000x128xf32>
    %add3A_16 = arith.addf %mul3A_11, %add3A_15 : vector<10000x128xf32>
    %max3A = arith.constant 0.000000e+00 : f32
    %max3A_17 = vector.broadcast %max3A : f32 to vector<10000x128xf32>
    %max3A_18 = arith.maximumf %add3A_16, %max3A_17 : vector<10000x128xf32>
    %get3A_19 = arith.constant 0 : index
    %get3A_20 = arith.constant 0 : index
    %get3A_21 = vector.load %arg2[%get3A_19, %get3A_20] : memref<10000x1xf32, #tpu.memory_space<vmem>>, vector<10000x1xf32>
    %mul3A_22 = vector.broadcast %get3A_21 : vector<10000x1xf32> to vector<10000x128xf32>
    %mul3A_23 = arith.mulf %max3A_18, %mul3A_22 : vector<10000x128xf32>
    %swap3A = arith.constant 0 : index
    %swap3A_24 = arith.constant 0 : index
    %swap3A_25 = vector.load %arg4[%swap3A, %swap3A_24] : memref<10000x128xf32, #tpu.memory_space<vmem>>, vector<10000x128xf32>
    tpu.vector_store %arg4[%swap3A, %swap3A_24], %mul3A_23 {strides = array<i32>} : memref<10000x128xf32, #tpu.memory_space<vmem>>, vector<10000x128xf32>,
    return
  }
}

module attributes {stable_mosaic.version = 14 : i64} {
  func.func @_tc3_body(%arg0: memref<20000x128xf32, #tpu.memory_space<vmem>>, %arg1: memref<10000x128xf32, #tpu.memory_space<vmem>>, %arg2: memref<10000x1xf32, #tpu.memory_space<vmem>>, %arg3: memref<128x16xf32, #tpu.memory_space<vmem>>, %arg4: memref<1x16xf32, #tpu.memory_space<vmem>>, %arg5: memref<10000x16xf32, #tpu.memory_space<vmem>>) attributes {dimension_semantics = [], scalar_prefetch = 0 : i64, scratch_operands = 0 : i64, tpu.core_type = #tpu.core_type<tc>} {
    %get3A = arith.constant 0 : index
    %get3A_0 = arith.constant 0 : index
    %get3A_1 = vector.load %arg0[%get3A, %get3A_0] : memref<20000x128xf32, #tpu.memory_space<vmem>>, vector<10000x128xf32>
    %get3A_2 = arith.constant 10000 : index
    %get3A_3 = arith.constant 0 : index
    %get3A_4 = vector.load %arg0[%get3A_2, %get3A_3] : memref<20000x128xf32, #tpu.memory_space<vmem>>, vector<10000x128xf32>
    %add3A = arith.addf %get3A_1, %get3A_4 : vector<10000x128xf32>
    %get3A_5 = arith.constant 0 : index
    %get3A_6 = arith.constant 0 : index
    %get3A_7 = vector.load %arg1[%get3A_5, %get3A_6] : memref<10000x128xf32, #tpu.memory_space<vmem>>, vector<10000x128xf32>
    %sub3A = arith.subf %add3A, %get3A_7 : vector<10000x128xf32>
    %get3A_8 = arith.constant 0 : index
    %get3A_9 = arith.constant 0 : index
    %get3A_10 = vector.load %arg2[%get3A_8, %get3A_9] : memref<10000x1xf32, #tpu.memory_space<vmem>>, vector<10000x1xf32>
    %mul3A = vector.broadcast %get3A_10 : vector<10000x1xf32> to vector<10000x128xf32>
    %mul3A_11 = arith.mulf %sub3A, %mul3A : vector<10000x128xf32>
    %get3A_12 = arith.constant 0 : index
    %get3A_13 = arith.constant 0 : index
    %get3A_14 = vector.load %arg3[%get3A_12, %get3A_13] : memref<128x16xf32, #tpu.memory_space<vmem>>, vector<128x16xf32>
    %dot_general3A = arith.constant dense<0.000000e+00> : vector<10000x16xf32>
    %dot_general3A_15 = tpu.matmul %mul3A_11, %get3A_14, %dot_general3A {dimension_numbers = #tpu.dot_dimension_numbers<[1], [0], [0], [1], [0, 0, 1, 1], [], []>, transpose_lhs_hint = false} : vector<10000x128xf32>, vector<128x16xf32>, vector<10000x16xf32> -> vector<10000x16xf32>
    %get3A_16 = arith.constant 0 : index
    %get3A_17 = arith.constant 0 : index
    %get3A_18 = vector.load %arg4[%get3A_16, %get3A_17] : memref<1x16xf32, #tpu.memory_space<vmem>>, vector<1x16xf32>
    %add3A_19 = vector.broadcast %get3A_18 : vector<1x16xf32> to vector<10000x16xf32>
    %add3A_20 = arith.addf %dot_general3A_15, %add3A_19 : vector<10000x16xf32>
    %swap3A = arith.constant 0 : index
    %swap3A_21 = arith.constant 0 : index
    %swap3A_22 = vector.load %arg5[%swap3A, %swap3A_21] : memref<10000x16xf32, #tpu.memory_space<vmem>>, vector<10000x16xf32>
    tpu.vector_store %arg5[%swap3A, %swap3A_21], %add3A_20 {strides = array<i32>} : memref<10000x16xf32, #tpu.memory_space<vmem>>, vector<10000x16xf32>,
    return
  }
}

</mosaic_0001>

<sc_bundles>
// kernel: kernel.11.cloned.1.call-start
scs
__scs_entry_jumppad:
0x0: {  	(pc) =	sbr.rel $0x88, $3  }
0x1: {  	(tag) =	ssettag $0x0;
	lr =	simm.s32 $0x1  }
0x2: {  	[smem:$0x3F9B] =	sst lr;
	_ =	strace $0xD0000000  }
0x3: {  	_ = 	snop  }
0x4: {  	_ = 	snop  }
0x5: {  	_ = 	snop  }
0x6: {  	_ = 	snop  }
0x7: {  	_ = 	snop  }
__scs_overlays_trampoline_lowered:
0x8: {  	[smem:$0x3FAA] =	sst s0  }
0x9: {  	[smem:$0x3FAB] =	sst s1  }
0xa: {  	[smem:$0x3FAC] =	sst s2  }
0xb: {  	[smem:$0x3FAD] =	sst s3  }
0xc: {  	[smem:$0x3FAE] =	sst s4  }
0xd: {  	[smem:$0x3FAF] =	sst s5  }
0xe: {  	[smem:$0x3FB0] =	sst s6  }
0xf: {  	[smem:$0x3FB1] =	sst s7  }
0x10: {  	[smem:$0x3FB2] =	sst s8  }
0x11: {  	[smem:$0x3FB3] =	sst s9;
	s0 =	simm.s32 @!p0 $0x0  }
0x12: {  	s1 =	sld [smem:$0x3F99];
	s0 =	simm.s32 @p0 $0x1  }
0x13: {  	[smem:$0x3FB4] =	sst s0;
	s0 =	simm.s32 @!p1 $0x0  }
0x14: {  	s2 =	sld [smem:$0x3F98];
	s0 =	simm.s32 @p1 $0x1  }
0x15: {  	[smem:$0x3FB5] =	sst s0;
	s0 =	simm.s32 @!p2 $0x0  }
0x16: {  	s3 =	sld [smem:$0x3FDB];
	s0 =	simm.s32 @p2 $0x1  }
0x17: {  	s4 =	simm.s32 $0x1BF5;
	[smem:$0x3FB7] =	sst s0  }
0x18: {  	s0 =	sld [smem:$0x3F9A];
	_ =	swait.ge [sflag:s4], $0x0  }
0x19: {  	s7 =	sld [smem:$0x3F9B]  }
0x1a: {  	s8 =	sadd.s32 $0xFFFFE003, lr  }
0x1b: {  	s9 =	sadd.s32 $0xFFFFFEF7, lr;
	s5 =	simm.s32 $0xFFFFFFFF;
	p2 =	slt.u32 s8, $0xFFFFF086  }
0x1c: {  	p1 =	slt.u32 s9, $0xF7A;
	s5 =	simm.s32 @!p2 $0x0  }
0x1d: {  	s5 =	simm.s32 @p1 $0x1;
	p0 =	seq.s32 s7, s2  }
0x1e: {  	s7 =	smul.u32 @!p0 $0xF7A, s2;
	p2 =	seq.s32 @!p0 s5, $0x0  }
0x1f: {  	s9 =	smul.u32 $0xF7A, s1;
	s8 =	simm.s32 @!p0 $0x1BF5;
	p2 =	por !p2, p0  }
0x20: {  	[sflag:s8] =	ssyncset.s32 @!p0 $0xFFFFF086;
	s6 =	sadd.s32 @!p0 s3, s7;
	s7 =	simm.s32 @!p0 $0x108  }
0x21: {  	s3 =	sadd.s32 s3, s9;
	s6 =	sadd.s32 @!p0 $0x88, s6;
	s7 =	simm.s32 @p2 $0x1082  }
0x22: {  	[simem:s7], [sflag:s8] =	dma.local @!p0 [hbm:s6], $0xF7A  }
0x23: {  	s9 =	sor.u32 $0xD0000000, s2;
	s6 =	simm.s32 $0x108;
	_ =	swait.ge @!p0 [sflag:s8], $0x0  }
0x24: {  	s3 =	sadd.s32 $0x88, s3;
	s6 =	simm.s32 @!p1 $0x1082;
	[sflag:s4] =	ssyncset.s32 $0xFFFFF086  }
0x25: {  	[simem:s6], [sflag:s4] =	dma.local [hbm:s3], $0xF7A  }
0x26: {  	[smem:$0x3F9B] =	sst s1;
	(tag) =	ssettag s2;
	_ =	strace s9  }
0x27: {  	s1 =	sld [smem:$0x3FAB]  }
0x28: {  	s2 =	sld [smem:$0x3FAC]  }
0x29: {  	s4 =	sld [smem:$0x3FAE]  }
0x2a: {  	p0 =	seq.s32 s5, $0x0;
	s5 =	sld [smem:$0x3FAF]  }
0x2b: {  	s6 =	sld [smem:$0x3FB0]  }
0x2c: {  	s7 =	sld [smem:$0x3FB1]  }
0x2d: {  	s3 =	simm.s32 $0x108;
	s8 =	sld [smem:$0x3FB2]  }
0x2e: {  	s3 =	simm.s32 @!p0 $0x1082;
	s9 =	sld [smem:$0x3FB3]  }
0x2f: {  	lr =	sadd.s32 s0, s3;
	s0 =	sld [smem:$0x3FAA]  }
0x30: {  	s3 =	sld [smem:$0x3FAD]  }
0x31: {  	[smem:$0x3FB6] =	sst s10  }
0x32: {  	s10 =	sld [smem:$0x3FB4];
	_ =	sdelay $0x3  }
0x33: {  	p0 =	seq.s32 s10, $0x1;
	s10 =	sld [smem:$0x3FB6];
	_ =	sdelay $0x3  }
0x34: {  	[smem:$0x3FB6] =	sst s10  }
0x35: {  	s10 =	sld [smem:$0x3FB5];
	_ =	sdelay $0x3  }
0x36: {  	p1 =	seq.s32 s10, $0x1;
	s10 =	sld [smem:$0x3FB6];
	_ =	sdelay $0x3  }
0x37: {  	[smem:$0x3FB6] =	sst s10  }
0x38: {  	s10 =	sld [smem:$0x3FB7]  }
0x39: {  	_ = 	snop;
	(pc) =	sbr.ind lr, $3  }
0x3a: {  	_ = 	snop  }
0x3b: {  	_ = 	snop  }
0x3c: {  	p2 =	seq.s32 s10, $0x1;
	s10 =	sld [smem:$0x3FB6]  }
0x3d: {  	_ =	shalt  }
0x3e: {  	_ =	shalt  }
0x3f: {  	_ =	shalt  }
0x40: {  	_ =	shalt  }
0x41: {  	_ =	shalt  }
0x42: {  	_ =	shalt  }
0x43: {  	_ =	shalt  }
0x44: {  	_ =	shalt  }
0x45: {  	_ =	shalt  }
0x46: {  	_ =	shalt  }
0x47: {  	_ =	shalt  }
0x48: {  	_ =	shalt  }
0x49: {  	_ =	shalt  }
0x4a: {  	_ =	shalt  }
0x4b: {  	_ =	shalt  }
0x4c: {  	_ =	shalt  }
0x4d: {  	_ =	shalt  }
0x4e: {  	_ =	shalt  }
0x4f: {  	_ =	shalt  }
0x50: {  	_ =	shalt  }
0x51: {  	_ =	shalt  }
0x52: {  	_ =	shalt  }
0x53: {  	_ =	shalt  }
0x54: {  	_ =	shalt  }
0x55: {  	_ =	shalt  }
0x56: {  	_ =	shalt  }
0x57: {  	_ =	shalt  }
0x58: {  	_ =	shalt  }
0x59: {  	_ =	shalt  }
0x5a: {  	_ =	shalt  }
0x5b: {  	_ =	shalt  }
0x5c: {  	_ =	shalt  }
0x5d: {  	_ =	shalt  }
0x5e: {  	_ =	shalt  }
0x5f: {  	_ =	shalt  }
0x60: {  	_ =	shalt  }
0x61: {  	_ =	shalt  }
0x62: {  	_ =	shalt  }
0x63: {  	_ =	shalt  }
0x64: {  	_ =	shalt  }
0x65: {  	_ =	shalt  }
0x66: {  	_ =	shalt  }
0x67: {  	_ =	shalt  }
0x68: {  	_ =	shalt  }
0x69: {  	_ =	shalt  }
0x6a: {  	_ =	shalt  }
0x6b: {  	_ =	shalt  }
0x6c: {  	_ =	shalt  }
0x6d: {  	_ =	shalt  }
0x6e: {  	_ =	shalt  }
0x6f: {  	_ =	shalt  }
0x70: {  	_ =	shalt  }
0x71: {  	_ =	shalt  }
0x72: {  	_ =	shalt  }
0x73: {  	_ =	shalt  }
0x74: {  	_ =	shalt  }
0x75: {  	_ =	shalt  }
0x76: {  	_ =	shalt  }
0x77: {  	_ =	shalt  }
0x78: {  	_ =	shalt  }
0x79: {  	_ =	shalt  }
0x7a: {  	_ =	shalt  }
0x7b: {  	_ =	shalt  }
0x7c: {  	_ =	shalt  }
0x7d: {  	_ =	shalt  }
0x7e: {  	_ =	shalt  }
0x7f: {  	_ =	shalt  }
0x80: {  	_ =	shalt  }
0x81: {  	_ =	shalt  }
0x82: {  	_ =	shalt  }
0x83: {  	_ =	shalt  }
0x84: {  	_ =	shalt  }
0x85: {  	_ =	shalt  }
0x86: {  	_ =	shalt  }
0x87: {  	_ =	shalt  }
.Lfunc_end0:
.L_simem_size_0:
called_computation.1_lowered:
.L_overlay_start_0:
0x88: {  	s2 =	sld [smem:$0x3FD9]  }
0x89: {  	s3 =	sld [smem:$0x3FFE];
	_ =	sdelay $0x1  }
0x8a: {  	s1 =	srdreg.scid  }
0x8b: {  	s0 =	sand.u32 $0x1, s1  }
0x8c: {  	s16 =	sshll.u32 s0, $0xA;
	s2 =	sadd.s32 s3, s2  }
0x8d: {  	s2 =	sadd.s32 s2, s16  }
0x8e: {  	[smem:$0x3FC2] =	sst s2  }
0x8f: {  	_ = 	snop  }
0x90: {  	(tm) =	ssettm $0x1  }
0x91: {  	s17 =	sld [smem:$0x3FFB];
	_ =	sdelay $0x3  }
0x92: {  	_ =	strace s17  }
0x93: {  	s2 =	sld [smem:$0x3FFC];
	_ =	sdelay $0x3  }
0x94: {  	_ =	strace s2  }
0x95: {  	s2 =	sld [smem:$0x3FFD];
	_ =	sdelay $0x3  }
0x96: {  	_ =	strace s2  }
0x97: {  	_ =	strace $0x8FFFFFFF  }
0x98: {  	s18 =	sld [smem:$0x3FDB];
	_ =	sdelay $0x1  }
0x99: {  	s19 =	simm.s32 $_scs_section_size  }
0x9a: {  	s4 =	simm.s32 $_size__tile_overlayer_lowered;
	s5 =	simm.s32 $_tile_overlayer_lowered  }
0x9b: {  	s22 =	simm.s32 $0x1BFF;
	s21 =	sshll.u32 s5, $0x1;
	s2 =	sadd.s32 s19, s18  }
0x9c: {  	s6 =	simm.s32 $0x0;
	s20 =	sshll.u32 s4, $0x1;
	s4 =	sadd.s32 s21, s2  }
0x9d: {  	[timem:s6], [sflag:s22] =	dma.local [hbm:s4], s20  }
0x9e: {  	_ =	swait.ge [sflag:s22], s20  }
0x9f: {  	s3 =	ssub.s32 $0x0, s20;
	[sflag:s22] =	ssyncset.done $0x0  }
0xa0: {  	[sflag:s22] =	ssyncadd.s32 s3;
	_ =	sdelay $0x1  }
0xa1: {  	s23 =	simm.s32 $0x1B8B  }
0xa2: {  	_ =	swait.ge [sflag:s23], $0x1  }
0xa3: {  	[sflag:s23] =	ssyncset.done $0x0  }
0xa4: {  	s25 =	simm.s32 $0x1B8E;
	s24 =	sld [smem:$0x3FFE];
	[sflag:s23] =	ssyncadd.s32 $0xFFFFFFFF  }
0xa5: {  	s26 =	simm.s32 $execute0_lowered;
	[smem:$0x3FD2] =	sst s25  }
0xa6: {  	s4 =	sshll.u32 s26, $0x1;
	_ =	strace $0x80000049;
	[dreg:$0x1] =	wrdreg $0xFFFFFFFF  }
0xa7: {  	s28 =	simm.s32 $_size_execute0_lowered;
	s2 =	sadd.s32 s2, s4;
	[dreg:$0x0] =	wrdreg $0x0  }
0xa8: {  	s4 =	sshll.u32 s28, $0x1;
	[dreg:$0x2] =	wrdreg s2  }
0xa9: {  	[dreg:$0x3] =	wrdreg s4  }
0xaa: {  	[dreg:$0x4] =	wrdreg $0xC0  }
0xab: {  	_ =	task [dreg:s6], $0x5FFFF  }
0xac: {  	[dreg:$0x1] =	wrdreg $0xFFFFFFFF  }
0xad: {  	[dreg:$0x0] =	wrdreg $0x60  }
0xae: {  	[dreg:$0x2] =	wrdreg s24  }
0xaf: {  	[dreg:$0x3] =	wrdreg $0x7E000  }
0xb0: {  	[dreg:$0x4] =	wrdreg $0x9  }
0xb1: {  	_ =	task.clear_ibuf [dreg:s6], $0x5FFFF;
	_ =	strace $0x90000049  }
0xb2: {  	s29 =	simm.s32 $0x9;
	_ =	strace $0x8000004B  }
0xb3: {  	_ =	swait.ge [sflag:s29], $0x1  }
0xb4: {  	[sflag:s29] =	ssyncadd.s32 $0xFFFFFFFF  }
0xb5: {  	_ =	strace $0x9000004B  }
0xb6: {  	_ =	sfence  }
0xb7: {  	s30 =	sld [smem:$0x0];
	_ =	sdelay $0x2  }
0xb8: {  	s31 =	sshll.u32 s1, $0xD;
	s1 =	sshrl.u32 s1, $0x2  }
0xb9: {  	s3 =	sand.u32 $0x4000, s31;
	s1 =	sadd.s32 s1, s30  }
0xba: {  	s0 =	sor.u32 s3, s0;
	s1 =	sshll.u32 s1, $0x11  }
0xbb: {  	s0 =	sor.u32 s1, s0  }
0xbc: {  	s0 =	sadd.s32 $0x8F2B, s0  }
0xbd: {  	[sflag:s0] =	ssyncadd.remote.s32 $0x1  }
0xbe: {  	_ =	sfence.sel $0xFFFF  }
0xbf: {  	[dreg:$0x0] =	wrdreg $0xFFFFFFFF;
	(pc) =	sbr.abs _section_cstart, $3  }
0xc0: {  	[dreg:$0x1] =	wrdreg $0xFFFFFFFF  }
0xc1: {  	_ =	task.clear_ibuf [dreg:s6], $0x2FFFF;
	_ =	strace $0x9FFFFFFF  }
0xc2: {  	(tm) =	ssettm $0x7FFFFFFF  }
0xc3: {  	_ =	shalt  }
tec
execute0_lowered:
.L_overlay_start_1:
0x0: {  	(tag) =	ssettag $0x1  }
0x1: {  	s0 =	rddreg [dreg:$0x0]  }
0x2: {  	s1 =	rddreg [dreg:$0x1];
	s2 =	simm.s32 $0x0  }
0x3: {  	s4 =	srdreg.scid;
	s14 =	stileid.u32;
	s28 =	simm.s32 $0x80  }
0x4: {  	s29 =	simm.s32 $0x380;
	s30 =	simm.s32 $0x100;
	s31 =	simm.s32 $0x400  }
0x5: {  	[smem:$0x7FF] =	sst s2;
	s3 =	sadd.s32 $0x15C00, s0;
	s5 =	sadd.s32 $0x2000, s0  }
0x6: {  	s6 =	sadd.s32 $0xBE00, s0;
	s7 =	sadd.s32 $0x3CE00, s0;
	s10 =	smul.u32 $0x4E000, s14  }
0x7: {  	s4 =	sand.u32 $0x1, s4;
	s12 =	smul.u32 $0x2700, s14;
	s20 =	sadd.s32 $0x124800, s1  }
0x8: {  	s21 =	smul.u32 $0x2710, s14;
	s0 =	sadd.s32 $0x3A500, s0;
	p0 =	seq.s32 s14, $0xF  }
0x9: {  	_ =	strace $0x8000004A;
	s8 =	ssub.s32 $0x2, s4;
	[dreg:$0xf] =	wrdreg s20  }
0xa: {  	s9 =	sshll.u32 s4, $0x4;
	s19 =	smul.u32 $0x27100, s4;
	[dreg:$0x10] =	wrdreg s0  }
0xb: {  	s4 =	smul.u32 $0x138800, s4;
	s11 =	sshrl.u32 s8, $0x1;
	s9 =	sor.u32 s14, s9  }
0xc: {  	s10 =	sshrl.u32 s10, $0x2;
	s18 =	sadd.s32 s3, s12;
	s14 =	simm.s32 $0x500  }
0xd: {  	s8 =	ssub.s32 s8, s11;
	s9 =	smul.u32 $0x2710, s9;
	s10 =	sadd.s32 s10, s1  }
0xe: {  	[dreg:$0xe] =	wrdreg s18;
	s11 =	sadd.s32 s21, s19;
	s4 =	sshrl.u32 s4, $0x3  }
0xf: {  	[dreg:$0xd] =	wrdreg s10;
	s26 =	sadd.s32 $0x280, s11;
	s10 =	sadd.s32 s12, s19  }
0x10: {  	s18 =	sadd.s32 $0x230, s11;
	s21 =	sadd.s32 $0x190, s11;
	s4 =	sadd.s32 s7, s4  }
0x11: {  	s12 =	simm.s32 $0x2;
	s9 =	sshrl.u32 s9, $0x3;
	s10 =	sadd.s32 s7, s10  }
0x12: {  	s16 =	sshrl.u32 s26, $0x3;
	s22 =	sadd.s32 s5, s9;
	[dreg:$0x17] =	wrdreg s10  }
0x13: {  	s19 =	sshrl.u32 s18, $0x3;
	s13 =	sadd.s32 s6, s9;
	[dreg:$0x11] =	wrdreg s22  }
0x14: {  	s26 =	sadd.s32 $0x140, s11;
	s17 =	sadd.s32 s16, s6;
	[dreg:$0x12] =	wrdreg s13  }
0x15: {  	s23 =	sadd.s32 $0xA, s9;
	s20 =	sadd.s32 s19, s6;
	[dreg:$0x3] =	wrdreg s17  }
0x16: {  	s25 =	sadd.s32 $0x14, s9;
	s24 =	sadd.s32 s5, s23;
	[dreg:$0x5] =	wrdreg s20  }
0x17: {  	s10 =	simm.s32 $0x180;
	s0 =	sadd.s32 s6, s23;
	[dreg:$0x13] =	wrdreg s24  }
0x18: {  	s15 =	sadd.s32 s5, s25;
	s22 =	sadd.s32 s19, s5;
	[dreg:$0x14] =	wrdreg s0  }
0x19: {  	s23 =	sshrl.u32 s21, $0x3;
	s17 =	sadd.s32 $0xF0, s11;
	[dreg:$0x15] =	wrdreg s15  }
0x1a: {  	s13 =	simm.s32 $0x200;
	s0 =	sadd.s32 s6, s25;
	[dreg:$0x6] =	wrdreg s22  }
0x1b: {  	s24 =	sadd.s32 $0x4CE, s9;
	s25 =	sadd.s32 s23, s6;
	[dreg:$0x16] =	wrdreg s0  }
0x1c: {  	s15 =	sadd.s32 s23, s5;
	s7 =	sshrl.u32 s17, $0x3;
	[dreg:$0x7] =	wrdreg s25  }
0x1d: {  	s9 =	sadd.s32 $0x4D8, s9;
	s23 =	sadd.s32 $0x24900, s4;
	[dreg:$0x8] =	wrdreg s15  }
0x1e: {  	s4 =	simm.s32 $0x600;
	s0 =	sadd.s32 s16, s5;
	[dreg:$0x1c] =	wrdreg s23  }
0x1f: {  	s17 =	simm.s32 $0x580;
	s18 =	sadd.s32 s5, s24;
	[dreg:$0x4] =	wrdreg s0  }
0x20: {  	s19 =	sadd.s32 s7, s6;
	s20 =	sadd.s32 s6, s24;
	[dreg:$0x18] =	wrdreg s18  }
0x21: {  	s21 =	sadd.s32 s5, s9;
	s22 =	sadd.s32 s6, s9;
	[dreg:$0x19] =	wrdreg s20  }
0x22: {  	s24 =	sadd.s32 s7, s5;
	s25 =	smax.u32 s8, $0x1;
	[dreg:$0xb] =	wrdreg s19  }
0x23: {  	s7 =	simm.s32 $0x2E00;
	s8 =	simm.s32 $0x5600;
	[dreg:$0x1a] =	wrdreg s21  }
0x24: {  	s9 =	simm.s32 $0x1;
	s15 =	simm.s32 $0x3;
	[dreg:$0x1b] =	wrdreg s22  }
0x25: {  	s0 =	sshrl.u32 s26, $0x3;
	[dreg:$0x1d] =	wrdreg s25;
	s26 =	sadd.s32 $0x1E0, s11  }
0x26: {  	[dreg:$0xc] =	wrdreg s24;
	s25 =	simm.s32 $0x4;
	s11 =	simm.s32 $0x480  }
0x27: {  	s20 =	simm.s32 $0x0;
	s16 =	sadd.s32 s0, s6;
	[dreg:$0x1e] =	wrdreg s26  }
0x28: {  	s0 =	sadd.s32 s0, s5;
	s26 =	simm.s32 $0x300;
	[dreg:$0x9] =	wrdreg s16  }
0x29: {  	[dreg:$0xa] =	wrdreg s0;
	s0 =	simm.s32 $0x50;
	s16 =	simm.s32 $0x280  }
.LBB2_1:
0x2a: {  	[dreg:$0x1f] =	wrdreg s20  }
0x2b: {  	s18 =	rddreg [dreg:$0xf]  }
0x2c: {  	s19 =	sshrl.u32 @p0 s18, $0x3;
	s18 =	rddreg [dreg:$0x10]  }
0x2d: {  	s20 =	simm.s32 @p0 $0x1FC4;
	[smem:$0x7FB] =	sst s19  }
0x2e: {  	[spmem:s19], [sflag:s20] =	dma.local @p0 [hbm:s18], $0x2800  }
0x2f: {  	s20 =	simm.s32 @p0 $0x4;
	s18 =	stileid.u32  }
0x30: {  	_ =	swait.ge @p0 [sflag:s20], $0x2800;
	s21 =	sshll.u32 @!p0 s18, $0x6  }
0x31: {  	[sflag:s20] =	ssyncset.done @p0 $0x0;
	s19 =	sor.u32 @!p0 $0x1C04, s21;
	s18 =	rddreg [dreg:$0xd]  }
0x32: {  	[sflag:s20] =	ssyncadd.s32 @p0 $0xFFFFD800;
	s20 =	sshrl.u32 @!p0 s18, $0x3;
	s18 =	rddreg [dreg:$0xe]  }
0x33: {  	[smem:$0x7FC] =	sst s19  }
0x34: {  	s22 =	simm.s32 @!p0 $0x4;
	[smem:$0x7FD] =	sst s20  }
0x35: {  	[spmem:s20], [sflag:s19] =	dma.local @!p0 [hbm:s18], $0x2700  }
0x36: {  	_ =	swait.ge @!p0 [sflag:s22], $0x2700  }
0x37: {  	[sflag:s22] =	ssyncset.done @!p0 $0x0  }
0x38: {  	s19 =	rddreg [dreg:$0x11];
	[sflag:s22] =	ssyncadd.s32 @!p0 $0xFFFFD900  }
0x39: {  	[tilespmem:s2], [sflag:$0x4] =	stream.linear.gather [hbm4b:s19+s2], $0x50, $0x38;
	[tilespmem:$0x1B680] =	vst v63  }
0x3a: {  	_ =	swait.ge [sflag:s25], $0x50  }
0x3b: {  	[sflag:s25] =	ssyncset.done $0x0  }
0x3c: {  	s20 =	rddreg [dreg:$0x12];
	[sflag:s25] =	ssyncadd.s32 $0xFFFFFFB0  }
0x3d: {  	[tilespmem:s26], [sflag:$0x4] =	stream.linear.gather [hbm4b:s20+s2], $0x50, $0x38;
	[tilespmem:$0x1B680] =	vst v63  }
0x3e: {  	_ =	swait.ge [sflag:s25], $0x50  }
0x3f: {  	[sflag:s25] =	ssyncset.done $0x0  }
0x40: {  	s21 =	rddreg [dreg:$0x13];
	[sflag:s25] =	ssyncadd.s32 $0xFFFFFFB0  }
0x41: {  	[tilespmem:s28], [sflag:$0x4] =	stream.linear.gather [hbm4b:s21+s2], $0x50, $0x38;
	[tilespmem:$0x1B680] =	vst v63  }
0x42: {  	_ =	swait.ge [sflag:s25], $0x50  }
0x43: {  	[sflag:s25] =	ssyncset.done $0x0  }
0x44: {  	s22 =	rddreg [dreg:$0x14];
	[sflag:s25] =	ssyncadd.s32 $0xFFFFFFB0  }
0x45: {  	[tilespmem:s29], [sflag:$0x4] =	stream.linear.gather [hbm4b:s22+s2], $0x50, $0x38;
	[tilespmem:$0x1B680] =	vst v63  }
0x46: {  	_ =	swait.ge [sflag:s25], $0x50  }
0x47: {  	[sflag:s25] =	ssyncset.done $0x0  }
0x48: {  	s23 =	rddreg [dreg:$0x15];
	[sflag:s25] =	ssyncadd.s32 $0xFFFFFFB0  }
0x49: {  	[tilespmem:s30], [sflag:$0x4] =	stream.linear.gather [hbm4b:s23+s2], $0x50, $0x38;
	[tilespmem:$0x1B680] =	vst v63  }
0x4a: {  	_ =	swait.ge [sflag:s25], $0x50  }
0x4b: {  	[sflag:s25] =	ssyncset.done $0x0  }
0x4c: {  	s24 =	rddreg [dreg:$0x16];
	[sflag:s25] =	ssyncadd.s32 $0xFFFFFFB0  }
0x4d: {  	[tilespmem:s31], [sflag:$0x4] =	stream.linear.gather [hbm4b:s24+s2], $0x50, $0x38;
	[tilespmem:$0x1B680] =	vst v63  }
0x4e: {  	_ =	swait.ge [sflag:s25], $0x50  }
0x4f: {  	[sflag:s25] =	ssyncset.done $0x0  }
0x50: {  	[sflag:s25] =	ssyncadd.s32 $0xFFFFFFB0  }
0x51: {  	[bflag:$0x0] =	sbarrier.arrive $0xFFFF  }
0x52: {  	[tilespmem:s4], [sflag:$0x1] =	stream.indirect.gather [hbm4b:s3+s0], $0x80, s2, s0, $0xb8;
	[tilespmem:$0x1B680] =	vst v63  }
0x53: {  	_ = 	snop  }
0x54: {  	[tilespmem:s7], [sflag:$0x1] =	stream.indirect.gather [hbm4b:s3+s0], $0x80, s28, s0, $0xb8;
	[tilespmem:$0x1B680] =	vst v63  }
0x55: {  	_ = 	snop  }
0x56: {  	[tilespmem:s8], [sflag:$0x1] =	stream.indirect.gather [hbm4b:s3+s0], $0x80, s30, s0, $0xb8;
	[tilespmem:$0x1B680] =	vst v63  }
0x57: {  	_ =	swait.ge [sflag:s9], $0x2800  }
0x58: {  	p1 =	por $0x1, $0x1;
	[sflag:s9] =	ssyncset.done $0x0  }
0x59: {  	s22 =	simm.s32 @!p1 $0x2;
	[sflag:s9] =	ssyncadd.s32 $0xFFFFD800  }
0x5a: {  	[spmem:s1] =	stream.indirect.scatter.add.f32 [tilespmem:s4], [sflag:$0x2], $0x80, s26, s0, $0xb8;
	[tilespmem:$0x1B680] =	vst v63  }
0x5b: {  	_ =	swait.ge @!p1 [sflag:s22], $0x2800  }
0x5c: {  	s23 =	rddreg [dreg:$0xc];
	[sflag:s22] =	ssyncset.done @!p1 $0x0  }
0x5d: {  	s24 =	rddreg [dreg:$0xb];
	[sflag:s22] =	ssyncadd.s32 @!p1 $0xFFFFD800;
	s18 =	sadd.s32 $0x0, s23  }
0x5e: {  	[tilespmem:s10], [sflag:$0x3] =	stream.linear.gather [hbm4b:s18+s2], $0x50, $0x38;
	[tilespmem:$0x1B680] =	vst v63  }
0x5f: {  	s19 =	sadd.s32 $0x0, s24;
	s23 =	simm.s32 @!p1 $0x3  }
0x60: {  	[tilespmem:s11], [sflag:$0x3] =	stream.linear.gather [hbm4b:s19+s2], $0x50, $0x38;
	[tilespmem:$0x1B680] =	vst v63  }
0x61: {  	_ =	swait.ge @!p1 [sflag:s23], $0x50  }
0x62: {  	[sflag:s23] =	ssyncset.done @!p1 $0x0  }
0x63: {  	[sflag:s23] =	ssyncadd.s32 @!p1 $0xFFFFFFB0  }
0x64: {  	_ =	swait.ge @!p1 [sflag:s23], $0x50  }
0x65: {  	s22 =	simm.s32 @!p1 $0x5600;
	[sflag:s23] =	ssyncset.done @!p1 $0x0  }
0x66: {  	s24 =	simm.s32 @!p1 $0x50;
	[sflag:s23] =	ssyncadd.s32 @!p1 $0xFFFFFFB0;
	s23 =	simm.s32 @!p1 $0x100  }
0x67: {  	[tilespmem:s22], [sflag:$0x1] =	stream.indirect.gather @!p1 [hbm4b:s3+s24], $0x80, s23, s24, $0xb8;
	[tilespmem:$0x1B680] =	vst v63  }
0x68: {  	_ =	swait.ge [sflag:s9], $0x2800  }
0x69: {  	[sflag:s9] =	ssyncset.done $0x0  }
0x6a: {  	[sflag:s9] =	ssyncadd.s32 $0xFFFFD800  }
0x6b: {  	[spmem:s1] =	stream.indirect.scatter.add.f32 [tilespmem:s7], [sflag:$0x2], $0x80, s29, s0, $0xb8;
	[tilespmem:$0x1B680] =	vst v63  }
0x6c: {  	_ =	swait.ge [sflag:s12], $0x2800  }
0x6d: {  	s20 =	rddreg [dreg:$0xa];
	[sflag:s12] =	ssyncset.done $0x0  }
0x6e: {  	s21 =	rddreg [dreg:$0x9];
	[sflag:s12] =	ssyncadd.s32 $0xFFFFD800;
	s22 =	sadd.s32 $0x0, s20  }
0x6f: {  	[tilespmem:s13], [sflag:$0x3] =	stream.linear.gather [hbm4b:s22+s2], $0x50, $0x38;
	[tilespmem:$0x1B680] =	vst v63  }
0x70: {  	s23 =	sadd.s32 $0x0, s21  }
0x71: {  	[tilespmem:s14], [sflag:$0x3] =	stream.linear.gather [hbm4b:s23+s2], $0x50, $0x38;
	[tilespmem:$0x1B680] =	vst v63  }
0x72: {  	_ =	swait.ge [sflag:s15], $0x50  }
0x73: {  	[sflag:s15] =	ssyncset.done $0x0  }
0x74: {  	[sflag:s15] =	ssyncadd.s32 $0xFFFFFFB0  }
0x75: {  	_ =	swait.ge [sflag:s15], $0x50  }
0x76: {  	[sflag:s15] =	ssyncset.done $0x0  }
0x77: {  	[sflag:s15] =	ssyncadd.s32 $0xFFFFFFB0  }
0x78: {  	[tilespmem:s4], [sflag:$0x1] =	stream.indirect.gather [hbm4b:s3+s0], $0x80, s10, s0, $0xb8;
	[tilespmem:$0x1B680] =	vst v63  }
0x79: {  	_ =	swait.ge [sflag:s9], $0x2800  }
0x7a: {  	[sflag:s9] =	ssyncset.done $0x0  }
0x7b: {  	[sflag:s9] =	ssyncadd.s32 $0xFFFFD800  }
0x7c: {  	[spmem:s1] =	stream.indirect.scatter.add.f32 [tilespmem:s8], [sflag:$0x2], $0x80, s31, s0, $0xb8;
	[tilespmem:$0x1B680] =	vst v63  }
0x7d: {  	_ =	swait.ge [sflag:s12], $0x2800  }
0x7e: {  	s24 =	rddreg [dreg:$0x8];
	[sflag:s12] =	ssyncset.done $0x0  }
0x7f: {  	s18 =	rddreg [dreg:$0x7];
	[sflag:s12] =	ssyncadd.s32 $0xFFFFD800;
	s22 =	sadd.s32 $0x0, s24  }
0x80: {  	[tilespmem:s16], [sflag:$0x3] =	stream.linear.gather [hbm4b:s22+s2], $0x50, $0x38;
	[tilespmem:$0x1B680] =	vst v63  }
0x81: {  	s19 =	sadd.s32 $0x0, s18  }
0x82: {  	[tilespmem:s17], [sflag:$0x3] =	stream.linear.gather [hbm4b:s19+s2], $0x50, $0x38;
	[tilespmem:$0x1B680] =	vst v63  }
0x83: {  	_ =	swait.ge [sflag:s15], $0x50  }
0x84: {  	[sflag:s15] =	ssyncset.done $0x0  }
0x85: {  	[sflag:s15] =	ssyncadd.s32 $0xFFFFFFB0  }
0x86: {  	_ =	swait.ge [sflag:s15], $0x50  }
0x87: {  	[sflag:s15] =	ssyncset.done $0x0  }
0x88: {  	[sflag:s15] =	ssyncadd.s32 $0xFFFFFFB0  }
0x89: {  	[tilespmem:s7], [sflag:$0x1] =	stream.indirect.gather [hbm4b:s3+s0], $0x80, s13, s0, $0xb8;
	[tilespmem:$0x1B680] =	vst v63  }
0x8a: {  	_ =	swait.ge [sflag:s9], $0x2800  }
0x8b: {  	[sflag:s9] =	ssyncset.done $0x0  }
0x8c: {  	[sflag:s9] =	ssyncadd.s32 $0xFFFFD800  }
0x8d: {  	[spmem:s1] =	stream.indirect.scatter.add.f32 [tilespmem:s4], [sflag:$0x2], $0x80, s11, s0, $0xb8;
	[tilespmem:$0x1B680] =	vst v63  }
0x8e: {  	_ =	swait.ge [sflag:s12], $0x2800  }
0x8f: {  	s24 =	rddreg [dreg:$0x1e]  }
0x90: {  	[sflag:s12] =	ssyncset.done $0x0;
	s20 =	sshrl.u32 s24, $0x3  }
0x91: {  	[sflag:s12] =	ssyncadd.s32 $0xFFFFD800;
	s21 =	sadd.s32 s5, s20  }
0x92: {  	[tilespmem:s2], [sflag:$0x3] =	stream.linear.gather [hbm4b:s21+s2], $0x50, $0x38;
	[tilespmem:$0x1B680] =	vst v63  }
0x93: {  	s22 =	sadd.s32 s6, s20  }
0x94: {  	[tilespmem:s26], [sflag:$0x3] =	stream.linear.gather [hbm4b:s22+s2], $0x50, $0x38;
	[tilespmem:$0x1B680] =	vst v63  }
0x95: {  	_ =	swait.ge [sflag:s15], $0x50  }
0x96: {  	[sflag:s15] =	ssyncset.done $0x0  }
0x97: {  	[sflag:s15] =	ssyncadd.s32 $0xFFFFFFB0  }
0x98: {  	_ =	swait.ge [sflag:s15], $0x50  }
0x99: {  	[sflag:s15] =	ssyncset.done $0x0  }
0x9a: {  	[sflag:s15] =	ssyncadd.s32 $0xFFFFFFB0  }
0x9b: {  	[tilespmem:s8], [sflag:$0x1] =	stream.indirect.gather [hbm4b:s3+s0], $0x80, s16, s0, $0xb8;
	[tilespmem:$0x1B680] =	vst v63  }
0x9c: {  	_ =	swait.ge [sflag:s9], $0x2800  }
0x9d: {  	[sflag:s9] =	ssyncset.done $0x0  }
0x9e: {  	[sflag:s9] =	ssyncadd.s32 $0xFFFFD800  }
0x9f: {  	[spmem:s1] =	stream.indirect.scatter.add.f32 [tilespmem:s7], [sflag:$0x2], $0x80, s14, s0, $0xb8;
	[tilespmem:$0x1B680] =	vst v63  }
0xa0: {  	_ =	swait.ge [sflag:s12], $0x2800  }
0xa1: {  	s23 =	rddreg [dreg:$0x6];
	[sflag:s12] =	ssyncset.done $0x0  }
0xa2: {  	s18 =	rddreg [dreg:$0x5];
	[sflag:s12] =	ssyncadd.s32 $0xFFFFD800;
	s22 =	sadd.s32 $0x0, s23  }
0xa3: {  	[tilespmem:s28], [sflag:$0x3] =	stream.linear.gather [hbm4b:s22+s2], $0x50, $0x38;
	[tilespmem:$0x1B680] =	vst v63  }
0xa4: {  	s19 =	sadd.s32 $0x0, s18  }
0xa5: {  	[tilespmem:s29], [sflag:$0x3] =	stream.linear.gather [hbm4b:s19+s2], $0x50, $0x38;
	[tilespmem:$0x1B680] =	vst v63  }
0xa6: {  	_ =	swait.ge [sflag:s15], $0x50  }
0xa7: {  	[sflag:s15] =	ssyncset.done $0x0  }
0xa8: {  	[sflag:s15] =	ssyncadd.s32 $0xFFFFFFB0  }
0xa9: {  	_ =	swait.ge [sflag:s15], $0x50  }
0xaa: {  	[sflag:s15] =	ssyncset.done $0x0  }
0xab: {  	[sflag:s15] =	ssyncadd.s32 $0xFFFFFFB0  }
0xac: {  	[tilespmem:s4], [sflag:$0x1] =	stream.indirect.gather [hbm4b:s3+s0], $0x80, s2, s0, $0xb8;
	[tilespmem:$0x1B680] =	vst v63  }
0xad: {  	_ =	swait.ge [sflag:s9], $0x2800  }
0xae: {  	[sflag:s9] =	ssyncset.done $0x0  }
0xaf: {  	[sflag:s9] =	ssyncadd.s32 $0xFFFFD800  }
0xb0: {  	[spmem:s1] =	stream.indirect.scatter.add.f32 [tilespmem:s8], [sflag:$0x2], $0x80, s17, s0, $0xb8;
	[tilespmem:$0x1B680] =	vst v63  }
0xb1: {  	_ =	swait.ge [sflag:s12], $0x2800  }
0xb2: {  	s20 =	rddreg [dreg:$0x4];
	[sflag:s12] =	ssyncset.done $0x0  }
0xb3: {  	s21 =	rddreg [dreg:$0x3];
	[sflag:s12] =	ssyncadd.s32 $0xFFFFD800;
	s22 =	sadd.s32 $0x0, s20  }
0xb4: {  	[tilespmem:s30], [sflag:$0x3] =	stream.linear.gather [hbm4b:s22+s2], $0x50, $0x38;
	[tilespmem:$0x1B680] =	vst v63  }
0xb5: {  	s23 =	sadd.s32 $0x0, s21  }
0xb6: {  	[tilespmem:s31], [sflag:$0x3] =	stream.linear.gather [hbm4b:s23+s2], $0x50, $0x38;
	[tilespmem:$0x1B680] =	vst v63  }
0xb7: {  	_ =	swait.ge [sflag:s15], $0x50  }
0xb8: {  	[sflag:s15] =	ssyncset.done $0x0  }
0xb9: {  	[sflag:s15] =	ssyncadd.s32 $0xFFFFFFB0  }
0xba: {  	_ =	swait.ge [sflag:s15], $0x50  }
0xbb: {  	s22 =	simm.s32 $0x3C;
	[sflag:s15] =	ssyncset.done $0x0  }
.LBB2_2:
0xbc: {  	[sflag:s15] =	ssyncadd.s32 $0xFFFFFFB0  }
0xbd: {  	[tilespmem:s7], [sflag:$0x1] =	stream.indirect.gather [hbm4b:s3+s0], $0x80, s28, s0, $0xb8;
	[tilespmem:$0x1B680] =	vst v63  }
0xbe: {  	s23 =	smov.u32 s22;
	_ =	swait.ge [sflag:s9], $0x2800  }
0xbf: {  	p2 =	seq.s32 s23, $0x0;
	[sflag:s9] =	ssyncset.done $0x0  }
0xc0: {  	s19 =	simm.s32 @!p2 $0x2;
	[sflag:s9] =	ssyncadd.s32 $0xFFFFD800  }
0xc1: {  	[spmem:s1] =	stream.indirect.scatter.add.f32 [tilespmem:s4], [sflag:$0x2], $0x80, s26, s0, $0xb8;
	[tilespmem:$0x1B680] =	vst v63  }
0xc2: {  	_ =	swait.ge @!p2 [sflag:s19], $0x2800  }
0xc3: {  	[sflag:s19] =	ssyncset.done @!p2 $0x0;
	s20 =	rddreg [dreg:$0xc]  }
0xc4: {  	s18 =	rddreg [dreg:$0xb];
	[sflag:s19] =	ssyncadd.s32 @!p2 $0xFFFFD800;
	s20 =	sadd.s32 s23, s20  }
0xc5: {  	[tilespmem:s10], [sflag:$0x3] =	stream.linear.gather [hbm4b:s20+s2], $0x50, $0x38;
	[tilespmem:$0x1B680] =	vst v63  }
0xc6: {  	s19 =	sadd.s32 s23, s18;
	s20 =	simm.s32 @!p2 $0x3  }
0xc7: {  	[tilespmem:s11], [sflag:$0x3] =	stream.linear.gather [hbm4b:s19+s2], $0x50, $0x38;
	[tilespmem:$0x1B680] =	vst v63  }
0xc8: {  	_ =	swait.ge @!p2 [sflag:s20], $0x50  }
0xc9: {  	[sflag:s20] =	ssyncset.done @!p2 $0x0  }
0xca: {  	[sflag:s20] =	ssyncadd.s32 @!p2 $0xFFFFFFB0  }
0xcb: {  	_ =	swait.ge @!p2 [sflag:s20], $0x50  }
0xcc: {  	s21 =	simm.s32 @!p2 $0x50;
	[sflag:s20] =	ssyncset.done @!p2 $0x0  }
0xcd: {  	s18 =	simm.s32 @!p2 $0x100;
	s19 =	simm.s32 @!p2 $0x5600;
	[sflag:s20] =	ssyncadd.s32 @!p2 $0xFFFFFFB0  }
0xce: {  	[tilespmem:s19], [sflag:$0x1] =	stream.indirect.gather @!p2 [hbm4b:s3+s21], $0x80, s18, s21, $0xb8;
	[tilespmem:$0x1B680] =	vst v63  }
0xcf: {  	_ =	swait.ge [sflag:s9], $0x2800  }
0xd0: {  	[sflag:s9] =	ssyncset.done $0x0  }
0xd1: {  	[sflag:s9] =	ssyncadd.s32 $0xFFFFD800  }
0xd2: {  	[spmem:s1] =	stream.indirect.scatter.add.f32 [tilespmem:s7], [sflag:$0x2], $0x80, s29, s0, $0xb8;
	[tilespmem:$0x1B680] =	vst v63  }
0xd3: {  	_ =	swait.ge [sflag:s12], $0x2800  }
0xd4: {  	s20 =	rddreg [dreg:$0xa];
	[sflag:s12] =	ssyncset.done $0x0  }
0xd5: {  	s21 =	rddreg [dreg:$0x9];
	[sflag:s12] =	ssyncadd.s32 $0xFFFFD800;
	s18 =	sadd.s32 s23, s20  }
0xd6: {  	[tilespmem:s13], [sflag:$0x3] =	stream.linear.gather [hbm4b:s18+s2], $0x50, $0x38;
	[tilespmem:$0x1B680] =	vst v63  }
0xd7: {  	s19 =	sadd.s32 s23, s21  }
0xd8: {  	[tilespmem:s14], [sflag:$0x3] =	stream.linear.gather [hbm4b:s19+s2], $0x50, $0x38;
	[tilespmem:$0x1B680] =	vst v63  }
0xd9: {  	_ =	swait.ge [sflag:s15], $0x50  }
0xda: {  	[sflag:s15] =	ssyncset.done $0x0  }
0xdb: {  	[sflag:s15] =	ssyncadd.s32 $0xFFFFFFB0  }
0xdc: {  	_ =	swait.ge [sflag:s15], $0x50  }
0xdd: {  	[sflag:s15] =	ssyncset.done $0x0  }
0xde: {  	[sflag:s15] =	ssyncadd.s32 $0xFFFFFFB0  }
0xdf: {  	[tilespmem:s4], [sflag:$0x1] =	stream.indirect.gather [hbm4b:s3+s0], $0x80, s10, s0, $0xb8;
	[tilespmem:$0x1B680] =	vst v63  }
0xe0: {  	_ =	swait.ge [sflag:s9], $0x2800  }
0xe1: {  	[sflag:s9] =	ssyncset.done $0x0  }
0xe2: {  	[sflag:s9] =	ssyncadd.s32 $0xFFFFD800  }
0xe3: {  	[spmem:s1] =	stream.indirect.scatter.add.f32 [tilespmem:s8], [sflag:$0x2], $0x80, s31, s0, $0xb8;
	[tilespmem:$0x1B680] =	vst v63  }
0xe4: {  	_ =	swait.ge [sflag:s12], $0x2800  }
0xe5: {  	s20 =	rddreg [dreg:$0x8];
	[sflag:s12] =	ssyncset.done $0x0  }
0xe6: {  	s21 =	rddreg [dreg:$0x7];
	[sflag:s12] =	ssyncadd.s32 $0xFFFFD800;
	s18 =	sadd.s32 s23, s20  }
0xe7: {  	[tilespmem:s16], [sflag:$0x3] =	stream.linear.gather [hbm4b:s18+s2], $0x50, $0x38;
	[tilespmem:$0x1B680] =	vst v63  }
0xe8: {  	s19 =	sadd.s32 s23, s21  }
0xe9: {  	[tilespmem:s17], [sflag:$0x3] =	stream.linear.gather [hbm4b:s19+s2], $0x50, $0x38;
	[tilespmem:$0x1B680] =	vst v63  }
0xea: {  	_ =	swait.ge [sflag:s15], $0x50  }
0xeb: {  	[sflag:s15] =	ssyncset.done $0x0  }
0xec: {  	[sflag:s15] =	ssyncadd.s32 $0xFFFFFFB0  }
0xed: {  	_ =	swait.ge [sflag:s15], $0x50  }
0xee: {  	[sflag:s15] =	ssyncset.done $0x0  }
0xef: {  	[sflag:s15] =	ssyncadd.s32 $0xFFFFFFB0  }
0xf0: {  	[tilespmem:s7], [sflag:$0x1] =	stream.indirect.gather [hbm4b:s3+s0], $0x80, s13, s0, $0xb8;
	[tilespmem:$0x1B680] =	vst v63  }
0xf1: {  	_ =	swait.ge [sflag:s9], $0x2800  }
0xf2: {  	[sflag:s9] =	ssyncset.done $0x0  }
0xf3: {  	[sflag:s9] =	ssyncadd.s32 $0xFFFFD800  }
0xf4: {  	[spmem:s1] =	stream.indirect.scatter.add.f32 [tilespmem:s4], [sflag:$0x2], $0x80, s11, s0, $0xb8;
	[tilespmem:$0x1B680] =	vst v63  }
0xf5: {  	s24 =	sadd.s32 $0x1E0, s24;
	_ =	swait.ge [sflag:s12], $0x2800  }
0xf6: {  	s20 =	sshrl.u32 s24, $0x3;
	[sflag:s12] =	ssyncset.done $0x0  }
0xf7: {  	s21 =	sadd.s32 s5, s20;
	[sflag:s12] =	ssyncadd.s32 $0xFFFFD800  }
0xf8: {  	[tilespmem:s2], [sflag:$0x3] =	stream.linear.gather [hbm4b:s21+s2], $0x50, $0x38;
	[tilespmem:$0x1B680] =	vst v63  }
0xf9: {  	s18 =	sadd.s32 s6, s20  }
0xfa: {  	[tilespmem:s26], [sflag:$0x3] =	stream.linear.gather [hbm4b:s18+s2], $0x50, $0x38;
	[tilespmem:$0x1B680] =	vst v63  }
0xfb: {  	_ =	swait.ge [sflag:s15], $0x50  }
0xfc: {  	[sflag:s15] =	ssyncset.done $0x0  }
0xfd: {  	[sflag:s15] =	ssyncadd.s32 $0xFFFFFFB0  }
0xfe: {  	_ =	swait.ge [sflag:s15], $0x50  }
0xff: {  	[sflag:s15] =	ssyncset.done $0x0  }
0x100: {  	[sflag:s15] =	ssyncadd.s32 $0xFFFFFFB0  }
0x101: {  	[tilespmem:s8], [sflag:$0x1] =	stream.indirect.gather [hbm4b:s3+s0], $0x80, s16, s0, $0xb8;
	[tilespmem:$0x1B680] =	vst v63  }
0x102: {  	_ =	swait.ge [sflag:s9], $0x2800  }
0x103: {  	[sflag:s9] =	ssyncset.done $0x0  }
0x104: {  	[sflag:s9] =	ssyncadd.s32 $0xFFFFD800  }
0x105: {  	[spmem:s1] =	stream.indirect.scatter.add.f32 [tilespmem:s7], [sflag:$0x2], $0x80, s14, s0, $0xb8;
	[tilespmem:$0x1B680] =	vst v63  }
0x106: {  	_ =	swait.ge [sflag:s12], $0x2800  }
0x107: {  	s20 =	rddreg [dreg:$0x6];
	[sflag:s12] =	ssyncset.done $0x0  }
0x108: {  	s21 =	rddreg [dreg:$0x5];
	[sflag:s12] =	ssyncadd.s32 $0xFFFFD800;
	s18 =	sadd.s32 s23, s20  }
0x109: {  	[tilespmem:s28], [sflag:$0x3] =	stream.linear.gather [hbm4b:s18+s2], $0x50, $0x38;
	[tilespmem:$0x1B680] =	vst v63  }
0x10a: {  	s19 =	sadd.s32 s23, s21  }
0x10b: {  	[tilespmem:s29], [sflag:$0x3] =	stream.linear.gather [hbm4b:s19+s2], $0x50, $0x38;
	[tilespmem:$0x1B680] =	vst v63  }
0x10c: {  	_ =	swait.ge [sflag:s15], $0x50  }
0x10d: {  	[sflag:s15] =	ssyncset.done $0x0  }
0x10e: {  	[sflag:s15] =	ssyncadd.s32 $0xFFFFFFB0  }
0x10f: {  	_ =	swait.ge [sflag:s15], $0x50  }
0x110: {  	[sflag:s15] =	ssyncset.done $0x0  }
0x111: {  	[sflag:s15] =	ssyncadd.s32 $0xFFFFFFB0  }
0x112: {  	[tilespmem:s4], [sflag:$0x1] =	stream.indirect.gather [hbm4b:s3+s0], $0x80, s2, s0, $0xb8;
	[tilespmem:$0x1B680] =	vst v63  }
0x113: {  	_ =	swait.ge [sflag:s9], $0x2800  }
0x114: {  	[sflag:s9] =	ssyncset.done $0x0  }
0x115: {  	[sflag:s9] =	ssyncadd.s32 $0xFFFFD800  }
0x116: {  	[spmem:s1] =	stream.indirect.scatter.add.f32 [tilespmem:s8], [sflag:$0x2], $0x80, s17, s0, $0xb8;
	[tilespmem:$0x1B680] =	vst v63  }
0x117: {  	_ =	swait.ge [sflag:s12], $0x2800  }
0x118: {  	s22 =	sadd.s32 $0x3C, s22;
	s20 =	rddreg [dreg:$0x4];
	[sflag:s12] =	ssyncset.done $0x0  }
0x119: {  	s21 =	rddreg [dreg:$0x3];
	[sflag:s12] =	ssyncadd.s32 $0xFFFFD800;
	s18 =	sadd.s32 s23, s20  }
0x11a: {  	[tilespmem:s30], [sflag:$0x3] =	stream.linear.gather [hbm4b:s18+s2], $0x50, $0x38;
	[tilespmem:$0x1B680] =	vst v63  }
0x11b: {  	p1 =	sne.s32 s22, $0x4B0;
	s23 =	sadd.s32 s23, s21  }
0x11c: {  	[tilespmem:s31], [sflag:$0x3] =	stream.linear.gather [hbm4b:s23+s2], $0x50, $0x38;
	[tilespmem:$0x1B680] =	vst v63  }
.Ltmp0:
0x11d: {  	_ =	swait.ge [sflag:s15], $0x50;
	(pc) =	sbr.rel @p1 .LBB2_2-.Ltmp0, $4  }
0x11e: {  	[sflag:s15] =	ssyncset.done $0x0  }
0x11f: {  	[sflag:s15] =	ssyncadd.s32 $0xFFFFFFB0  }
0x120: {  	_ =	swait.ge [sflag:s15], $0x50  }
0x121: {  	[sflag:s15] =	ssyncset.done $0x0  }
0x122: {  	[sflag:s15] =	ssyncadd.s32 $0xFFFFFFB0  }
0x123: {  	[tilespmem:s7], [sflag:$0x1] =	stream.indirect.gather [hbm4b:s3+s0], $0x80, s28, s0, $0xb8;
	[tilespmem:$0x1B680] =	vst v63  }
0x124: {  	_ =	swait.ge [sflag:s9], $0x2800  }
0x125: {  	[sflag:s9] =	ssyncset.done $0x0  }
0x126: {  	[sflag:s9] =	ssyncadd.s32 $0xFFFFD800  }
0x127: {  	[spmem:s1] =	stream.indirect.scatter.add.f32 [tilespmem:s4], [sflag:$0x2], $0x80, s26, s0, $0xb8;
	[tilespmem:$0x1B680] =	vst v63  }
0x128: {  	_ =	swait.ge [sflag:s12], $0x2800  }
0x129: {  	[sflag:s12] =	ssyncset.done $0x0  }
0x12a: {  	s18 =	rddreg [dreg:$0x18];
	[sflag:s12] =	ssyncadd.s32 $0xFFFFD800  }
0x12b: {  	[tilespmem:s10], [sflag:$0x3] =	stream.linear.gather [hbm4b:s18+s2], $0x50, $0x38;
	[tilespmem:$0x1B680] =	vst v63  }
0x12c: {  	s20 =	rddreg [dreg:$0x19]  }
0x12d: {  	[tilespmem:s11], [sflag:$0x3] =	stream.linear.gather [hbm4b:s20+s2], $0x50, $0x38;
	[tilespmem:$0x1B680] =	vst v63  }
0x12e: {  	_ =	swait.ge [sflag:s15], $0x50  }
0x12f: {  	[sflag:s15] =	ssyncset.done $0x0  }
0x130: {  	[sflag:s15] =	ssyncadd.s32 $0xFFFFFFB0  }
0x131: {  	_ =	swait.ge [sflag:s15], $0x50  }
0x132: {  	[sflag:s15] =	ssyncset.done $0x0  }
0x133: {  	[sflag:s15] =	ssyncadd.s32 $0xFFFFFFB0  }
0x134: {  	[tilespmem:s8], [sflag:$0x1] =	stream.indirect.gather [hbm4b:s3+s0], $0x80, s30, s0, $0xb8;
	[tilespmem:$0x1B680] =	vst v63  }
0x135: {  	_ =	swait.ge [sflag:s9], $0x2800  }
0x136: {  	[sflag:s9] =	ssyncset.done $0x0  }
0x137: {  	[sflag:s9] =	ssyncadd.s32 $0xFFFFD800  }
0x138: {  	[spmem:s1] =	stream.indirect.scatter.add.f32 [tilespmem:s7], [sflag:$0x2], $0x80, s29, s0, $0xb8;
	[tilespmem:$0x1B680] =	vst v63  }
0x139: {  	_ =	swait.ge [sflag:s12], $0x2800  }
0x13a: {  	[sflag:s12] =	ssyncset.done $0x0  }
0x13b: {  	s21 =	rddreg [dreg:$0x1a];
	[sflag:s12] =	ssyncadd.s32 $0xFFFFD800  }
0x13c: {  	[tilespmem:s13], [sflag:$0x3] =	stream.linear.gather [hbm4b:s21+s2], $0x50, $0x38;
	[tilespmem:$0x1B680] =	vst v63  }
0x13d: {  	s22 =	rddreg [dreg:$0x1b]  }
0x13e: {  	[tilespmem:s14], [sflag:$0x3] =	stream.linear.gather [hbm4b:s22+s2], $0x50, $0x38;
	[tilespmem:$0x1B680] =	vst v63  }
0x13f: {  	_ =	swait.ge [sflag:s15], $0x50  }
0x140: {  	[sflag:s15] =	ssyncset.done $0x0  }
0x141: {  	[sflag:s15] =	ssyncadd.s32 $0xFFFFFFB0  }
0x142: {  	_ =	swait.ge [sflag:s15], $0x50  }
0x143: {  	[sflag:s15] =	ssyncset.done $0x0  }
0x144: {  	[sflag:s15] =	ssyncadd.s32 $0xFFFFFFB0  }
0x145: {  	[tilespmem:s4], [sflag:$0x1] =	stream.indirect.gather [hbm4b:s3+s0], $0x80, s10, s0, $0xb8;
	[tilespmem:$0x1B680] =	vst v63  }
0x146: {  	_ =	swait.ge [sflag:s9], $0x2800  }
0x147: {  	[sflag:s9] =	ssyncset.done $0x0  }
0x148: {  	[sflag:s9] =	ssyncadd.s32 $0xFFFFD800  }
0x149: {  	[spmem:s1] =	stream.indirect.scatter.add.f32 [tilespmem:s8], [sflag:$0x2], $0x80, s31, s0, $0xb8;
	[tilespmem:$0x1B680] =	vst v63  }
0x14a: {  	_ =	swait.ge [sflag:s12], $0x2800  }
0x14b: {  	[sflag:s12] =	ssyncset.done $0x0  }
0x14c: {  	[sflag:s12] =	ssyncadd.s32 $0xFFFFD800  }
0x14d: {  	_ =	swait.ge [sflag:s15], $0x50  }
0x14e: {  	[sflag:s15] =	ssyncset.done $0x0  }
0x14f: {  	[sflag:s15] =	ssyncadd.s32 $0xFFFFFFB0  }
0x150: {  	_ =	swait.ge [sflag:s15], $0x50  }
0x151: {  	[sflag:s15] =	ssyncset.done $0x0  }
0x152: {  	[sflag:s15] =	ssyncadd.s32 $0xFFFFFFB0  }
0x153: {  	[tilespmem:s7], [sflag:$0x1] =	stream.indirect.gather [hbm4b:s3+s0], $0x80, s13, s0, $0xb8;
	[tilespmem:$0x1B680] =	vst v63  }
0x154: {  	_ =	swait.ge [sflag:s9], $0x2800  }
0x155: {  	[sflag:s9] =	ssyncset.done $0x0  }
0x156: {  	[sflag:s9] =	ssyncadd.s32 $0xFFFFD800  }
0x157: {  	[spmem:s1] =	stream.indirect.scatter.add.f32 [tilespmem:s4], [sflag:$0x2], $0x80, s11, s0, $0xb8;
	[tilespmem:$0x1B680] =	vst v63  }
0x158: {  	_ =	swait.ge [sflag:s12], $0x2800  }
0x159: {  	[sflag:s12] =	ssyncset.done $0x0  }
0x15a: {  	[sflag:s12] =	ssyncadd.s32 $0xFFFFD800  }
0x15b: {  	_ =	swait.ge [sflag:s9], $0x2800  }
0x15c: {  	[sflag:s9] =	ssyncset.done $0x0  }
0x15d: {  	[sflag:s9] =	ssyncadd.s32 $0xFFFFD800  }
0x15e: {  	[spmem:s1] =	stream.indirect.scatter.add.f32 [tilespmem:s7], [sflag:$0x2], $0x80, s14, s0, $0xb8;
	[tilespmem:$0x1B680] =	vst v63  }
0x15f: {  	_ =	swait.ge [sflag:s12], $0x2800  }
0x160: {  	[sflag:s12] =	ssyncset.done $0x0  }
0x161: {  	[sflag:s12] =	ssyncadd.s32 $0xFFFFD800  }
0x162: {  	_ =	swait.ge [sflag:s12], $0x2800  }
0x163: {  	[sflag:s12] =	ssyncset.done $0x0  }
0x164: {  	[sflag:s12] =	ssyncadd.s32 $0xFFFFD800  }
0x165: {  	[bflag:$0x0] =	sbarrier.arrive $0xFFFF  }
0x166: {  	s20 =	sld [smem:$0x7FB];
	_ =	sdelay $0x1  }
0x167: {  	s18 =	simm.s32 @p0 $0x1FC4;
	s19 =	rddreg [dreg:$0x1c]  }
0x168: {  	[hbm:s19], [sflag:s18] =	dma.local @p0 [spmem:s20], $0x2800  }
0x169: {  	s18 =	simm.s32 @p0 $0x4  }
0x16a: {  	_ =	swait.ge @p0 [sflag:s18], $0x2800  }
0x16b: {  	s19 =	sld [smem:$0x7FC]  }
0x16c: {  	s20 =	sld [smem:$0x7FD]  }
0x16d: {  	[sflag:s18] =	ssyncset.done @p0 $0x0  }
0x16e: {  	[sflag:s18] =	ssyncadd.s32 @p0 $0xFFFFD800;
	s18 =	rddreg [dreg:$0x17]  }
0x16f: {  	[hbm:s18], [sflag:s19] =	dma.local @!p0 [spmem:s20], $0x2700  }
0x170: {  	s18 =	simm.s32 @!p0 $0x4  }
0x171: {  	_ =	swait.ge @!p0 [sflag:s18], $0x2700  }
0x172: {  	s23 =	rddreg [dreg:$0x1f]  }
0x173: {  	s24 =	rddreg [dreg:$0x1d];
	s20 =	sadd.s32 $0x1, s23  }
0x174: {  	p1 =	sne.s32 s20, s24  }
.Ltmp1:
0x175: {  	_ = 	snop;
	(pc) =	sbr.rel @p1 .LBB2_1-.Ltmp1, $3  }
0x176: {  	_ =	sdelay $0x1  }
0x177: {  	[sflag:s18] =	ssyncset.done @!p0 $0x0  }
0x178: {  	[sflag:s18] =	ssyncadd.s32 @!p0 $0xFFFFD900  }
0x179: {  	_ =	sfence.sel $0x180000  }
0x17a: {  	[bflag:$0x0] =	sbarrier.arrive $0xFFFF  }
0x17b: {  	_ =	strace $0x9000004A  }
0x17c: {  	s0 =	stileid.u32;
	[bflag:$0x2] =	sbarrier.arrive $0xFFFF  }
0x17d: {  	p0 =	sne.s32 s0, $0x0;
	s0 =	rddreg [dreg:$0x2]  }
0x17e: {  	s0 =	sadd.s32 @!p0 $0x100000, s0  }
0x17f: {  	[sflag:s0] =	ssyncadd.tile.s32 @!p0 $0x1;
	_ =	shalt  }
.Lfunc_end2:
_tile_overlayer_lowered:
.L_overlay_start_2:
0x180: {  	(tag) =	ssettag $0x2  }
0x181: {  	s0 =	rddreg [dreg:$0x0];
	s2 =	stileid.u32  }
0x182: {  	s1 =	rddreg [dreg:$0x1];
	p0 =	sne.s32 s2, $0x0  }
0x183: {  	s3 =	rddreg [dreg:$0x2];
	[bflag:$0x3] =	sbarrier.arrive $0xFFFF;
	s2 =	simm.s32 @!p0 $0x1C04  }
0x184: {  	[timem:s3], [sflag:s2] =	dma.local @!p0 [hbm:s0], s1  }
0x185: {  	s0 =	simm.s32 @!p0 $0x4  }
0x186: {  	_ =	swait.ge @!p0 [sflag:s0], s1  }
0x187: {  	s1 =	ssub.s32 @!p0 $0x0, s1;
	[sflag:s0] =	ssyncset.done @!p0 $0x0  }
0x188: {  	[sflag:s0] =	ssyncadd.s32 @!p0 s1  }
0x189: {  	[bflag:$0x3] =	sbarrier.arrive $0xFFFF  }
0x18a: {  	_ =	shalt  }

// kernel: kernel.14.cloned.1.call-start
scs
__scs_entry_jumppad:
0x0: {  	(pc) =	sbr.rel $0x88, $3  }
0x1: {  	(tag) =	ssettag $0x0;
	lr =	simm.s32 $0x1  }
0x2: {  	[smem:$0x3F9B] =	sst lr;
	_ =	strace $0xD0000000  }
0x3: {  	_ = 	snop  }
0x4: {  	_ = 	snop  }
0x5: {  	_ = 	snop  }
0x6: {  	_ = 	snop  }
0x7: {  	_ = 	snop  }
__scs_overlays_trampoline_lowered:
0x8: {  	[smem:$0x3FAA] =	sst s0  }
0x9: {  	[smem:$0x3FAB] =	sst s1  }
0xa: {  	[smem:$0x3FAC] =	sst s2  }
0xb: {  	[smem:$0x3FAD] =	sst s3  }
0xc: {  	[smem:$0x3FAE] =	sst s4  }
0xd: {  	[smem:$0x3FAF] =	sst s5  }
0xe: {  	[smem:$0x3FB0] =	sst s6  }
0xf: {  	[smem:$0x3FB1] =	sst s7  }
0x10: {  	[smem:$0x3FB2] =	sst s8  }
0x11: {  	[smem:$0x3FB3] =	sst s9;
	s0 =	simm.s32 @!p0 $0x0  }
0x12: {  	s1 =	sld [smem:$0x3F99];
	s0 =	simm.s32 @p0 $0x1  }
0x13: {  	[smem:$0x3FB4] =	sst s0;
	s0 =	simm.s32 @!p1 $0x0  }
0x14: {  	s2 =	sld [smem:$0x3F98];
	s0 =	simm.s32 @p1 $0x1  }
0x15: {  	[smem:$0x3FB5] =	sst s0;
	s0 =	simm.s32 @!p2 $0x0  }
0x16: {  	s3 =	sld [smem:$0x3FDB];
	s0 =	simm.s32 @p2 $0x1  }
0x17: {  	s4 =	simm.s32 $0x1BF5;
	[smem:$0x3FB7] =	sst s0  }
0x18: {  	s0 =	sld [smem:$0x3F9A];
	_ =	swait.ge [sflag:s4], $0x0  }
0x19: {  	s7 =	sld [smem:$0x3F9B]  }
0x1a: {  	s8 =	sadd.s32 $0xFFFFE003, lr  }
0x1b: {  	s9 =	sadd.s32 $0xFFFFFEF7, lr;
	s5 =	simm.s32 $0xFFFFFFFF;
	p2 =	slt.u32 s8, $0xFFFFF086  }
0x1c: {  	p1 =	slt.u32 s9, $0xF7A;
	s5 =	simm.s32 @!p2 $0x0  }
0x1d: {  	s5 =	simm.s32 @p1 $0x1;
	p0 =	seq.s32 s7, s2  }
0x1e: {  	s7 =	smul.u32 @!p0 $0xF7A, s2;
	p2 =	seq.s32 @!p0 s5, $0x0  }
0x1f: {  	s9 =	smul.u32 $0xF7A, s1;
	s8 =	simm.s32 @!p0 $0x1BF5;
	p2 =	por !p2, p0  }
0x20: {  	[sflag:s8] =	ssyncset.s32 @!p0 $0xFFFFF086;
	s6 =	sadd.s32 @!p0 s3, s7;
	s7 =	simm.s32 @!p0 $0x108  }
0x21: {  	s3 =	sadd.s32 s3, s9;
	s6 =	sadd.s32 @!p0 $0x88, s6;
	s7 =	simm.s32 @p2 $0x1082  }
0x22: {  	[simem:s7], [sflag:s8] =	dma.local @!p0 [hbm:s6], $0xF7A  }
0x23: {  	s9 =	sor.u32 $0xD0000000, s2;
	s6 =	simm.s32 $0x108;
	_ =	swait.ge @!p0 [sflag:s8], $0x0  }
0x24: {  	s3 =	sadd.s32 $0x88, s3;
	s6 =	simm.s32 @!p1 $0x1082;
	[sflag:s4] =	ssyncset.s32 $0xFFFFF086  }
0x25: {  	[simem:s6], [sflag:s4] =	dma.local [hbm:s3], $0xF7A  }
0x26: {  	[smem:$0x3F9B] =	sst s1;
	(tag) =	ssettag s2;
	_ =	strace s9  }
0x27: {  	s1 =	sld [smem:$0x3FAB]  }
0x28: {  	s2 =	sld [smem:$0x3FAC]  }
0x29: {  	s4 =	sld [smem:$0x3FAE]  }
0x2a: {  	p0 =	seq.s32 s5, $0x0;
	s5 =	sld [smem:$0x3FAF]  }
0x2b: {  	s6 =	sld [smem:$0x3FB0]  }
0x2c: {  	s7 =	sld [smem:$0x3FB1]  }
0x2d: {  	s3 =	simm.s32 $0x108;
	s8 =	sld [smem:$0x3FB2]  }
0x2e: {  	s3 =	simm.s32 @!p0 $0x1082;
	s9 =	sld [smem:$0x3FB3]  }
0x2f: {  	lr =	sadd.s32 s0, s3;
	s0 =	sld [smem:$0x3FAA]  }
0x30: {  	s3 =	sld [smem:$0x3FAD]  }
0x31: {  	[smem:$0x3FB6] =	sst s10  }
0x32: {  	s10 =	sld [smem:$0x3FB4];
	_ =	sdelay $0x3  }
0x33: {  	p0 =	seq.s32 s10, $0x1;
	s10 =	sld [smem:$0x3FB6];
	_ =	sdelay $0x3  }
0x34: {  	[smem:$0x3FB6] =	sst s10  }
0x35: {  	s10 =	sld [smem:$0x3FB5];
	_ =	sdelay $0x3  }
0x36: {  	p1 =	seq.s32 s10, $0x1;
	s10 =	sld [smem:$0x3FB6];
	_ =	sdelay $0x3  }
0x37: {  	[smem:$0x3FB6] =	sst s10  }
0x38: {  	s10 =	sld [smem:$0x3FB7]  }
0x39: {  	_ = 	snop;
	(pc) =	sbr.ind lr, $3  }
0x3a: {  	_ = 	snop  }
0x3b: {  	_ = 	snop  }
0x3c: {  	p2 =	seq.s32 s10, $0x1;
	s10 =	sld [smem:$0x3FB6]  }
0x3d: {  	_ =	shalt  }
0x3e: {  	_ =	shalt  }
0x3f: {  	_ =	shalt  }
0x40: {  	_ =	shalt  }
0x41: {  	_ =	shalt  }
0x42: {  	_ =	shalt  }
0x43: {  	_ =	shalt  }
0x44: {  	_ =	shalt  }
0x45: {  	_ =	shalt  }
0x46: {  	_ =	shalt  }
0x47: {  	_ =	shalt  }
0x48: {  	_ =	shalt  }
0x49: {  	_ =	shalt  }
0x4a: {  	_ =	shalt  }
0x4b: {  	_ =	shalt  }
0x4c: {  	_ =	shalt  }
0x4d: {  	_ =	shalt  }
0x4e: {  	_ =	shalt  }
0x4f: {  	_ =	shalt  }
0x50: {  	_ =	shalt  }
0x51: {  	_ =	shalt  }
0x52: {  	_ =	shalt  }
0x53: {  	_ =	shalt  }
0x54: {  	_ =	shalt  }
0x55: {  	_ =	shalt  }
0x56: {  	_ =	shalt  }
0x57: {  	_ =	shalt  }
0x58: {  	_ =	shalt  }
0x59: {  	_ =	shalt  }
0x5a: {  	_ =	shalt  }
0x5b: {  	_ =	shalt  }
0x5c: {  	_ =	shalt  }
0x5d: {  	_ =	shalt  }
0x5e: {  	_ =	shalt  }
0x5f: {  	_ =	shalt  }
0x60: {  	_ =	shalt  }
0x61: {  	_ =	shalt  }
0x62: {  	_ =	shalt  }
0x63: {  	_ =	shalt  }
0x64: {  	_ =	shalt  }
0x65: {  	_ =	shalt  }
0x66: {  	_ =	shalt  }
0x67: {  	_ =	shalt  }
0x68: {  	_ =	shalt  }
0x69: {  	_ =	shalt  }
0x6a: {  	_ =	shalt  }
0x6b: {  	_ =	shalt  }
0x6c: {  	_ =	shalt  }
0x6d: {  	_ =	shalt  }
0x6e: {  	_ =	shalt  }
0x6f: {  	_ =	shalt  }
0x70: {  	_ =	shalt  }
0x71: {  	_ =	shalt  }
0x72: {  	_ =	shalt  }
0x73: {  	_ =	shalt  }
0x74: {  	_ =	shalt  }
0x75: {  	_ =	shalt  }
0x76: {  	_ =	shalt  }
0x77: {  	_ =	shalt  }
0x78: {  	_ =	shalt  }
0x79: {  	_ =	shalt  }
0x7a: {  	_ =	shalt  }
0x7b: {  	_ =	shalt  }
0x7c: {  	_ =	shalt  }
0x7d: {  	_ =	shalt  }
0x7e: {  	_ =	shalt  }
0x7f: {  	_ =	shalt  }
0x80: {  	_ =	shalt  }
0x81: {  	_ =	shalt  }
0x82: {  	_ =	shalt  }
0x83: {  	_ =	shalt  }
0x84: {  	_ =	shalt  }
0x85: {  	_ =	shalt  }
0x86: {  	_ =	shalt  }
0x87: {  	_ =	shalt  }
.Lfunc_end0:
.L_simem_size_0:
called_computation.2_lowered:
.L_overlay_start_0:
0x88: {  	s2 =	sld [smem:$0x3FD9]  }
0x89: {  	s3 =	sld [smem:$0x3FFE];
	_ =	sdelay $0x1  }
0x8a: {  	s1 =	srdreg.scid  }
0x8b: {  	s0 =	sand.u32 $0x1, s1  }
0x8c: {  	s16 =	sshll.u32 s0, $0xA;
	s2 =	sadd.s32 s3, s2  }
0x8d: {  	s2 =	sadd.s32 s2, s16  }
0x8e: {  	[smem:$0x3FC2] =	sst s2  }
0x8f: {  	_ = 	snop  }
0x90: {  	(tm) =	ssettm $0x1  }
0x91: {  	s17 =	sld [smem:$0x3FFB];
	_ =	sdelay $0x3  }
0x92: {  	_ =	strace s17  }
0x93: {  	s2 =	sld [smem:$0x3FFC];
	_ =	sdelay $0x3  }
0x94: {  	_ =	strace s2  }
0x95: {  	s2 =	sld [smem:$0x3FFD];
	_ =	sdelay $0x3  }
0x96: {  	_ =	strace s2  }
0x97: {  	_ =	strace $0x8FFFFFFF  }
0x98: {  	s18 =	sld [smem:$0x3FDB];
	_ =	sdelay $0x1  }
0x99: {  	s19 =	simm.s32 $_scs_section_size  }
0x9a: {  	s4 =	simm.s32 $_size__tile_overlayer_lowered;
	s5 =	simm.s32 $_tile_overlayer_lowered  }
0x9b: {  	s22 =	simm.s32 $0x1BFF;
	s21 =	sshll.u32 s5, $0x1;
	s2 =	sadd.s32 s19, s18  }
0x9c: {  	s6 =	simm.s32 $0x0;
	s20 =	sshll.u32 s4, $0x1;
	s4 =	sadd.s32 s21, s2  }
0x9d: {  	[timem:s6], [sflag:s22] =	dma.local [hbm:s4], s20  }
0x9e: {  	_ =	swait.ge [sflag:s22], s20  }
0x9f: {  	s3 =	ssub.s32 $0x0, s20;
	[sflag:s22] =	ssyncset.done $0x0  }
0xa0: {  	[sflag:s22] =	ssyncadd.s32 s3;
	_ =	sdelay $0x1  }
0xa1: {  	s23 =	simm.s32 $0x1B8B  }
0xa2: {  	_ =	swait.ge [sflag:s23], $0x1  }
0xa3: {  	[sflag:s23] =	ssyncset.done $0x0  }
0xa4: {  	s25 =	simm.s32 $0x1B8E;
	s24 =	sld [smem:$0x3FFE];
	[sflag:s23] =	ssyncadd.s32 $0xFFFFFFFF  }
0xa5: {  	s26 =	simm.s32 $execute0_lowered;
	[smem:$0x3FD2] =	sst s25  }
0xa6: {  	s4 =	sshll.u32 s26, $0x1;
	_ =	strace $0x8000004C;
	[dreg:$0x1] =	wrdreg $0xFFFFFFFF  }
0xa7: {  	s28 =	simm.s32 $_size_execute0_lowered;
	s2 =	sadd.s32 s2, s4;
	[dreg:$0x0] =	wrdreg $0x0  }
0xa8: {  	s4 =	sshll.u32 s28, $0x1;
	[dreg:$0x2] =	wrdreg s2  }
0xa9: {  	[dreg:$0x3] =	wrdreg s4  }
0xaa: {  	[dreg:$0x4] =	wrdreg $0xC0  }
0xab: {  	_ =	task [dreg:s6], $0x5FFFF  }
0xac: {  	[dreg:$0x1] =	wrdreg $0xFFFFFFFF  }
0xad: {  	[dreg:$0x0] =	wrdreg $0x60  }
0xae: {  	[dreg:$0x2] =	wrdreg s24  }
0xaf: {  	[dreg:$0x3] =	wrdreg $0x7E000  }
0xb0: {  	[dreg:$0x4] =	wrdreg $0x9  }
0xb1: {  	_ =	task.clear_ibuf [dreg:s6], $0x5FFFF;
	_ =	strace $0x9000004C  }
0xb2: {  	s29 =	simm.s32 $0x9;
	_ =	strace $0x8000004E  }
0xb3: {  	_ =	swait.ge [sflag:s29], $0x1  }
0xb4: {  	[sflag:s29] =	ssyncadd.s32 $0xFFFFFFFF  }
0xb5: {  	_ =	strace $0x9000004E  }
0xb6: {  	_ =	sfence  }
0xb7: {  	s30 =	sld [smem:$0x0];
	_ =	sdelay $0x2  }
0xb8: {  	s31 =	sshll.u32 s1, $0xD;
	s1 =	sshrl.u32 s1, $0x2  }
0xb9: {  	s3 =	sand.u32 $0x4000, s31;
	s1 =	sadd.s32 s1, s30  }
0xba: {  	s0 =	sor.u32 s3, s0;
	s1 =	sshll.u32 s1, $0x11  }
0xbb: {  	s0 =	sor.u32 s1, s0  }
0xbc: {  	s0 =	sadd.s32 $0x8F2B, s0  }
0xbd: {  	[sflag:s0] =	ssyncadd.remote.s32 $0x1  }
0xbe: {  	_ =	sfence.sel $0xFFFF  }
0xbf: {  	[dreg:$0x0] =	wrdreg $0xFFFFFFFF;
	(pc) =	sbr.abs _section_cstart, $3  }
0xc0: {  	[dreg:$0x1] =	wrdreg $0xFFFFFFFF  }
0xc1: {  	_ =	task.clear_ibuf [dreg:s6], $0x2FFFF;
	_ =	strace $0x9FFFFFFF  }
0xc2: {  	(tm) =	ssettm $0x7FFFFFFF  }
0xc3: {  	_ =	shalt  }
tec
execute0_lowered:
.L_overlay_start_1:
0x0: {  	(tag) =	ssettag $0x1  }
0x1: {  	s0 =	rddreg [dreg:$0x0]  }
0x2: {  	s1 =	rddreg [dreg:$0x1];
	s2 =	simm.s32 $0x0  }
0x3: {  	s4 =	srdreg.scid;
	s14 =	stileid.u32;
	s28 =	simm.s32 $0x80  }
0x4: {  	s29 =	simm.s32 $0x380;
	s30 =	simm.s32 $0x100;
	s31 =	simm.s32 $0x400  }
0x5: {  	[smem:$0x7FF] =	sst s2;
	s3 =	sadd.s32 $0x15C00, s0;
	s5 =	sadd.s32 $0x2000, s0  }
0x6: {  	s6 =	sadd.s32 $0xBE00, s0;
	s7 =	sadd.s32 $0x3CE00, s0;
	s10 =	smul.u32 $0x4E000, s14  }
0x7: {  	s4 =	sand.u32 $0x1, s4;
	s12 =	smul.u32 $0x2700, s14;
	s20 =	sadd.s32 $0x124800, s1  }
0x8: {  	s21 =	smul.u32 $0x2710, s14;
	s0 =	sadd.s32 $0x3A500, s0;
	p0 =	seq.s32 s14, $0xF  }
0x9: {  	_ =	strace $0x8000004D;
	s8 =	ssub.s32 $0x2, s4;
	[dreg:$0xf] =	wrdreg s20  }
0xa: {  	s9 =	sshll.u32 s4, $0x4;
	s19 =	smul.u32 $0x27100, s4;
	[dreg:$0x10] =	wrdreg s0  }
0xb: {  	s4 =	smul.u32 $0x138800, s4;
	s11 =	sshrl.u32 s8, $0x1;
	s9 =	sor.u32 s14, s9  }
0xc: {  	s10 =	sshrl.u32 s10, $0x2;
	s18 =	sadd.s32 s3, s12;
	s14 =	simm.s32 $0x500  }
0xd: {  	s8 =	ssub.s32 s8, s11;
	s9 =	smul.u32 $0x2710, s9;
	s10 =	sadd.s32 s10, s1  }
0xe: {  	[dreg:$0xe] =	wrdreg s18;
	s11 =	sadd.s32 s21, s19;
	s4 =	sshrl.u32 s4, $0x3  }
0xf: {  	[dreg:$0xd] =	wrdreg s10;
	s26 =	sadd.s32 $0x280, s11;
	s10 =	sadd.s32 s12, s19  }
0x10: {  	s18 =	sadd.s32 $0x230, s11;
	s21 =	sadd.s32 $0x190, s11;
	s4 =	sadd.s32 s7, s4  }
0x11: {  	s12 =	simm.s32 $0x2;
	s9 =	sshrl.u32 s9, $0x3;
	s10 =	sadd.s32 s7, s10  }
0x12: {  	s16 =	sshrl.u32 s26, $0x3;
	s22 =	sadd.s32 s5, s9;
	[dreg:$0x17] =	wrdreg s10  }
0x13: {  	s19 =	sshrl.u32 s18, $0x3;
	s13 =	sadd.s32 s6, s9;
	[dreg:$0x11] =	wrdreg s22  }
0x14: {  	s26 =	sadd.s32 $0x140, s11;
	s17 =	sadd.s32 s16, s6;
	[dreg:$0x12] =	wrdreg s13  }
0x15: {  	s23 =	sadd.s32 $0xA, s9;
	s20 =	sadd.s32 s19, s6;
	[dreg:$0x3] =	wrdreg s17  }
0x16: {  	s25 =	sadd.s32 $0x14, s9;
	s24 =	sadd.s32 s5, s23;
	[dreg:$0x5] =	wrdreg s20  }
0x17: {  	s10 =	simm.s32 $0x180;
	s0 =	sadd.s32 s6, s23;
	[dreg:$0x13] =	wrdreg s24  }
0x18: {  	s15 =	sadd.s32 s5, s25;
	s22 =	sadd.s32 s19, s5;
	[dreg:$0x14] =	wrdreg s0  }
0x19: {  	s23 =	sshrl.u32 s21, $0x3;
	s17 =	sadd.s32 $0xF0, s11;
	[dreg:$0x15] =	wrdreg s15  }
0x1a: {  	s13 =	simm.s32 $0x200;
	s0 =	sadd.s32 s6, s25;
	[dreg:$0x6] =	wrdreg s22  }
0x1b: {  	s24 =	sadd.s32 $0x4CE, s9;
	s25 =	sadd.s32 s23, s6;
	[dreg:$0x16] =	wrdreg s0  }
0x1c: {  	s15 =	sadd.s32 s23, s5;
	s7 =	sshrl.u32 s17, $0x3;
	[dreg:$0x7] =	wrdreg s25  }
0x1d: {  	s9 =	sadd.s32 $0x4D8, s9;
	s23 =	sadd.s32 $0x24900, s4;
	[dreg:$0x8] =	wrdreg s15  }
0x1e: {  	s4 =	simm.s32 $0x600;
	s0 =	sadd.s32 s16, s5;
	[dreg:$0x1c] =	wrdreg s23  }
0x1f: {  	s17 =	simm.s32 $0x580;
	s18 =	sadd.s32 s5, s24;
	[dreg:$0x4] =	wrdreg s0  }
0x20: {  	s19 =	sadd.s32 s7, s6;
	s20 =	sadd.s32 s6, s24;
	[dreg:$0x18] =	wrdreg s18  }
0x21: {  	s21 =	sadd.s32 s5, s9;
	s22 =	sadd.s32 s6, s9;
	[dreg:$0x19] =	wrdreg s20  }
0x22: {  	s24 =	sadd.s32 s7, s5;
	s25 =	smax.u32 s8, $0x1;
	[dreg:$0xb] =	wrdreg s19  }
0x23: {  	s7 =	simm.s32 $0x2E00;
	s8 =	simm.s32 $0x5600;
	[dreg:$0x1a] =	wrdreg s21  }
0x24: {  	s9 =	simm.s32 $0x1;
	s15 =	simm.s32 $0x3;
	[dreg:$0x1b] =	wrdreg s22  }
0x25: {  	s0 =	sshrl.u32 s26, $0x3;
	[dreg:$0x1d] =	wrdreg s25;
	s26 =	sadd.s32 $0x1E0, s11  }
0x26: {  	[dreg:$0xc] =	wrdreg s24;
	s25 =	simm.s32 $0x4;
	s11 =	simm.s32 $0x480  }
0x27: {  	s20 =	simm.s32 $0x0;
	s16 =	sadd.s32 s0, s6;
	[dreg:$0x1e] =	wrdreg s26  }
0x28: {  	s0 =	sadd.s32 s0, s5;
	s26 =	simm.s32 $0x300;
	[dreg:$0x9] =	wrdreg s16  }
0x29: {  	[dreg:$0xa] =	wrdreg s0;
	s0 =	simm.s32 $0x50;
	s16 =	simm.s32 $0x280  }
.LBB2_1:
0x2a: {  	[dreg:$0x1f] =	wrdreg s20  }
0x2b: {  	s18 =	rddreg [dreg:$0xf]  }
0x2c: {  	s19 =	sshrl.u32 @p0 s18, $0x3;
	s18 =	rddreg [dreg:$0x10]  }
0x2d: {  	s20 =	simm.s32 @p0 $0x1FC4;
	[smem:$0x7FB] =	sst s19  }
0x2e: {  	[spmem:s19], [sflag:s20] =	dma.local @p0 [hbm:s18], $0x2800  }
0x2f: {  	s20 =	simm.s32 @p0 $0x4;
	s18 =	stileid.u32  }
0x30: {  	_ =	swait.ge @p0 [sflag:s20], $0x2800;
	s21 =	sshll.u32 @!p0 s18, $0x6  }
0x31: {  	[sflag:s20] =	ssyncset.done @p0 $0x0;
	s19 =	sor.u32 @!p0 $0x1C04, s21;
	s18 =	rddreg [dreg:$0xd]  }
0x32: {  	[sflag:s20] =	ssyncadd.s32 @p0 $0xFFFFD800;
	s20 =	sshrl.u32 @!p0 s18, $0x3;
	s18 =	rddreg [dreg:$0xe]  }
0x33: {  	[smem:$0x7FC] =	sst s19  }
0x34: {  	s22 =	simm.s32 @!p0 $0x4;
	[smem:$0x7FD] =	sst s20  }
0x35: {  	[spmem:s20], [sflag:s19] =	dma.local @!p0 [hbm:s18], $0x2700  }
0x36: {  	_ =	swait.ge @!p0 [sflag:s22], $0x2700  }
0x37: {  	[sflag:s22] =	ssyncset.done @!p0 $0x0  }
0x38: {  	s19 =	rddreg [dreg:$0x11];
	[sflag:s22] =	ssyncadd.s32 @!p0 $0xFFFFD900  }
0x39: {  	[tilespmem:s2], [sflag:$0x4] =	stream.linear.gather [hbm4b:s19+s2], $0x50, $0x38;
	[tilespmem:$0x1B680] =	vst v63  }
0x3a: {  	_ =	swait.ge [sflag:s25], $0x50  }
0x3b: {  	[sflag:s25] =	ssyncset.done $0x0  }
0x3c: {  	s20 =	rddreg [dreg:$0x12];
	[sflag:s25] =	ssyncadd.s32 $0xFFFFFFB0  }
0x3d: {  	[tilespmem:s26], [sflag:$0x4] =	stream.linear.gather [hbm4b:s20+s2], $0x50, $0x38;
	[tilespmem:$0x1B680] =	vst v63  }
0x3e: {  	_ =	swait.ge [sflag:s25], $0x50  }
0x3f: {  	[sflag:s25] =	ssyncset.done $0x0  }
0x40: {  	s21 =	rddreg [dreg:$0x13];
	[sflag:s25] =	ssyncadd.s32 $0xFFFFFFB0  }
0x41: {  	[tilespmem:s28], [sflag:$0x4] =	stream.linear.gather [hbm4b:s21+s2], $0x50, $0x38;
	[tilespmem:$0x1B680] =	vst v63  }
0x42: {  	_ =	swait.ge [sflag:s25], $0x50  }
0x43: {  	[sflag:s25] =	ssyncset.done $0x0  }
0x44: {  	s22 =	rddreg [dreg:$0x14];
	[sflag:s25] =	ssyncadd.s32 $0xFFFFFFB0  }
0x45: {  	[tilespmem:s29], [sflag:$0x4] =	stream.linear.gather [hbm4b:s22+s2], $0x50, $0x38;
	[tilespmem:$0x1B680] =	vst v63  }
0x46: {  	_ =	swait.ge [sflag:s25], $0x50  }
0x47: {  	[sflag:s25] =	ssyncset.done $0x0  }
0x48: {  	s23 =	rddreg [dreg:$0x15];
	[sflag:s25] =	ssyncadd.s32 $0xFFFFFFB0  }
0x49: {  	[tilespmem:s30], [sflag:$0x4] =	stream.linear.gather [hbm4b:s23+s2], $0x50, $0x38;
	[tilespmem:$0x1B680] =	vst v63  }
0x4a: {  	_ =	swait.ge [sflag:s25], $0x50  }
0x4b: {  	[sflag:s25] =	ssyncset.done $0x0  }
0x4c: {  	s24 =	rddreg [dreg:$0x16];
	[sflag:s25] =	ssyncadd.s32 $0xFFFFFFB0  }
0x4d: {  	[tilespmem:s31], [sflag:$0x4] =	stream.linear.gather [hbm4b:s24+s2], $0x50, $0x38;
	[tilespmem:$0x1B680] =	vst v63  }
0x4e: {  	_ =	swait.ge [sflag:s25], $0x50  }
0x4f: {  	[sflag:s25] =	ssyncset.done $0x0  }
0x50: {  	[sflag:s25] =	ssyncadd.s32 $0xFFFFFFB0  }
0x51: {  	[bflag:$0x0] =	sbarrier.arrive $0xFFFF  }
0x52: {  	[tilespmem:s4], [sflag:$0x1] =	stream.indirect.gather [hbm4b:s3+s0], $0x80, s2, s0, $0xb8;
	[tilespmem:$0x1B680] =	vst v63  }
0x53: {  	_ = 	snop  }
0x54: {  	[tilespmem:s7], [sflag:$0x1] =	stream.indirect.gather [hbm4b:s3+s0], $0x80, s28, s0, $0xb8;
	[tilespmem:$0x1B680] =	vst v63  }
0x55: {  	_ = 	snop  }
0x56: {  	[tilespmem:s8], [sflag:$0x1] =	stream.indirect.gather [hbm4b:s3+s0], $0x80, s30, s0, $0xb8;
	[tilespmem:$0x1B680] =	vst v63  }
0x57: {  	_ =	swait.ge [sflag:s9], $0x2800  }
0x58: {  	p1 =	por $0x1, $0x1;
	[sflag:s9] =	ssyncset.done $0x0  }
0x59: {  	s22 =	simm.s32 @!p1 $0x2;
	[sflag:s9] =	ssyncadd.s32 $0xFFFFD800  }
0x5a: {  	[spmem:s1] =	stream.indirect.scatter.add.f32 [tilespmem:s4], [sflag:$0x2], $0x80, s26, s0, $0xb8;
	[tilespmem:$0x1B680] =	vst v63  }
0x5b: {  	_ =	swait.ge @!p1 [sflag:s22], $0x2800  }
0x5c: {  	s23 =	rddreg [dreg:$0xc];
	[sflag:s22] =	ssyncset.done @!p1 $0x0  }
0x5d: {  	s24 =	rddreg [dreg:$0xb];
	[sflag:s22] =	ssyncadd.s32 @!p1 $0xFFFFD800;
	s18 =	sadd.s32 $0x0, s23  }
0x5e: {  	[tilespmem:s10], [sflag:$0x3] =	stream.linear.gather [hbm4b:s18+s2], $0x50, $0x38;
	[tilespmem:$0x1B680] =	vst v63  }
0x5f: {  	s19 =	sadd.s32 $0x0, s24;
	s23 =	simm.s32 @!p1 $0x3  }
0x60: {  	[tilespmem:s11], [sflag:$0x3] =	stream.linear.gather [hbm4b:s19+s2], $0x50, $0x38;
	[tilespmem:$0x1B680] =	vst v63  }
0x61: {  	_ =	swait.ge @!p1 [sflag:s23], $0x50  }
0x62: {  	[sflag:s23] =	ssyncset.done @!p1 $0x0  }
0x63: {  	[sflag:s23] =	ssyncadd.s32 @!p1 $0xFFFFFFB0  }
0x64: {  	_ =	swait.ge @!p1 [sflag:s23], $0x50  }
0x65: {  	s22 =	simm.s32 @!p1 $0x5600;
	[sflag:s23] =	ssyncset.done @!p1 $0x0  }
0x66: {  	s24 =	simm.s32 @!p1 $0x50;
	[sflag:s23] =	ssyncadd.s32 @!p1 $0xFFFFFFB0;
	s23 =	simm.s32 @!p1 $0x100  }
0x67: {  	[tilespmem:s22], [sflag:$0x1] =	stream.indirect.gather @!p1 [hbm4b:s3+s24], $0x80, s23, s24, $0xb8;
	[tilespmem:$0x1B680] =	vst v63  }
0x68: {  	_ =	swait.ge [sflag:s9], $0x2800  }
0x69: {  	[sflag:s9] =	ssyncset.done $0x0  }
0x6a: {  	[sflag:s9] =	ssyncadd.s32 $0xFFFFD800  }
0x6b: {  	[spmem:s1] =	stream.indirect.scatter.add.f32 [tilespmem:s7], [sflag:$0x2], $0x80, s29, s0, $0xb8;
	[tilespmem:$0x1B680] =	vst v63  }
0x6c: {  	_ =	swait.ge [sflag:s12], $0x2800  }
0x6d: {  	s20 =	rddreg [dreg:$0xa];
	[sflag:s12] =	ssyncset.done $0x0  }
0x6e: {  	s21 =	rddreg [dreg:$0x9];
	[sflag:s12] =	ssyncadd.s32 $0xFFFFD800;
	s22 =	sadd.s32 $0x0, s20  }
0x6f: {  	[tilespmem:s13], [sflag:$0x3] =	stream.linear.gather [hbm4b:s22+s2], $0x50, $0x38;
	[tilespmem:$0x1B680] =	vst v63  }
0x70: {  	s23 =	sadd.s32 $0x0, s21  }
0x71: {  	[tilespmem:s14], [sflag:$0x3] =	stream.linear.gather [hbm4b:s23+s2], $0x50, $0x38;
	[tilespmem:$0x1B680] =	vst v63  }
0x72: {  	_ =	swait.ge [sflag:s15], $0x50  }
0x73: {  	[sflag:s15] =	ssyncset.done $0x0  }
0x74: {  	[sflag:s15] =	ssyncadd.s32 $0xFFFFFFB0  }
0x75: {  	_ =	swait.ge [sflag:s15], $0x50  }
0x76: {  	[sflag:s15] =	ssyncset.done $0x0  }
0x77: {  	[sflag:s15] =	ssyncadd.s32 $0xFFFFFFB0  }
0x78: {  	[tilespmem:s4], [sflag:$0x1] =	stream.indirect.gather [hbm4b:s3+s0], $0x80, s10, s0, $0xb8;
	[tilespmem:$0x1B680] =	vst v63  }
0x79: {  	_ =	swait.ge [sflag:s9], $0x2800  }
0x7a: {  	[sflag:s9] =	ssyncset.done $0x0  }
0x7b: {  	[sflag:s9] =	ssyncadd.s32 $0xFFFFD800  }
0x7c: {  	[spmem:s1] =	stream.indirect.scatter.add.f32 [tilespmem:s8], [sflag:$0x2], $0x80, s31, s0, $0xb8;
	[tilespmem:$0x1B680] =	vst v63  }
0x7d: {  	_ =	swait.ge [sflag:s12], $0x2800  }
0x7e: {  	s24 =	rddreg [dreg:$0x8];
	[sflag:s12] =	ssyncset.done $0x0  }
0x7f: {  	s18 =	rddreg [dreg:$0x7];
	[sflag:s12] =	ssyncadd.s32 $0xFFFFD800;
	s22 =	sadd.s32 $0x0, s24  }
0x80: {  	[tilespmem:s16], [sflag:$0x3] =	stream.linear.gather [hbm4b:s22+s2], $0x50, $0x38;
	[tilespmem:$0x1B680] =	vst v63  }
0x81: {  	s19 =	sadd.s32 $0x0, s18  }
0x82: {  	[tilespmem:s17], [sflag:$0x3] =	stream.linear.gather [hbm4b:s19+s2], $0x50, $0x38;
	[tilespmem:$0x1B680] =	vst v63  }
0x83: {  	_ =	swait.ge [sflag:s15], $0x50  }
0x84: {  	[sflag:s15] =	ssyncset.done $0x0  }
0x85: {  	[sflag:s15] =	ssyncadd.s32 $0xFFFFFFB0  }
0x86: {  	_ =	swait.ge [sflag:s15], $0x50  }
0x87: {  	[sflag:s15] =	ssyncset.done $0x0  }
0x88: {  	[sflag:s15] =	ssyncadd.s32 $0xFFFFFFB0  }
0x89: {  	[tilespmem:s7], [sflag:$0x1] =	stream.indirect.gather [hbm4b:s3+s0], $0x80, s13, s0, $0xb8;
	[tilespmem:$0x1B680] =	vst v63  }
0x8a: {  	_ =	swait.ge [sflag:s9], $0x2800  }
0x8b: {  	[sflag:s9] =	ssyncset.done $0x0  }
0x8c: {  	[sflag:s9] =	ssyncadd.s32 $0xFFFFD800  }
0x8d: {  	[spmem:s1] =	stream.indirect.scatter.add.f32 [tilespmem:s4], [sflag:$0x2], $0x80, s11, s0, $0xb8;
	[tilespmem:$0x1B680] =	vst v63  }
0x8e: {  	_ =	swait.ge [sflag:s12], $0x2800  }
0x8f: {  	s24 =	rddreg [dreg:$0x1e]  }
0x90: {  	[sflag:s12] =	ssyncset.done $0x0;
	s20 =	sshrl.u32 s24, $0x3  }
0x91: {  	[sflag:s12] =	ssyncadd.s32 $0xFFFFD800;
	s21 =	sadd.s32 s5, s20  }
0x92: {  	[tilespmem:s2], [sflag:$0x3] =	stream.linear.gather [hbm4b:s21+s2], $0x50, $0x38;
	[tilespmem:$0x1B680] =	vst v63  }
0x93: {  	s22 =	sadd.s32 s6, s20  }
0x94: {  	[tilespmem:s26], [sflag:$0x3] =	stream.linear.gather [hbm4b:s22+s2], $0x50, $0x38;
	[tilespmem:$0x1B680] =	vst v63  }
0x95: {  	_ =	swait.ge [sflag:s15], $0x50  }
0x96: {  	[sflag:s15] =	ssyncset.done $0x0  }
0x97: {  	[sflag:s15] =	ssyncadd.s32 $0xFFFFFFB0  }
0x98: {  	_ =	swait.ge [sflag:s15], $0x50  }
0x99: {  	[sflag:s15] =	ssyncset.done $0x0  }
0x9a: {  	[sflag:s15] =	ssyncadd.s32 $0xFFFFFFB0  }
0x9b: {  	[tilespmem:s8], [sflag:$0x1] =	stream.indirect.gather [hbm4b:s3+s0], $0x80, s16, s0, $0xb8;
	[tilespmem:$0x1B680] =	vst v63  }
0x9c: {  	_ =	swait.ge [sflag:s9], $0x2800  }
0x9d: {  	[sflag:s9] =	ssyncset.done $0x0  }
0x9e: {  	[sflag:s9] =	ssyncadd.s32 $0xFFFFD800  }
0x9f: {  	[spmem:s1] =	stream.indirect.scatter.add.f32 [tilespmem:s7], [sflag:$0x2], $0x80, s14, s0, $0xb8;
	[tilespmem:$0x1B680] =	vst v63  }
0xa0: {  	_ =	swait.ge [sflag:s12], $0x2800  }
0xa1: {  	s23 =	rddreg [dreg:$0x6];
	[sflag:s12] =	ssyncset.done $0x0  }
0xa2: {  	s18 =	rddreg [dreg:$0x5];
	[sflag:s12] =	ssyncadd.s32 $0xFFFFD800;
	s22 =	sadd.s32 $0x0, s23  }
0xa3: {  	[tilespmem:s28], [sflag:$0x3] =	stream.linear.gather [hbm4b:s22+s2], $0x50, $0x38;
	[tilespmem:$0x1B680] =	vst v63  }
0xa4: {  	s19 =	sadd.s32 $0x0, s18  }
0xa5: {  	[tilespmem:s29], [sflag:$0x3] =	stream.linear.gather [hbm4b:s19+s2], $0x50, $0x38;
	[tilespmem:$0x1B680] =	vst v63  }
0xa6: {  	_ =	swait.ge [sflag:s15], $0x50  }
0xa7: {  	[sflag:s15] =	ssyncset.done $0x0  }
0xa8: {  	[sflag:s15] =	ssyncadd.s32 $0xFFFFFFB0  }
0xa9: {  	_ =	swait.ge [sflag:s15], $0x50  }
0xaa: {  	[sflag:s15] =	ssyncset.done $0x0  }
0xab: {  	[sflag:s15] =	ssyncadd.s32 $0xFFFFFFB0  }
0xac: {  	[tilespmem:s4], [sflag:$0x1] =	stream.indirect.gather [hbm4b:s3+s0], $0x80, s2, s0, $0xb8;
	[tilespmem:$0x1B680] =	vst v63  }
0xad: {  	_ =	swait.ge [sflag:s9], $0x2800  }
0xae: {  	[sflag:s9] =	ssyncset.done $0x0  }
0xaf: {  	[sflag:s9] =	ssyncadd.s32 $0xFFFFD800  }
0xb0: {  	[spmem:s1] =	stream.indirect.scatter.add.f32 [tilespmem:s8], [sflag:$0x2], $0x80, s17, s0, $0xb8;
	[tilespmem:$0x1B680] =	vst v63  }
0xb1: {  	_ =	swait.ge [sflag:s12], $0x2800  }
0xb2: {  	s20 =	rddreg [dreg:$0x4];
	[sflag:s12] =	ssyncset.done $0x0  }
0xb3: {  	s21 =	rddreg [dreg:$0x3];
	[sflag:s12] =	ssyncadd.s32 $0xFFFFD800;
	s22 =	sadd.s32 $0x0, s20  }
0xb4: {  	[tilespmem:s30], [sflag:$0x3] =	stream.linear.gather [hbm4b:s22+s2], $0x50, $0x38;
	[tilespmem:$0x1B680] =	vst v63  }
0xb5: {  	s23 =	sadd.s32 $0x0, s21  }
0xb6: {  	[tilespmem:s31], [sflag:$0x3] =	stream.linear.gather [hbm4b:s23+s2], $0x50, $0x38;
	[tilespmem:$0x1B680] =	vst v63  }
0xb7: {  	_ =	swait.ge [sflag:s15], $0x50  }
0xb8: {  	[sflag:s15] =	ssyncset.done $0x0  }
0xb9: {  	[sflag:s15] =	ssyncadd.s32 $0xFFFFFFB0  }
0xba: {  	_ =	swait.ge [sflag:s15], $0x50  }
0xbb: {  	s22 =	simm.s32 $0x3C;
	[sflag:s15] =	ssyncset.done $0x0  }
.LBB2_2:
0xbc: {  	[sflag:s15] =	ssyncadd.s32 $0xFFFFFFB0  }
0xbd: {  	[tilespmem:s7], [sflag:$0x1] =	stream.indirect.gather [hbm4b:s3+s0], $0x80, s28, s0, $0xb8;
	[tilespmem:$0x1B680] =	vst v63  }
0xbe: {  	s23 =	smov.u32 s22;
	_ =	swait.ge [sflag:s9], $0x2800  }
0xbf: {  	p2 =	seq.s32 s23, $0x0;
	[sflag:s9] =	ssyncset.done $0x0  }
0xc0: {  	s19 =	simm.s32 @!p2 $0x2;
	[sflag:s9] =	ssyncadd.s32 $0xFFFFD800  }
0xc1: {  	[spmem:s1] =	stream.indirect.scatter.add.f32 [tilespmem:s4], [sflag:$0x2], $0x80, s26, s0, $0xb8;
	[tilespmem:$0x1B680] =	vst v63  }
0xc2: {  	_ =	swait.ge @!p2 [sflag:s19], $0x2800  }
0xc3: {  	[sflag:s19] =	ssyncset.done @!p2 $0x0;
	s20 =	rddreg [dreg:$0xc]  }
0xc4: {  	s18 =	rddreg [dreg:$0xb];
	[sflag:s19] =	ssyncadd.s32 @!p2 $0xFFFFD800;
	s20 =	sadd.s32 s23, s20  }
0xc5: {  	[tilespmem:s10], [sflag:$0x3] =	stream.linear.gather [hbm4b:s20+s2], $0x50, $0x38;
	[tilespmem:$0x1B680] =	vst v63  }
0xc6: {  	s19 =	sadd.s32 s23, s18;
	s20 =	simm.s32 @!p2 $0x3  }
0xc7: {  	[tilespmem:s11], [sflag:$0x3] =	stream.linear.gather [hbm4b:s19+s2], $0x50, $0x38;
	[tilespmem:$0x1B680] =	vst v63  }
0xc8: {  	_ =	swait.ge @!p2 [sflag:s20], $0x50  }
0xc9: {  	[sflag:s20] =	ssyncset.done @!p2 $0x0  }
0xca: {  	[sflag:s20] =	ssyncadd.s32 @!p2 $0xFFFFFFB0  }
0xcb: {  	_ =	swait.ge @!p2 [sflag:s20], $0x50  }
0xcc: {  	s21 =	simm.s32 @!p2 $0x50;
	[sflag:s20] =	ssyncset.done @!p2 $0x0  }
0xcd: {  	s18 =	simm.s32 @!p2 $0x100;
	s19 =	simm.s32 @!p2 $0x5600;
	[sflag:s20] =	ssyncadd.s32 @!p2 $0xFFFFFFB0  }
0xce: {  	[tilespmem:s19], [sflag:$0x1] =	stream.indirect.gather @!p2 [hbm4b:s3+s21], $0x80, s18, s21, $0xb8;
	[tilespmem:$0x1B680] =	vst v63  }
0xcf: {  	_ =	swait.ge [sflag:s9], $0x2800  }
0xd0: {  	[sflag:s9] =	ssyncset.done $0x0  }
0xd1: {  	[sflag:s9] =	ssyncadd.s32 $0xFFFFD800  }
0xd2: {  	[spmem:s1] =	stream.indirect.scatter.add.f32 [tilespmem:s7], [sflag:$0x2], $0x80, s29, s0, $0xb8;
	[tilespmem:$0x1B680] =	vst v63  }
0xd3: {  	_ =	swait.ge [sflag:s12], $0x2800  }
0xd4: {  	s20 =	rddreg [dreg:$0xa];
	[sflag:s12] =	ssyncset.done $0x0  }
0xd5: {  	s21 =	rddreg [dreg:$0x9];
	[sflag:s12] =	ssyncadd.s32 $0xFFFFD800;
	s18 =	sadd.s32 s23, s20  }
0xd6: {  	[tilespmem:s13], [sflag:$0x3] =	stream.linear.gather [hbm4b:s18+s2], $0x50, $0x38;
	[tilespmem:$0x1B680] =	vst v63  }
0xd7: {  	s19 =	sadd.s32 s23, s21  }
0xd8: {  	[tilespmem:s14], [sflag:$0x3] =	stream.linear.gather [hbm4b:s19+s2], $0x50, $0x38;
	[tilespmem:$0x1B680] =	vst v63  }
0xd9: {  	_ =	swait.ge [sflag:s15], $0x50  }
0xda: {  	[sflag:s15] =	ssyncset.done $0x0  }
0xdb: {  	[sflag:s15] =	ssyncadd.s32 $0xFFFFFFB0  }
0xdc: {  	_ =	swait.ge [sflag:s15], $0x50  }
0xdd: {  	[sflag:s15] =	ssyncset.done $0x0  }
0xde: {  	[sflag:s15] =	ssyncadd.s32 $0xFFFFFFB0  }
0xdf: {  	[tilespmem:s4], [sflag:$0x1] =	stream.indirect.gather [hbm4b:s3+s0], $0x80, s10, s0, $0xb8;
	[tilespmem:$0x1B680] =	vst v63  }
0xe0: {  	_ =	swait.ge [sflag:s9], $0x2800  }
0xe1: {  	[sflag:s9] =	ssyncset.done $0x0  }
0xe2: {  	[sflag:s9] =	ssyncadd.s32 $0xFFFFD800  }
0xe3: {  	[spmem:s1] =	stream.indirect.scatter.add.f32 [tilespmem:s8], [sflag:$0x2], $0x80, s31, s0, $0xb8;
	[tilespmem:$0x1B680] =	vst v63  }
0xe4: {  	_ =	swait.ge [sflag:s12], $0x2800  }
0xe5: {  	s20 =	rddreg [dreg:$0x8];
	[sflag:s12] =	ssyncset.done $0x0  }
0xe6: {  	s21 =	rddreg [dreg:$0x7];
	[sflag:s12] =	ssyncadd.s32 $0xFFFFD800;
	s18 =	sadd.s32 s23, s20  }
0xe7: {  	[tilespmem:s16], [sflag:$0x3] =	stream.linear.gather [hbm4b:s18+s2], $0x50, $0x38;
	[tilespmem:$0x1B680] =	vst v63  }
0xe8: {  	s19 =	sadd.s32 s23, s21  }
0xe9: {  	[tilespmem:s17], [sflag:$0x3] =	stream.linear.gather [hbm4b:s19+s2], $0x50, $0x38;
	[tilespmem:$0x1B680] =	vst v63  }
0xea: {  	_ =	swait.ge [sflag:s15], $0x50  }
0xeb: {  	[sflag:s15] =	ssyncset.done $0x0  }
0xec: {  	[sflag:s15] =	ssyncadd.s32 $0xFFFFFFB0  }
0xed: {  	_ =	swait.ge [sflag:s15], $0x50  }
0xee: {  	[sflag:s15] =	ssyncset.done $0x0  }
0xef: {  	[sflag:s15] =	ssyncadd.s32 $0xFFFFFFB0  }
0xf0: {  	[tilespmem:s7], [sflag:$0x1] =	stream.indirect.gather [hbm4b:s3+s0], $0x80, s13, s0, $0xb8;
	[tilespmem:$0x1B680] =	vst v63  }
0xf1: {  	_ =	swait.ge [sflag:s9], $0x2800  }
0xf2: {  	[sflag:s9] =	ssyncset.done $0x0  }
0xf3: {  	[sflag:s9] =	ssyncadd.s32 $0xFFFFD800  }
0xf4: {  	[spmem:s1] =	stream.indirect.scatter.add.f32 [tilespmem:s4], [sflag:$0x2], $0x80, s11, s0, $0xb8;
	[tilespmem:$0x1B680] =	vst v63  }
0xf5: {  	s24 =	sadd.s32 $0x1E0, s24;
	_ =	swait.ge [sflag:s12], $0x2800  }
0xf6: {  	s20 =	sshrl.u32 s24, $0x3;
	[sflag:s12] =	ssyncset.done $0x0  }
0xf7: {  	s21 =	sadd.s32 s5, s20;
	[sflag:s12] =	ssyncadd.s32 $0xFFFFD800  }
0xf8: {  	[tilespmem:s2], [sflag:$0x3] =	stream.linear.gather [hbm4b:s21+s2], $0x50, $0x38;
	[tilespmem:$0x1B680] =	vst v63  }
0xf9: {  	s18 =	sadd.s32 s6, s20  }
0xfa: {  	[tilespmem:s26], [sflag:$0x3] =	stream.linear.gather [hbm4b:s18+s2], $0x50, $0x38;
	[tilespmem:$0x1B680] =	vst v63  }
0xfb: {  	_ =	swait.ge [sflag:s15], $0x50  }
0xfc: {  	[sflag:s15] =	ssyncset.done $0x0  }
0xfd: {  	[sflag:s15] =	ssyncadd.s32 $0xFFFFFFB0  }
0xfe: {  	_ =	swait.ge [sflag:s15], $0x50  }
0xff: {  	[sflag:s15] =	ssyncset.done $0x0  }
0x100: {  	[sflag:s15] =	ssyncadd.s32 $0xFFFFFFB0  }
0x101: {  	[tilespmem:s8], [sflag:$0x1] =	stream.indirect.gather [hbm4b:s3+s0], $0x80, s16, s0, $0xb8;
	[tilespmem:$0x1B680] =	vst v63  }
0x102: {  	_ =	swait.ge [sflag:s9], $0x2800  }
0x103: {  	[sflag:s9] =	ssyncset.done $0x0  }
0x104: {  	[sflag:s9] =	ssyncadd.s32 $0xFFFFD800  }
0x105: {  	[spmem:s1] =	stream.indirect.scatter.add.f32 [tilespmem:s7], [sflag:$0x2], $0x80, s14, s0, $0xb8;
	[tilespmem:$0x1B680] =	vst v63  }
0x106: {  	_ =	swait.ge [sflag:s12], $0x2800  }
0x107: {  	s20 =	rddreg [dreg:$0x6];
	[sflag:s12] =	ssyncset.done $0x0  }
0x108: {  	s21 =	rddreg [dreg:$0x5];
	[sflag:s12] =	ssyncadd.s32 $0xFFFFD800;
	s18 =	sadd.s32 s23, s20  }
0x109: {  	[tilespmem:s28], [sflag:$0x3] =	stream.linear.gather [hbm4b:s18+s2], $0x50, $0x38;
	[tilespmem:$0x1B680] =	vst v63  }
0x10a: {  	s19 =	sadd.s32 s23, s21  }
0x10b: {  	[tilespmem:s29], [sflag:$0x3] =	stream.linear.gather [hbm4b:s19+s2], $0x50, $0x38;
	[tilespmem:$0x1B680] =	vst v63  }
0x10c: {  	_ =	swait.ge [sflag:s15], $0x50  }
0x10d: {  	[sflag:s15] =	ssyncset.done $0x0  }
0x10e: {  	[sflag:s15] =	ssyncadd.s32 $0xFFFFFFB0  }
0x10f: {  	_ =	swait.ge [sflag:s15], $0x50  }
0x110: {  	[sflag:s15] =	ssyncset.done $0x0  }
0x111: {  	[sflag:s15] =	ssyncadd.s32 $0xFFFFFFB0  }
0x112: {  	[tilespmem:s4], [sflag:$0x1] =	stream.indirect.gather [hbm4b:s3+s0], $0x80, s2, s0, $0xb8;
	[tilespmem:$0x1B680] =	vst v63  }
0x113: {  	_ =	swait.ge [sflag:s9], $0x2800  }
0x114: {  	[sflag:s9] =	ssyncset.done $0x0  }
0x115: {  	[sflag:s9] =	ssyncadd.s32 $0xFFFFD800  }
0x116: {  	[spmem:s1] =	stream.indirect.scatter.add.f32 [tilespmem:s8], [sflag:$0x2], $0x80, s17, s0, $0xb8;
	[tilespmem:$0x1B680] =	vst v63  }
0x117: {  	_ =	swait.ge [sflag:s12], $0x2800  }
0x118: {  	s22 =	sadd.s32 $0x3C, s22;
	s20 =	rddreg [dreg:$0x4];
	[sflag:s12] =	ssyncset.done $0x0  }
0x119: {  	s21 =	rddreg [dreg:$0x3];
	[sflag:s12] =	ssyncadd.s32 $0xFFFFD800;
	s18 =	sadd.s32 s23, s20  }
0x11a: {  	[tilespmem:s30], [sflag:$0x3] =	stream.linear.gather [hbm4b:s18+s2], $0x50, $0x38;
	[tilespmem:$0x1B680] =	vst v63  }
0x11b: {  	p1 =	sne.s32 s22, $0x4B0;
	s23 =	sadd.s32 s23, s21  }
0x11c: {  	[tilespmem:s31], [sflag:$0x3] =	stream.linear.gather [hbm4b:s23+s2], $0x50, $0x38;
	[tilespmem:$0x1B680] =	vst v63  }
.Ltmp0:
0x11d: {  	_ =	swait.ge [sflag:s15], $0x50;
	(pc) =	sbr.rel @p1 .LBB2_2-.Ltmp0, $4  }
0x11e: {  	[sflag:s15] =	ssyncset.done $0x0  }
0x11f: {  	[sflag:s15] =	ssyncadd.s32 $0xFFFFFFB0  }
0x120: {  	_ =	swait.ge [sflag:s15], $0x50  }
0x121: {  	[sflag:s15] =	ssyncset.done $0x0  }
0x122: {  	[sflag:s15] =	ssyncadd.s32 $0xFFFFFFB0  }
0x123: {  	[tilespmem:s7], [sflag:$0x1] =	stream.indirect.gather [hbm4b:s3+s0], $0x80, s28, s0, $0xb8;
	[tilespmem:$0x1B680] =	vst v63  }
0x124: {  	_ =	swait.ge [sflag:s9], $0x2800  }
0x125: {  	[sflag:s9] =	ssyncset.done $0x0  }
0x126: {  	[sflag:s9] =	ssyncadd.s32 $0xFFFFD800  }
0x127: {  	[spmem:s1] =	stream.indirect.scatter.add.f32 [tilespmem:s4], [sflag:$0x2], $0x80, s26, s0, $0xb8;
	[tilespmem:$0x1B680] =	vst v63  }
0x128: {  	_ =	swait.ge [sflag:s12], $0x2800  }
0x129: {  	[sflag:s12] =	ssyncset.done $0x0  }
0x12a: {  	s18 =	rddreg [dreg:$0x18];
	[sflag:s12] =	ssyncadd.s32 $0xFFFFD800  }
0x12b: {  	[tilespmem:s10], [sflag:$0x3] =	stream.linear.gather [hbm4b:s18+s2], $0x50, $0x38;
	[tilespmem:$0x1B680] =	vst v63  }
0x12c: {  	s20 =	rddreg [dreg:$0x19]  }
0x12d: {  	[tilespmem:s11], [sflag:$0x3] =	stream.linear.gather [hbm4b:s20+s2], $0x50, $0x38;
	[tilespmem:$0x1B680] =	vst v63  }
0x12e: {  	_ =	swait.ge [sflag:s15], $0x50  }
0x12f: {  	[sflag:s15] =	ssyncset.done $0x0  }
0x130: {  	[sflag:s15] =	ssyncadd.s32 $0xFFFFFFB0  }
0x131: {  	_ =	swait.ge [sflag:s15], $0x50  }
0x132: {  	[sflag:s15] =	ssyncset.done $0x0  }
0x133: {  	[sflag:s15] =	ssyncadd.s32 $0xFFFFFFB0  }
0x134: {  	[tilespmem:s8], [sflag:$0x1] =	stream.indirect.gather [hbm4b:s3+s0], $0x80, s30, s0, $0xb8;
	[tilespmem:$0x1B680] =	vst v63  }
0x135: {  	_ =	swait.ge [sflag:s9], $0x2800  }
0x136: {  	[sflag:s9] =	ssyncset.done $0x0  }
0x137: {  	[sflag:s9] =	ssyncadd.s32 $0xFFFFD800  }
0x138: {  	[spmem:s1] =	stream.indirect.scatter.add.f32 [tilespmem:s7], [sflag:$0x2], $0x80, s29, s0, $0xb8;
	[tilespmem:$0x1B680] =	vst v63  }
0x139: {  	_ =	swait.ge [sflag:s12], $0x2800  }
0x13a: {  	[sflag:s12] =	ssyncset.done $0x0  }
0x13b: {  	s21 =	rddreg [dreg:$0x1a];
	[sflag:s12] =	ssyncadd.s32 $0xFFFFD800  }
0x13c: {  	[tilespmem:s13], [sflag:$0x3] =	stream.linear.gather [hbm4b:s21+s2], $0x50, $0x38;
	[tilespmem:$0x1B680] =	vst v63  }
0x13d: {  	s22 =	rddreg [dreg:$0x1b]  }
0x13e: {  	[tilespmem:s14], [sflag:$0x3] =	stream.linear.gather [hbm4b:s22+s2], $0x50, $0x38;
	[tilespmem:$0x1B680] =	vst v63  }
0x13f: {  	_ =	swait.ge [sflag:s15], $0x50  }
0x140: {  	[sflag:s15] =	ssyncset.done $0x0  }
0x141: {  	[sflag:s15] =	ssyncadd.s32 $0xFFFFFFB0  }
0x142: {  	_ =	swait.ge [sflag:s15], $0x50  }
0x143: {  	[sflag:s15] =	ssyncset.done $0x0  }
0x144: {  	[sflag:s15] =	ssyncadd.s32 $0xFFFFFFB0  }
0x145: {  	[tilespmem:s4], [sflag:$0x1] =	stream.indirect.gather [hbm4b:s3+s0], $0x80, s10, s0, $0xb8;
	[tilespmem:$0x1B680] =	vst v63  }
0x146: {  	_ =	swait.ge [sflag:s9], $0x2800  }
0x147: {  	[sflag:s9] =	ssyncset.done $0x0  }
0x148: {  	[sflag:s9] =	ssyncadd.s32 $0xFFFFD800  }
0x149: {  	[spmem:s1] =	stream.indirect.scatter.add.f32 [tilespmem:s8], [sflag:$0x2], $0x80, s31, s0, $0xb8;
	[tilespmem:$0x1B680] =	vst v63  }
0x14a: {  	_ =	swait.ge [sflag:s12], $0x2800  }
0x14b: {  	[sflag:s12] =	ssyncset.done $0x0  }
0x14c: {  	[sflag:s12] =	ssyncadd.s32 $0xFFFFD800  }
0x14d: {  	_ =	swait.ge [sflag:s15], $0x50  }
0x14e: {  	[sflag:s15] =	ssyncset.done $0x0  }
0x14f: {  	[sflag:s15] =	ssyncadd.s32 $0xFFFFFFB0  }
0x150: {  	_ =	swait.ge [sflag:s15], $0x50  }
0x151: {  	[sflag:s15] =	ssyncset.done $0x0  }
0x152: {  	[sflag:s15] =	ssyncadd.s32 $0xFFFFFFB0  }
0x153: {  	[tilespmem:s7], [sflag:$0x1] =	stream.indirect.gather [hbm4b:s3+s0], $0x80, s13, s0, $0xb8;
	[tilespmem:$0x1B680] =	vst v63  }
0x154: {  	_ =	swait.ge [sflag:s9], $0x2800  }
0x155: {  	[sflag:s9] =	ssyncset.done $0x0  }
0x156: {  	[sflag:s9] =	ssyncadd.s32 $0xFFFFD800  }
0x157: {  	[spmem:s1] =	stream.indirect.scatter.add.f32 [tilespmem:s4], [sflag:$0x2], $0x80, s11, s0, $0xb8;
	[tilespmem:$0x1B680] =	vst v63  }
0x158: {  	_ =	swait.ge [sflag:s12], $0x2800  }
0x159: {  	[sflag:s12] =	ssyncset.done $0x0  }
0x15a: {  	[sflag:s12] =	ssyncadd.s32 $0xFFFFD800  }
0x15b: {  	_ =	swait.ge [sflag:s9], $0x2800  }
0x15c: {  	[sflag:s9] =	ssyncset.done $0x0  }
0x15d: {  	[sflag:s9] =	ssyncadd.s32 $0xFFFFD800  }
0x15e: {  	[spmem:s1] =	stream.indirect.scatter.add.f32 [tilespmem:s7], [sflag:$0x2], $0x80, s14, s0, $0xb8;
	[tilespmem:$0x1B680] =	vst v63  }
0x15f: {  	_ =	swait.ge [sflag:s12], $0x2800  }
0x160: {  	[sflag:s12] =	ssyncset.done $0x0  }
0x161: {  	[sflag:s12] =	ssyncadd.s32 $0xFFFFD800  }
0x162: {  	_ =	swait.ge [sflag:s12], $0x2800  }
0x163: {  	[sflag:s12] =	ssyncset.done $0x0  }
0x164: {  	[sflag:s12] =	ssyncadd.s32 $0xFFFFD800  }
0x165: {  	[bflag:$0x0] =	sbarrier.arrive $0xFFFF  }
0x166: {  	s20 =	sld [smem:$0x7FB];
	_ =	sdelay $0x1  }
0x167: {  	s18 =	simm.s32 @p0 $0x1FC4;
	s19 =	rddreg [dreg:$0x1c]  }
0x168: {  	[hbm:s19], [sflag:s18] =	dma.local @p0 [spmem:s20], $0x2800  }
0x169: {  	s18 =	simm.s32 @p0 $0x4  }
0x16a: {  	_ =	swait.ge @p0 [sflag:s18], $0x2800  }
0x16b: {  	s19 =	sld [smem:$0x7FC]  }
0x16c: {  	s20 =	sld [smem:$0x7FD]  }
0x16d: {  	[sflag:s18] =	ssyncset.done @p0 $0x0  }
0x16e: {  	[sflag:s18] =	ssyncadd.s32 @p0 $0xFFFFD800;
	s18 =	rddreg [dreg:$0x17]  }
0x16f: {  	[hbm:s18], [sflag:s19] =	dma.local @!p0 [spmem:s20], $0x2700  }
0x170: {  	s18 =	simm.s32 @!p0 $0x4  }
0x171: {  	_ =	swait.ge @!p0 [sflag:s18], $0x2700  }
0x172: {  	s23 =	rddreg [dreg:$0x1f]  }
0x173: {  	s24 =	rddreg [dreg:$0x1d];
	s20 =	sadd.s32 $0x1, s23  }
0x174: {  	p1 =	sne.s32 s20, s24  }
.Ltmp1:
0x175: {  	_ = 	snop;
	(pc) =	sbr.rel @p1 .LBB2_1-.Ltmp1, $3  }
0x176: {  	_ =	sdelay $0x1  }
0x177: {  	[sflag:s18] =	ssyncset.done @!p0 $0x0  }
0x178: {  	[sflag:s18] =	ssyncadd.s32 @!p0 $0xFFFFD900  }
0x179: {  	_ =	sfence.sel $0x180000  }
0x17a: {  	[bflag:$0x0] =	sbarrier.arrive $0xFFFF  }
0x17b: {  	_ =	strace $0x9000004D  }
0x17c: {  	s0 =	stileid.u32;
	[bflag:$0x2] =	sbarrier.arrive $0xFFFF  }
0x17d: {  	p0 =	sne.s32 s0, $0x0;
	s0 =	rddreg [dreg:$0x2]  }
0x17e: {  	s0 =	sadd.s32 @!p0 $0x100000, s0  }
0x17f: {  	[sflag:s0] =	ssyncadd.tile.s32 @!p0 $0x1;
	_ =	shalt  }
.Lfunc_end2:
_tile_overlayer_lowered:
.L_overlay_start_2:
0x180: {  	(tag) =	ssettag $0x2  }
0x181: {  	s0 =	rddreg [dreg:$0x0];
	s2 =	stileid.u32  }
0x182: {  	s1 =	rddreg [dreg:$0x1];
	p0 =	sne.s32 s2, $0x0  }
0x183: {  	s3 =	rddreg [dreg:$0x2];
	[bflag:$0x3] =	sbarrier.arrive $0xFFFF;
	s2 =	simm.s32 @!p0 $0x1C04  }
0x184: {  	[timem:s3], [sflag:s2] =	dma.local @!p0 [hbm:s0], s1  }
0x185: {  	s0 =	simm.s32 @!p0 $0x4  }
0x186: {  	_ =	swait.ge @!p0 [sflag:s0], s1  }
0x187: {  	s1 =	ssub.s32 @!p0 $0x0, s1;
	[sflag:s0] =	ssyncset.done @!p0 $0x0  }
0x188: {  	[sflag:s0] =	ssyncadd.s32 @!p0 s1  }
0x189: {  	[bflag:$0x3] =	sbarrier.arrive $0xFFFF  }
0x18a: {  	_ =	shalt  }

// kernel: kernel.8.cloned.1.call-start
scs
__scs_entry_jumppad:
0x0: {  	(pc) =	sbr.rel $0x88, $3  }
0x1: {  	(tag) =	ssettag $0x0;
	lr =	simm.s32 $0x1  }
0x2: {  	[smem:$0x3F9B] =	sst lr;
	_ =	strace $0xD0000000  }
0x3: {  	_ = 	snop  }
0x4: {  	_ = 	snop  }
0x5: {  	_ = 	snop  }
0x6: {  	_ = 	snop  }
0x7: {  	_ = 	snop  }
__scs_overlays_trampoline_lowered:
0x8: {  	[smem:$0x3FAA] =	sst s0  }
0x9: {  	[smem:$0x3FAB] =	sst s1  }
0xa: {  	[smem:$0x3FAC] =	sst s2  }
0xb: {  	[smem:$0x3FAD] =	sst s3  }
0xc: {  	[smem:$0x3FAE] =	sst s4  }
0xd: {  	[smem:$0x3FAF] =	sst s5  }
0xe: {  	[smem:$0x3FB0] =	sst s6  }
0xf: {  	[smem:$0x3FB1] =	sst s7  }
0x10: {  	[smem:$0x3FB2] =	sst s8  }
0x11: {  	[smem:$0x3FB3] =	sst s9;
	s0 =	simm.s32 @!p0 $0x0  }
0x12: {  	s1 =	sld [smem:$0x3F99];
	s0 =	simm.s32 @p0 $0x1  }
0x13: {  	[smem:$0x3FB4] =	sst s0;
	s0 =	simm.s32 @!p1 $0x0  }
0x14: {  	s2 =	sld [smem:$0x3F98];
	s0 =	simm.s32 @p1 $0x1  }
0x15: {  	[smem:$0x3FB5] =	sst s0;
	s0 =	simm.s32 @!p2 $0x0  }
0x16: {  	s3 =	sld [smem:$0x3FDB];
	s0 =	simm.s32 @p2 $0x1  }
0x17: {  	s4 =	simm.s32 $0x1BF5;
	[smem:$0x3FB7] =	sst s0  }
0x18: {  	s0 =	sld [smem:$0x3F9A];
	_ =	swait.ge [sflag:s4], $0x0  }
0x19: {  	s7 =	sld [smem:$0x3F9B]  }
0x1a: {  	s8 =	sadd.s32 $0xFFFFE003, lr  }
0x1b: {  	s9 =	sadd.s32 $0xFFFFFEF7, lr;
	s5 =	simm.s32 $0xFFFFFFFF;
	p2 =	slt.u32 s8, $0xFFFFF086  }
0x1c: {  	p1 =	slt.u32 s9, $0xF7A;
	s5 =	simm.s32 @!p2 $0x0  }
0x1d: {  	s5 =	simm.s32 @p1 $0x1;
	p0 =	seq.s32 s7, s2  }
0x1e: {  	s7 =	smul.u32 @!p0 $0xF7A, s2;
	p2 =	seq.s32 @!p0 s5, $0x0  }
0x1f: {  	s9 =	smul.u32 $0xF7A, s1;
	s8 =	simm.s32 @!p0 $0x1BF5;
	p2 =	por !p2, p0  }
0x20: {  	[sflag:s8] =	ssyncset.s32 @!p0 $0xFFFFF086;
	s6 =	sadd.s32 @!p0 s3, s7;
	s7 =	simm.s32 @!p0 $0x108  }
0x21: {  	s3 =	sadd.s32 s3, s9;
	s6 =	sadd.s32 @!p0 $0x88, s6;
	s7 =	simm.s32 @p2 $0x1082  }
0x22: {  	[simem:s7], [sflag:s8] =	dma.local @!p0 [hbm:s6], $0xF7A  }
0x23: {  	s9 =	sor.u32 $0xD0000000, s2;
	s6 =	simm.s32 $0x108;
	_ =	swait.ge @!p0 [sflag:s8], $0x0  }
0x24: {  	s3 =	sadd.s32 $0x88, s3;
	s6 =	simm.s32 @!p1 $0x1082;
	[sflag:s4] =	ssyncset.s32 $0xFFFFF086  }
0x25: {  	[simem:s6], [sflag:s4] =	dma.local [hbm:s3], $0xF7A  }
0x26: {  	[smem:$0x3F9B] =	sst s1;
	(tag) =	ssettag s2;
	_ =	strace s9  }
0x27: {  	s1 =	sld [smem:$0x3FAB]  }
0x28: {  	s2 =	sld [smem:$0x3FAC]  }
0x29: {  	s4 =	sld [smem:$0x3FAE]  }
0x2a: {  	p0 =	seq.s32 s5, $0x0;
	s5 =	sld [smem:$0x3FAF]  }
0x2b: {  	s6 =	sld [smem:$0x3FB0]  }
0x2c: {  	s7 =	sld [smem:$0x3FB1]  }
0x2d: {  	s3 =	simm.s32 $0x108;
	s8 =	sld [smem:$0x3FB2]  }
0x2e: {  	s3 =	simm.s32 @!p0 $0x1082;
	s9 =	sld [smem:$0x3FB3]  }
0x2f: {  	lr =	sadd.s32 s0, s3;
	s0 =	sld [smem:$0x3FAA]  }
0x30: {  	s3 =	sld [smem:$0x3FAD]  }
0x31: {  	[smem:$0x3FB6] =	sst s10  }
0x32: {  	s10 =	sld [smem:$0x3FB4];
	_ =	sdelay $0x3  }
0x33: {  	p0 =	seq.s32 s10, $0x1;
	s10 =	sld [smem:$0x3FB6];
	_ =	sdelay $0x3  }
0x34: {  	[smem:$0x3FB6] =	sst s10  }
0x35: {  	s10 =	sld [smem:$0x3FB5];
	_ =	sdelay $0x3  }
0x36: {  	p1 =	seq.s32 s10, $0x1;
	s10 =	sld [smem:$0x3FB6];
	_ =	sdelay $0x3  }
0x37: {  	[smem:$0x3FB6] =	sst s10  }
0x38: {  	s10 =	sld [smem:$0x3FB7]  }
0x39: {  	_ = 	snop;
	(pc) =	sbr.ind lr, $3  }
0x3a: {  	_ = 	snop  }
0x3b: {  	_ = 	snop  }
0x3c: {  	p2 =	seq.s32 s10, $0x1;
	s10 =	sld [smem:$0x3FB6]  }
0x3d: {  	_ =	shalt  }
0x3e: {  	_ =	shalt  }
0x3f: {  	_ =	shalt  }
0x40: {  	_ =	shalt  }
0x41: {  	_ =	shalt  }
0x42: {  	_ =	shalt  }
0x43: {  	_ =	shalt  }
0x44: {  	_ =	shalt  }
0x45: {  	_ =	shalt  }
0x46: {  	_ =	shalt  }
0x47: {  	_ =	shalt  }
0x48: {  	_ =	shalt  }
0x49: {  	_ =	shalt  }
0x4a: {  	_ =	shalt  }
0x4b: {  	_ =	shalt  }
0x4c: {  	_ =	shalt  }
0x4d: {  	_ =	shalt  }
0x4e: {  	_ =	shalt  }
0x4f: {  	_ =	shalt  }
0x50: {  	_ =	shalt  }
0x51: {  	_ =	shalt  }
0x52: {  	_ =	shalt  }
0x53: {  	_ =	shalt  }
0x54: {  	_ =	shalt  }
0x55: {  	_ =	shalt  }
0x56: {  	_ =	shalt  }
0x57: {  	_ =	shalt  }
0x58: {  	_ =	shalt  }
0x59: {  	_ =	shalt  }
0x5a: {  	_ =	shalt  }
0x5b: {  	_ =	shalt  }
0x5c: {  	_ =	shalt  }
0x5d: {  	_ =	shalt  }
0x5e: {  	_ =	shalt  }
0x5f: {  	_ =	shalt  }
0x60: {  	_ =	shalt  }
0x61: {  	_ =	shalt  }
0x62: {  	_ =	shalt  }
0x63: {  	_ =	shalt  }
0x64: {  	_ =	shalt  }
0x65: {  	_ =	shalt  }
0x66: {  	_ =	shalt  }
0x67: {  	_ =	shalt  }
0x68: {  	_ =	shalt  }
0x69: {  	_ =	shalt  }
0x6a: {  	_ =	shalt  }
0x6b: {  	_ =	shalt  }
0x6c: {  	_ =	shalt  }
0x6d: {  	_ =	shalt  }
0x6e: {  	_ =	shalt  }
0x6f: {  	_ =	shalt  }
0x70: {  	_ =	shalt  }
0x71: {  	_ =	shalt  }
0x72: {  	_ =	shalt  }
0x73: {  	_ =	shalt  }
0x74: {  	_ =	shalt  }
0x75: {  	_ =	shalt  }
0x76: {  	_ =	shalt  }
0x77: {  	_ =	shalt  }
0x78: {  	_ =	shalt  }
0x79: {  	_ =	shalt  }
0x7a: {  	_ =	shalt  }
0x7b: {  	_ =	shalt  }
0x7c: {  	_ =	shalt  }
0x7d: {  	_ =	shalt  }
0x7e: {  	_ =	shalt  }
0x7f: {  	_ =	shalt  }
0x80: {  	_ =	shalt  }
0x81: {  	_ =	shalt  }
0x82: {  	_ =	shalt  }
0x83: {  	_ =	shalt  }
0x84: {  	_ =	shalt  }
0x85: {  	_ =	shalt  }
0x86: {  	_ =	shalt  }
0x87: {  	_ =	shalt  }
.Lfunc_end0:
.L_simem_size_0:
called_computation_lowered:
.L_overlay_start_0:
0x88: {  	s2 =	sld [smem:$0x3FD9]  }
0x89: {  	s3 =	sld [smem:$0x3FFE];
	_ =	sdelay $0x1  }
0x8a: {  	s1 =	srdreg.scid  }
0x8b: {  	s0 =	sand.u32 $0x1, s1  }
0x8c: {  	s17 =	sshll.u32 s0, $0xA;
	s2 =	sadd.s32 s3, s2  }
0x8d: {  	s2 =	sadd.s32 s2, s17  }
0x8e: {  	[smem:$0x3FC2] =	sst s2  }
0x8f: {  	_ = 	snop  }
0x90: {  	s2 =	sld [smem:$0x3FD0];
	(tm) =	ssettm $0x1  }
0x91: {  	s18 =	sld [smem:$0x3FFB];
	_ =	sdelay $0x3  }
0x92: {  	_ =	strace s18  }
0x93: {  	s3 =	sld [smem:$0x3FFC];
	_ =	sdelay $0x3  }
0x94: {  	_ =	strace s3  }
0x95: {  	s3 =	sld [smem:$0x3FFD];
	_ =	sdelay $0x3  }
0x96: {  	_ =	strace s3  }
0x97: {  	_ =	strace $0x8FFFFFFF  }
0x98: {  	s19 =	sld [smem:$0x3FDB];
	_ =	sdelay $0x1  }
0x99: {  	s4 =	simm.s32 $_scs_section_size  }
0x9a: {  	s5 =	simm.s32 $_size__tile_overlayer_lowered;
	s6 =	simm.s32 $_tile_overlayer_lowered  }
0x9b: {  	s22 =	simm.s32 $0x1BFF;
	s21 =	sshll.u32 s6, $0x1;
	s3 =	sadd.s32 s4, s19  }
0x9c: {  	s7 =	simm.s32 $0x0;
	s20 =	sshll.u32 s5, $0x1;
	s5 =	sadd.s32 s21, s3  }
0x9d: {  	[timem:s7], [sflag:s22] =	dma.local [hbm:s5], s20  }
0x9e: {  	_ =	swait.ge [sflag:s22], s20  }
0x9f: {  	s4 =	ssub.s32 $0x0, s20;
	[sflag:s22] =	ssyncset.done $0x0  }
0xa0: {  	[sflag:s22] =	ssyncadd.s32 s4;
	_ =	sdelay $0x1  }
0xa1: {  	s23 =	simm.s32 $0x1B8B  }
0xa2: {  	_ =	swait.ge [sflag:s23], $0x1  }
0xa3: {  	[sflag:s23] =	ssyncset.done $0x0  }
0xa4: {  	s25 =	simm.s32 $0x1B8E;
	s24 =	sld [smem:$0x3FFE];
	[sflag:s23] =	ssyncadd.s32 $0xFFFFFFFF  }
0xa5: {  	s26 =	simm.s32 $execute0_lowered;
	[smem:$0x3FD2] =	sst s25  }
0xa6: {  	s5 =	sshll.u32 s26, $0x1;
	_ =	strace $0x80000046;
	[dreg:$0x1] =	wrdreg $0xFFFFFFFF  }
0xa7: {  	s28 =	simm.s32 $_size_execute0_lowered;
	s3 =	sadd.s32 s3, s5;
	[dreg:$0x0] =	wrdreg $0x0  }
0xa8: {  	s5 =	sshll.u32 s28, $0x1;
	[dreg:$0x2] =	wrdreg s3  }
0xa9: {  	[dreg:$0x3] =	wrdreg s5  }
0xaa: {  	[dreg:$0x4] =	wrdreg $0xC0  }
0xab: {  	_ =	task [dreg:s7], $0x5FFFF  }
0xac: {  	[dreg:$0x1] =	wrdreg $0xFFFFFFFF  }
0xad: {  	[dreg:$0x0] =	wrdreg $0x60  }
0xae: {  	[dreg:$0x2] =	wrdreg s24  }
0xaf: {  	[dreg:$0x3] =	wrdreg s2  }
0xb0: {  	[dreg:$0x4] =	wrdreg $0x68000  }
0xb1: {  	[dreg:$0x5] =	wrdreg $0x9  }
0xb2: {  	_ =	task.clear_ibuf [dreg:s7], $0x6FFFF;
	_ =	strace $0x90000046  }
0xb3: {  	s29 =	simm.s32 $0x9;
	_ =	strace $0x80000048  }
0xb4: {  	_ =	swait.ge [sflag:s29], $0x1  }
0xb5: {  	[sflag:s29] =	ssyncadd.s32 $0xFFFFFFFF  }
0xb6: {  	_ =	strace $0x90000048  }
0xb7: {  	_ =	sfence  }
0xb8: {  	s30 =	sld [smem:$0x0];
	_ =	sdelay $0x2  }
0xb9: {  	s31 =	sshll.u32 s1, $0xD;
	s1 =	sshrl.u32 s1, $0x2  }
0xba: {  	s3 =	sand.u32 $0x4000, s31;
	s1 =	sadd.s32 s1, s30  }
0xbb: {  	s0 =	sor.u32 s3, s0;
	s1 =	sshll.u32 s1, $0x11  }
0xbc: {  	s0 =	sor.u32 s1, s0  }
0xbd: {  	s0 =	sadd.s32 $0x8F2B, s0  }
0xbe: {  	[sflag:s0] =	ssyncadd.remote.s32 $0x1  }
0xbf: {  	_ =	sfence.sel $0xFFFF  }
0xc0: {  	[dreg:$0x0] =	wrdreg $0xFFFFFFFF;
	(pc) =	sbr.abs _section_cstart, $3  }
0xc1: {  	[dreg:$0x1] =	wrdreg $0xFFFFFFFF  }
0xc2: {  	_ =	task.clear_ibuf [dreg:s7], $0x2FFFF;
	_ =	strace $0x9FFFFFFF  }
0xc3: {  	(tm) =	ssettm $0x7FFFFFFF  }
tec
execute0_lowered:
.L_overlay_start_1:
0x0: {  	(tag) =	ssettag $0x1  }
0x1: {  	s6 =	rddreg [dreg:$0x0]  }
0x2: {  	s1 =	rddreg [dreg:$0x1]  }
0x3: {  	s3 =	rddreg [dreg:$0x2]  }
0x4: {  	s0 =	rddreg [dreg:$0x3]  }
0x5: {  	s4 =	simm.s32 $0x0;
	s2 =	stileid.u32;
	s5 =	srdreg.scid  }
0x6: {  	s16 =	simm.s32 $0x50;
	s17 =	simm.s32 $0x80;
	s18 =	simm.s32 $0x100  }
0x7: {  	s19 =	simm.s32 $0x180;
	s20 =	simm.s32 $0x200;
	s21 =	simm.s32 $0x280  }
0x8: {  	s22 =	simm.s32 $0x300;
	s23 =	simm.s32 $0x380;
	s24 =	simm.s32 $0x1  }
0x9: {  	s25 =	simm.s32 $0x0;
	[smem:$0x7FF] =	sst s4;
	s7 =	smul.u32 $0x2700, s2  }
0xa: {  	s8 =	sshll.u32 s2, $0xB;
	s9 =	sand.u32 $0x1, s5;
	s26 =	smul.u32 $0x4E000, s2  }
0xb: {  	s12 =	sadd.s32 $0x4CE00, s6;
	s14 =	sadd.s32 $0x124800, s3;
	p0 =	seq.s32 s2, $0xF  }
0xc: {  	_ =	strace $0x80000047;
	s8 =	sadd.s32 s8, s6;
	s28 =	smul.u32 $0x138800, s9  }
0xd: {  	s11 =	ssub.s32 $0x2, s9;
	s29 =	smul.u32 $0x27100, s9;
	s9 =	sshll.u32 s9, $0xF  }
0xe: {  	s10 =	sadd.s32 s7, s6;
	s13 =	sshrl.u32 s11, $0x1;
	s5 =	sshrl.u32 s26, $0x2  }
0xf: {  	s6 =	sadd.s32 $0x4A500, s6;
	s8 =	sadd.s32 s9, s8;
	s11 =	ssub.s32 s11, s13  }
0x10: {  	s15 =	sadd.s32 s5, s3;
	s5 =	sadd.s32 $0x25C00, s10;
	s13 =	sshrl.u32 s28, $0x3  }
0x11: {  	s30 =	sadd.s32 s7, s29;
	s7 =	sadd.s32 $0x15C00, s8;
	s31 =	sadd.s32 s12, s13  }
0x12: {  	s8 =	sadd.s32 s12, s30;
	s10 =	smax.u32 s11, $0x1;
	s11 =	simm.s32 $0x4000  }
0x13: {  	s12 =	simm.s32 $0x2;
	s13 =	sshrl.u32 @p0 s14, $0x3;
	s14 =	sshll.u32 @!p0 s2, $0x6  }
0x14: {  	s15 =	sshrl.u32 @!p0 s15, $0x3;
	s9 =	sadd.s32 $0x24900, s31;
	s14 =	sor.u32 @!p0 $0x1C02, s14  }
.LBB2_1:
0x15: {  	[tilespmem:s11], [sflag:$0x2] =	stream.linear.gather [hbm4b:s1+s4], $0x2800, $0x38;
	[tilespmem:$0x1A080] =	vst v63  }
0x16: {  	_ =	swait.ge [sflag:s12], $0x2800  }
0x17: {  	[sflag:s12] =	ssyncset.done $0x0  }
0x18: {  	s26 =	simm.s32 @p0 $0x1FC2;
	[sflag:s12] =	ssyncadd.s32 $0xFFFFD800  }
0x19: {  	[spmem:s13], [sflag:s26] =	dma.local @p0 [hbm:s6], $0x2800  }
0x1a: {  	s26 =	simm.s32 @p0 $0x2  }
0x1b: {  	_ =	swait.ge @p0 [sflag:s26], $0x2800  }
0x1c: {  	[sflag:s26] =	ssyncset.done @p0 $0x0  }
0x1d: {  	[sflag:s26] =	ssyncadd.s32 @p0 $0xFFFFD800;
	s26 =	simm.s32 @!p0 $0x2  }
0x1e: {  	[spmem:s15], [sflag:s14] =	dma.local @!p0 [hbm:s5], $0x2700  }
0x1f: {  	_ =	swait.ge @!p0 [sflag:s26], $0x2700  }
0x20: {  	[sflag:s26] =	ssyncset.done @!p0 $0x0  }
0x21: {  	[sflag:s26] =	ssyncadd.s32 @!p0 $0xFFFFD900  }
0x22: {  	[tilespmem:s4], [sflag:$0x2] =	stream.linear.gather [hbm4b:s7+s4], $0x3E80, $0x38;
	[tilespmem:$0x1A080] =	vst v63  }
0x23: {  	_ =	swait.ge [sflag:s12], $0x3E80  }
0x24: {  	[sflag:s12] =	ssyncset.done $0x0  }
0x25: {  	[sflag:s12] =	ssyncadd.s32 $0xFFFFC180  }
0x26: {  	[bflag:$0x0] =	sbarrier.arrive $0xFFFF  }
0x27: {  	[spmem:s3] =	stream.indirect.scatter.add.f32 [tilespmem:s11], [sflag:$0x1], $0x80, s4, s16, $0xb8;
	[tilespmem:$0x1A080] =	vst v63  }
0x28: {  	_ = 	snop  }
0x29: {  	[spmem:s3] =	stream.indirect.scatter.add.f32 [tilespmem:s11], [sflag:$0x1], $0x80, s17, s16, $0xb8;
	[tilespmem:$0x1A080] =	vst v63  }
0x2a: {  	_ = 	snop  }
0x2b: {  	[spmem:s3] =	stream.indirect.scatter.add.f32 [tilespmem:s11], [sflag:$0x1], $0x80, s18, s16, $0xb8;
	[tilespmem:$0x1A080] =	vst v63  }
0x2c: {  	_ = 	snop  }
0x2d: {  	[spmem:s3] =	stream.indirect.scatter.add.f32 [tilespmem:s11], [sflag:$0x1], $0x80, s19, s16, $0xb8;
	[tilespmem:$0x1A080] =	vst v63  }
0x2e: {  	_ = 	snop  }
0x2f: {  	[spmem:s3] =	stream.indirect.scatter.add.f32 [tilespmem:s11], [sflag:$0x1], $0x80, s20, s16, $0xb8;
	[tilespmem:$0x1A080] =	vst v63  }
0x30: {  	_ = 	snop  }
0x31: {  	[spmem:s3] =	stream.indirect.scatter.add.f32 [tilespmem:s11], [sflag:$0x1], $0x80, s21, s16, $0xb8;
	[tilespmem:$0x1A080] =	vst v63  }
0x32: {  	_ = 	snop  }
0x33: {  	[spmem:s3] =	stream.indirect.scatter.add.f32 [tilespmem:s11], [sflag:$0x1], $0x80, s22, s16, $0xb8;
	[tilespmem:$0x1A080] =	vst v63  }
0x34: {  	_ = 	snop  }
0x35: {  	[spmem:s3] =	stream.indirect.scatter.add.f32 [tilespmem:s11], [sflag:$0x1], $0x80, s23, s16, $0xb8;
	[tilespmem:$0x1A080] =	vst v63  }
0x36: {  	_ =	swait.ge [sflag:s24], $0x2800  }
0x37: {  	[sflag:s24] =	ssyncset.done $0x0  }
0x38: {  	s28 =	simm.s32 $0x400;
	s26 =	simm.s32 $0x1200;
	[sflag:s24] =	ssyncadd.s32 $0xFFFFD800  }
.LBB2_2:
0x39: {  	[spmem:s3] =	stream.indirect.scatter.add.f32 [tilespmem:s11], [sflag:$0x1], $0x80, s28, s16, $0xb8;
	[tilespmem:$0x1A080] =	vst v63  }
0x3a: {  	s28 =	smov.u32 s26;
	p1 =	sne.s32 s26, $0xF800  }
.Ltmp0:
0x3b: {  	s26 =	sadd.s32 $0x200, s26;
	(pc) =	sbr.rel @p1 .LBB2_2-.Ltmp0, $4  }
0x3c: {  	_ = 	snop  }
0x3d: {  	_ =	swait.ge [sflag:s24], $0x2800  }
0x3e: {  	[sflag:s24] =	ssyncset.done $0x0  }
0x3f: {  	s28 =	sshra.s32 s28, $0x2;
	[sflag:s24] =	ssyncadd.s32 $0xFFFFD800  }
0x40: {  	[spmem:s3] =	stream.indirect.scatter.add.f32 [tilespmem:s11], [sflag:$0x1], $0x80, s28, s16, $0xb8;
	[tilespmem:$0x1A080] =	vst v63  }
0x41: {  	_ =	swait.ge [sflag:s24], $0x2800  }
0x42: {  	[sflag:s24] =	ssyncset.done $0x0  }
0x43: {  	[sflag:s24] =	ssyncadd.s32 $0xFFFFD800  }
0x44: {  	_ =	swait.ge [sflag:s24], $0x2800  }
0x45: {  	[sflag:s24] =	ssyncset.done $0x0  }
0x46: {  	[sflag:s24] =	ssyncadd.s32 $0xFFFFD800  }
0x47: {  	_ =	swait.ge [sflag:s24], $0x2800  }
0x48: {  	[sflag:s24] =	ssyncset.done $0x0  }
0x49: {  	[sflag:s24] =	ssyncadd.s32 $0xFFFFD800  }
0x4a: {  	_ =	swait.ge [sflag:s24], $0x2800  }
0x4b: {  	[sflag:s24] =	ssyncset.done $0x0  }
0x4c: {  	[sflag:s24] =	ssyncadd.s32 $0xFFFFD800  }
0x4d: {  	_ =	swait.ge [sflag:s24], $0x2800  }
0x4e: {  	[sflag:s24] =	ssyncset.done $0x0  }
0x4f: {  	[sflag:s24] =	ssyncadd.s32 $0xFFFFD800  }
0x50: {  	_ =	swait.ge [sflag:s24], $0x2800  }
0x51: {  	[sflag:s24] =	ssyncset.done $0x0  }
0x52: {  	[sflag:s24] =	ssyncadd.s32 $0xFFFFD800  }
0x53: {  	_ =	swait.ge [sflag:s24], $0x2800  }
0x54: {  	[sflag:s24] =	ssyncset.done $0x0  }
0x55: {  	[sflag:s24] =	ssyncadd.s32 $0xFFFFD800  }
0x56: {  	_ =	swait.ge [sflag:s24], $0x2800  }
0x57: {  	[sflag:s24] =	ssyncset.done $0x0  }
0x58: {  	[sflag:s24] =	ssyncadd.s32 $0xFFFFD800  }
0x59: {  	s26 =	simm.s32 @p0 $0x1FC2;
	[bflag:$0x0] =	sbarrier.arrive $0xFFFF  }
0x5a: {  	[hbm:s9], [sflag:s26] =	dma.local @p0 [spmem:s13], $0x2800  }
0x5b: {  	s26 =	simm.s32 @p0 $0x2  }
0x5c: {  	s25 =	sadd.s32 $0x1, s25;
	_ =	swait.ge @p0 [sflag:s26], $0x2800  }
0x5d: {  	p1 =	sne.s32 s25, s10;
	[sflag:s26] =	ssyncset.done @p0 $0x0  }
.Ltmp1:
0x5e: {  	[sflag:s26] =	ssyncadd.s32 @p0 $0xFFFFD800;
	s26 =	simm.s32 @!p0 $0x2;
	(pc) =	sbr.rel @p1 .LBB2_1-.Ltmp1, $4  }
0x5f: {  	[hbm:s8], [sflag:s14] =	dma.local @!p0 [spmem:s15], $0x2700  }
0x60: {  	_ =	swait.ge @!p0 [sflag:s26], $0x2700  }
0x61: {  	[sflag:s26] =	ssyncset.done @!p0 $0x0  }
0x62: {  	[sflag:s26] =	ssyncadd.s32 @!p0 $0xFFFFD900  }
0x63: {  	_ =	sfence.sel $0x180000  }
0x64: {  	[bflag:$0x0] =	sbarrier.arrive $0xFFFF  }
0x65: {  	p0 =	sne.s32 s2, $0x0;
	_ =	strace $0x90000047  }
0x66: {  	s0 =	sadd.s32 @!p0 $0x100000, s0;
	[bflag:$0x2] =	sbarrier.arrive $0xFFFF  }
0x67: {  	[sflag:s0] =	ssyncadd.tile.s32 @!p0 $0x1;
	_ =	shalt  }
.Lfunc_end2:
_tile_overlayer_lowered:
.L_overlay_start_2:
0x68: {  	(tag) =	ssettag $0x2  }
0x69: {  	s0 =	rddreg [dreg:$0x0];
	s2 =	stileid.u32  }
0x6a: {  	s1 =	rddreg [dreg:$0x1];
	p0 =	sne.s32 s2, $0x0  }
0x6b: {  	s3 =	rddreg [dreg:$0x2];
	[bflag:$0x3] =	sbarrier.arrive $0xFFFF;
	s2 =	simm.s32 @!p0 $0x1C02  }
0x6c: {  	[timem:s3], [sflag:s2] =	dma.local @!p0 [hbm:s0], s1  }
0x6d: {  	s0 =	simm.s32 @!p0 $0x2  }
0x6e: {  	_ =	swait.ge @!p0 [sflag:s0], s1  }
0x6f: {  	s1 =	ssub.s32 @!p0 $0x0, s1;
	[sflag:s0] =	ssyncset.done @!p0 $0x0  }
0x70: {  	[sflag:s0] =	ssyncadd.s32 @!p0 s1  }
0x71: {  	[bflag:$0x3] =	sbarrier.arrive $0xFFFF  }
0x72: {  	_ =	shalt  }

</sc_bundles>
